<compile_context>
chip_gen: v7x
topology: tpu7x:2x2x1
jax: 0.10.2.dev20260603
libtpu: 0.0.44.dev20260713+nightly
codegen_flags: <defaults>
</compile_context>

<pallas_src>
import functools

import jax
import jax.numpy as jnp
from jax import lax
from jax.experimental import pallas as pl
from jax.experimental.pallas import tpu as pltpu
from jax.experimental.pallas import tpu_sc as plsc

T = 2048
H = 768
FF = 3072
E = 8
K = 2

BLK = 256
NB = (T * K + E * BLK) // BLK
N_PAD = NB * BLK
FF_BLK = 768
NF = FF // FF_BLK

NW = 32
CT = T // NW


def _router_body(x_ref, gw_ref, slots_ref, wts_ref, be_ref):
    x = x_ref[...]
    gw = gw_ref[...]
    logits = lax.dot_general(x, gw, (((1,), (1,)), ((), ())),
                             preferred_element_type=jnp.float32)
    e_iota = lax.broadcasted_iota(jnp.int32, (T, E), 1)
    m1 = jnp.max(logits, axis=1, keepdims=True)
    idx1 = jnp.min(jnp.where(logits == m1, e_iota, E), axis=1, keepdims=True)
    masked = jnp.where(e_iota == idx1, -1e30, logits)
    m2 = jnp.max(masked, axis=1, keepdims=True)
    idx2 = jnp.min(jnp.where(masked == m2, e_iota, E), axis=1, keepdims=True)
    d = jnp.exp(m2 - m1)
    w0 = 1.0 / (1.0 + d)
    w1 = d / (1.0 + d)

    oh0 = (e_iota == idx1).astype(jnp.float32)
    oh1 = (e_iota == idx2).astype(jnp.float32)
    ohs = oh0 + oh1
    r_i = lax.broadcasted_iota(jnp.int32, (T, T), 0)
    c_i = lax.broadcasted_iota(jnp.int32, (T, T), 1)
    strict_lt = (c_i < r_i).astype(jnp.float32)
    rank = lax.dot_general(strict_lt, ohs, (((1,), (0,)), ((), ())),
                           preferred_element_type=jnp.float32)
    counts = rank[T - 1:T, :] + ohs[T - 1:T, :]
    padded = jnp.ceil(counts * (1.0 / BLK)) * BLK
    lt8_r = lax.broadcasted_iota(jnp.int32, (E, E), 0)
    lt8_c = lax.broadcasted_iota(jnp.int32, (E, E), 1)
    lt8 = (lt8_r < lt8_c).astype(jnp.float32)
    off = lax.dot_general(padded, lt8, (((1,), (0,)), ((), ())),
                          preferred_element_type=jnp.float32)
    off_end = off + padded

    slot0 = jnp.sum((off + rank) * oh0, axis=1)[None, :]
    slot1 = jnp.sum((off + rank) * oh1, axis=1)[None, :]
    slots_ref[...] = jnp.concatenate([slot0, slot1], axis=0).astype(jnp.int32)
    wts_ref[...] = jnp.concatenate([jnp.transpose(w0), jnp.transpose(w1)], axis=0)

    nb_i = (lax.broadcasted_iota(jnp.int32, (NB, E), 0) * BLK).astype(jnp.float32)
    be = jnp.sum((nb_i >= off_end).astype(jnp.int32), axis=1, keepdims=True)
    be = jnp.minimum(be, E - 1)

    r24 = lax.broadcasted_iota(jnp.int32, (NB, NB), 0)
    c24 = lax.broadcasted_iota(jnp.int32, (NB, NB), 1)
    be_r = jnp.broadcast_to(be, (NB, NB))
    be_c = jnp.broadcast_to(jnp.transpose(be), (NB, NB))
    tr_mat = jnp.where((c24 == r24 - 1) & (be_r != be_c), 1, 0)
    tr0 = jnp.sum(tr_mat, axis=1, keepdims=True)
    trc = jnp.broadcast_to(jnp.transpose(tr0), (NB, NB))
    tc = jnp.sum(jnp.where(c24 <= r24, trc, 0), axis=1, keepdims=True)
    parity = tc % 2
    ntm = jnp.where((c24 > r24) & (trc == 1), c24, NB)
    nt = jnp.min(ntm, axis=1, keepdims=True)
    nb_col = lax.broadcasted_iota(jnp.int32, (NB, 1), 0)
    isf = jnp.where((tr0 == 1) | (nb_col == 0), 1, 0)
    be_ref[...] = jnp.concatenate([be, parity, nt, isf], axis=1)


def _router(flat, gate_w):
    return pl.pallas_call(
        _router_body,
        out_shape=[
            jax.ShapeDtypeStruct((K, T), jnp.int32),
            jax.ShapeDtypeStruct((K, T), jnp.float32),
            jax.ShapeDtypeStruct((NB, 4), jnp.int32),
        ],
    )(flat, gate_w)


def _dispatch_body(flat_hbm, slots_hbm, wts_hbm,
                   xs_hbm, ws_hbm,
                   rows_v, idx0_v, idx1_v, slots_v, wts_v, wsort_v, sem):
    wid = lax.axis_index("s") * 2 + lax.axis_index("c")
    base = pl.multiple_of(wid * CT, CT)
    pltpu.sync_copy(flat_hbm.at[pl.ds(base, CT)], rows_v)
    pltpu.sync_copy(slots_hbm.at[0, pl.ds(base, CT)], idx0_v)
    pltpu.sync_copy(slots_hbm.at[1, pl.ds(base, CT)], idx1_v)
    cp0 = pltpu.async_copy(rows_v, xs_hbm.at[idx0_v], sem)
    cp1 = pltpu.async_copy(rows_v, xs_hbm.at[idx1_v], sem)

    @pl.when(wid == 0)
    def _():
        pltpu.sync_copy(slots_hbm, slots_v)
        pltpu.sync_copy(wts_hbm, wts_v)

        def zero(i, _):
            wsort_v[pl.ds(i * 16, 16)] = jnp.zeros((16,), jnp.float32)
            return 0
        lax.fori_loop(0, N_PAD // 16, zero, 0)

        def scat(i, _):
            k = i // (T // 16)
            j = i % (T // 16)
            sl = slots_v[k, pl.ds(j * 16, 16)]
            wv = wts_v[k, pl.ds(j * 16, 16)]
            plsc.store_scatter(wsort_v, [sl], wv)
            return 0
        lax.fori_loop(0, K * (T // 16), scat, 0)
        pltpu.sync_copy(wsort_v, ws_hbm)

    cp0.wait()
    cp1.wait()


def _dispatch(flat, slots, wts):
    mesh = plsc.VectorSubcoreMesh(core_axis_name="c", subcore_axis_name="s", num_cores=2, num_subcores=16)
    f = functools.partial(
        pl.kernel,
        out_type=[
            jax.ShapeDtypeStruct((N_PAD, H), jnp.float32),
            jax.ShapeDtypeStruct((N_PAD,), jnp.float32),
        ],
        mesh=mesh,
        scratch_types=[
            pltpu.VMEM((CT, H), jnp.float32),
            pltpu.VMEM((CT,), jnp.int32),
            pltpu.VMEM((CT,), jnp.int32),
            pltpu.VMEM((K, T), jnp.int32),
            pltpu.VMEM((K, T), jnp.float32),
            pltpu.VMEM((N_PAD,), jnp.float32),
            pltpu.SemaphoreType.DMA,
        ],
        compiler_params=pltpu.CompilerParams(needs_layout_passes=False),
    )(_dispatch_body)
    return f(flat, slots, wts)


def _ffn_body(be_ref, x_ref, demb_ref, w1_any, w3_any, w2_any, ws_ref, o_ref,
              w1b, w3b, w2b, sems):
    nb = pl.program_id(0)

    def copies(e, slot):
        return (
            pltpu.make_async_copy(w1_any.at[e], w1b.at[slot], sems.at[slot, 0]),
            pltpu.make_async_copy(w3_any.at[e], w3b.at[slot], sems.at[slot, 1]),
            pltpu.make_async_copy(w2_any.at[e], w2b.at[slot], sems.at[slot, 2]),
        )

    parity = be_ref[nb, 1]
    nt = be_ref[nb, 2]
    is_first = be_ref[nb, 3] == 1

    @pl.when(nb == 0)
    def _():
        for c in copies(be_ref[0, 0], 0):
            c.start()

    @pl.when(jnp.logical_and(is_first, nt < NB))
    def _():
        for c in copies(be_ref[jnp.minimum(nt, NB - 1), 0], (parity + 1) % 2):
            c.start()

    @pl.when(is_first)
    def _():
        for c in copies(be_ref[nb, 0], parity):
            c.wait()

    xb = x_ref[...] + demb_ref[0]
    h1 = lax.dot_general(xb, w1b[parity], (((1,), (1,)), ((), ())),
                         preferred_element_type=jnp.float32)
    h1 = h1 * jax.nn.sigmoid(h1)
    h2 = lax.dot_general(xb, w3b[parity], (((1,), (1,)), ((), ())),
                         preferred_element_type=jnp.float32)
    hh = h1 * h2
    part = lax.dot_general(hh, w2b[parity], (((1,), (1,)), ((), ())),
                           preferred_element_type=jnp.float32)
    w = ws_ref[0, 0, :][:, None]
    o_ref[...] = jnp.where(w == 0.0, 0.0, part * w)


def _ffn(block_expert, x_sorted, domain_emb, w1, w3, w2, w_sorted):
    ws3 = w_sorted.reshape(NB, 1, BLK)
    grid_spec = pltpu.PrefetchScalarGridSpec(
        num_scalar_prefetch=1,
        grid=(NB,),
        in_specs=[
            pl.BlockSpec((BLK, H), lambda nb, be: (nb, 0)),
            pl.BlockSpec((1, 1, H), lambda nb, be: (be[nb, 0], 0, 0)),
            pl.BlockSpec(memory_space=pl.ANY),
            pl.BlockSpec(memory_space=pl.ANY),
            pl.BlockSpec(memory_space=pl.ANY),
            pl.BlockSpec((1, 1, BLK), lambda nb, be: (nb, 0, 0)),
        ],
        out_specs=pl.BlockSpec((BLK, H), lambda nb, be: (nb, 0)),
        scratch_shapes=[
            pltpu.VMEM((2, FF, H), jnp.float32),
            pltpu.VMEM((2, FF, H), jnp.float32),
            pltpu.VMEM((2, H, FF), jnp.float32),
            pltpu.SemaphoreType.DMA((2, 3)),
        ],
    )
    return pl.pallas_call(
        _ffn_body,
        grid_spec=grid_spec,
        out_shape=jax.ShapeDtypeStruct((N_PAD, H), jnp.float32),
        compiler_params=pltpu.CompilerParams(vmem_limit_bytes=120 * 1024 * 1024),
    )(block_expert, x_sorted, domain_emb.reshape(E, 1, H), w1, w3, w2, ws3)


NCH = 8
CR = CT // NCH


def _combine_body(y_hbm, slots_hbm, out_hbm, y0_v, y1_v, i0_v, i1_v, sems):
    wid = lax.axis_index("s") * 2 + lax.axis_index("c")
    base = pl.multiple_of(wid * CT, CT)
    pltpu.sync_copy(slots_hbm.at[0, pl.ds(base, CT)], i0_v)
    pltpu.sync_copy(slots_hbm.at[1, pl.ds(base, CT)], i1_v)
    cps = []
    for c in range(NCH):
        sl = pl.ds(c * CR, CR)
        cps.append(pltpu.async_copy(
            y_hbm.at[i0_v.at[sl]], y0_v.at[sl], sems.at[c, 0]))
        cps.append(pltpu.async_copy(
            y_hbm.at[i1_v.at[sl]], y1_v.at[sl], sems.at[c, 1]))
    stores = []
    for c in range(NCH):
        cps[2 * c].wait()
        cps[2 * c + 1].wait()

        def add(i, _):
            r = c * CR + i // (H // 64)
            col = (i % (H // 64)) * 64
            for u in range(4):
                s = pl.ds(col + u * 16, 16)
                y0_v[r, s] = y0_v[r, s] + y1_v[r, s]
            return 0
        lax.fori_loop(0, CR * (H // 64), add, 0)
        sl = pl.ds(c * CR, CR)
        stores.append(pltpu.async_copy(
            y0_v.at[sl], out_hbm.at[pl.ds(base + c * CR, CR)], sems.at[c, 2]))
    for st in stores:
        st.wait()


def _combine(y, slots):
    mesh = plsc.VectorSubcoreMesh(core_axis_name="c", subcore_axis_name="s", num_cores=2, num_subcores=16)
    f = functools.partial(
        pl.kernel,
        out_type=jax.ShapeDtypeStruct((T, H), jnp.float32),
        mesh=mesh,
        scratch_types=[
            pltpu.VMEM((CT, H), jnp.float32),
            pltpu.VMEM((CT, H), jnp.float32),
            pltpu.VMEM((CT,), jnp.int32),
            pltpu.VMEM((CT,), jnp.int32),
            pltpu.SemaphoreType.DMA((NCH, 3)),
        ],
        compiler_params=pltpu.CompilerParams(needs_layout_passes=False),
    )(_combine_body)
    return f(y, slots)


def kernel(hidden_states, gate_w, w1, w2, w3, domain_emb):
    b, s, h = hidden_states.shape
    flat = hidden_states.reshape(T, H)
    slots, wts, be = _router(flat, gate_w)
    x_sorted, w_sorted = _dispatch(flat, slots, wts)
    y = _ffn(be, x_sorted, domain_emb, w1, w3, w2, w_sorted)
    out = _combine(y, slots)
    return out.reshape(b, s, h)

# --- scband reference (transcript-rebuilt; emitter-appended) ---
"""Pipeline reference for scband-mo-elayer-63496796504387 (READ-ONLY COPY).

The authoritative reference and input builder live on the scoring server;
editing this copy changes nothing except your own understanding.
"""

import jax, jax.numpy as jnp
import numpy as np

B, S, H = 1, 2048, 768
FF = 3072
E = 8
K = 2


def setup_inputs(seed: int = 0) -> dict:
    key = jax.random.key(seed)
    ks = jax.random.split(key, 6)
    hidden_states = jax.random.normal(ks[0], (B, S, H), dtype=jnp.float32)
    gate_w = jax.random.normal(ks[1], (E, H), dtype=jnp.float32) * 0.02
    w1 = jax.random.normal(ks[2], (E, FF, H), dtype=jnp.float32) * 0.02
    w2 = jax.random.normal(ks[3], (E, H, FF), dtype=jnp.float32) * 0.02
    w3 = jax.random.normal(ks[4], (E, FF, H), dtype=jnp.float32) * 0.02
    domain_emb = jax.random.normal(ks[5], (E, H), dtype=jnp.float32) * 0.02
    return {
        'hidden_states': hidden_states,
        'gate_w': gate_w,
        'w1': w1,
        'w2': w2,
        'w3': w3,
        'domain_emb': domain_emb,
    }


def reference(hidden_states, gate_w, w1, w2, w3, domain_emb):
    b, s, h = hidden_states.shape
    num_experts = gate_w.shape[0]
    flat = hidden_states.reshape(-1, h)
    # Router: gate logits, top-k selection, softmax over selected logits
    router_logits = flat @ gate_w.T  # [T, E]
    topk_logits, topk_idx = jax.lax.top_k(router_logits, K)  # [T, K]
    expert_weights = jax.nn.softmax(topk_logits, axis=-1)  # [T, K]
    final = jnp.zeros_like(flat)
    for e in range(num_experts):
        # per-token weight for this expert (0 if not selected)
        sel = (topk_idx == e).astype(flat.dtype)  # [T, K]
        w_e = jnp.sum(expert_weights * sel, axis=-1)  # [T]
        # CivilEngineeringExpert forward (SwiGLU with domain embedding)
        x = flat + domain_emb[e][None, :]
        x1 = jax.nn.silu(x @ w1[e].T)
        x2 = x @ w3[e].T
        out = (x1 * x2) @ w2[e].T
        final = final + out * w_e[:, None]
    return final.reshape(b, s, h)

if __name__ == "__main__":
    import jax
    _d = setup_inputs()
    print(jax.jit(kernel)(*tuple(_d.values())))

</pallas_src>

<mosaic_0001>
#map = affine_map<(d0, d1) -> (0, 0)>
module attributes {stable_mosaic.version = 14 : i64} {
  func.func @_combine_body(%arg0: i32, %arg1: i32, %arg2: memref<6144x768xf32, #tpu.memory_space<hbm>>, %arg3: memref<2x2048xi32, #tpu.memory_space<hbm>>, %arg4: memref<2048x768xf32, #tpu.memory_space<hbm>>, %arg5: memref<64x768xf32, #tpu.memory_space<vmem>>, %arg6: memref<64x768xf32, #tpu.memory_space<vmem>>, %arg7: memref<64xi32, #tpu.memory_space<vmem>>, %arg8: memref<64xi32, #tpu.memory_space<vmem>>, %arg9: memref<8x3x!tpu.dma_semaphore, #tpu.memory_space<semaphore_mem>>) attributes {dimension_semantics = [#tpu.dimension_semantics<core_parallel>, #tpu.dimension_semantics<subcore_parallel>], iteration_bounds = array<i64: 2, 16>, scalar_prefetch = 0 : i64, scratch_operands = 5 : i64, tpu.core_type = #tpu.core_type<sc_vector_subcore>, window_params = [{transform_indices = #map}, {transform_indices = #map}, {transform_indices = #map}]} {
    %mul3A = arith.constant 2 : i32
    %mul3A_0 = arith.muli %arg1, %mul3A : i32
    %add3A = arith.addi %mul3A_0, %arg0 : i32
    %mul3A_1 = arith.constant 64 : i32
    %mul3A_2 = arith.muli %add3A, %mul3A_1 : i32
    %multiple_of3A = tpu.assume_multiple %mul3A_2, 64 : i32
    %run_scoped3A = arith.constant 0 : i32
    "tpu.region"() ({
      %run_scoped3A_681 = tpu.sem_alloc : memref<!tpu.dma_semaphore, #tpu.memory_space<semaphore_mem>>
      %dma_start3A_682 = tpu.memref_slice %arg3[%run_scoped3A, %multiple_of3A] : memref<2x2048xi32, #tpu.memory_space<hbm>> -> memref<1x64xi32, #tpu.memory_space<hbm>>
      %dma_start3A_683 = tpu.memref_squeeze %dma_start3A_682 : memref<1x64xi32, #tpu.memory_space<hbm>> -> memref<64xi32, #tpu.memory_space<hbm>>
      %dma_start3A_684 = tpu.memref_slice %arg3[%run_scoped3A, %multiple_of3A] : memref<2x2048xi32, #tpu.memory_space<hbm>> -> memref<1x64xi32, #tpu.memory_space<hbm>>
      %dma_start3A_685 = tpu.memref_squeeze %dma_start3A_684 : memref<1x64xi32, #tpu.memory_space<hbm>> -> memref<64xi32, #tpu.memory_space<hbm>>
      tpu.enqueue_dma source(%dma_start3A_685 : memref<64xi32, #tpu.memory_space<hbm>>) target(%arg7 : memref<64xi32, #tpu.memory_space<vmem>>) target_semaphore(%run_scoped3A_681 : memref<!tpu.dma_semaphore, #tpu.memory_space<semaphore_mem>>)
      %dma_wait3A_686 = tpu.memref_slice %arg3[%run_scoped3A, %multiple_of3A] : memref<2x2048xi32, #tpu.memory_space<hbm>> -> memref<1x64xi32, #tpu.memory_space<hbm>>
      %dma_wait3A_687 = tpu.memref_squeeze %dma_wait3A_686 : memref<1x64xi32, #tpu.memory_space<hbm>> -> memref<64xi32, #tpu.memory_space<hbm>>
      %dma_wait3A_688 = tpu.memref_slice %arg3[%run_scoped3A, %multiple_of3A] : memref<2x2048xi32, #tpu.memory_space<hbm>> -> memref<1x64xi32, #tpu.memory_space<hbm>>
      %dma_wait3A_689 = tpu.memref_squeeze %dma_wait3A_688 : memref<1x64xi32, #tpu.memory_space<hbm>> -> memref<64xi32, #tpu.memory_space<hbm>>
      tpu.wait_dma2 semaphore(%run_scoped3A_681 : memref<!tpu.dma_semaphore, #tpu.memory_space<semaphore_mem>>) src(%dma_wait3A_689 : memref<64xi32, #tpu.memory_space<hbm>>) dst(%arg7 : memref<64xi32, #tpu.memory_space<vmem>>)
      tpu.yield
    }) : () -> ()
    %run_scoped3A_3 = arith.constant 1 : i32
    "tpu.region"() ({
      %run_scoped3A_681 = tpu.sem_alloc : memref<!tpu.dma_semaphore, #tpu.memory_space<semaphore_mem>>
      %dma_start3A_682 = tpu.memref_slice %arg3[%run_scoped3A_3, %multiple_of3A] : memref<2x2048xi32, #tpu.memory_space<hbm>> -> memref<1x64xi32, #tpu.memory_space<hbm>>
      %dma_start3A_683 = tpu.memref_squeeze %dma_start3A_682 : memref<1x64xi32, #tpu.memory_space<hbm>> -> memref<64xi32, #tpu.memory_space<hbm>>
      %dma_start3A_684 = tpu.memref_slice %arg3[%run_scoped3A_3, %multiple_of3A] : memref<2x2048xi32, #tpu.memory_space<hbm>> -> memref<1x64xi32, #tpu.memory_space<hbm>>
      %dma_start3A_685 = tpu.memref_squeeze %dma_start3A_684 : memref<1x64xi32, #tpu.memory_space<hbm>> -> memref<64xi32, #tpu.memory_space<hbm>>
      tpu.enqueue_dma source(%dma_start3A_685 : memref<64xi32, #tpu.memory_space<hbm>>) target(%arg8 : memref<64xi32, #tpu.memory_space<vmem>>) target_semaphore(%run_scoped3A_681 : memref<!tpu.dma_semaphore, #tpu.memory_space<semaphore_mem>>)
      %dma_wait3A_686 = tpu.memref_slice %arg3[%run_scoped3A_3, %multiple_of3A] : memref<2x2048xi32, #tpu.memory_space<hbm>> -> memref<1x64xi32, #tpu.memory_space<hbm>>
      %dma_wait3A_687 = tpu.memref_squeeze %dma_wait3A_686 : memref<1x64xi32, #tpu.memory_space<hbm>> -> memref<64xi32, #tpu.memory_space<hbm>>
      %dma_wait3A_688 = tpu.memref_slice %arg3[%run_scoped3A_3, %multiple_of3A] : memref<2x2048xi32, #tpu.memory_space<hbm>> -> memref<1x64xi32, #tpu.memory_space<hbm>>
      %dma_wait3A_689 = tpu.memref_squeeze %dma_wait3A_688 : memref<1x64xi32, #tpu.memory_space<hbm>> -> memref<64xi32, #tpu.memory_space<hbm>>
      tpu.wait_dma2 semaphore(%run_scoped3A_681 : memref<!tpu.dma_semaphore, #tpu.memory_space<semaphore_mem>>) src(%dma_wait3A_689 : memref<64xi32, #tpu.memory_space<hbm>>) dst(%arg8 : memref<64xi32, #tpu.memory_space<vmem>>)
      tpu.yield
    }) : () -> ()
    %dma_start3A = arith.constant 0 : i32
    %dma_start3A_4 = arith.constant 0 : i32
    %dma_start3A_5 = arith.constant 0 : i32
    %dma_start3A_6 = arith.constant 0 : i32
    %dma_start3A_7 = tpu.memref_slice %arg5[%dma_start3A_5, %dma_start3A_6] : memref<64x768xf32, #tpu.memory_space<vmem>> -> memref<8x768xf32, #tpu.memory_space<vmem>>
    %dma_start3A_8 = arith.constant 0 : i32
    %dma_start3A_9 = tpu.memref_slice %arg7[%dma_start3A_8] : memref<64xi32, #tpu.memory_space<vmem>> -> memref<8xi32, #tpu.memory_space<vmem>>
    %dma_start3A_10 = arith.constant 0 : i32
    %dma_start3A_11 = arith.constant 0 : i32
    %dma_start3A_12 = tpu.memref_slice %arg2[%dma_start3A_10, %dma_start3A_11] : memref<6144x768xf32, #tpu.memory_space<hbm>> -> memref<6144x768xf32, #tpu.memory_space<hbm>>
    %dma_start3A_13 = tpu.memref_slice %arg9[%dma_start3A, %dma_start3A_4] : memref<8x3x!tpu.dma_semaphore, #tpu.memory_space<semaphore_mem>> -> memref<1x1x!tpu.dma_semaphore, #tpu.memory_space<semaphore_mem>>
    %dma_start3A_14 = tpu.memref_squeeze %dma_start3A_13 : memref<1x1x!tpu.dma_semaphore, #tpu.memory_space<semaphore_mem>> -> memref<!tpu.dma_semaphore, #tpu.memory_space<semaphore_mem>>
    tpu.enqueue_indirect_dma source(%dma_start3A_12 : memref<6144x768xf32, #tpu.memory_space<hbm>>) target(%dma_start3A_7 : memref<8x768xf32, #tpu.memory_space<vmem>>) offsets(%dma_start3A_9 : memref<8xi32, #tpu.memory_space<vmem>>) semaphore(%dma_start3A_14 : memref<!tpu.dma_semaphore, #tpu.memory_space<semaphore_mem>>)
    %dma_start3A_15 = arith.constant 0 : i32
    %dma_start3A_16 = arith.constant 1 : i32
    %dma_start3A_17 = arith.constant 0 : i32
    %dma_start3A_18 = arith.constant 0 : i32
    %dma_start3A_19 = tpu.memref_slice %arg6[%dma_start3A_17, %dma_start3A_18] : memref<64x768xf32, #tpu.memory_space<vmem>> -> memref<8x768xf32, #tpu.memory_space<vmem>>
    %dma_start3A_20 = arith.constant 0 : i32
    %dma_start3A_21 = tpu.memref_slice %arg8[%dma_start3A_20] : memref<64xi32, #tpu.memory_space<vmem>> -> memref<8xi32, #tpu.memory_space<vmem>>
    %dma_start3A_22 = arith.constant 0 : i32
    %dma_start3A_23 = arith.constant 0 : i32
    %dma_start3A_24 = tpu.memref_slice %arg2[%dma_start3A_22, %dma_start3A_23] : memref<6144x768xf32, #tpu.memory_space<hbm>> -> memref<6144x768xf32, #tpu.memory_space<hbm>>
    %dma_start3A_25 = tpu.memref_slice %arg9[%dma_start3A_15, %dma_start3A_16] : memref<8x3x!tpu.dma_semaphore, #tpu.memory_space<semaphore_mem>> -> memref<1x1x!tpu.dma_semaphore, #tpu.memory_space<semaphore_mem>>
    %dma_start3A_26 = tpu.memref_squeeze %dma_start3A_25 : memref<1x1x!tpu.dma_semaphore, #tpu.memory_space<semaphore_mem>> -> memref<!tpu.dma_semaphore, #tpu.memory_space<semaphore_mem>>
    tpu.enqueue_indirect_dma source(%dma_start3A_24 : memref<6144x768xf32, #tpu.memory_space<hbm>>) target(%dma_start3A_19 : memref<8x768xf32, #tpu.memory_space<vmem>>) offsets(%dma_start3A_21 : memref<8xi32, #tpu.memory_space<vmem>>) semaphore(%dma_start3A_26 : memref<!tpu.dma_semaphore, #tpu.memory_space<semaphore_mem>>)
    %dma_start3A_27 = arith.constant 1 : i32
    %dma_start3A_28 = arith.constant 0 : i32
    %dma_start3A_29 = arith.constant 8 : i32
    %dma_start3A_30 = arith.constant 0 : i32
    %dma_start3A_31 = tpu.memref_slice %arg5[%dma_start3A_29, %dma_start3A_30] : memref<64x768xf32, #tpu.memory_space<vmem>> -> memref<8x768xf32, #tpu.memory_space<vmem>>
    %dma_start3A_32 = arith.constant 8 : i32
    %dma_start3A_33 = tpu.memref_slice %arg7[%dma_start3A_32] : memref<64xi32, #tpu.memory_space<vmem>> -> memref<8xi32, #tpu.memory_space<vmem>>
    %dma_start3A_34 = arith.constant 0 : i32
    %dma_start3A_35 = arith.constant 0 : i32
    %dma_start3A_36 = tpu.memref_slice %arg2[%dma_start3A_34, %dma_start3A_35] : memref<6144x768xf32, #tpu.memory_space<hbm>> -> memref<6144x768xf32, #tpu.memory_space<hbm>>
    %dma_start3A_37 = tpu.memref_slice %arg9[%dma_start3A_27, %dma_start3A_28] : memref<8x3x!tpu.dma_semaphore, #tpu.memory_space<semaphore_mem>> -> memref<1x1x!tpu.dma_semaphore, #tpu.memory_space<semaphore_mem>>
    %dma_start3A_38 = tpu.memref_squeeze %dma_start3A_37 : memref<1x1x!tpu.dma_semaphore, #tpu.memory_space<semaphore_mem>> -> memref<!tpu.dma_semaphore, #tpu.memory_space<semaphore_mem>>
    tpu.enqueue_indirect_dma source(%dma_start3A_36 : memref<6144x768xf32, #tpu.memory_space<hbm>>) target(%dma_start3A_31 : memref<8x768xf32, #tpu.memory_space<vmem>>) offsets(%dma_start3A_33 : memref<8xi32, #tpu.memory_space<vmem>>) semaphore(%dma_start3A_38 : memref<!tpu.dma_semaphore, #tpu.memory_space<semaphore_mem>>)
    %dma_start3A_39 = arith.constant 1 : i32
    %dma_start3A_40 = arith.constant 1 : i32
    %dma_start3A_41 = arith.constant 8 : i32
    %dma_start3A_42 = arith.constant 0 : i32
    %dma_start3A_43 = tpu.memref_slice %arg6[%dma_start3A_41, %dma_start3A_42] : memref<64x768xf32, #tpu.memory_space<vmem>> -> memref<8x768xf32, #tpu.memory_space<vmem>>
    %dma_start3A_44 = arith.constant 8 : i32
    %dma_start3A_45 = tpu.memref_slice %arg8[%dma_start3A_44] : memref<64xi32, #tpu.memory_space<vmem>> -> memref<8xi32, #tpu.memory_space<vmem>>
    %dma_start3A_46 = arith.constant 0 : i32
    %dma_start3A_47 = arith.constant 0 : i32
    %dma_start3A_48 = tpu.memref_slice %arg2[%dma_start3A_46, %dma_start3A_47] : memref<6144x768xf32, #tpu.memory_space<hbm>> -> memref<6144x768xf32, #tpu.memory_space<hbm>>
    %dma_start3A_49 = tpu.memref_slice %arg9[%dma_start3A_39, %dma_start3A_40] : memref<8x3x!tpu.dma_semaphore, #tpu.memory_space<semaphore_mem>> -> memref<1x1x!tpu.dma_semaphore, #tpu.memory_space<semaphore_mem>>
    %dma_start3A_50 = tpu.memref_squeeze %dma_start3A_49 : memref<1x1x!tpu.dma_semaphore, #tpu.memory_space<semaphore_mem>> -> memref<!tpu.dma_semaphore, #tpu.memory_space<semaphore_mem>>
    tpu.enqueue_indirect_dma source(%dma_start3A_48 : memref<6144x768xf32, #tpu.memory_space<hbm>>) target(%dma_start3A_43 : memref<8x768xf32, #tpu.memory_space<vmem>>) offsets(%dma_start3A_45 : memref<8xi32, #tpu.memory_space<vmem>>) semaphore(%dma_start3A_50 : memref<!tpu.dma_semaphore, #tpu.memory_space<semaphore_mem>>)
    %dma_start3A_51 = arith.constant 2 : i32
    %dma_start3A_52 = arith.constant 0 : i32
    %dma_start3A_53 = arith.constant 16 : i32
    %dma_start3A_54 = arith.constant 0 : i32
    %dma_start3A_55 = tpu.memref_slice %arg5[%dma_start3A_53, %dma_start3A_54] : memref<64x768xf32, #tpu.memory_space<vmem>> -> memref<8x768xf32, #tpu.memory_space<vmem>>
    %dma_start3A_56 = arith.constant 16 : i32
    %dma_start3A_57 = tpu.memref_slice %arg7[%dma_start3A_56] : memref<64xi32, #tpu.memory_space<vmem>> -> memref<8xi32, #tpu.memory_space<vmem>>
    %dma_start3A_58 = arith.constant 0 : i32
    %dma_start3A_59 = arith.constant 0 : i32
    %dma_start3A_60 = tpu.memref_slice %arg2[%dma_start3A_58, %dma_start3A_59] : memref<6144x768xf32, #tpu.memory_space<hbm>> -> memref<6144x768xf32, #tpu.memory_space<hbm>>
    %dma_start3A_61 = tpu.memref_slice %arg9[%dma_start3A_51, %dma_start3A_52] : memref<8x3x!tpu.dma_semaphore, #tpu.memory_space<semaphore_mem>> -> memref<1x1x!tpu.dma_semaphore, #tpu.memory_space<semaphore_mem>>
    %dma_start3A_62 = tpu.memref_squeeze %dma_start3A_61 : memref<1x1x!tpu.dma_semaphore, #tpu.memory_space<semaphore_mem>> -> memref<!tpu.dma_semaphore, #tpu.memory_space<semaphore_mem>>
    tpu.enqueue_indirect_dma source(%dma_start3A_60 : memref<6144x768xf32, #tpu.memory_space<hbm>>) target(%dma_start3A_55 : memref<8x768xf32, #tpu.memory_space<vmem>>) offsets(%dma_start3A_57 : memref<8xi32, #tpu.memory_space<vmem>>) semaphore(%dma_start3A_62 : memref<!tpu.dma_semaphore, #tpu.memory_space<semaphore_mem>>)
    %dma_start3A_63 = arith.constant 2 : i32
    %dma_start3A_64 = arith.constant 1 : i32
    %dma_start3A_65 = arith.constant 16 : i32
    %dma_start3A_66 = arith.constant 0 : i32
    %dma_start3A_67 = tpu.memref_slice %arg6[%dma_start3A_65, %dma_start3A_66] : memref<64x768xf32, #tpu.memory_space<vmem>> -> memref<8x768xf32, #tpu.memory_space<vmem>>
    %dma_start3A_68 = arith.constant 16 : i32
    %dma_start3A_69 = tpu.memref_slice %arg8[%dma_start3A_68] : memref<64xi32, #tpu.memory_space<vmem>> -> memref<8xi32, #tpu.memory_space<vmem>>
    %dma_start3A_70 = arith.constant 0 : i32
    %dma_start3A_71 = arith.constant 0 : i32
    %dma_start3A_72 = tpu.memref_slice %arg2[%dma_start3A_70, %dma_start3A_71] : memref<6144x768xf32, #tpu.memory_space<hbm>> -> memref<6144x768xf32, #tpu.memory_space<hbm>>
    %dma_start3A_73 = tpu.memref_slice %arg9[%dma_start3A_63, %dma_start3A_64] : memref<8x3x!tpu.dma_semaphore, #tpu.memory_space<semaphore_mem>> -> memref<1x1x!tpu.dma_semaphore, #tpu.memory_space<semaphore_mem>>
    %dma_start3A_74 = tpu.memref_squeeze %dma_start3A_73 : memref<1x1x!tpu.dma_semaphore, #tpu.memory_space<semaphore_mem>> -> memref<!tpu.dma_semaphore, #tpu.memory_space<semaphore_mem>>
    tpu.enqueue_indirect_dma source(%dma_start3A_72 : memref<6144x768xf32, #tpu.memory_space<hbm>>) target(%dma_start3A_67 : memref<8x768xf32, #tpu.memory_space<vmem>>) offsets(%dma_start3A_69 : memref<8xi32, #tpu.memory_space<vmem>>) semaphore(%dma_start3A_74 : memref<!tpu.dma_semaphore, #tpu.memory_space<semaphore_mem>>)
    %dma_start3A_75 = arith.constant 3 : i32
    %dma_start3A_76 = arith.constant 0 : i32
    %dma_start3A_77 = arith.constant 24 : i32
    %dma_start3A_78 = arith.constant 0 : i32
    %dma_start3A_79 = tpu.memref_slice %arg5[%dma_start3A_77, %dma_start3A_78] : memref<64x768xf32, #tpu.memory_space<vmem>> -> memref<8x768xf32, #tpu.memory_space<vmem>>
    %dma_start3A_80 = arith.constant 24 : i32
    %dma_start3A_81 = tpu.memref_slice %arg7[%dma_start3A_80] : memref<64xi32, #tpu.memory_space<vmem>> -> memref<8xi32, #tpu.memory_space<vmem>>
    %dma_start3A_82 = arith.constant 0 : i32
    %dma_start3A_83 = arith.constant 0 : i32
    %dma_start3A_84 = tpu.memref_slice %arg2[%dma_start3A_82, %dma_start3A_83] : memref<6144x768xf32, #tpu.memory_space<hbm>> -> memref<6144x768xf32, #tpu.memory_space<hbm>>
    %dma_start3A_85 = tpu.memref_slice %arg9[%dma_start3A_75, %dma_start3A_76] : memref<8x3x!tpu.dma_semaphore, #tpu.memory_space<semaphore_mem>> -> memref<1x1x!tpu.dma_semaphore, #tpu.memory_space<semaphore_mem>>
    %dma_start3A_86 = tpu.memref_squeeze %dma_start3A_85 : memref<1x1x!tpu.dma_semaphore, #tpu.memory_space<semaphore_mem>> -> memref<!tpu.dma_semaphore, #tpu.memory_space<semaphore_mem>>
    tpu.enqueue_indirect_dma source(%dma_start3A_84 : memref<6144x768xf32, #tpu.memory_space<hbm>>) target(%dma_start3A_79 : memref<8x768xf32, #tpu.memory_space<vmem>>) offsets(%dma_start3A_81 : memref<8xi32, #tpu.memory_space<vmem>>) semaphore(%dma_start3A_86 : memref<!tpu.dma_semaphore, #tpu.memory_space<semaphore_mem>>)
    %dma_start3A_87 = arith.constant 3 : i32
    %dma_start3A_88 = arith.constant 1 : i32
    %dma_start3A_89 = arith.constant 24 : i32
    %dma_start3A_90 = arith.constant 0 : i32
    %dma_start3A_91 = tpu.memref_slice %arg6[%dma_start3A_89, %dma_start3A_90] : memref<64x768xf32, #tpu.memory_space<vmem>> -> memref<8x768xf32, #tpu.memory_space<vmem>>
    %dma_start3A_92 = arith.constant 24 : i32
    %dma_start3A_93 = tpu.memref_slice %arg8[%dma_start3A_92] : memref<64xi32, #tpu.memory_space<vmem>> -> memref<8xi32, #tpu.memory_space<vmem>>
    %dma_start3A_94 = arith.constant 0 : i32
    %dma_start3A_95 = arith.constant 0 : i32
    %dma_start3A_96 = tpu.memref_slice %arg2[%dma_start3A_94, %dma_start3A_95] : memref<6144x768xf32, #tpu.memory_space<hbm>> -> memref<6144x768xf32, #tpu.memory_space<hbm>>
    %dma_start3A_97 = tpu.memref_slice %arg9[%dma_start3A_87, %dma_start3A_88] : memref<8x3x!tpu.dma_semaphore, #tpu.memory_space<semaphore_mem>> -> memref<1x1x!tpu.dma_semaphore, #tpu.memory_space<semaphore_mem>>
    %dma_start3A_98 = tpu.memref_squeeze %dma_start3A_97 : memref<1x1x!tpu.dma_semaphore, #tpu.memory_space<semaphore_mem>> -> memref<!tpu.dma_semaphore, #tpu.memory_space<semaphore_mem>>
    tpu.enqueue_indirect_dma source(%dma_start3A_96 : memref<6144x768xf32, #tpu.memory_space<hbm>>) target(%dma_start3A_91 : memref<8x768xf32, #tpu.memory_space<vmem>>) offsets(%dma_start3A_93 : memref<8xi32, #tpu.memory_space<vmem>>) semaphore(%dma_start3A_98 : memref<!tpu.dma_semaphore, #tpu.memory_space<semaphore_mem>>)
    %dma_start3A_99 = arith.constant 4 : i32
    %dma_start3A_100 = arith.constant 0 : i32
    %dma_start3A_101 = arith.constant 32 : i32
    %dma_start3A_102 = arith.constant 0 : i32
    %dma_start3A_103 = tpu.memref_slice %arg5[%dma_start3A_101, %dma_start3A_102] : memref<64x768xf32, #tpu.memory_space<vmem>> -> memref<8x768xf32, #tpu.memory_space<vmem>>
    %dma_start3A_104 = arith.constant 32 : i32
    %dma_start3A_105 = tpu.memref_slice %arg7[%dma_start3A_104] : memref<64xi32, #tpu.memory_space<vmem>> -> memref<8xi32, #tpu.memory_space<vmem>>
    %dma_start3A_106 = arith.constant 0 : i32
    %dma_start3A_107 = arith.constant 0 : i32
    %dma_start3A_108 = tpu.memref_slice %arg2[%dma_start3A_106, %dma_start3A_107] : memref<6144x768xf32, #tpu.memory_space<hbm>> -> memref<6144x768xf32, #tpu.memory_space<hbm>>
    %dma_start3A_109 = tpu.memref_slice %arg9[%dma_start3A_99, %dma_start3A_100] : memref<8x3x!tpu.dma_semaphore, #tpu.memory_space<semaphore_mem>> -> memref<1x1x!tpu.dma_semaphore, #tpu.memory_space<semaphore_mem>>
    %dma_start3A_110 = tpu.memref_squeeze %dma_start3A_109 : memref<1x1x!tpu.dma_semaphore, #tpu.memory_space<semaphore_mem>> -> memref<!tpu.dma_semaphore, #tpu.memory_space<semaphore_mem>>
    tpu.enqueue_indirect_dma source(%dma_start3A_108 : memref<6144x768xf32, #tpu.memory_space<hbm>>) target(%dma_start3A_103 : memref<8x768xf32, #tpu.memory_space<vmem>>) offsets(%dma_start3A_105 : memref<8xi32, #tpu.memory_space<vmem>>) semaphore(%dma_start3A_110 : memref<!tpu.dma_semaphore, #tpu.memory_space<semaphore_mem>>)
    %dma_start3A_111 = arith.constant 4 : i32
    %dma_start3A_112 = arith.constant 1 : i32
    %dma_start3A_113 = arith.constant 32 : i32
    %dma_start3A_114 = arith.constant 0 : i32
    %dma_start3A_115 = tpu.memref_slice %arg6[%dma_start3A_113, %dma_start3A_114] : memref<64x768xf32, #tpu.memory_space<vmem>> -> memref<8x768xf32, #tpu.memory_space<vmem>>
    %dma_start3A_116 = arith.constant 32 : i32
    %dma_start3A_117 = tpu.memref_slice %arg8[%dma_start3A_116] : memref<64xi32, #tpu.memory_space<vmem>> -> memref<8xi32, #tpu.memory_space<vmem>>
    %dma_start3A_118 = arith.constant 0 : i32
    %dma_start3A_119 = arith.constant 0 : i32
    %dma_start3A_120 = tpu.memref_slice %arg2[%dma_start3A_118, %dma_start3A_119] : memref<6144x768xf32, #tpu.memory_space<hbm>> -> memref<6144x768xf32, #tpu.memory_space<hbm>>
    %dma_start3A_121 = tpu.memref_slice %arg9[%dma_start3A_111, %dma_start3A_112] : memref<8x3x!tpu.dma_semaphore, #tpu.memory_space<semaphore_mem>> -> memref<1x1x!tpu.dma_semaphore, #tpu.memory_space<semaphore_mem>>
    %dma_start3A_122 = tpu.memref_squeeze %dma_start3A_121 : memref<1x1x!tpu.dma_semaphore, #tpu.memory_space<semaphore_mem>> -> memref<!tpu.dma_semaphore, #tpu.memory_space<semaphore_mem>>
    tpu.enqueue_indirect_dma source(%dma_start3A_120 : memref<6144x768xf32, #tpu.memory_space<hbm>>) target(%dma_start3A_115 : memref<8x768xf32, #tpu.memory_space<vmem>>) offsets(%dma_start3A_117 : memref<8xi32, #tpu.memory_space<vmem>>) semaphore(%dma_start3A_122 : memref<!tpu.dma_semaphore, #tpu.memory_space<semaphore_mem>>)
    %dma_start3A_123 = arith.constant 5 : i32
    %dma_start3A_124 = arith.constant 0 : i32
    %dma_start3A_125 = arith.constant 40 : i32
    %dma_start3A_126 = arith.constant 0 : i32
    %dma_start3A_127 = tpu.memref_slice %arg5[%dma_start3A_125, %dma_start3A_126] : memref<64x768xf32, #tpu.memory_space<vmem>> -> memref<8x768xf32, #tpu.memory_space<vmem>>
    %dma_start3A_128 = arith.constant 40 : i32
    %dma_start3A_129 = tpu.memref_slice %arg7[%dma_start3A_128] : memref<64xi32, #tpu.memory_space<vmem>> -> memref<8xi32, #tpu.memory_space<vmem>>
    %dma_start3A_130 = arith.constant 0 : i32
    %dma_start3A_131 = arith.constant 0 : i32
    %dma_start3A_132 = tpu.memref_slice %arg2[%dma_start3A_130, %dma_start3A_131] : memref<6144x768xf32, #tpu.memory_space<hbm>> -> memref<6144x768xf32, #tpu.memory_space<hbm>>
    %dma_start3A_133 = tpu.memref_slice %arg9[%dma_start3A_123, %dma_start3A_124] : memref<8x3x!tpu.dma_semaphore, #tpu.memory_space<semaphore_mem>> -> memref<1x1x!tpu.dma_semaphore, #tpu.memory_space<semaphore_mem>>
    %dma_start3A_134 = tpu.memref_squeeze %dma_start3A_133 : memref<1x1x!tpu.dma_semaphore, #tpu.memory_space<semaphore_mem>> -> memref<!tpu.dma_semaphore, #tpu.memory_space<semaphore_mem>>
    tpu.enqueue_indirect_dma source(%dma_start3A_132 : memref<6144x768xf32, #tpu.memory_space<hbm>>) target(%dma_start3A_127 : memref<8x768xf32, #tpu.memory_space<vmem>>) offsets(%dma_start3A_129 : memref<8xi32, #tpu.memory_space<vmem>>) semaphore(%dma_start3A_134 : memref<!tpu.dma_semaphore, #tpu.memory_space<semaphore_mem>>)
    %dma_start3A_135 = arith.constant 5 : i32
    %dma_start3A_136 = arith.constant 1 : i32
    %dma_start3A_137 = arith.constant 40 : i32
    %dma_start3A_138 = arith.constant 0 : i32
    %dma_start3A_139 = tpu.memref_slice %arg6[%dma_start3A_137, %dma_start3A_138] : memref<64x768xf32, #tpu.memory_space<vmem>> -> memref<8x768xf32, #tpu.memory_space<vmem>>
    %dma_start3A_140 = arith.constant 40 : i32
    %dma_start3A_141 = tpu.memref_slice %arg8[%dma_start3A_140] : memref<64xi32, #tpu.memory_space<vmem>> -> memref<8xi32, #tpu.memory_space<vmem>>
    %dma_start3A_142 = arith.constant 0 : i32
    %dma_start3A_143 = arith.constant 0 : i32
    %dma_start3A_144 = tpu.memref_slice %arg2[%dma_start3A_142, %dma_start3A_143] : memref<6144x768xf32, #tpu.memory_space<hbm>> -> memref<6144x768xf32, #tpu.memory_space<hbm>>
    %dma_start3A_145 = tpu.memref_slice %arg9[%dma_start3A_135, %dma_start3A_136] : memref<8x3x!tpu.dma_semaphore, #tpu.memory_space<semaphore_mem>> -> memref<1x1x!tpu.dma_semaphore, #tpu.memory_space<semaphore_mem>>
    %dma_start3A_146 = tpu.memref_squeeze %dma_start3A_145 : memref<1x1x!tpu.dma_semaphore, #tpu.memory_space<semaphore_mem>> -> memref<!tpu.dma_semaphore, #tpu.memory_space<semaphore_mem>>
    tpu.enqueue_indirect_dma source(%dma_start3A_144 : memref<6144x768xf32, #tpu.memory_space<hbm>>) target(%dma_start3A_139 : memref<8x768xf32, #tpu.memory_space<vmem>>) offsets(%dma_start3A_141 : memref<8xi32, #tpu.memory_space<vmem>>) semaphore(%dma_start3A_146 : memref<!tpu.dma_semaphore, #tpu.memory_space<semaphore_mem>>)
    %dma_start3A_147 = arith.constant 6 : i32
    %dma_start3A_148 = arith.constant 0 : i32
    %dma_start3A_149 = arith.constant 48 : i32
    %dma_start3A_150 = arith.constant 0 : i32
    %dma_start3A_151 = tpu.memref_slice %arg5[%dma_start3A_149, %dma_start3A_150] : memref<64x768xf32, #tpu.memory_space<vmem>> -> memref<8x768xf32, #tpu.memory_space<vmem>>
    %dma_start3A_152 = arith.constant 48 : i32
    %dma_start3A_153 = tpu.memref_slice %arg7[%dma_start3A_152] : memref<64xi32, #tpu.memory_space<vmem>> -> memref<8xi32, #tpu.memory_space<vmem>>
    %dma_start3A_154 = arith.constant 0 : i32
    %dma_start3A_155 = arith.constant 0 : i32
    %dma_start3A_156 = tpu.memref_slice %arg2[%dma_start3A_154, %dma_start3A_155] : memref<6144x768xf32, #tpu.memory_space<hbm>> -> memref<6144x768xf32, #tpu.memory_space<hbm>>
    %dma_start3A_157 = tpu.memref_slice %arg9[%dma_start3A_147, %dma_start3A_148] : memref<8x3x!tpu.dma_semaphore, #tpu.memory_space<semaphore_mem>> -> memref<1x1x!tpu.dma_semaphore, #tpu.memory_space<semaphore_mem>>
    %dma_start3A_158 = tpu.memref_squeeze %dma_start3A_157 : memref<1x1x!tpu.dma_semaphore, #tpu.memory_space<semaphore_mem>> -> memref<!tpu.dma_semaphore, #tpu.memory_space<semaphore_mem>>
    tpu.enqueue_indirect_dma source(%dma_start3A_156 : memref<6144x768xf32, #tpu.memory_space<hbm>>) target(%dma_start3A_151 : memref<8x768xf32, #tpu.memory_space<vmem>>) offsets(%dma_start3A_153 : memref<8xi32, #tpu.memory_space<vmem>>) semaphore(%dma_start3A_158 : memref<!tpu.dma_semaphore, #tpu.memory_space<semaphore_mem>>)
    %dma_start3A_159 = arith.constant 6 : i32
    %dma_start3A_160 = arith.constant 1 : i32
    %dma_start3A_161 = arith.constant 48 : i32
    %dma_start3A_162 = arith.constant 0 : i32
    %dma_start3A_163 = tpu.memref_slice %arg6[%dma_start3A_161, %dma_start3A_162] : memref<64x768xf32, #tpu.memory_space<vmem>> -> memref<8x768xf32, #tpu.memory_space<vmem>>
    %dma_start3A_164 = arith.constant 48 : i32
    %dma_start3A_165 = tpu.memref_slice %arg8[%dma_start3A_164] : memref<64xi32, #tpu.memory_space<vmem>> -> memref<8xi32, #tpu.memory_space<vmem>>
    %dma_start3A_166 = arith.constant 0 : i32
    %dma_start3A_167 = arith.constant 0 : i32
    %dma_start3A_168 = tpu.memref_slice %arg2[%dma_start3A_166, %dma_start3A_167] : memref<6144x768xf32, #tpu.memory_space<hbm>> -> memref<6144x768xf32, #tpu.memory_space<hbm>>
    %dma_start3A_169 = tpu.memref_slice %arg9[%dma_start3A_159, %dma_start3A_160] : memref<8x3x!tpu.dma_semaphore, #tpu.memory_space<semaphore_mem>> -> memref<1x1x!tpu.dma_semaphore, #tpu.memory_space<semaphore_mem>>
    %dma_start3A_170 = tpu.memref_squeeze %dma_start3A_169 : memref<1x1x!tpu.dma_semaphore, #tpu.memory_space<semaphore_mem>> -> memref<!tpu.dma_semaphore, #tpu.memory_space<semaphore_mem>>
    tpu.enqueue_indirect_dma source(%dma_start3A_168 : memref<6144x768xf32, #tpu.memory_space<hbm>>) target(%dma_start3A_163 : memref<8x768xf32, #tpu.memory_space<vmem>>) offsets(%dma_start3A_165 : memref<8xi32, #tpu.memory_space<vmem>>) semaphore(%dma_start3A_170 : memref<!tpu.dma_semaphore, #tpu.memory_space<semaphore_mem>>)
    %dma_start3A_171 = arith.constant 7 : i32
    %dma_start3A_172 = arith.constant 0 : i32
    %dma_start3A_173 = arith.constant 56 : i32
    %dma_start3A_174 = arith.constant 0 : i32
    %dma_start3A_175 = tpu.memref_slice %arg5[%dma_start3A_173, %dma_start3A_174] : memref<64x768xf32, #tpu.memory_space<vmem>> -> memref<8x768xf32, #tpu.memory_space<vmem>>
    %dma_start3A_176 = arith.constant 56 : i32
    %dma_start3A_177 = tpu.memref_slice %arg7[%dma_start3A_176] : memref<64xi32, #tpu.memory_space<vmem>> -> memref<8xi32, #tpu.memory_space<vmem>>
    %dma_start3A_178 = arith.constant 0 : i32
    %dma_start3A_179 = arith.constant 0 : i32
    %dma_start3A_180 = tpu.memref_slice %arg2[%dma_start3A_178, %dma_start3A_179] : memref<6144x768xf32, #tpu.memory_space<hbm>> -> memref<6144x768xf32, #tpu.memory_space<hbm>>
    %dma_start3A_181 = tpu.memref_slice %arg9[%dma_start3A_171, %dma_start3A_172] : memref<8x3x!tpu.dma_semaphore, #tpu.memory_space<semaphore_mem>> -> memref<1x1x!tpu.dma_semaphore, #tpu.memory_space<semaphore_mem>>
    %dma_start3A_182 = tpu.memref_squeeze %dma_start3A_181 : memref<1x1x!tpu.dma_semaphore, #tpu.memory_space<semaphore_mem>> -> memref<!tpu.dma_semaphore, #tpu.memory_space<semaphore_mem>>
    tpu.enqueue_indirect_dma source(%dma_start3A_180 : memref<6144x768xf32, #tpu.memory_space<hbm>>) target(%dma_start3A_175 : memref<8x768xf32, #tpu.memory_space<vmem>>) offsets(%dma_start3A_177 : memref<8xi32, #tpu.memory_space<vmem>>) semaphore(%dma_start3A_182 : memref<!tpu.dma_semaphore, #tpu.memory_space<semaphore_mem>>)
    %dma_start3A_183 = arith.constant 7 : i32
    %dma_start3A_184 = arith.constant 1 : i32
    %dma_start3A_185 = arith.constant 56 : i32
    %dma_start3A_186 = arith.constant 0 : i32
    %dma_start3A_187 = tpu.memref_slice %arg6[%dma_start3A_185, %dma_start3A_186] : memref<64x768xf32, #tpu.memory_space<vmem>> -> memref<8x768xf32, #tpu.memory_space<vmem>>
    %dma_start3A_188 = arith.constant 56 : i32
    %dma_start3A_189 = tpu.memref_slice %arg8[%dma_start3A_188] : memref<64xi32, #tpu.memory_space<vmem>> -> memref<8xi32, #tpu.memory_space<vmem>>
    %dma_start3A_190 = arith.constant 0 : i32
    %dma_start3A_191 = arith.constant 0 : i32
    %dma_start3A_192 = tpu.memref_slice %arg2[%dma_start3A_190, %dma_start3A_191] : memref<6144x768xf32, #tpu.memory_space<hbm>> -> memref<6144x768xf32, #tpu.memory_space<hbm>>
    %dma_start3A_193 = tpu.memref_slice %arg9[%dma_start3A_183, %dma_start3A_184] : memref<8x3x!tpu.dma_semaphore, #tpu.memory_space<semaphore_mem>> -> memref<1x1x!tpu.dma_semaphore, #tpu.memory_space<semaphore_mem>>
    %dma_start3A_194 = tpu.memref_squeeze %dma_start3A_193 : memref<1x1x!tpu.dma_semaphore, #tpu.memory_space<semaphore_mem>> -> memref<!tpu.dma_semaphore, #tpu.memory_space<semaphore_mem>>
    tpu.enqueue_indirect_dma source(%dma_start3A_192 : memref<6144x768xf32, #tpu.memory_space<hbm>>) target(%dma_start3A_187 : memref<8x768xf32, #tpu.memory_space<vmem>>) offsets(%dma_start3A_189 : memref<8xi32, #tpu.memory_space<vmem>>) semaphore(%dma_start3A_194 : memref<!tpu.dma_semaphore, #tpu.memory_space<semaphore_mem>>)
    %dma_wait3A = arith.constant 0 : i32
    %dma_wait3A_195 = arith.constant 0 : i32
    %dma_wait3A_196 = arith.constant 0 : i32
    %dma_wait3A_197 = arith.constant 0 : i32
    %dma_wait3A_198 = tpu.memref_slice %arg5[%dma_wait3A_196, %dma_wait3A_197] : memref<64x768xf32, #tpu.memory_space<vmem>> -> memref<8x768xf32, #tpu.memory_space<vmem>>
    %dma_wait3A_199 = arith.constant 0 : i32
    %dma_wait3A_200 = tpu.memref_slice %arg7[%dma_wait3A_199] : memref<64xi32, #tpu.memory_space<vmem>> -> memref<8xi32, #tpu.memory_space<vmem>>
    %dma_wait3A_201 = arith.constant 0 : i32
    %dma_wait3A_202 = arith.constant 0 : i32
    %dma_wait3A_203 = tpu.memref_slice %arg2[%dma_wait3A_201, %dma_wait3A_202] : memref<6144x768xf32, #tpu.memory_space<hbm>> -> memref<6144x768xf32, #tpu.memory_space<hbm>>
    %dma_wait3A_204 = tpu.memref_slice %arg9[%dma_wait3A, %dma_wait3A_195] : memref<8x3x!tpu.dma_semaphore, #tpu.memory_space<semaphore_mem>> -> memref<1x1x!tpu.dma_semaphore, #tpu.memory_space<semaphore_mem>>
    %dma_wait3A_205 = tpu.memref_squeeze %dma_wait3A_204 : memref<1x1x!tpu.dma_semaphore, #tpu.memory_space<semaphore_mem>> -> memref<!tpu.dma_semaphore, #tpu.memory_space<semaphore_mem>>
    tpu.wait_indirect_dma semaphore(%dma_wait3A_205 : memref<!tpu.dma_semaphore, #tpu.memory_space<semaphore_mem>>) src(%dma_wait3A_203 : memref<6144x768xf32, #tpu.memory_space<hbm>>) dst(%dma_wait3A_198 : memref<8x768xf32, #tpu.memory_space<vmem>>)
    %dma_wait3A_206 = arith.constant 0 : i32
    %dma_wait3A_207 = arith.constant 1 : i32
    %dma_wait3A_208 = arith.constant 0 : i32
    %dma_wait3A_209 = arith.constant 0 : i32
    %dma_wait3A_210 = tpu.memref_slice %arg6[%dma_wait3A_208, %dma_wait3A_209] : memref<64x768xf32, #tpu.memory_space<vmem>> -> memref<8x768xf32, #tpu.memory_space<vmem>>
    %dma_wait3A_211 = arith.constant 0 : i32
    %dma_wait3A_212 = tpu.memref_slice %arg8[%dma_wait3A_211] : memref<64xi32, #tpu.memory_space<vmem>> -> memref<8xi32, #tpu.memory_space<vmem>>
    %dma_wait3A_213 = arith.constant 0 : i32
    %dma_wait3A_214 = arith.constant 0 : i32
    %dma_wait3A_215 = tpu.memref_slice %arg2[%dma_wait3A_213, %dma_wait3A_214] : memref<6144x768xf32, #tpu.memory_space<hbm>> -> memref<6144x768xf32, #tpu.memory_space<hbm>>
    %dma_wait3A_216 = tpu.memref_slice %arg9[%dma_wait3A_206, %dma_wait3A_207] : memref<8x3x!tpu.dma_semaphore, #tpu.memory_space<semaphore_mem>> -> memref<1x1x!tpu.dma_semaphore, #tpu.memory_space<semaphore_mem>>
    %dma_wait3A_217 = tpu.memref_squeeze %dma_wait3A_216 : memref<1x1x!tpu.dma_semaphore, #tpu.memory_space<semaphore_mem>> -> memref<!tpu.dma_semaphore, #tpu.memory_space<semaphore_mem>>
    tpu.wait_indirect_dma semaphore(%dma_wait3A_217 : memref<!tpu.dma_semaphore, #tpu.memory_space<semaphore_mem>>) src(%dma_wait3A_215 : memref<6144x768xf32, #tpu.memory_space<hbm>>) dst(%dma_wait3A_210 : memref<8x768xf32, #tpu.memory_space<vmem>>)
    %scan3A = arith.constant 0 : i32
    %scan3A_218 = arith.constant 0 : i32
    %scan3A_219 = arith.constant 96 : i32
    %scan3A_220 = arith.addi %scan3A_218, %scan3A_219 : i32
    %scan3A_221 = arith.constant 1 : i32
    %scan3A_222 = scf.for %scan3A_681 = %scan3A_218 to %scan3A_220 step %scan3A_221 iter_args(%scan3A_682 = %scan3A) -> (i32)  : i32 {
      %jit3A = arith.constant 12 : i32
      %div3A = arith.divsi %scan3A_681, %jit3A : i32
      %sign3A = arith.constant 0 : i32
      %sign3A_683 = arith.cmpi sgt, %scan3A_681, %sign3A : i32
      %sign3A_684 = arith.extui %sign3A_683 : i1 to i32
      %sign3A_685 = arith.constant 0 : i32
      %sign3A_686 = arith.cmpi slt, %scan3A_681, %sign3A_685 : i32
      %sign3A_687 = arith.extui %sign3A_686 : i1 to i32
      %sign3A_688 = arith.subi %sign3A_684, %sign3A_687 : i32
      %sign3A_689 = arith.constant 0 : i32
      %sign3A_690 = arith.cmpi sgt, %jit3A, %sign3A_689 : i32
      %sign3A_691 = arith.extui %sign3A_690 : i1 to i32
      %sign3A_692 = arith.constant 0 : i32
      %sign3A_693 = arith.cmpi slt, %jit3A, %sign3A_692 : i32
      %sign3A_694 = arith.extui %sign3A_693 : i1 to i32
      %sign3A_695 = arith.subi %sign3A_691, %sign3A_694 : i32
      %ne3A = arith.cmpi ne, %sign3A_688, %sign3A_695 : i32
      %rem3A = arith.remsi %scan3A_681, %jit3A : i32
      %ne3A_696 = arith.constant 0 : i32
      %ne3A_697 = arith.cmpi ne, %rem3A, %ne3A_696 : i32
      %and3A = arith.andi %ne3A, %ne3A_697 : i1
      %sub3A = arith.constant 1 : i32
      %sub3A_698 = arith.subi %div3A, %sub3A : i32
      %select_n3A = arith.select %and3A, %sub3A_698, %div3A : i32
      %add3A_699 = arith.constant 0 : i32
      %add3A_700 = arith.addi %add3A_699, %select_n3A : i32
      %jit3A_701 = arith.constant 12 : i32
      %eq3A = arith.constant 0 : i32
      %eq3A_702 = arith.cmpi eq, %jit3A_701, %eq3A : i32
      %jit3A_703 = arith.constant 1 : i32
      %select_n3A_704 = arith.select %eq3A_702, %jit3A_703, %jit3A_701 : i32
      %rem3A_705 = arith.remsi %scan3A_681, %select_n3A_704 : i32
      %ne3A_706 = arith.constant 0 : i32
      %ne3A_707 = arith.cmpi ne, %rem3A_705, %ne3A_706 : i32
      %lt3A = arith.constant 0 : i32
      %lt3A_708 = arith.cmpi slt, %rem3A_705, %lt3A : i32
      %lt3A_709 = arith.constant 0 : i32
      %lt3A_710 = arith.cmpi slt, %select_n3A_704, %lt3A_709 : i32
      %ne3A_711 = arith.xori %lt3A_708, %lt3A_710 : i1
      %and3A_712 = arith.andi %ne3A_711, %ne3A_707 : i1
      %add3A_713 = arith.addi %rem3A_705, %select_n3A_704 : i32
      %select_n3A_714 = arith.select %and3A_712, %add3A_713, %rem3A_705 : i32
      %mul3A_715 = arith.constant 64 : i32
      %mul3A_716 = arith.muli %select_n3A_714, %mul3A_715 : i32
      %add3A_717 = arith.constant 0 : i32
      %add3A_718 = arith.addi %mul3A_716, %add3A_717 : i32
      %get3A = arith.index_cast %add3A_700 : i32 to index
      %get3A_719 = arith.index_cast %add3A_718 : i32 to index
      %get3A_720 = tpu.vector_load %arg5[%get3A, %get3A_719] {strides = array<i32>} : memref<64x768xf32, #tpu.memory_space<vmem>>, vector<16xf32>,
      %get3A_721 = arith.index_cast %add3A_700 : i32 to index
      %get3A_722 = arith.index_cast %add3A_718 : i32 to index
      %get3A_723 = tpu.vector_load %arg6[%get3A_721, %get3A_722] {strides = array<i32>} : memref<64x768xf32, #tpu.memory_space<vmem>>, vector<16xf32>,
      %add3A_724 = arith.addf %get3A_720, %get3A_723 : vector<16xf32>
      %swap3A = arith.index_cast %add3A_700 : i32 to index
      %swap3A_725 = arith.index_cast %add3A_718 : i32 to index
      %swap3A_726 = tpu.vector_load %arg5[%swap3A, %swap3A_725] {strides = array<i32>} : memref<64x768xf32, #tpu.memory_space<vmem>>, vector<16xf32>,
      tpu.vector_store %arg5[%swap3A, %swap3A_725], %add3A_724 {strides = array<i32>} : memref<64x768xf32, #tpu.memory_space<vmem>>, vector<16xf32>,
      %add3A_727 = arith.constant 16 : i32
      %add3A_728 = arith.addi %mul3A_716, %add3A_727 : i32
      %get3A_729 = arith.index_cast %add3A_700 : i32 to index
      %get3A_730 = arith.index_cast %add3A_728 : i32 to index
      %get3A_731 = tpu.vector_load %arg5[%get3A_729, %get3A_730] {strides = array<i32>} : memref<64x768xf32, #tpu.memory_space<vmem>>, vector<16xf32>,
      %get3A_732 = arith.index_cast %add3A_700 : i32 to index
      %get3A_733 = arith.index_cast %add3A_728 : i32 to index
      %get3A_734 = tpu.vector_load %arg6[%get3A_732, %get3A_733] {strides = array<i32>} : memref<64x768xf32, #tpu.memory_space<vmem>>, vector<16xf32>,
      %add3A_735 = arith.addf %get3A_731, %get3A_734 : vector<16xf32>
      %swap3A_736 = arith.index_cast %add3A_700 : i32 to index
      %swap3A_737 = arith.index_cast %add3A_728 : i32 to index
      %swap3A_738 = tpu.vector_load %arg5[%swap3A_736, %swap3A_737] {strides = array<i32>} : memref<64x768xf32, #tpu.memory_space<vmem>>, vector<16xf32>,
      tpu.vector_store %arg5[%swap3A_736, %swap3A_737], %add3A_735 {strides = array<i32>} : memref<64x768xf32, #tpu.memory_space<vmem>>, vector<16xf32>,
      %add3A_739 = arith.constant 32 : i32
      %add3A_740 = arith.addi %mul3A_716, %add3A_739 : i32
      %get3A_741 = arith.index_cast %add3A_700 : i32 to index
      %get3A_742 = arith.index_cast %add3A_740 : i32 to index
      %get3A_743 = tpu.vector_load %arg5[%get3A_741, %get3A_742] {strides = array<i32>} : memref<64x768xf32, #tpu.memory_space<vmem>>, vector<16xf32>,
      %get3A_744 = arith.index_cast %add3A_700 : i32 to index
      %get3A_745 = arith.index_cast %add3A_740 : i32 to index
      %get3A_746 = tpu.vector_load %arg6[%get3A_744, %get3A_745] {strides = array<i32>} : memref<64x768xf32, #tpu.memory_space<vmem>>, vector<16xf32>,
      %add3A_747 = arith.addf %get3A_743, %get3A_746 : vector<16xf32>
      %swap3A_748 = arith.index_cast %add3A_700 : i32 to index
      %swap3A_749 = arith.index_cast %add3A_740 : i32 to index
      %swap3A_750 = tpu.vector_load %arg5[%swap3A_748, %swap3A_749] {strides = array<i32>} : memref<64x768xf32, #tpu.memory_space<vmem>>, vector<16xf32>,
      tpu.vector_store %arg5[%swap3A_748, %swap3A_749], %add3A_747 {strides = array<i32>} : memref<64x768xf32, #tpu.memory_space<vmem>>, vector<16xf32>,
      %add3A_751 = arith.constant 48 : i32
      %add3A_752 = arith.addi %mul3A_716, %add3A_751 : i32
      %get3A_753 = arith.index_cast %add3A_700 : i32 to index
      %get3A_754 = arith.index_cast %add3A_752 : i32 to index
      %get3A_755 = tpu.vector_load %arg5[%get3A_753, %get3A_754] {strides = array<i32>} : memref<64x768xf32, #tpu.memory_space<vmem>>, vector<16xf32>,
      %get3A_756 = arith.index_cast %add3A_700 : i32 to index
      %get3A_757 = arith.index_cast %add3A_752 : i32 to index
      %get3A_758 = tpu.vector_load %arg6[%get3A_756, %get3A_757] {strides = array<i32>} : memref<64x768xf32, #tpu.memory_space<vmem>>, vector<16xf32>,
      %add3A_759 = arith.addf %get3A_755, %get3A_758 : vector<16xf32>
      %swap3A_760 = arith.index_cast %add3A_700 : i32 to index
      %swap3A_761 = arith.index_cast %add3A_752 : i32 to index
      %swap3A_762 = tpu.vector_load %arg5[%swap3A_760, %swap3A_761] {strides = array<i32>} : memref<64x768xf32, #tpu.memory_space<vmem>>, vector<16xf32>,
      tpu.vector_store %arg5[%swap3A_760, %swap3A_761], %add3A_759 {strides = array<i32>} : memref<64x768xf32, #tpu.memory_space<vmem>>, vector<16xf32>,
      %scan3A_763 = arith.constant 0 : i32
      scf.yield %scan3A_763 : i32
    }
    %scan3A_223 = arith.constant 96 : i32
    %add3A_224 = arith.constant 0 : i32
    %add3A_225 = arith.addi %multiple_of3A, %add3A_224 : i32
    %dma_start3A_226 = arith.constant 0 : i32
    %dma_start3A_227 = arith.constant 2 : i32
    %dma_start3A_228 = arith.constant 0 : i32
    %dma_start3A_229 = arith.constant 0 : i32
    %dma_start3A_230 = tpu.memref_slice %arg5[%dma_start3A_228, %dma_start3A_229] : memref<64x768xf32, #tpu.memory_space<vmem>> -> memref<8x768xf32, #tpu.memory_space<vmem>>
    %dma_start3A_231 = arith.constant 0 : i32
    %dma_start3A_232 = tpu.memref_slice %arg4[%add3A_225, %dma_start3A_231] : memref<2048x768xf32, #tpu.memory_space<hbm>> -> memref<8x768xf32, #tpu.memory_space<hbm>>
    %dma_start3A_233 = tpu.memref_slice %arg9[%dma_start3A_226, %dma_start3A_227] : memref<8x3x!tpu.dma_semaphore, #tpu.memory_space<semaphore_mem>> -> memref<1x1x!tpu.dma_semaphore, #tpu.memory_space<semaphore_mem>>
    %dma_start3A_234 = tpu.memref_squeeze %dma_start3A_233 : memref<1x1x!tpu.dma_semaphore, #tpu.memory_space<semaphore_mem>> -> memref<!tpu.dma_semaphore, #tpu.memory_space<semaphore_mem>>
    %dma_start3A_235 = arith.constant 0 : i32
    %dma_start3A_236 = tpu.memref_slice %arg4[%add3A_225, %dma_start3A_235] : memref<2048x768xf32, #tpu.memory_space<hbm>> -> memref<8x768xf32, #tpu.memory_space<hbm>>
    %dma_start3A_237 = arith.constant 0 : i32
    %dma_start3A_238 = arith.constant 0 : i32
    %dma_start3A_239 = tpu.memref_slice %arg5[%dma_start3A_237, %dma_start3A_238] : memref<64x768xf32, #tpu.memory_space<vmem>> -> memref<8x768xf32, #tpu.memory_space<vmem>>
    tpu.enqueue_dma source(%dma_start3A_239 : memref<8x768xf32, #tpu.memory_space<vmem>>) target(%dma_start3A_236 : memref<8x768xf32, #tpu.memory_space<hbm>>) target_semaphore(%dma_start3A_234 : memref<!tpu.dma_semaphore, #tpu.memory_space<semaphore_mem>>)
    %dma_wait3A_240 = arith.constant 1 : i32
    %dma_wait3A_241 = arith.constant 0 : i32
    %dma_wait3A_242 = arith.constant 8 : i32
    %dma_wait3A_243 = arith.constant 0 : i32
    %dma_wait3A_244 = tpu.memref_slice %arg5[%dma_wait3A_242, %dma_wait3A_243] : memref<64x768xf32, #tpu.memory_space<vmem>> -> memref<8x768xf32, #tpu.memory_space<vmem>>
    %dma_wait3A_245 = arith.constant 8 : i32
    %dma_wait3A_246 = tpu.memref_slice %arg7[%dma_wait3A_245] : memref<64xi32, #tpu.memory_space<vmem>> -> memref<8xi32, #tpu.memory_space<vmem>>
    %dma_wait3A_247 = arith.constant 0 : i32
    %dma_wait3A_248 = arith.constant 0 : i32
    %dma_wait3A_249 = tpu.memref_slice %arg2[%dma_wait3A_247, %dma_wait3A_248] : memref<6144x768xf32, #tpu.memory_space<hbm>> -> memref<6144x768xf32, #tpu.memory_space<hbm>>
    %dma_wait3A_250 = tpu.memref_slice %arg9[%dma_wait3A_240, %dma_wait3A_241] : memref<8x3x!tpu.dma_semaphore, #tpu.memory_space<semaphore_mem>> -> memref<1x1x!tpu.dma_semaphore, #tpu.memory_space<semaphore_mem>>
    %dma_wait3A_251 = tpu.memref_squeeze %dma_wait3A_250 : memref<1x1x!tpu.dma_semaphore, #tpu.memory_space<semaphore_mem>> -> memref<!tpu.dma_semaphore, #tpu.memory_space<semaphore_mem>>
    tpu.wait_indirect_dma semaphore(%dma_wait3A_251 : memref<!tpu.dma_semaphore, #tpu.memory_space<semaphore_mem>>) src(%dma_wait3A_249 : memref<6144x768xf32, #tpu.memory_space<hbm>>) dst(%dma_wait3A_244 : memref<8x768xf32, #tpu.memory_space<vmem>>)
    %dma_wait3A_252 = arith.constant 1 : i32
    %dma_wait3A_253 = arith.constant 1 : i32
    %dma_wait3A_254 = arith.constant 8 : i32
    %dma_wait3A_255 = arith.constant 0 : i32
    %dma_wait3A_256 = tpu.memref_slice %arg6[%dma_wait3A_254, %dma_wait3A_255] : memref<64x768xf32, #tpu.memory_space<vmem>> -> memref<8x768xf32, #tpu.memory_space<vmem>>
    %dma_wait3A_257 = arith.constant 8 : i32
    %dma_wait3A_258 = tpu.memref_slice %arg8[%dma_wait3A_257] : memref<64xi32, #tpu.memory_space<vmem>> -> memref<8xi32, #tpu.memory_space<vmem>>
    %dma_wait3A_259 = arith.constant 0 : i32
    %dma_wait3A_260 = arith.constant 0 : i32
    %dma_wait3A_261 = tpu.memref_slice %arg2[%dma_wait3A_259, %dma_wait3A_260] : memref<6144x768xf32, #tpu.memory_space<hbm>> -> memref<6144x768xf32, #tpu.memory_space<hbm>>
    %dma_wait3A_262 = tpu.memref_slice %arg9[%dma_wait3A_252, %dma_wait3A_253] : memref<8x3x!tpu.dma_semaphore, #tpu.memory_space<semaphore_mem>> -> memref<1x1x!tpu.dma_semaphore, #tpu.memory_space<semaphore_mem>>
    %dma_wait3A_263 = tpu.memref_squeeze %dma_wait3A_262 : memref<1x1x!tpu.dma_semaphore, #tpu.memory_space<semaphore_mem>> -> memref<!tpu.dma_semaphore, #tpu.memory_space<semaphore_mem>>
    tpu.wait_indirect_dma semaphore(%dma_wait3A_263 : memref<!tpu.dma_semaphore, #tpu.memory_space<semaphore_mem>>) src(%dma_wait3A_261 : memref<6144x768xf32, #tpu.memory_space<hbm>>) dst(%dma_wait3A_256 : memref<8x768xf32, #tpu.memory_space<vmem>>)
    %scan3A_264 = arith.constant 0 : i32
    %scan3A_265 = arith.constant 0 : i32
    %scan3A_266 = arith.constant 96 : i32
    %scan3A_267 = arith.addi %scan3A_265, %scan3A_266 : i32
    %scan3A_268 = arith.constant 1 : i32
    %scan3A_269 = scf.for %scan3A_681 = %scan3A_265 to %scan3A_267 step %scan3A_268 iter_args(%scan3A_682 = %scan3A_264) -> (i32)  : i32 {
      %jit3A = arith.constant 12 : i32
      %div3A = arith.divsi %scan3A_681, %jit3A : i32
      %sign3A = arith.constant 0 : i32
      %sign3A_683 = arith.cmpi sgt, %scan3A_681, %sign3A : i32
      %sign3A_684 = arith.extui %sign3A_683 : i1 to i32
      %sign3A_685 = arith.constant 0 : i32
      %sign3A_686 = arith.cmpi slt, %scan3A_681, %sign3A_685 : i32
      %sign3A_687 = arith.extui %sign3A_686 : i1 to i32
      %sign3A_688 = arith.subi %sign3A_684, %sign3A_687 : i32
      %sign3A_689 = arith.constant 0 : i32
      %sign3A_690 = arith.cmpi sgt, %jit3A, %sign3A_689 : i32
      %sign3A_691 = arith.extui %sign3A_690 : i1 to i32
      %sign3A_692 = arith.constant 0 : i32
      %sign3A_693 = arith.cmpi slt, %jit3A, %sign3A_692 : i32
      %sign3A_694 = arith.extui %sign3A_693 : i1 to i32
      %sign3A_695 = arith.subi %sign3A_691, %sign3A_694 : i32
      %ne3A = arith.cmpi ne, %sign3A_688, %sign3A_695 : i32
      %rem3A = arith.remsi %scan3A_681, %jit3A : i32
      %ne3A_696 = arith.constant 0 : i32
      %ne3A_697 = arith.cmpi ne, %rem3A, %ne3A_696 : i32
      %and3A = arith.andi %ne3A, %ne3A_697 : i1
      %sub3A = arith.constant 1 : i32
      %sub3A_698 = arith.subi %div3A, %sub3A : i32
      %select_n3A = arith.select %and3A, %sub3A_698, %div3A : i32
      %add3A_699 = arith.constant 8 : i32
      %add3A_700 = arith.addi %add3A_699, %select_n3A : i32
      %jit3A_701 = arith.constant 12 : i32
      %eq3A = arith.constant 0 : i32
      %eq3A_702 = arith.cmpi eq, %jit3A_701, %eq3A : i32
      %jit3A_703 = arith.constant 1 : i32
      %select_n3A_704 = arith.select %eq3A_702, %jit3A_703, %jit3A_701 : i32
      %rem3A_705 = arith.remsi %scan3A_681, %select_n3A_704 : i32
      %ne3A_706 = arith.constant 0 : i32
      %ne3A_707 = arith.cmpi ne, %rem3A_705, %ne3A_706 : i32
      %lt3A = arith.constant 0 : i32
      %lt3A_708 = arith.cmpi slt, %rem3A_705, %lt3A : i32
      %lt3A_709 = arith.constant 0 : i32
      %lt3A_710 = arith.cmpi slt, %select_n3A_704, %lt3A_709 : i32
      %ne3A_711 = arith.xori %lt3A_708, %lt3A_710 : i1
      %and3A_712 = arith.andi %ne3A_711, %ne3A_707 : i1
      %add3A_713 = arith.addi %rem3A_705, %select_n3A_704 : i32
      %select_n3A_714 = arith.select %and3A_712, %add3A_713, %rem3A_705 : i32
      %mul3A_715 = arith.constant 64 : i32
      %mul3A_716 = arith.muli %select_n3A_714, %mul3A_715 : i32
      %add3A_717 = arith.constant 0 : i32
      %add3A_718 = arith.addi %mul3A_716, %add3A_717 : i32
      %get3A = arith.index_cast %add3A_700 : i32 to index
      %get3A_719 = arith.index_cast %add3A_718 : i32 to index
      %get3A_720 = tpu.vector_load %arg5[%get3A, %get3A_719] {strides = array<i32>} : memref<64x768xf32, #tpu.memory_space<vmem>>, vector<16xf32>,
      %get3A_721 = arith.index_cast %add3A_700 : i32 to index
      %get3A_722 = arith.index_cast %add3A_718 : i32 to index
      %get3A_723 = tpu.vector_load %arg6[%get3A_721, %get3A_722] {strides = array<i32>} : memref<64x768xf32, #tpu.memory_space<vmem>>, vector<16xf32>,
      %add3A_724 = arith.addf %get3A_720, %get3A_723 : vector<16xf32>
      %swap3A = arith.index_cast %add3A_700 : i32 to index
      %swap3A_725 = arith.index_cast %add3A_718 : i32 to index
      %swap3A_726 = tpu.vector_load %arg5[%swap3A, %swap3A_725] {strides = array<i32>} : memref<64x768xf32, #tpu.memory_space<vmem>>, vector<16xf32>,
      tpu.vector_store %arg5[%swap3A, %swap3A_725], %add3A_724 {strides = array<i32>} : memref<64x768xf32, #tpu.memory_space<vmem>>, vector<16xf32>,
      %add3A_727 = arith.constant 16 : i32
      %add3A_728 = arith.addi %mul3A_716, %add3A_727 : i32
      %get3A_729 = arith.index_cast %add3A_700 : i32 to index
      %get3A_730 = arith.index_cast %add3A_728 : i32 to index
      %get3A_731 = tpu.vector_load %arg5[%get3A_729, %get3A_730] {strides = array<i32>} : memref<64x768xf32, #tpu.memory_space<vmem>>, vector<16xf32>,
      %get3A_732 = arith.index_cast %add3A_700 : i32 to index
      %get3A_733 = arith.index_cast %add3A_728 : i32 to index
      %get3A_734 = tpu.vector_load %arg6[%get3A_732, %get3A_733] {strides = array<i32>} : memref<64x768xf32, #tpu.memory_space<vmem>>, vector<16xf32>,
      %add3A_735 = arith.addf %get3A_731, %get3A_734 : vector<16xf32>
      %swap3A_736 = arith.index_cast %add3A_700 : i32 to index
      %swap3A_737 = arith.index_cast %add3A_728 : i32 to index
      %swap3A_738 = tpu.vector_load %arg5[%swap3A_736, %swap3A_737] {strides = array<i32>} : memref<64x768xf32, #tpu.memory_space<vmem>>, vector<16xf32>,
      tpu.vector_store %arg5[%swap3A_736, %swap3A_737], %add3A_735 {strides = array<i32>} : memref<64x768xf32, #tpu.memory_space<vmem>>, vector<16xf32>,
      %add3A_739 = arith.constant 32 : i32
      %add3A_740 = arith.addi %mul3A_716, %add3A_739 : i32
      %get3A_741 = arith.index_cast %add3A_700 : i32 to index
      %get3A_742 = arith.index_cast %add3A_740 : i32 to index
      %get3A_743 = tpu.vector_load %arg5[%get3A_741, %get3A_742] {strides = array<i32>} : memref<64x768xf32, #tpu.memory_space<vmem>>, vector<16xf32>,
      %get3A_744 = arith.index_cast %add3A_700 : i32 to index
      %get3A_745 = arith.index_cast %add3A_740 : i32 to index
      %get3A_746 = tpu.vector_load %arg6[%get3A_744, %get3A_745] {strides = array<i32>} : memref<64x768xf32, #tpu.memory_space<vmem>>, vector<16xf32>,
      %add3A_747 = arith.addf %get3A_743, %get3A_746 : vector<16xf32>
      %swap3A_748 = arith.index_cast %add3A_700 : i32 to index
      %swap3A_749 = arith.index_cast %add3A_740 : i32 to index
      %swap3A_750 = tpu.vector_load %arg5[%swap3A_748, %swap3A_749] {strides = array<i32>} : memref<64x768xf32, #tpu.memory_space<vmem>>, vector<16xf32>,
      tpu.vector_store %arg5[%swap3A_748, %swap3A_749], %add3A_747 {strides = array<i32>} : memref<64x768xf32, #tpu.memory_space<vmem>>, vector<16xf32>,
      %add3A_751 = arith.constant 48 : i32
      %add3A_752 = arith.addi %mul3A_716, %add3A_751 : i32
      %get3A_753 = arith.index_cast %add3A_700 : i32 to index
      %get3A_754 = arith.index_cast %add3A_752 : i32 to index
      %get3A_755 = tpu.vector_load %arg5[%get3A_753, %get3A_754] {strides = array<i32>} : memref<64x768xf32, #tpu.memory_space<vmem>>, vector<16xf32>,
      %get3A_756 = arith.index_cast %add3A_700 : i32 to index
      %get3A_757 = arith.index_cast %add3A_752 : i32 to index
      %get3A_758 = tpu.vector_load %arg6[%get3A_756, %get3A_757] {strides = array<i32>} : memref<64x768xf32, #tpu.memory_space<vmem>>, vector<16xf32>,
      %add3A_759 = arith.addf %get3A_755, %get3A_758 : vector<16xf32>
      %swap3A_760 = arith.index_cast %add3A_700 : i32 to index
      %swap3A_761 = arith.index_cast %add3A_752 : i32 to index
      %swap3A_762 = tpu.vector_load %arg5[%swap3A_760, %swap3A_761] {strides = array<i32>} : memref<64x768xf32, #tpu.memory_space<vmem>>, vector<16xf32>,
      tpu.vector_store %arg5[%swap3A_760, %swap3A_761], %add3A_759 {strides = array<i32>} : memref<64x768xf32, #tpu.memory_space<vmem>>, vector<16xf32>,
      %scan3A_763 = arith.constant 0 : i32
      scf.yield %scan3A_763 : i32
    }
    %scan3A_270 = arith.constant 96 : i32
    %add3A_271 = arith.constant 8 : i32
    %add3A_272 = arith.addi %multiple_of3A, %add3A_271 : i32
    %dma_start3A_273 = arith.constant 1 : i32
    %dma_start3A_274 = arith.constant 2 : i32
    %dma_start3A_275 = arith.constant 8 : i32
    %dma_start3A_276 = arith.constant 0 : i32
    %dma_start3A_277 = tpu.memref_slice %arg5[%dma_start3A_275, %dma_start3A_276] : memref<64x768xf32, #tpu.memory_space<vmem>> -> memref<8x768xf32, #tpu.memory_space<vmem>>
    %dma_start3A_278 = arith.constant 0 : i32
    %dma_start3A_279 = tpu.memref_slice %arg4[%add3A_272, %dma_start3A_278] : memref<2048x768xf32, #tpu.memory_space<hbm>> -> memref<8x768xf32, #tpu.memory_space<hbm>>
    %dma_start3A_280 = tpu.memref_slice %arg9[%dma_start3A_273, %dma_start3A_274] : memref<8x3x!tpu.dma_semaphore, #tpu.memory_space<semaphore_mem>> -> memref<1x1x!tpu.dma_semaphore, #tpu.memory_space<semaphore_mem>>
    %dma_start3A_281 = tpu.memref_squeeze %dma_start3A_280 : memref<1x1x!tpu.dma_semaphore, #tpu.memory_space<semaphore_mem>> -> memref<!tpu.dma_semaphore, #tpu.memory_space<semaphore_mem>>
    %dma_start3A_282 = arith.constant 0 : i32
    %dma_start3A_283 = tpu.memref_slice %arg4[%add3A_272, %dma_start3A_282] : memref<2048x768xf32, #tpu.memory_space<hbm>> -> memref<8x768xf32, #tpu.memory_space<hbm>>
    %dma_start3A_284 = arith.constant 8 : i32
    %dma_start3A_285 = arith.constant 0 : i32
    %dma_start3A_286 = tpu.memref_slice %arg5[%dma_start3A_284, %dma_start3A_285] : memref<64x768xf32, #tpu.memory_space<vmem>> -> memref<8x768xf32, #tpu.memory_space<vmem>>
    tpu.enqueue_dma source(%dma_start3A_286 : memref<8x768xf32, #tpu.memory_space<vmem>>) target(%dma_start3A_283 : memref<8x768xf32, #tpu.memory_space<hbm>>) target_semaphore(%dma_start3A_281 : memref<!tpu.dma_semaphore, #tpu.memory_space<semaphore_mem>>)
    %dma_wait3A_287 = arith.constant 2 : i32
    %dma_wait3A_288 = arith.constant 0 : i32
    %dma_wait3A_289 = arith.constant 16 : i32
    %dma_wait3A_290 = arith.constant 0 : i32
    %dma_wait3A_291 = tpu.memref_slice %arg5[%dma_wait3A_289, %dma_wait3A_290] : memref<64x768xf32, #tpu.memory_space<vmem>> -> memref<8x768xf32, #tpu.memory_space<vmem>>
    %dma_wait3A_292 = arith.constant 16 : i32
    %dma_wait3A_293 = tpu.memref_slice %arg7[%dma_wait3A_292] : memref<64xi32, #tpu.memory_space<vmem>> -> memref<8xi32, #tpu.memory_space<vmem>>
    %dma_wait3A_294 = arith.constant 0 : i32
    %dma_wait3A_295 = arith.constant 0 : i32
    %dma_wait3A_296 = tpu.memref_slice %arg2[%dma_wait3A_294, %dma_wait3A_295] : memref<6144x768xf32, #tpu.memory_space<hbm>> -> memref<6144x768xf32, #tpu.memory_space<hbm>>
    %dma_wait3A_297 = tpu.memref_slice %arg9[%dma_wait3A_287, %dma_wait3A_288] : memref<8x3x!tpu.dma_semaphore, #tpu.memory_space<semaphore_mem>> -> memref<1x1x!tpu.dma_semaphore, #tpu.memory_space<semaphore_mem>>
    %dma_wait3A_298 = tpu.memref_squeeze %dma_wait3A_297 : memref<1x1x!tpu.dma_semaphore, #tpu.memory_space<semaphore_mem>> -> memref<!tpu.dma_semaphore, #tpu.memory_space<semaphore_mem>>
    tpu.wait_indirect_dma semaphore(%dma_wait3A_298 : memref<!tpu.dma_semaphore, #tpu.memory_space<semaphore_mem>>) src(%dma_wait3A_296 : memref<6144x768xf32, #tpu.memory_space<hbm>>) dst(%dma_wait3A_291 : memref<8x768xf32, #tpu.memory_space<vmem>>)
    %dma_wait3A_299 = arith.constant 2 : i32
    %dma_wait3A_300 = arith.constant 1 : i32
    %dma_wait3A_301 = arith.constant 16 : i32
    %dma_wait3A_302 = arith.constant 0 : i32
    %dma_wait3A_303 = tpu.memref_slice %arg6[%dma_wait3A_301, %dma_wait3A_302] : memref<64x768xf32, #tpu.memory_space<vmem>> -> memref<8x768xf32, #tpu.memory_space<vmem>>
    %dma_wait3A_304 = arith.constant 16 : i32
    %dma_wait3A_305 = tpu.memref_slice %arg8[%dma_wait3A_304] : memref<64xi32, #tpu.memory_space<vmem>> -> memref<8xi32, #tpu.memory_space<vmem>>
    %dma_wait3A_306 = arith.constant 0 : i32
    %dma_wait3A_307 = arith.constant 0 : i32
    %dma_wait3A_308 = tpu.memref_slice %arg2[%dma_wait3A_306, %dma_wait3A_307] : memref<6144x768xf32, #tpu.memory_space<hbm>> -> memref<6144x768xf32, #tpu.memory_space<hbm>>
    %dma_wait3A_309 = tpu.memref_slice %arg9[%dma_wait3A_299, %dma_wait3A_300] : memref<8x3x!tpu.dma_semaphore, #tpu.memory_space<semaphore_mem>> -> memref<1x1x!tpu.dma_semaphore, #tpu.memory_space<semaphore_mem>>
    %dma_wait3A_310 = tpu.memref_squeeze %dma_wait3A_309 : memref<1x1x!tpu.dma_semaphore, #tpu.memory_space<semaphore_mem>> -> memref<!tpu.dma_semaphore, #tpu.memory_space<semaphore_mem>>
    tpu.wait_indirect_dma semaphore(%dma_wait3A_310 : memref<!tpu.dma_semaphore, #tpu.memory_space<semaphore_mem>>) src(%dma_wait3A_308 : memref<6144x768xf32, #tpu.memory_space<hbm>>) dst(%dma_wait3A_303 : memref<8x768xf32, #tpu.memory_space<vmem>>)
    %scan3A_311 = arith.constant 0 : i32
    %scan3A_312 = arith.constant 0 : i32
    %scan3A_313 = arith.constant 96 : i32
    %scan3A_314 = arith.addi %scan3A_312, %scan3A_313 : i32
    %scan3A_315 = arith.constant 1 : i32
    %scan3A_316 = scf.for %scan3A_681 = %scan3A_312 to %scan3A_314 step %scan3A_315 iter_args(%scan3A_682 = %scan3A_311) -> (i32)  : i32 {
      %jit3A = arith.constant 12 : i32
      %div3A = arith.divsi %scan3A_681, %jit3A : i32
      %sign3A = arith.constant 0 : i32
      %sign3A_683 = arith.cmpi sgt, %scan3A_681, %sign3A : i32
      %sign3A_684 = arith.extui %sign3A_683 : i1 to i32
      %sign3A_685 = arith.constant 0 : i32
      %sign3A_686 = arith.cmpi slt, %scan3A_681, %sign3A_685 : i32
      %sign3A_687 = arith.extui %sign3A_686 : i1 to i32
      %sign3A_688 = arith.subi %sign3A_684, %sign3A_687 : i32
      %sign3A_689 = arith.constant 0 : i32
      %sign3A_690 = arith.cmpi sgt, %jit3A, %sign3A_689 : i32
      %sign3A_691 = arith.extui %sign3A_690 : i1 to i32
      %sign3A_692 = arith.constant 0 : i32
      %sign3A_693 = arith.cmpi slt, %jit3A, %sign3A_692 : i32
      %sign3A_694 = arith.extui %sign3A_693 : i1 to i32
      %sign3A_695 = arith.subi %sign3A_691, %sign3A_694 : i32
      %ne3A = arith.cmpi ne, %sign3A_688, %sign3A_695 : i32
      %rem3A = arith.remsi %scan3A_681, %jit3A : i32
      %ne3A_696 = arith.constant 0 : i32
      %ne3A_697 = arith.cmpi ne, %rem3A, %ne3A_696 : i32
      %and3A = arith.andi %ne3A, %ne3A_697 : i1
      %sub3A = arith.constant 1 : i32
      %sub3A_698 = arith.subi %div3A, %sub3A : i32
      %select_n3A = arith.select %and3A, %sub3A_698, %div3A : i32
      %add3A_699 = arith.constant 16 : i32
      %add3A_700 = arith.addi %add3A_699, %select_n3A : i32
      %jit3A_701 = arith.constant 12 : i32
      %eq3A = arith.constant 0 : i32
      %eq3A_702 = arith.cmpi eq, %jit3A_701, %eq3A : i32
      %jit3A_703 = arith.constant 1 : i32
      %select_n3A_704 = arith.select %eq3A_702, %jit3A_703, %jit3A_701 : i32
      %rem3A_705 = arith.remsi %scan3A_681, %select_n3A_704 : i32
      %ne3A_706 = arith.constant 0 : i32
      %ne3A_707 = arith.cmpi ne, %rem3A_705, %ne3A_706 : i32
      %lt3A = arith.constant 0 : i32
      %lt3A_708 = arith.cmpi slt, %rem3A_705, %lt3A : i32
      %lt3A_709 = arith.constant 0 : i32
      %lt3A_710 = arith.cmpi slt, %select_n3A_704, %lt3A_709 : i32
      %ne3A_711 = arith.xori %lt3A_708, %lt3A_710 : i1
      %and3A_712 = arith.andi %ne3A_711, %ne3A_707 : i1
      %add3A_713 = arith.addi %rem3A_705, %select_n3A_704 : i32
      %select_n3A_714 = arith.select %and3A_712, %add3A_713, %rem3A_705 : i32
      %mul3A_715 = arith.constant 64 : i32
      %mul3A_716 = arith.muli %select_n3A_714, %mul3A_715 : i32
      %add3A_717 = arith.constant 0 : i32
      %add3A_718 = arith.addi %mul3A_716, %add3A_717 : i32
      %get3A = arith.index_cast %add3A_700 : i32 to index
      %get3A_719 = arith.index_cast %add3A_718 : i32 to index
      %get3A_720 = tpu.vector_load %arg5[%get3A, %get3A_719] {strides = array<i32>} : memref<64x768xf32, #tpu.memory_space<vmem>>, vector<16xf32>,
      %get3A_721 = arith.index_cast %add3A_700 : i32 to index
      %get3A_722 = arith.index_cast %add3A_718 : i32 to index
      %get3A_723 = tpu.vector_load %arg6[%get3A_721, %get3A_722] {strides = array<i32>} : memref<64x768xf32, #tpu.memory_space<vmem>>, vector<16xf32>,
      %add3A_724 = arith.addf %get3A_720, %get3A_723 : vector<16xf32>
      %swap3A = arith.index_cast %add3A_700 : i32 to index
      %swap3A_725 = arith.index_cast %add3A_718 : i32 to index
      %swap3A_726 = tpu.vector_load %arg5[%swap3A, %swap3A_725] {strides = array<i32>} : memref<64x768xf32, #tpu.memory_space<vmem>>, vector<16xf32>,
      tpu.vector_store %arg5[%swap3A, %swap3A_725], %add3A_724 {strides = array<i32>} : memref<64x768xf32, #tpu.memory_space<vmem>>, vector<16xf32>,
      %add3A_727 = arith.constant 16 : i32
      %add3A_728 = arith.addi %mul3A_716, %add3A_727 : i32
      %get3A_729 = arith.index_cast %add3A_700 : i32 to index
      %get3A_730 = arith.index_cast %add3A_728 : i32 to index
      %get3A_731 = tpu.vector_load %arg5[%get3A_729, %get3A_730] {strides = array<i32>} : memref<64x768xf32, #tpu.memory_space<vmem>>, vector<16xf32>,
      %get3A_732 = arith.index_cast %add3A_700 : i32 to index
      %get3A_733 = arith.index_cast %add3A_728 : i32 to index
      %get3A_734 = tpu.vector_load %arg6[%get3A_732, %get3A_733] {strides = array<i32>} : memref<64x768xf32, #tpu.memory_space<vmem>>, vector<16xf32>,
      %add3A_735 = arith.addf %get3A_731, %get3A_734 : vector<16xf32>
      %swap3A_736 = arith.index_cast %add3A_700 : i32 to index
      %swap3A_737 = arith.index_cast %add3A_728 : i32 to index
      %swap3A_738 = tpu.vector_load %arg5[%swap3A_736, %swap3A_737] {strides = array<i32>} : memref<64x768xf32, #tpu.memory_space<vmem>>, vector<16xf32>,
      tpu.vector_store %arg5[%swap3A_736, %swap3A_737], %add3A_735 {strides = array<i32>} : memref<64x768xf32, #tpu.memory_space<vmem>>, vector<16xf32>,
      %add3A_739 = arith.constant 32 : i32
      %add3A_740 = arith.addi %mul3A_716, %add3A_739 : i32
      %get3A_741 = arith.index_cast %add3A_700 : i32 to index
      %get3A_742 = arith.index_cast %add3A_740 : i32 to index
      %get3A_743 = tpu.vector_load %arg5[%get3A_741, %get3A_742] {strides = array<i32>} : memref<64x768xf32, #tpu.memory_space<vmem>>, vector<16xf32>,
      %get3A_744 = arith.index_cast %add3A_700 : i32 to index
      %get3A_745 = arith.index_cast %add3A_740 : i32 to index
      %get3A_746 = tpu.vector_load %arg6[%get3A_744, %get3A_745] {strides = array<i32>} : memref<64x768xf32, #tpu.memory_space<vmem>>, vector<16xf32>,
      %add3A_747 = arith.addf %get3A_743, %get3A_746 : vector<16xf32>
      %swap3A_748 = arith.index_cast %add3A_700 : i32 to index
      %swap3A_749 = arith.index_cast %add3A_740 : i32 to index
      %swap3A_750 = tpu.vector_load %arg5[%swap3A_748, %swap3A_749] {strides = array<i32>} : memref<64x768xf32, #tpu.memory_space<vmem>>, vector<16xf32>,
      tpu.vector_store %arg5[%swap3A_748, %swap3A_749], %add3A_747 {strides = array<i32>} : memref<64x768xf32, #tpu.memory_space<vmem>>, vector<16xf32>,
      %add3A_751 = arith.constant 48 : i32
      %add3A_752 = arith.addi %mul3A_716, %add3A_751 : i32
      %get3A_753 = arith.index_cast %add3A_700 : i32 to index
      %get3A_754 = arith.index_cast %add3A_752 : i32 to index
      %get3A_755 = tpu.vector_load %arg5[%get3A_753, %get3A_754] {strides = array<i32>} : memref<64x768xf32, #tpu.memory_space<vmem>>, vector<16xf32>,
      %get3A_756 = arith.index_cast %add3A_700 : i32 to index
      %get3A_757 = arith.index_cast %add3A_752 : i32 to index
      %get3A_758 = tpu.vector_load %arg6[%get3A_756, %get3A_757] {strides = array<i32>} : memref<64x768xf32, #tpu.memory_space<vmem>>, vector<16xf32>,
      %add3A_759 = arith.addf %get3A_755, %get3A_758 : vector<16xf32>
      %swap3A_760 = arith.index_cast %add3A_700 : i32 to index
      %swap3A_761 = arith.index_cast %add3A_752 : i32 to index
      %swap3A_762 = tpu.vector_load %arg5[%swap3A_760, %swap3A_761] {strides = array<i32>} : memref<64x768xf32, #tpu.memory_space<vmem>>, vector<16xf32>,
      tpu.vector_store %arg5[%swap3A_760, %swap3A_761], %add3A_759 {strides = array<i32>} : memref<64x768xf32, #tpu.memory_space<vmem>>, vector<16xf32>,
      %scan3A_763 = arith.constant 0 : i32
      scf.yield %scan3A_763 : i32
    }
    %scan3A_317 = arith.constant 96 : i32
    %add3A_318 = arith.constant 16 : i32
    %add3A_319 = arith.addi %multiple_of3A, %add3A_318 : i32
    %dma_start3A_320 = arith.constant 2 : i32
    %dma_start3A_321 = arith.constant 2 : i32
    %dma_start3A_322 = arith.constant 16 : i32
    %dma_start3A_323 = arith.constant 0 : i32
    %dma_start3A_324 = tpu.memref_slice %arg5[%dma_start3A_322, %dma_start3A_323] : memref<64x768xf32, #tpu.memory_space<vmem>> -> memref<8x768xf32, #tpu.memory_space<vmem>>
    %dma_start3A_325 = arith.constant 0 : i32
    %dma_start3A_326 = tpu.memref_slice %arg4[%add3A_319, %dma_start3A_325] : memref<2048x768xf32, #tpu.memory_space<hbm>> -> memref<8x768xf32, #tpu.memory_space<hbm>>
    %dma_start3A_327 = tpu.memref_slice %arg9[%dma_start3A_320, %dma_start3A_321] : memref<8x3x!tpu.dma_semaphore, #tpu.memory_space<semaphore_mem>> -> memref<1x1x!tpu.dma_semaphore, #tpu.memory_space<semaphore_mem>>
    %dma_start3A_328 = tpu.memref_squeeze %dma_start3A_327 : memref<1x1x!tpu.dma_semaphore, #tpu.memory_space<semaphore_mem>> -> memref<!tpu.dma_semaphore, #tpu.memory_space<semaphore_mem>>
    %dma_start3A_329 = arith.constant 0 : i32
    %dma_start3A_330 = tpu.memref_slice %arg4[%add3A_319, %dma_start3A_329] : memref<2048x768xf32, #tpu.memory_space<hbm>> -> memref<8x768xf32, #tpu.memory_space<hbm>>
    %dma_start3A_331 = arith.constant 16 : i32
    %dma_start3A_332 = arith.constant 0 : i32
    %dma_start3A_333 = tpu.memref_slice %arg5[%dma_start3A_331, %dma_start3A_332] : memref<64x768xf32, #tpu.memory_space<vmem>> -> memref<8x768xf32, #tpu.memory_space<vmem>>
    tpu.enqueue_dma source(%dma_start3A_333 : memref<8x768xf32, #tpu.memory_space<vmem>>) target(%dma_start3A_330 : memref<8x768xf32, #tpu.memory_space<hbm>>) target_semaphore(%dma_start3A_328 : memref<!tpu.dma_semaphore, #tpu.memory_space<semaphore_mem>>)
    %dma_wait3A_334 = arith.constant 3 : i32
    %dma_wait3A_335 = arith.constant 0 : i32
    %dma_wait3A_336 = arith.constant 24 : i32
    %dma_wait3A_337 = arith.constant 0 : i32
    %dma_wait3A_338 = tpu.memref_slice %arg5[%dma_wait3A_336, %dma_wait3A_337] : memref<64x768xf32, #tpu.memory_space<vmem>> -> memref<8x768xf32, #tpu.memory_space<vmem>>
    %dma_wait3A_339 = arith.constant 24 : i32
    %dma_wait3A_340 = tpu.memref_slice %arg7[%dma_wait3A_339] : memref<64xi32, #tpu.memory_space<vmem>> -> memref<8xi32, #tpu.memory_space<vmem>>
    %dma_wait3A_341 = arith.constant 0 : i32
    %dma_wait3A_342 = arith.constant 0 : i32
    %dma_wait3A_343 = tpu.memref_slice %arg2[%dma_wait3A_341, %dma_wait3A_342] : memref<6144x768xf32, #tpu.memory_space<hbm>> -> memref<6144x768xf32, #tpu.memory_space<hbm>>
    %dma_wait3A_344 = tpu.memref_slice %arg9[%dma_wait3A_334, %dma_wait3A_335] : memref<8x3x!tpu.dma_semaphore, #tpu.memory_space<semaphore_mem>> -> memref<1x1x!tpu.dma_semaphore, #tpu.memory_space<semaphore_mem>>
    %dma_wait3A_345 = tpu.memref_squeeze %dma_wait3A_344 : memref<1x1x!tpu.dma_semaphore, #tpu.memory_space<semaphore_mem>> -> memref<!tpu.dma_semaphore, #tpu.memory_space<semaphore_mem>>
    tpu.wait_indirect_dma semaphore(%dma_wait3A_345 : memref<!tpu.dma_semaphore, #tpu.memory_space<semaphore_mem>>) src(%dma_wait3A_343 : memref<6144x768xf32, #tpu.memory_space<hbm>>) dst(%dma_wait3A_338 : memref<8x768xf32, #tpu.memory_space<vmem>>)
    %dma_wait3A_346 = arith.constant 3 : i32
    %dma_wait3A_347 = arith.constant 1 : i32
    %dma_wait3A_348 = arith.constant 24 : i32
    %dma_wait3A_349 = arith.constant 0 : i32
    %dma_wait3A_350 = tpu.memref_slice %arg6[%dma_wait3A_348, %dma_wait3A_349] : memref<64x768xf32, #tpu.memory_space<vmem>> -> memref<8x768xf32, #tpu.memory_space<vmem>>
    %dma_wait3A_351 = arith.constant 24 : i32
    %dma_wait3A_352 = tpu.memref_slice %arg8[%dma_wait3A_351] : memref<64xi32, #tpu.memory_space<vmem>> -> memref<8xi32, #tpu.memory_space<vmem>>
    %dma_wait3A_353 = arith.constant 0 : i32
    %dma_wait3A_354 = arith.constant 0 : i32
    %dma_wait3A_355 = tpu.memref_slice %arg2[%dma_wait3A_353, %dma_wait3A_354] : memref<6144x768xf32, #tpu.memory_space<hbm>> -> memref<6144x768xf32, #tpu.memory_space<hbm>>
    %dma_wait3A_356 = tpu.memref_slice %arg9[%dma_wait3A_346, %dma_wait3A_347] : memref<8x3x!tpu.dma_semaphore, #tpu.memory_space<semaphore_mem>> -> memref<1x1x!tpu.dma_semaphore, #tpu.memory_space<semaphore_mem>>
    %dma_wait3A_357 = tpu.memref_squeeze %dma_wait3A_356 : memref<1x1x!tpu.dma_semaphore, #tpu.memory_space<semaphore_mem>> -> memref<!tpu.dma_semaphore, #tpu.memory_space<semaphore_mem>>
    tpu.wait_indirect_dma semaphore(%dma_wait3A_357 : memref<!tpu.dma_semaphore, #tpu.memory_space<semaphore_mem>>) src(%dma_wait3A_355 : memref<6144x768xf32, #tpu.memory_space<hbm>>) dst(%dma_wait3A_350 : memref<8x768xf32, #tpu.memory_space<vmem>>)
    %scan3A_358 = arith.constant 0 : i32
    %scan3A_359 = arith.constant 0 : i32
    %scan3A_360 = arith.constant 96 : i32
    %scan3A_361 = arith.addi %scan3A_359, %scan3A_360 : i32
    %scan3A_362 = arith.constant 1 : i32
    %scan3A_363 = scf.for %scan3A_681 = %scan3A_359 to %scan3A_361 step %scan3A_362 iter_args(%scan3A_682 = %scan3A_358) -> (i32)  : i32 {
      %jit3A = arith.constant 12 : i32
      %div3A = arith.divsi %scan3A_681, %jit3A : i32
      %sign3A = arith.constant 0 : i32
      %sign3A_683 = arith.cmpi sgt, %scan3A_681, %sign3A : i32
      %sign3A_684 = arith.extui %sign3A_683 : i1 to i32
      %sign3A_685 = arith.constant 0 : i32
      %sign3A_686 = arith.cmpi slt, %scan3A_681, %sign3A_685 : i32
      %sign3A_687 = arith.extui %sign3A_686 : i1 to i32
      %sign3A_688 = arith.subi %sign3A_684, %sign3A_687 : i32
      %sign3A_689 = arith.constant 0 : i32
      %sign3A_690 = arith.cmpi sgt, %jit3A, %sign3A_689 : i32
      %sign3A_691 = arith.extui %sign3A_690 : i1 to i32
      %sign3A_692 = arith.constant 0 : i32
      %sign3A_693 = arith.cmpi slt, %jit3A, %sign3A_692 : i32
      %sign3A_694 = arith.extui %sign3A_693 : i1 to i32
      %sign3A_695 = arith.subi %sign3A_691, %sign3A_694 : i32
      %ne3A = arith.cmpi ne, %sign3A_688, %sign3A_695 : i32
      %rem3A = arith.remsi %scan3A_681, %jit3A : i32
      %ne3A_696 = arith.constant 0 : i32
      %ne3A_697 = arith.cmpi ne, %rem3A, %ne3A_696 : i32
      %and3A = arith.andi %ne3A, %ne3A_697 : i1
      %sub3A = arith.constant 1 : i32
      %sub3A_698 = arith.subi %div3A, %sub3A : i32
      %select_n3A = arith.select %and3A, %sub3A_698, %div3A : i32
      %add3A_699 = arith.constant 24 : i32
      %add3A_700 = arith.addi %add3A_699, %select_n3A : i32
      %jit3A_701 = arith.constant 12 : i32
      %eq3A = arith.constant 0 : i32
      %eq3A_702 = arith.cmpi eq, %jit3A_701, %eq3A : i32
      %jit3A_703 = arith.constant 1 : i32
      %select_n3A_704 = arith.select %eq3A_702, %jit3A_703, %jit3A_701 : i32
      %rem3A_705 = arith.remsi %scan3A_681, %select_n3A_704 : i32
      %ne3A_706 = arith.constant 0 : i32
      %ne3A_707 = arith.cmpi ne, %rem3A_705, %ne3A_706 : i32
      %lt3A = arith.constant 0 : i32
      %lt3A_708 = arith.cmpi slt, %rem3A_705, %lt3A : i32
      %lt3A_709 = arith.constant 0 : i32
      %lt3A_710 = arith.cmpi slt, %select_n3A_704, %lt3A_709 : i32
      %ne3A_711 = arith.xori %lt3A_708, %lt3A_710 : i1
      %and3A_712 = arith.andi %ne3A_711, %ne3A_707 : i1
      %add3A_713 = arith.addi %rem3A_705, %select_n3A_704 : i32
      %select_n3A_714 = arith.select %and3A_712, %add3A_713, %rem3A_705 : i32
      %mul3A_715 = arith.constant 64 : i32
      %mul3A_716 = arith.muli %select_n3A_714, %mul3A_715 : i32
      %add3A_717 = arith.constant 0 : i32
      %add3A_718 = arith.addi %mul3A_716, %add3A_717 : i32
      %get3A = arith.index_cast %add3A_700 : i32 to index
      %get3A_719 = arith.index_cast %add3A_718 : i32 to index
      %get3A_720 = tpu.vector_load %arg5[%get3A, %get3A_719] {strides = array<i32>} : memref<64x768xf32, #tpu.memory_space<vmem>>, vector<16xf32>,
      %get3A_721 = arith.index_cast %add3A_700 : i32 to index
      %get3A_722 = arith.index_cast %add3A_718 : i32 to index
      %get3A_723 = tpu.vector_load %arg6[%get3A_721, %get3A_722] {strides = array<i32>} : memref<64x768xf32, #tpu.memory_space<vmem>>, vector<16xf32>,
      %add3A_724 = arith.addf %get3A_720, %get3A_723 : vector<16xf32>
      %swap3A = arith.index_cast %add3A_700 : i32 to index
      %swap3A_725 = arith.index_cast %add3A_718 : i32 to index
      %swap3A_726 = tpu.vector_load %arg5[%swap3A, %swap3A_725] {strides = array<i32>} : memref<64x768xf32, #tpu.memory_space<vmem>>, vector<16xf32>,
      tpu.vector_store %arg5[%swap3A, %swap3A_725], %add3A_724 {strides = array<i32>} : memref<64x768xf32, #tpu.memory_space<vmem>>, vector<16xf32>,
      %add3A_727 = arith.constant 16 : i32
      %add3A_728 = arith.addi %mul3A_716, %add3A_727 : i32
      %get3A_729 = arith.index_cast %add3A_700 : i32 to index
      %get3A_730 = arith.index_cast %add3A_728 : i32 to index
      %get3A_731 = tpu.vector_load %arg5[%get3A_729, %get3A_730] {strides = array<i32>} : memref<64x768xf32, #tpu.memory_space<vmem>>, vector<16xf32>,
      %get3A_732 = arith.index_cast %add3A_700 : i32 to index
      %get3A_733 = arith.index_cast %add3A_728 : i32 to index
      %get3A_734 = tpu.vector_load %arg6[%get3A_732, %get3A_733] {strides = array<i32>} : memref<64x768xf32, #tpu.memory_space<vmem>>, vector<16xf32>,
      %add3A_735 = arith.addf %get3A_731, %get3A_734 : vector<16xf32>
      %swap3A_736 = arith.index_cast %add3A_700 : i32 to index
      %swap3A_737 = arith.index_cast %add3A_728 : i32 to index
      %swap3A_738 = tpu.vector_load %arg5[%swap3A_736, %swap3A_737] {strides = array<i32>} : memref<64x768xf32, #tpu.memory_space<vmem>>, vector<16xf32>,
      tpu.vector_store %arg5[%swap3A_736, %swap3A_737], %add3A_735 {strides = array<i32>} : memref<64x768xf32, #tpu.memory_space<vmem>>, vector<16xf32>,
      %add3A_739 = arith.constant 32 : i32
      %add3A_740 = arith.addi %mul3A_716, %add3A_739 : i32
      %get3A_741 = arith.index_cast %add3A_700 : i32 to index
      %get3A_742 = arith.index_cast %add3A_740 : i32 to index
      %get3A_743 = tpu.vector_load %arg5[%get3A_741, %get3A_742] {strides = array<i32>} : memref<64x768xf32, #tpu.memory_space<vmem>>, vector<16xf32>,
      %get3A_744 = arith.index_cast %add3A_700 : i32 to index
      %get3A_745 = arith.index_cast %add3A_740 : i32 to index
      %get3A_746 = tpu.vector_load %arg6[%get3A_744, %get3A_745] {strides = array<i32>} : memref<64x768xf32, #tpu.memory_space<vmem>>, vector<16xf32>,
      %add3A_747 = arith.addf %get3A_743, %get3A_746 : vector<16xf32>
      %swap3A_748 = arith.index_cast %add3A_700 : i32 to index
      %swap3A_749 = arith.index_cast %add3A_740 : i32 to index
      %swap3A_750 = tpu.vector_load %arg5[%swap3A_748, %swap3A_749] {strides = array<i32>} : memref<64x768xf32, #tpu.memory_space<vmem>>, vector<16xf32>,
      tpu.vector_store %arg5[%swap3A_748, %swap3A_749], %add3A_747 {strides = array<i32>} : memref<64x768xf32, #tpu.memory_space<vmem>>, vector<16xf32>,
      %add3A_751 = arith.constant 48 : i32
      %add3A_752 = arith.addi %mul3A_716, %add3A_751 : i32
      %get3A_753 = arith.index_cast %add3A_700 : i32 to index
      %get3A_754 = arith.index_cast %add3A_752 : i32 to index
      %get3A_755 = tpu.vector_load %arg5[%get3A_753, %get3A_754] {strides = array<i32>} : memref<64x768xf32, #tpu.memory_space<vmem>>, vector<16xf32>,
      %get3A_756 = arith.index_cast %add3A_700 : i32 to index
      %get3A_757 = arith.index_cast %add3A_752 : i32 to index
      %get3A_758 = tpu.vector_load %arg6[%get3A_756, %get3A_757] {strides = array<i32>} : memref<64x768xf32, #tpu.memory_space<vmem>>, vector<16xf32>,
      %add3A_759 = arith.addf %get3A_755, %get3A_758 : vector<16xf32>
      %swap3A_760 = arith.index_cast %add3A_700 : i32 to index
      %swap3A_761 = arith.index_cast %add3A_752 : i32 to index
      %swap3A_762 = tpu.vector_load %arg5[%swap3A_760, %swap3A_761] {strides = array<i32>} : memref<64x768xf32, #tpu.memory_space<vmem>>, vector<16xf32>,
      tpu.vector_store %arg5[%swap3A_760, %swap3A_761], %add3A_759 {strides = array<i32>} : memref<64x768xf32, #tpu.memory_space<vmem>>, vector<16xf32>,
      %scan3A_763 = arith.constant 0 : i32
      scf.yield %scan3A_763 : i32
    }
    %scan3A_364 = arith.constant 96 : i32
    %add3A_365 = arith.constant 24 : i32
    %add3A_366 = arith.addi %multiple_of3A, %add3A_365 : i32
    %dma_start3A_367 = arith.constant 3 : i32
    %dma_start3A_368 = arith.constant 2 : i32
    %dma_start3A_369 = arith.constant 24 : i32
    %dma_start3A_370 = arith.constant 0 : i32
    %dma_start3A_371 = tpu.memref_slice %arg5[%dma_start3A_369, %dma_start3A_370] : memref<64x768xf32, #tpu.memory_space<vmem>> -> memref<8x768xf32, #tpu.memory_space<vmem>>
    %dma_start3A_372 = arith.constant 0 : i32
    %dma_start3A_373 = tpu.memref_slice %arg4[%add3A_366, %dma_start3A_372] : memref<2048x768xf32, #tpu.memory_space<hbm>> -> memref<8x768xf32, #tpu.memory_space<hbm>>
    %dma_start3A_374 = tpu.memref_slice %arg9[%dma_start3A_367, %dma_start3A_368] : memref<8x3x!tpu.dma_semaphore, #tpu.memory_space<semaphore_mem>> -> memref<1x1x!tpu.dma_semaphore, #tpu.memory_space<semaphore_mem>>
    %dma_start3A_375 = tpu.memref_squeeze %dma_start3A_374 : memref<1x1x!tpu.dma_semaphore, #tpu.memory_space<semaphore_mem>> -> memref<!tpu.dma_semaphore, #tpu.memory_space<semaphore_mem>>
    %dma_start3A_376 = arith.constant 0 : i32
    %dma_start3A_377 = tpu.memref_slice %arg4[%add3A_366, %dma_start3A_376] : memref<2048x768xf32, #tpu.memory_space<hbm>> -> memref<8x768xf32, #tpu.memory_space<hbm>>
    %dma_start3A_378 = arith.constant 24 : i32
    %dma_start3A_379 = arith.constant 0 : i32
    %dma_start3A_380 = tpu.memref_slice %arg5[%dma_start3A_378, %dma_start3A_379] : memref<64x768xf32, #tpu.memory_space<vmem>> -> memref<8x768xf32, #tpu.memory_space<vmem>>
    tpu.enqueue_dma source(%dma_start3A_380 : memref<8x768xf32, #tpu.memory_space<vmem>>) target(%dma_start3A_377 : memref<8x768xf32, #tpu.memory_space<hbm>>) target_semaphore(%dma_start3A_375 : memref<!tpu.dma_semaphore, #tpu.memory_space<semaphore_mem>>)
    %dma_wait3A_381 = arith.constant 4 : i32
    %dma_wait3A_382 = arith.constant 0 : i32
    %dma_wait3A_383 = arith.constant 32 : i32
    %dma_wait3A_384 = arith.constant 0 : i32
    %dma_wait3A_385 = tpu.memref_slice %arg5[%dma_wait3A_383, %dma_wait3A_384] : memref<64x768xf32, #tpu.memory_space<vmem>> -> memref<8x768xf32, #tpu.memory_space<vmem>>
    %dma_wait3A_386 = arith.constant 32 : i32
    %dma_wait3A_387 = tpu.memref_slice %arg7[%dma_wait3A_386] : memref<64xi32, #tpu.memory_space<vmem>> -> memref<8xi32, #tpu.memory_space<vmem>>
    %dma_wait3A_388 = arith.constant 0 : i32
    %dma_wait3A_389 = arith.constant 0 : i32
    %dma_wait3A_390 = tpu.memref_slice %arg2[%dma_wait3A_388, %dma_wait3A_389] : memref<6144x768xf32, #tpu.memory_space<hbm>> -> memref<6144x768xf32, #tpu.memory_space<hbm>>
    %dma_wait3A_391 = tpu.memref_slice %arg9[%dma_wait3A_381, %dma_wait3A_382] : memref<8x3x!tpu.dma_semaphore, #tpu.memory_space<semaphore_mem>> -> memref<1x1x!tpu.dma_semaphore, #tpu.memory_space<semaphore_mem>>
    %dma_wait3A_392 = tpu.memref_squeeze %dma_wait3A_391 : memref<1x1x!tpu.dma_semaphore, #tpu.memory_space<semaphore_mem>> -> memref<!tpu.dma_semaphore, #tpu.memory_space<semaphore_mem>>
    tpu.wait_indirect_dma semaphore(%dma_wait3A_392 : memref<!tpu.dma_semaphore, #tpu.memory_space<semaphore_mem>>) src(%dma_wait3A_390 : memref<6144x768xf32, #tpu.memory_space<hbm>>) dst(%dma_wait3A_385 : memref<8x768xf32, #tpu.memory_space<vmem>>)
    %dma_wait3A_393 = arith.constant 4 : i32
    %dma_wait3A_394 = arith.constant 1 : i32
    %dma_wait3A_395 = arith.constant 32 : i32
    %dma_wait3A_396 = arith.constant 0 : i32
    %dma_wait3A_397 = tpu.memref_slice %arg6[%dma_wait3A_395, %dma_wait3A_396] : memref<64x768xf32, #tpu.memory_space<vmem>> -> memref<8x768xf32, #tpu.memory_space<vmem>>
    %dma_wait3A_398 = arith.constant 32 : i32
    %dma_wait3A_399 = tpu.memref_slice %arg8[%dma_wait3A_398] : memref<64xi32, #tpu.memory_space<vmem>> -> memref<8xi32, #tpu.memory_space<vmem>>
    %dma_wait3A_400 = arith.constant 0 : i32
    %dma_wait3A_401 = arith.constant 0 : i32
    %dma_wait3A_402 = tpu.memref_slice %arg2[%dma_wait3A_400, %dma_wait3A_401] : memref<6144x768xf32, #tpu.memory_space<hbm>> -> memref<6144x768xf32, #tpu.memory_space<hbm>>
    %dma_wait3A_403 = tpu.memref_slice %arg9[%dma_wait3A_393, %dma_wait3A_394] : memref<8x3x!tpu.dma_semaphore, #tpu.memory_space<semaphore_mem>> -> memref<1x1x!tpu.dma_semaphore, #tpu.memory_space<semaphore_mem>>
    %dma_wait3A_404 = tpu.memref_squeeze %dma_wait3A_403 : memref<1x1x!tpu.dma_semaphore, #tpu.memory_space<semaphore_mem>> -> memref<!tpu.dma_semaphore, #tpu.memory_space<semaphore_mem>>
    tpu.wait_indirect_dma semaphore(%dma_wait3A_404 : memref<!tpu.dma_semaphore, #tpu.memory_space<semaphore_mem>>) src(%dma_wait3A_402 : memref<6144x768xf32, #tpu.memory_space<hbm>>) dst(%dma_wait3A_397 : memref<8x768xf32, #tpu.memory_space<vmem>>)
    %scan3A_405 = arith.constant 0 : i32
    %scan3A_406 = arith.constant 0 : i32
    %scan3A_407 = arith.constant 96 : i32
    %scan3A_408 = arith.addi %scan3A_406, %scan3A_407 : i32
    %scan3A_409 = arith.constant 1 : i32
    %scan3A_410 = scf.for %scan3A_681 = %scan3A_406 to %scan3A_408 step %scan3A_409 iter_args(%scan3A_682 = %scan3A_405) -> (i32)  : i32 {
      %jit3A = arith.constant 12 : i32
      %div3A = arith.divsi %scan3A_681, %jit3A : i32
      %sign3A = arith.constant 0 : i32
      %sign3A_683 = arith.cmpi sgt, %scan3A_681, %sign3A : i32
      %sign3A_684 = arith.extui %sign3A_683 : i1 to i32
      %sign3A_685 = arith.constant 0 : i32
      %sign3A_686 = arith.cmpi slt, %scan3A_681, %sign3A_685 : i32
      %sign3A_687 = arith.extui %sign3A_686 : i1 to i32
      %sign3A_688 = arith.subi %sign3A_684, %sign3A_687 : i32
      %sign3A_689 = arith.constant 0 : i32
      %sign3A_690 = arith.cmpi sgt, %jit3A, %sign3A_689 : i32
      %sign3A_691 = arith.extui %sign3A_690 : i1 to i32
      %sign3A_692 = arith.constant 0 : i32
      %sign3A_693 = arith.cmpi slt, %jit3A, %sign3A_692 : i32
      %sign3A_694 = arith.extui %sign3A_693 : i1 to i32
      %sign3A_695 = arith.subi %sign3A_691, %sign3A_694 : i32
      %ne3A = arith.cmpi ne, %sign3A_688, %sign3A_695 : i32
      %rem3A = arith.remsi %scan3A_681, %jit3A : i32
      %ne3A_696 = arith.constant 0 : i32
      %ne3A_697 = arith.cmpi ne, %rem3A, %ne3A_696 : i32
      %and3A = arith.andi %ne3A, %ne3A_697 : i1
      %sub3A = arith.constant 1 : i32
      %sub3A_698 = arith.subi %div3A, %sub3A : i32
      %select_n3A = arith.select %and3A, %sub3A_698, %div3A : i32
      %add3A_699 = arith.constant 32 : i32
      %add3A_700 = arith.addi %add3A_699, %select_n3A : i32
      %jit3A_701 = arith.constant 12 : i32
      %eq3A = arith.constant 0 : i32
      %eq3A_702 = arith.cmpi eq, %jit3A_701, %eq3A : i32
      %jit3A_703 = arith.constant 1 : i32
      %select_n3A_704 = arith.select %eq3A_702, %jit3A_703, %jit3A_701 : i32
      %rem3A_705 = arith.remsi %scan3A_681, %select_n3A_704 : i32
      %ne3A_706 = arith.constant 0 : i32
      %ne3A_707 = arith.cmpi ne, %rem3A_705, %ne3A_706 : i32
      %lt3A = arith.constant 0 : i32
      %lt3A_708 = arith.cmpi slt, %rem3A_705, %lt3A : i32
      %lt3A_709 = arith.constant 0 : i32
      %lt3A_710 = arith.cmpi slt, %select_n3A_704, %lt3A_709 : i32
      %ne3A_711 = arith.xori %lt3A_708, %lt3A_710 : i1
      %and3A_712 = arith.andi %ne3A_711, %ne3A_707 : i1
      %add3A_713 = arith.addi %rem3A_705, %select_n3A_704 : i32
      %select_n3A_714 = arith.select %and3A_712, %add3A_713, %rem3A_705 : i32
      %mul3A_715 = arith.constant 64 : i32
      %mul3A_716 = arith.muli %select_n3A_714, %mul3A_715 : i32
      %add3A_717 = arith.constant 0 : i32
      %add3A_718 = arith.addi %mul3A_716, %add3A_717 : i32
      %get3A = arith.index_cast %add3A_700 : i32 to index
      %get3A_719 = arith.index_cast %add3A_718 : i32 to index
      %get3A_720 = tpu.vector_load %arg5[%get3A, %get3A_719] {strides = array<i32>} : memref<64x768xf32, #tpu.memory_space<vmem>>, vector<16xf32>,
      %get3A_721 = arith.index_cast %add3A_700 : i32 to index
      %get3A_722 = arith.index_cast %add3A_718 : i32 to index
      %get3A_723 = tpu.vector_load %arg6[%get3A_721, %get3A_722] {strides = array<i32>} : memref<64x768xf32, #tpu.memory_space<vmem>>, vector<16xf32>,
      %add3A_724 = arith.addf %get3A_720, %get3A_723 : vector<16xf32>
      %swap3A = arith.index_cast %add3A_700 : i32 to index
      %swap3A_725 = arith.index_cast %add3A_718 : i32 to index
      %swap3A_726 = tpu.vector_load %arg5[%swap3A, %swap3A_725] {strides = array<i32>} : memref<64x768xf32, #tpu.memory_space<vmem>>, vector<16xf32>,
      tpu.vector_store %arg5[%swap3A, %swap3A_725], %add3A_724 {strides = array<i32>} : memref<64x768xf32, #tpu.memory_space<vmem>>, vector<16xf32>,
      %add3A_727 = arith.constant 16 : i32
      %add3A_728 = arith.addi %mul3A_716, %add3A_727 : i32
      %get3A_729 = arith.index_cast %add3A_700 : i32 to index
      %get3A_730 = arith.index_cast %add3A_728 : i32 to index
      %get3A_731 = tpu.vector_load %arg5[%get3A_729, %get3A_730] {strides = array<i32>} : memref<64x768xf32, #tpu.memory_space<vmem>>, vector<16xf32>,
      %get3A_732 = arith.index_cast %add3A_700 : i32 to index
      %get3A_733 = arith.index_cast %add3A_728 : i32 to index
      %get3A_734 = tpu.vector_load %arg6[%get3A_732, %get3A_733] {strides = array<i32>} : memref<64x768xf32, #tpu.memory_space<vmem>>, vector<16xf32>,
      %add3A_735 = arith.addf %get3A_731, %get3A_734 : vector<16xf32>
      %swap3A_736 = arith.index_cast %add3A_700 : i32 to index
      %swap3A_737 = arith.index_cast %add3A_728 : i32 to index
      %swap3A_738 = tpu.vector_load %arg5[%swap3A_736, %swap3A_737] {strides = array<i32>} : memref<64x768xf32, #tpu.memory_space<vmem>>, vector<16xf32>,
      tpu.vector_store %arg5[%swap3A_736, %swap3A_737], %add3A_735 {strides = array<i32>} : memref<64x768xf32, #tpu.memory_space<vmem>>, vector<16xf32>,
      %add3A_739 = arith.constant 32 : i32
      %add3A_740 = arith.addi %mul3A_716, %add3A_739 : i32
      %get3A_741 = arith.index_cast %add3A_700 : i32 to index
      %get3A_742 = arith.index_cast %add3A_740 : i32 to index
      %get3A_743 = tpu.vector_load %arg5[%get3A_741, %get3A_742] {strides = array<i32>} : memref<64x768xf32, #tpu.memory_space<vmem>>, vector<16xf32>,
      %get3A_744 = arith.index_cast %add3A_700 : i32 to index
      %get3A_745 = arith.index_cast %add3A_740 : i32 to index
      %get3A_746 = tpu.vector_load %arg6[%get3A_744, %get3A_745] {strides = array<i32>} : memref<64x768xf32, #tpu.memory_space<vmem>>, vector<16xf32>,
      %add3A_747 = arith.addf %get3A_743, %get3A_746 : vector<16xf32>
      %swap3A_748 = arith.index_cast %add3A_700 : i32 to index
      %swap3A_749 = arith.index_cast %add3A_740 : i32 to index
      %swap3A_750 = tpu.vector_load %arg5[%swap3A_748, %swap3A_749] {strides = array<i32>} : memref<64x768xf32, #tpu.memory_space<vmem>>, vector<16xf32>,
      tpu.vector_store %arg5[%swap3A_748, %swap3A_749], %add3A_747 {strides = array<i32>} : memref<64x768xf32, #tpu.memory_space<vmem>>, vector<16xf32>,
      %add3A_751 = arith.constant 48 : i32
      %add3A_752 = arith.addi %mul3A_716, %add3A_751 : i32
      %get3A_753 = arith.index_cast %add3A_700 : i32 to index
      %get3A_754 = arith.index_cast %add3A_752 : i32 to index
      %get3A_755 = tpu.vector_load %arg5[%get3A_753, %get3A_754] {strides = array<i32>} : memref<64x768xf32, #tpu.memory_space<vmem>>, vector<16xf32>,
      %get3A_756 = arith.index_cast %add3A_700 : i32 to index
      %get3A_757 = arith.index_cast %add3A_752 : i32 to index
      %get3A_758 = tpu.vector_load %arg6[%get3A_756, %get3A_757] {strides = array<i32>} : memref<64x768xf32, #tpu.memory_space<vmem>>, vector<16xf32>,
      %add3A_759 = arith.addf %get3A_755, %get3A_758 : vector<16xf32>
      %swap3A_760 = arith.index_cast %add3A_700 : i32 to index
      %swap3A_761 = arith.index_cast %add3A_752 : i32 to index
      %swap3A_762 = tpu.vector_load %arg5[%swap3A_760, %swap3A_761] {strides = array<i32>} : memref<64x768xf32, #tpu.memory_space<vmem>>, vector<16xf32>,
      tpu.vector_store %arg5[%swap3A_760, %swap3A_761], %add3A_759 {strides = array<i32>} : memref<64x768xf32, #tpu.memory_space<vmem>>, vector<16xf32>,
      %scan3A_763 = arith.constant 0 : i32
      scf.yield %scan3A_763 : i32
    }
    %scan3A_411 = arith.constant 96 : i32
    %add3A_412 = arith.constant 32 : i32
    %add3A_413 = arith.addi %multiple_of3A, %add3A_412 : i32
    %dma_start3A_414 = arith.constant 4 : i32
    %dma_start3A_415 = arith.constant 2 : i32
    %dma_start3A_416 = arith.constant 32 : i32
    %dma_start3A_417 = arith.constant 0 : i32
    %dma_start3A_418 = tpu.memref_slice %arg5[%dma_start3A_416, %dma_start3A_417] : memref<64x768xf32, #tpu.memory_space<vmem>> -> memref<8x768xf32, #tpu.memory_space<vmem>>
    %dma_start3A_419 = arith.constant 0 : i32
    %dma_start3A_420 = tpu.memref_slice %arg4[%add3A_413, %dma_start3A_419] : memref<2048x768xf32, #tpu.memory_space<hbm>> -> memref<8x768xf32, #tpu.memory_space<hbm>>
    %dma_start3A_421 = tpu.memref_slice %arg9[%dma_start3A_414, %dma_start3A_415] : memref<8x3x!tpu.dma_semaphore, #tpu.memory_space<semaphore_mem>> -> memref<1x1x!tpu.dma_semaphore, #tpu.memory_space<semaphore_mem>>
    %dma_start3A_422 = tpu.memref_squeeze %dma_start3A_421 : memref<1x1x!tpu.dma_semaphore, #tpu.memory_space<semaphore_mem>> -> memref<!tpu.dma_semaphore, #tpu.memory_space<semaphore_mem>>
    %dma_start3A_423 = arith.constant 0 : i32
    %dma_start3A_424 = tpu.memref_slice %arg4[%add3A_413, %dma_start3A_423] : memref<2048x768xf32, #tpu.memory_space<hbm>> -> memref<8x768xf32, #tpu.memory_space<hbm>>
    %dma_start3A_425 = arith.constant 32 : i32
    %dma_start3A_426 = arith.constant 0 : i32
    %dma_start3A_427 = tpu.memref_slice %arg5[%dma_start3A_425, %dma_start3A_426] : memref<64x768xf32, #tpu.memory_space<vmem>> -> memref<8x768xf32, #tpu.memory_space<vmem>>
    tpu.enqueue_dma source(%dma_start3A_427 : memref<8x768xf32, #tpu.memory_space<vmem>>) target(%dma_start3A_424 : memref<8x768xf32, #tpu.memory_space<hbm>>) target_semaphore(%dma_start3A_422 : memref<!tpu.dma_semaphore, #tpu.memory_space<semaphore_mem>>)
    %dma_wait3A_428 = arith.constant 5 : i32
    %dma_wait3A_429 = arith.constant 0 : i32
    %dma_wait3A_430 = arith.constant 40 : i32
    %dma_wait3A_431 = arith.constant 0 : i32
    %dma_wait3A_432 = tpu.memref_slice %arg5[%dma_wait3A_430, %dma_wait3A_431] : memref<64x768xf32, #tpu.memory_space<vmem>> -> memref<8x768xf32, #tpu.memory_space<vmem>>
    %dma_wait3A_433 = arith.constant 40 : i32
    %dma_wait3A_434 = tpu.memref_slice %arg7[%dma_wait3A_433] : memref<64xi32, #tpu.memory_space<vmem>> -> memref<8xi32, #tpu.memory_space<vmem>>
    %dma_wait3A_435 = arith.constant 0 : i32
    %dma_wait3A_436 = arith.constant 0 : i32
    %dma_wait3A_437 = tpu.memref_slice %arg2[%dma_wait3A_435, %dma_wait3A_436] : memref<6144x768xf32, #tpu.memory_space<hbm>> -> memref<6144x768xf32, #tpu.memory_space<hbm>>
    %dma_wait3A_438 = tpu.memref_slice %arg9[%dma_wait3A_428, %dma_wait3A_429] : memref<8x3x!tpu.dma_semaphore, #tpu.memory_space<semaphore_mem>> -> memref<1x1x!tpu.dma_semaphore, #tpu.memory_space<semaphore_mem>>
    %dma_wait3A_439 = tpu.memref_squeeze %dma_wait3A_438 : memref<1x1x!tpu.dma_semaphore, #tpu.memory_space<semaphore_mem>> -> memref<!tpu.dma_semaphore, #tpu.memory_space<semaphore_mem>>
    tpu.wait_indirect_dma semaphore(%dma_wait3A_439 : memref<!tpu.dma_semaphore, #tpu.memory_space<semaphore_mem>>) src(%dma_wait3A_437 : memref<6144x768xf32, #tpu.memory_space<hbm>>) dst(%dma_wait3A_432 : memref<8x768xf32, #tpu.memory_space<vmem>>)
    %dma_wait3A_440 = arith.constant 5 : i32
    %dma_wait3A_441 = arith.constant 1 : i32
    %dma_wait3A_442 = arith.constant 40 : i32
    %dma_wait3A_443 = arith.constant 0 : i32
    %dma_wait3A_444 = tpu.memref_slice %arg6[%dma_wait3A_442, %dma_wait3A_443] : memref<64x768xf32, #tpu.memory_space<vmem>> -> memref<8x768xf32, #tpu.memory_space<vmem>>
    %dma_wait3A_445 = arith.constant 40 : i32
    %dma_wait3A_446 = tpu.memref_slice %arg8[%dma_wait3A_445] : memref<64xi32, #tpu.memory_space<vmem>> -> memref<8xi32, #tpu.memory_space<vmem>>
    %dma_wait3A_447 = arith.constant 0 : i32
    %dma_wait3A_448 = arith.constant 0 : i32
    %dma_wait3A_449 = tpu.memref_slice %arg2[%dma_wait3A_447, %dma_wait3A_448] : memref<6144x768xf32, #tpu.memory_space<hbm>> -> memref<6144x768xf32, #tpu.memory_space<hbm>>
    %dma_wait3A_450 = tpu.memref_slice %arg9[%dma_wait3A_440, %dma_wait3A_441] : memref<8x3x!tpu.dma_semaphore, #tpu.memory_space<semaphore_mem>> -> memref<1x1x!tpu.dma_semaphore, #tpu.memory_space<semaphore_mem>>
    %dma_wait3A_451 = tpu.memref_squeeze %dma_wait3A_450 : memref<1x1x!tpu.dma_semaphore, #tpu.memory_space<semaphore_mem>> -> memref<!tpu.dma_semaphore, #tpu.memory_space<semaphore_mem>>
    tpu.wait_indirect_dma semaphore(%dma_wait3A_451 : memref<!tpu.dma_semaphore, #tpu.memory_space<semaphore_mem>>) src(%dma_wait3A_449 : memref<6144x768xf32, #tpu.memory_space<hbm>>) dst(%dma_wait3A_444 : memref<8x768xf32, #tpu.memory_space<vmem>>)
    %scan3A_452 = arith.constant 0 : i32
    %scan3A_453 = arith.constant 0 : i32
    %scan3A_454 = arith.constant 96 : i32
    %scan3A_455 = arith.addi %scan3A_453, %scan3A_454 : i32
    %scan3A_456 = arith.constant 1 : i32
    %scan3A_457 = scf.for %scan3A_681 = %scan3A_453 to %scan3A_455 step %scan3A_456 iter_args(%scan3A_682 = %scan3A_452) -> (i32)  : i32 {
      %jit3A = arith.constant 12 : i32
      %div3A = arith.divsi %scan3A_681, %jit3A : i32
      %sign3A = arith.constant 0 : i32
      %sign3A_683 = arith.cmpi sgt, %scan3A_681, %sign3A : i32
      %sign3A_684 = arith.extui %sign3A_683 : i1 to i32
      %sign3A_685 = arith.constant 0 : i32
      %sign3A_686 = arith.cmpi slt, %scan3A_681, %sign3A_685 : i32
      %sign3A_687 = arith.extui %sign3A_686 : i1 to i32
      %sign3A_688 = arith.subi %sign3A_684, %sign3A_687 : i32
      %sign3A_689 = arith.constant 0 : i32
      %sign3A_690 = arith.cmpi sgt, %jit3A, %sign3A_689 : i32
      %sign3A_691 = arith.extui %sign3A_690 : i1 to i32
      %sign3A_692 = arith.constant 0 : i32
      %sign3A_693 = arith.cmpi slt, %jit3A, %sign3A_692 : i32
      %sign3A_694 = arith.extui %sign3A_693 : i1 to i32
      %sign3A_695 = arith.subi %sign3A_691, %sign3A_694 : i32
      %ne3A = arith.cmpi ne, %sign3A_688, %sign3A_695 : i32
      %rem3A = arith.remsi %scan3A_681, %jit3A : i32
      %ne3A_696 = arith.constant 0 : i32
      %ne3A_697 = arith.cmpi ne, %rem3A, %ne3A_696 : i32
      %and3A = arith.andi %ne3A, %ne3A_697 : i1
      %sub3A = arith.constant 1 : i32
      %sub3A_698 = arith.subi %div3A, %sub3A : i32
      %select_n3A = arith.select %and3A, %sub3A_698, %div3A : i32
      %add3A_699 = arith.constant 40 : i32
      %add3A_700 = arith.addi %add3A_699, %select_n3A : i32
      %jit3A_701 = arith.constant 12 : i32
      %eq3A = arith.constant 0 : i32
      %eq3A_702 = arith.cmpi eq, %jit3A_701, %eq3A : i32
      %jit3A_703 = arith.constant 1 : i32
      %select_n3A_704 = arith.select %eq3A_702, %jit3A_703, %jit3A_701 : i32
      %rem3A_705 = arith.remsi %scan3A_681, %select_n3A_704 : i32
      %ne3A_706 = arith.constant 0 : i32
      %ne3A_707 = arith.cmpi ne, %rem3A_705, %ne3A_706 : i32
      %lt3A = arith.constant 0 : i32
      %lt3A_708 = arith.cmpi slt, %rem3A_705, %lt3A : i32
      %lt3A_709 = arith.constant 0 : i32
      %lt3A_710 = arith.cmpi slt, %select_n3A_704, %lt3A_709 : i32
      %ne3A_711 = arith.xori %lt3A_708, %lt3A_710 : i1
      %and3A_712 = arith.andi %ne3A_711, %ne3A_707 : i1
      %add3A_713 = arith.addi %rem3A_705, %select_n3A_704 : i32
      %select_n3A_714 = arith.select %and3A_712, %add3A_713, %rem3A_705 : i32
      %mul3A_715 = arith.constant 64 : i32
      %mul3A_716 = arith.muli %select_n3A_714, %mul3A_715 : i32
      %add3A_717 = arith.constant 0 : i32
      %add3A_718 = arith.addi %mul3A_716, %add3A_717 : i32
      %get3A = arith.index_cast %add3A_700 : i32 to index
      %get3A_719 = arith.index_cast %add3A_718 : i32 to index
      %get3A_720 = tpu.vector_load %arg5[%get3A, %get3A_719] {strides = array<i32>} : memref<64x768xf32, #tpu.memory_space<vmem>>, vector<16xf32>,
      %get3A_721 = arith.index_cast %add3A_700 : i32 to index
      %get3A_722 = arith.index_cast %add3A_718 : i32 to index
      %get3A_723 = tpu.vector_load %arg6[%get3A_721, %get3A_722] {strides = array<i32>} : memref<64x768xf32, #tpu.memory_space<vmem>>, vector<16xf32>,
      %add3A_724 = arith.addf %get3A_720, %get3A_723 : vector<16xf32>
      %swap3A = arith.index_cast %add3A_700 : i32 to index
      %swap3A_725 = arith.index_cast %add3A_718 : i32 to index
      %swap3A_726 = tpu.vector_load %arg5[%swap3A, %swap3A_725] {strides = array<i32>} : memref<64x768xf32, #tpu.memory_space<vmem>>, vector<16xf32>,
      tpu.vector_store %arg5[%swap3A, %swap3A_725], %add3A_724 {strides = array<i32>} : memref<64x768xf32, #tpu.memory_space<vmem>>, vector<16xf32>,
      %add3A_727 = arith.constant 16 : i32
      %add3A_728 = arith.addi %mul3A_716, %add3A_727 : i32
      %get3A_729 = arith.index_cast %add3A_700 : i32 to index
      %get3A_730 = arith.index_cast %add3A_728 : i32 to index
      %get3A_731 = tpu.vector_load %arg5[%get3A_729, %get3A_730] {strides = array<i32>} : memref<64x768xf32, #tpu.memory_space<vmem>>, vector<16xf32>,
      %get3A_732 = arith.index_cast %add3A_700 : i32 to index
      %get3A_733 = arith.index_cast %add3A_728 : i32 to index
      %get3A_734 = tpu.vector_load %arg6[%get3A_732, %get3A_733] {strides = array<i32>} : memref<64x768xf32, #tpu.memory_space<vmem>>, vector<16xf32>,
      %add3A_735 = arith.addf %get3A_731, %get3A_734 : vector<16xf32>
      %swap3A_736 = arith.index_cast %add3A_700 : i32 to index
      %swap3A_737 = arith.index_cast %add3A_728 : i32 to index
      %swap3A_738 = tpu.vector_load %arg5[%swap3A_736, %swap3A_737] {strides = array<i32>} : memref<64x768xf32, #tpu.memory_space<vmem>>, vector<16xf32>,
      tpu.vector_store %arg5[%swap3A_736, %swap3A_737], %add3A_735 {strides = array<i32>} : memref<64x768xf32, #tpu.memory_space<vmem>>, vector<16xf32>,
      %add3A_739 = arith.constant 32 : i32
      %add3A_740 = arith.addi %mul3A_716, %add3A_739 : i32
      %get3A_741 = arith.index_cast %add3A_700 : i32 to index
      %get3A_742 = arith.index_cast %add3A_740 : i32 to index
      %get3A_743 = tpu.vector_load %arg5[%get3A_741, %get3A_742] {strides = array<i32>} : memref<64x768xf32, #tpu.memory_space<vmem>>, vector<16xf32>,
      %get3A_744 = arith.index_cast %add3A_700 : i32 to index
      %get3A_745 = arith.index_cast %add3A_740 : i32 to index
      %get3A_746 = tpu.vector_load %arg6[%get3A_744, %get3A_745] {strides = array<i32>} : memref<64x768xf32, #tpu.memory_space<vmem>>, vector<16xf32>,
      %add3A_747 = arith.addf %get3A_743, %get3A_746 : vector<16xf32>
      %swap3A_748 = arith.index_cast %add3A_700 : i32 to index
      %swap3A_749 = arith.index_cast %add3A_740 : i32 to index
      %swap3A_750 = tpu.vector_load %arg5[%swap3A_748, %swap3A_749] {strides = array<i32>} : memref<64x768xf32, #tpu.memory_space<vmem>>, vector<16xf32>,
      tpu.vector_store %arg5[%swap3A_748, %swap3A_749], %add3A_747 {strides = array<i32>} : memref<64x768xf32, #tpu.memory_space<vmem>>, vector<16xf32>,
      %add3A_751 = arith.constant 48 : i32
      %add3A_752 = arith.addi %mul3A_716, %add3A_751 : i32
      %get3A_753 = arith.index_cast %add3A_700 : i32 to index
      %get3A_754 = arith.index_cast %add3A_752 : i32 to index
      %get3A_755 = tpu.vector_load %arg5[%get3A_753, %get3A_754] {strides = array<i32>} : memref<64x768xf32, #tpu.memory_space<vmem>>, vector<16xf32>,
      %get3A_756 = arith.index_cast %add3A_700 : i32 to index
      %get3A_757 = arith.index_cast %add3A_752 : i32 to index
      %get3A_758 = tpu.vector_load %arg6[%get3A_756, %get3A_757] {strides = array<i32>} : memref<64x768xf32, #tpu.memory_space<vmem>>, vector<16xf32>,
      %add3A_759 = arith.addf %get3A_755, %get3A_758 : vector<16xf32>
      %swap3A_760 = arith.index_cast %add3A_700 : i32 to index
      %swap3A_761 = arith.index_cast %add3A_752 : i32 to index
      %swap3A_762 = tpu.vector_load %arg5[%swap3A_760, %swap3A_761] {strides = array<i32>} : memref<64x768xf32, #tpu.memory_space<vmem>>, vector<16xf32>,
      tpu.vector_store %arg5[%swap3A_760, %swap3A_761], %add3A_759 {strides = array<i32>} : memref<64x768xf32, #tpu.memory_space<vmem>>, vector<16xf32>,
      %scan3A_763 = arith.constant 0 : i32
      scf.yield %scan3A_763 : i32
    }
    %scan3A_458 = arith.constant 96 : i32
    %add3A_459 = arith.constant 40 : i32
    %add3A_460 = arith.addi %multiple_of3A, %add3A_459 : i32
    %dma_start3A_461 = arith.constant 5 : i32
    %dma_start3A_462 = arith.constant 2 : i32
    %dma_start3A_463 = arith.constant 40 : i32
    %dma_start3A_464 = arith.constant 0 : i32
    %dma_start3A_465 = tpu.memref_slice %arg5[%dma_start3A_463, %dma_start3A_464] : memref<64x768xf32, #tpu.memory_space<vmem>> -> memref<8x768xf32, #tpu.memory_space<vmem>>
    %dma_start3A_466 = arith.constant 0 : i32
    %dma_start3A_467 = tpu.memref_slice %arg4[%add3A_460, %dma_start3A_466] : memref<2048x768xf32, #tpu.memory_space<hbm>> -> memref<8x768xf32, #tpu.memory_space<hbm>>
    %dma_start3A_468 = tpu.memref_slice %arg9[%dma_start3A_461, %dma_start3A_462] : memref<8x3x!tpu.dma_semaphore, #tpu.memory_space<semaphore_mem>> -> memref<1x1x!tpu.dma_semaphore, #tpu.memory_space<semaphore_mem>>
    %dma_start3A_469 = tpu.memref_squeeze %dma_start3A_468 : memref<1x1x!tpu.dma_semaphore, #tpu.memory_space<semaphore_mem>> -> memref<!tpu.dma_semaphore, #tpu.memory_space<semaphore_mem>>
    %dma_start3A_470 = arith.constant 0 : i32
    %dma_start3A_471 = tpu.memref_slice %arg4[%add3A_460, %dma_start3A_470] : memref<2048x768xf32, #tpu.memory_space<hbm>> -> memref<8x768xf32, #tpu.memory_space<hbm>>
    %dma_start3A_472 = arith.constant 40 : i32
    %dma_start3A_473 = arith.constant 0 : i32
    %dma_start3A_474 = tpu.memref_slice %arg5[%dma_start3A_472, %dma_start3A_473] : memref<64x768xf32, #tpu.memory_space<vmem>> -> memref<8x768xf32, #tpu.memory_space<vmem>>
    tpu.enqueue_dma source(%dma_start3A_474 : memref<8x768xf32, #tpu.memory_space<vmem>>) target(%dma_start3A_471 : memref<8x768xf32, #tpu.memory_space<hbm>>) target_semaphore(%dma_start3A_469 : memref<!tpu.dma_semaphore, #tpu.memory_space<semaphore_mem>>)
    %dma_wait3A_475 = arith.constant 6 : i32
    %dma_wait3A_476 = arith.constant 0 : i32
    %dma_wait3A_477 = arith.constant 48 : i32
    %dma_wait3A_478 = arith.constant 0 : i32
    %dma_wait3A_479 = tpu.memref_slice %arg5[%dma_wait3A_477, %dma_wait3A_478] : memref<64x768xf32, #tpu.memory_space<vmem>> -> memref<8x768xf32, #tpu.memory_space<vmem>>
    %dma_wait3A_480 = arith.constant 48 : i32
    %dma_wait3A_481 = tpu.memref_slice %arg7[%dma_wait3A_480] : memref<64xi32, #tpu.memory_space<vmem>> -> memref<8xi32, #tpu.memory_space<vmem>>
    %dma_wait3A_482 = arith.constant 0 : i32
    %dma_wait3A_483 = arith.constant 0 : i32
    %dma_wait3A_484 = tpu.memref_slice %arg2[%dma_wait3A_482, %dma_wait3A_483] : memref<6144x768xf32, #tpu.memory_space<hbm>> -> memref<6144x768xf32, #tpu.memory_space<hbm>>
    %dma_wait3A_485 = tpu.memref_slice %arg9[%dma_wait3A_475, %dma_wait3A_476] : memref<8x3x!tpu.dma_semaphore, #tpu.memory_space<semaphore_mem>> -> memref<1x1x!tpu.dma_semaphore, #tpu.memory_space<semaphore_mem>>
    %dma_wait3A_486 = tpu.memref_squeeze %dma_wait3A_485 : memref<1x1x!tpu.dma_semaphore, #tpu.memory_space<semaphore_mem>> -> memref<!tpu.dma_semaphore, #tpu.memory_space<semaphore_mem>>
    tpu.wait_indirect_dma semaphore(%dma_wait3A_486 : memref<!tpu.dma_semaphore, #tpu.memory_space<semaphore_mem>>) src(%dma_wait3A_484 : memref<6144x768xf32, #tpu.memory_space<hbm>>) dst(%dma_wait3A_479 : memref<8x768xf32, #tpu.memory_space<vmem>>)
    %dma_wait3A_487 = arith.constant 6 : i32
    %dma_wait3A_488 = arith.constant 1 : i32
    %dma_wait3A_489 = arith.constant 48 : i32
    %dma_wait3A_490 = arith.constant 0 : i32
    %dma_wait3A_491 = tpu.memref_slice %arg6[%dma_wait3A_489, %dma_wait3A_490] : memref<64x768xf32, #tpu.memory_space<vmem>> -> memref<8x768xf32, #tpu.memory_space<vmem>>
    %dma_wait3A_492 = arith.constant 48 : i32
    %dma_wait3A_493 = tpu.memref_slice %arg8[%dma_wait3A_492] : memref<64xi32, #tpu.memory_space<vmem>> -> memref<8xi32, #tpu.memory_space<vmem>>
    %dma_wait3A_494 = arith.constant 0 : i32
    %dma_wait3A_495 = arith.constant 0 : i32
    %dma_wait3A_496 = tpu.memref_slice %arg2[%dma_wait3A_494, %dma_wait3A_495] : memref<6144x768xf32, #tpu.memory_space<hbm>> -> memref<6144x768xf32, #tpu.memory_space<hbm>>
    %dma_wait3A_497 = tpu.memref_slice %arg9[%dma_wait3A_487, %dma_wait3A_488] : memref<8x3x!tpu.dma_semaphore, #tpu.memory_space<semaphore_mem>> -> memref<1x1x!tpu.dma_semaphore, #tpu.memory_space<semaphore_mem>>
    %dma_wait3A_498 = tpu.memref_squeeze %dma_wait3A_497 : memref<1x1x!tpu.dma_semaphore, #tpu.memory_space<semaphore_mem>> -> memref<!tpu.dma_semaphore, #tpu.memory_space<semaphore_mem>>
    tpu.wait_indirect_dma semaphore(%dma_wait3A_498 : memref<!tpu.dma_semaphore, #tpu.memory_space<semaphore_mem>>) src(%dma_wait3A_496 : memref<6144x768xf32, #tpu.memory_space<hbm>>) dst(%dma_wait3A_491 : memref<8x768xf32, #tpu.memory_space<vmem>>)
    %scan3A_499 = arith.constant 0 : i32
    %scan3A_500 = arith.constant 0 : i32
    %scan3A_501 = arith.constant 96 : i32
    %scan3A_502 = arith.addi %scan3A_500, %scan3A_501 : i32
    %scan3A_503 = arith.constant 1 : i32
    %scan3A_504 = scf.for %scan3A_681 = %scan3A_500 to %scan3A_502 step %scan3A_503 iter_args(%scan3A_682 = %scan3A_499) -> (i32)  : i32 {
      %jit3A = arith.constant 12 : i32
      %div3A = arith.divsi %scan3A_681, %jit3A : i32
      %sign3A = arith.constant 0 : i32
      %sign3A_683 = arith.cmpi sgt, %scan3A_681, %sign3A : i32
      %sign3A_684 = arith.extui %sign3A_683 : i1 to i32
      %sign3A_685 = arith.constant 0 : i32
      %sign3A_686 = arith.cmpi slt, %scan3A_681, %sign3A_685 : i32
      %sign3A_687 = arith.extui %sign3A_686 : i1 to i32
      %sign3A_688 = arith.subi %sign3A_684, %sign3A_687 : i32
      %sign3A_689 = arith.constant 0 : i32
      %sign3A_690 = arith.cmpi sgt, %jit3A, %sign3A_689 : i32
      %sign3A_691 = arith.extui %sign3A_690 : i1 to i32
      %sign3A_692 = arith.constant 0 : i32
      %sign3A_693 = arith.cmpi slt, %jit3A, %sign3A_692 : i32
      %sign3A_694 = arith.extui %sign3A_693 : i1 to i32
      %sign3A_695 = arith.subi %sign3A_691, %sign3A_694 : i32
      %ne3A = arith.cmpi ne, %sign3A_688, %sign3A_695 : i32
      %rem3A = arith.remsi %scan3A_681, %jit3A : i32
      %ne3A_696 = arith.constant 0 : i32
      %ne3A_697 = arith.cmpi ne, %rem3A, %ne3A_696 : i32
      %and3A = arith.andi %ne3A, %ne3A_697 : i1
      %sub3A = arith.constant 1 : i32
      %sub3A_698 = arith.subi %div3A, %sub3A : i32
      %select_n3A = arith.select %and3A, %sub3A_698, %div3A : i32
      %add3A_699 = arith.constant 48 : i32
      %add3A_700 = arith.addi %add3A_699, %select_n3A : i32
      %jit3A_701 = arith.constant 12 : i32
      %eq3A = arith.constant 0 : i32
      %eq3A_702 = arith.cmpi eq, %jit3A_701, %eq3A : i32
      %jit3A_703 = arith.constant 1 : i32
      %select_n3A_704 = arith.select %eq3A_702, %jit3A_703, %jit3A_701 : i32
      %rem3A_705 = arith.remsi %scan3A_681, %select_n3A_704 : i32
      %ne3A_706 = arith.constant 0 : i32
      %ne3A_707 = arith.cmpi ne, %rem3A_705, %ne3A_706 : i32
      %lt3A = arith.constant 0 : i32
      %lt3A_708 = arith.cmpi slt, %rem3A_705, %lt3A : i32
      %lt3A_709 = arith.constant 0 : i32
      %lt3A_710 = arith.cmpi slt, %select_n3A_704, %lt3A_709 : i32
      %ne3A_711 = arith.xori %lt3A_708, %lt3A_710 : i1
      %and3A_712 = arith.andi %ne3A_711, %ne3A_707 : i1
      %add3A_713 = arith.addi %rem3A_705, %select_n3A_704 : i32
      %select_n3A_714 = arith.select %and3A_712, %add3A_713, %rem3A_705 : i32
      %mul3A_715 = arith.constant 64 : i32
      %mul3A_716 = arith.muli %select_n3A_714, %mul3A_715 : i32
      %add3A_717 = arith.constant 0 : i32
      %add3A_718 = arith.addi %mul3A_716, %add3A_717 : i32
      %get3A = arith.index_cast %add3A_700 : i32 to index
      %get3A_719 = arith.index_cast %add3A_718 : i32 to index
      %get3A_720 = tpu.vector_load %arg5[%get3A, %get3A_719] {strides = array<i32>} : memref<64x768xf32, #tpu.memory_space<vmem>>, vector<16xf32>,
      %get3A_721 = arith.index_cast %add3A_700 : i32 to index
      %get3A_722 = arith.index_cast %add3A_718 : i32 to index
      %get3A_723 = tpu.vector_load %arg6[%get3A_721, %get3A_722] {strides = array<i32>} : memref<64x768xf32, #tpu.memory_space<vmem>>, vector<16xf32>,
      %add3A_724 = arith.addf %get3A_720, %get3A_723 : vector<16xf32>
      %swap3A = arith.index_cast %add3A_700 : i32 to index
      %swap3A_725 = arith.index_cast %add3A_718 : i32 to index
      %swap3A_726 = tpu.vector_load %arg5[%swap3A, %swap3A_725] {strides = array<i32>} : memref<64x768xf32, #tpu.memory_space<vmem>>, vector<16xf32>,
      tpu.vector_store %arg5[%swap3A, %swap3A_725], %add3A_724 {strides = array<i32>} : memref<64x768xf32, #tpu.memory_space<vmem>>, vector<16xf32>,
      %add3A_727 = arith.constant 16 : i32
      %add3A_728 = arith.addi %mul3A_716, %add3A_727 : i32
      %get3A_729 = arith.index_cast %add3A_700 : i32 to index
      %get3A_730 = arith.index_cast %add3A_728 : i32 to index
      %get3A_731 = tpu.vector_load %arg5[%get3A_729, %get3A_730] {strides = array<i32>} : memref<64x768xf32, #tpu.memory_space<vmem>>, vector<16xf32>,
      %get3A_732 = arith.index_cast %add3A_700 : i32 to index
      %get3A_733 = arith.index_cast %add3A_728 : i32 to index
      %get3A_734 = tpu.vector_load %arg6[%get3A_732, %get3A_733] {strides = array<i32>} : memref<64x768xf32, #tpu.memory_space<vmem>>, vector<16xf32>,
      %add3A_735 = arith.addf %get3A_731, %get3A_734 : vector<16xf32>
      %swap3A_736 = arith.index_cast %add3A_700 : i32 to index
      %swap3A_737 = arith.index_cast %add3A_728 : i32 to index
      %swap3A_738 = tpu.vector_load %arg5[%swap3A_736, %swap3A_737] {strides = array<i32>} : memref<64x768xf32, #tpu.memory_space<vmem>>, vector<16xf32>,
      tpu.vector_store %arg5[%swap3A_736, %swap3A_737], %add3A_735 {strides = array<i32>} : memref<64x768xf32, #tpu.memory_space<vmem>>, vector<16xf32>,
      %add3A_739 = arith.constant 32 : i32
      %add3A_740 = arith.addi %mul3A_716, %add3A_739 : i32
      %get3A_741 = arith.index_cast %add3A_700 : i32 to index
      %get3A_742 = arith.index_cast %add3A_740 : i32 to index
      %get3A_743 = tpu.vector_load %arg5[%get3A_741, %get3A_742] {strides = array<i32>} : memref<64x768xf32, #tpu.memory_space<vmem>>, vector<16xf32>,
      %get3A_744 = arith.index_cast %add3A_700 : i32 to index
      %get3A_745 = arith.index_cast %add3A_740 : i32 to index
      %get3A_746 = tpu.vector_load %arg6[%get3A_744, %get3A_745] {strides = array<i32>} : memref<64x768xf32, #tpu.memory_space<vmem>>, vector<16xf32>,
      %add3A_747 = arith.addf %get3A_743, %get3A_746 : vector<16xf32>
      %swap3A_748 = arith.index_cast %add3A_700 : i32 to index
      %swap3A_749 = arith.index_cast %add3A_740 : i32 to index
      %swap3A_750 = tpu.vector_load %arg5[%swap3A_748, %swap3A_749] {strides = array<i32>} : memref<64x768xf32, #tpu.memory_space<vmem>>, vector<16xf32>,
      tpu.vector_store %arg5[%swap3A_748, %swap3A_749], %add3A_747 {strides = array<i32>} : memref<64x768xf32, #tpu.memory_space<vmem>>, vector<16xf32>,
      %add3A_751 = arith.constant 48 : i32
      %add3A_752 = arith.addi %mul3A_716, %add3A_751 : i32
      %get3A_753 = arith.index_cast %add3A_700 : i32 to index
      %get3A_754 = arith.index_cast %add3A_752 : i32 to index
      %get3A_755 = tpu.vector_load %arg5[%get3A_753, %get3A_754] {strides = array<i32>} : memref<64x768xf32, #tpu.memory_space<vmem>>, vector<16xf32>,
      %get3A_756 = arith.index_cast %add3A_700 : i32 to index
      %get3A_757 = arith.index_cast %add3A_752 : i32 to index
      %get3A_758 = tpu.vector_load %arg6[%get3A_756, %get3A_757] {strides = array<i32>} : memref<64x768xf32, #tpu.memory_space<vmem>>, vector<16xf32>,
      %add3A_759 = arith.addf %get3A_755, %get3A_758 : vector<16xf32>
      %swap3A_760 = arith.index_cast %add3A_700 : i32 to index
      %swap3A_761 = arith.index_cast %add3A_752 : i32 to index
      %swap3A_762 = tpu.vector_load %arg5[%swap3A_760, %swap3A_761] {strides = array<i32>} : memref<64x768xf32, #tpu.memory_space<vmem>>, vector<16xf32>,
      tpu.vector_store %arg5[%swap3A_760, %swap3A_761], %add3A_759 {strides = array<i32>} : memref<64x768xf32, #tpu.memory_space<vmem>>, vector<16xf32>,
      %scan3A_763 = arith.constant 0 : i32
      scf.yield %scan3A_763 : i32
    }
    %scan3A_505 = arith.constant 96 : i32
    %add3A_506 = arith.constant 48 : i32
    %add3A_507 = arith.addi %multiple_of3A, %add3A_506 : i32
    %dma_start3A_508 = arith.constant 6 : i32
    %dma_start3A_509 = arith.constant 2 : i32
    %dma_start3A_510 = arith.constant 48 : i32
    %dma_start3A_511 = arith.constant 0 : i32
    %dma_start3A_512 = tpu.memref_slice %arg5[%dma_start3A_510, %dma_start3A_511] : memref<64x768xf32, #tpu.memory_space<vmem>> -> memref<8x768xf32, #tpu.memory_space<vmem>>
    %dma_start3A_513 = arith.constant 0 : i32
    %dma_start3A_514 = tpu.memref_slice %arg4[%add3A_507, %dma_start3A_513] : memref<2048x768xf32, #tpu.memory_space<hbm>> -> memref<8x768xf32, #tpu.memory_space<hbm>>
    %dma_start3A_515 = tpu.memref_slice %arg9[%dma_start3A_508, %dma_start3A_509] : memref<8x3x!tpu.dma_semaphore, #tpu.memory_space<semaphore_mem>> -> memref<1x1x!tpu.dma_semaphore, #tpu.memory_space<semaphore_mem>>
    %dma_start3A_516 = tpu.memref_squeeze %dma_start3A_515 : memref<1x1x!tpu.dma_semaphore, #tpu.memory_space<semaphore_mem>> -> memref<!tpu.dma_semaphore, #tpu.memory_space<semaphore_mem>>
    %dma_start3A_517 = arith.constant 0 : i32
    %dma_start3A_518 = tpu.memref_slice %arg4[%add3A_507, %dma_start3A_517] : memref<2048x768xf32, #tpu.memory_space<hbm>> -> memref<8x768xf32, #tpu.memory_space<hbm>>
    %dma_start3A_519 = arith.constant 48 : i32
    %dma_start3A_520 = arith.constant 0 : i32
    %dma_start3A_521 = tpu.memref_slice %arg5[%dma_start3A_519, %dma_start3A_520] : memref<64x768xf32, #tpu.memory_space<vmem>> -> memref<8x768xf32, #tpu.memory_space<vmem>>
    tpu.enqueue_dma source(%dma_start3A_521 : memref<8x768xf32, #tpu.memory_space<vmem>>) target(%dma_start3A_518 : memref<8x768xf32, #tpu.memory_space<hbm>>) target_semaphore(%dma_start3A_516 : memref<!tpu.dma_semaphore, #tpu.memory_space<semaphore_mem>>)
    %dma_wait3A_522 = arith.constant 7 : i32
    %dma_wait3A_523 = arith.constant 0 : i32
    %dma_wait3A_524 = arith.constant 56 : i32
    %dma_wait3A_525 = arith.constant 0 : i32
    %dma_wait3A_526 = tpu.memref_slice %arg5[%dma_wait3A_524, %dma_wait3A_525] : memref<64x768xf32, #tpu.memory_space<vmem>> -> memref<8x768xf32, #tpu.memory_space<vmem>>
    %dma_wait3A_527 = arith.constant 56 : i32
    %dma_wait3A_528 = tpu.memref_slice %arg7[%dma_wait3A_527] : memref<64xi32, #tpu.memory_space<vmem>> -> memref<8xi32, #tpu.memory_space<vmem>>
    %dma_wait3A_529 = arith.constant 0 : i32
    %dma_wait3A_530 = arith.constant 0 : i32
    %dma_wait3A_531 = tpu.memref_slice %arg2[%dma_wait3A_529, %dma_wait3A_530] : memref<6144x768xf32, #tpu.memory_space<hbm>> -> memref<6144x768xf32, #tpu.memory_space<hbm>>
    %dma_wait3A_532 = tpu.memref_slice %arg9[%dma_wait3A_522, %dma_wait3A_523] : memref<8x3x!tpu.dma_semaphore, #tpu.memory_space<semaphore_mem>> -> memref<1x1x!tpu.dma_semaphore, #tpu.memory_space<semaphore_mem>>
    %dma_wait3A_533 = tpu.memref_squeeze %dma_wait3A_532 : memref<1x1x!tpu.dma_semaphore, #tpu.memory_space<semaphore_mem>> -> memref<!tpu.dma_semaphore, #tpu.memory_space<semaphore_mem>>
    tpu.wait_indirect_dma semaphore(%dma_wait3A_533 : memref<!tpu.dma_semaphore, #tpu.memory_space<semaphore_mem>>) src(%dma_wait3A_531 : memref<6144x768xf32, #tpu.memory_space<hbm>>) dst(%dma_wait3A_526 : memref<8x768xf32, #tpu.memory_space<vmem>>)
    %dma_wait3A_534 = arith.constant 7 : i32
    %dma_wait3A_535 = arith.constant 1 : i32
    %dma_wait3A_536 = arith.constant 56 : i32
    %dma_wait3A_537 = arith.constant 0 : i32
    %dma_wait3A_538 = tpu.memref_slice %arg6[%dma_wait3A_536, %dma_wait3A_537] : memref<64x768xf32, #tpu.memory_space<vmem>> -> memref<8x768xf32, #tpu.memory_space<vmem>>
    %dma_wait3A_539 = arith.constant 56 : i32
    %dma_wait3A_540 = tpu.memref_slice %arg8[%dma_wait3A_539] : memref<64xi32, #tpu.memory_space<vmem>> -> memref<8xi32, #tpu.memory_space<vmem>>
    %dma_wait3A_541 = arith.constant 0 : i32
    %dma_wait3A_542 = arith.constant 0 : i32
    %dma_wait3A_543 = tpu.memref_slice %arg2[%dma_wait3A_541, %dma_wait3A_542] : memref<6144x768xf32, #tpu.memory_space<hbm>> -> memref<6144x768xf32, #tpu.memory_space<hbm>>
    %dma_wait3A_544 = tpu.memref_slice %arg9[%dma_wait3A_534, %dma_wait3A_535] : memref<8x3x!tpu.dma_semaphore, #tpu.memory_space<semaphore_mem>> -> memref<1x1x!tpu.dma_semaphore, #tpu.memory_space<semaphore_mem>>
    %dma_wait3A_545 = tpu.memref_squeeze %dma_wait3A_544 : memref<1x1x!tpu.dma_semaphore, #tpu.memory_space<semaphore_mem>> -> memref<!tpu.dma_semaphore, #tpu.memory_space<semaphore_mem>>
    tpu.wait_indirect_dma semaphore(%dma_wait3A_545 : memref<!tpu.dma_semaphore, #tpu.memory_space<semaphore_mem>>) src(%dma_wait3A_543 : memref<6144x768xf32, #tpu.memory_space<hbm>>) dst(%dma_wait3A_538 : memref<8x768xf32, #tpu.memory_space<vmem>>)
    %scan3A_546 = arith.constant 0 : i32
    %scan3A_547 = arith.constant 0 : i32
    %scan3A_548 = arith.constant 96 : i32
    %scan3A_549 = arith.addi %scan3A_547, %scan3A_548 : i32
    %scan3A_550 = arith.constant 1 : i32
    %scan3A_551 = scf.for %scan3A_681 = %scan3A_547 to %scan3A_549 step %scan3A_550 iter_args(%scan3A_682 = %scan3A_546) -> (i32)  : i32 {
      %jit3A = arith.constant 12 : i32
      %div3A = arith.divsi %scan3A_681, %jit3A : i32
      %sign3A = arith.constant 0 : i32
      %sign3A_683 = arith.cmpi sgt, %scan3A_681, %sign3A : i32
      %sign3A_684 = arith.extui %sign3A_683 : i1 to i32
      %sign3A_685 = arith.constant 0 : i32
      %sign3A_686 = arith.cmpi slt, %scan3A_681, %sign3A_685 : i32
      %sign3A_687 = arith.extui %sign3A_686 : i1 to i32
      %sign3A_688 = arith.subi %sign3A_684, %sign3A_687 : i32
      %sign3A_689 = arith.constant 0 : i32
      %sign3A_690 = arith.cmpi sgt, %jit3A, %sign3A_689 : i32
      %sign3A_691 = arith.extui %sign3A_690 : i1 to i32
      %sign3A_692 = arith.constant 0 : i32
      %sign3A_693 = arith.cmpi slt, %jit3A, %sign3A_692 : i32
      %sign3A_694 = arith.extui %sign3A_693 : i1 to i32
      %sign3A_695 = arith.subi %sign3A_691, %sign3A_694 : i32
      %ne3A = arith.cmpi ne, %sign3A_688, %sign3A_695 : i32
      %rem3A = arith.remsi %scan3A_681, %jit3A : i32
      %ne3A_696 = arith.constant 0 : i32
      %ne3A_697 = arith.cmpi ne, %rem3A, %ne3A_696 : i32
      %and3A = arith.andi %ne3A, %ne3A_697 : i1
      %sub3A = arith.constant 1 : i32
      %sub3A_698 = arith.subi %div3A, %sub3A : i32
      %select_n3A = arith.select %and3A, %sub3A_698, %div3A : i32
      %add3A_699 = arith.constant 56 : i32
      %add3A_700 = arith.addi %add3A_699, %select_n3A : i32
      %jit3A_701 = arith.constant 12 : i32
      %eq3A = arith.constant 0 : i32
      %eq3A_702 = arith.cmpi eq, %jit3A_701, %eq3A : i32
      %jit3A_703 = arith.constant 1 : i32
      %select_n3A_704 = arith.select %eq3A_702, %jit3A_703, %jit3A_701 : i32
      %rem3A_705 = arith.remsi %scan3A_681, %select_n3A_704 : i32
      %ne3A_706 = arith.constant 0 : i32
      %ne3A_707 = arith.cmpi ne, %rem3A_705, %ne3A_706 : i32
      %lt3A = arith.constant 0 : i32
      %lt3A_708 = arith.cmpi slt, %rem3A_705, %lt3A : i32
      %lt3A_709 = arith.constant 0 : i32
      %lt3A_710 = arith.cmpi slt, %select_n3A_704, %lt3A_709 : i32
      %ne3A_711 = arith.xori %lt3A_708, %lt3A_710 : i1
      %and3A_712 = arith.andi %ne3A_711, %ne3A_707 : i1
      %add3A_713 = arith.addi %rem3A_705, %select_n3A_704 : i32
      %select_n3A_714 = arith.select %and3A_712, %add3A_713, %rem3A_705 : i32
      %mul3A_715 = arith.constant 64 : i32
      %mul3A_716 = arith.muli %select_n3A_714, %mul3A_715 : i32
      %add3A_717 = arith.constant 0 : i32
      %add3A_718 = arith.addi %mul3A_716, %add3A_717 : i32
      %get3A = arith.index_cast %add3A_700 : i32 to index
      %get3A_719 = arith.index_cast %add3A_718 : i32 to index
      %get3A_720 = tpu.vector_load %arg5[%get3A, %get3A_719] {strides = array<i32>} : memref<64x768xf32, #tpu.memory_space<vmem>>, vector<16xf32>,
      %get3A_721 = arith.index_cast %add3A_700 : i32 to index
      %get3A_722 = arith.index_cast %add3A_718 : i32 to index
      %get3A_723 = tpu.vector_load %arg6[%get3A_721, %get3A_722] {strides = array<i32>} : memref<64x768xf32, #tpu.memory_space<vmem>>, vector<16xf32>,
      %add3A_724 = arith.addf %get3A_720, %get3A_723 : vector<16xf32>
      %swap3A = arith.index_cast %add3A_700 : i32 to index
      %swap3A_725 = arith.index_cast %add3A_718 : i32 to index
      %swap3A_726 = tpu.vector_load %arg5[%swap3A, %swap3A_725] {strides = array<i32>} : memref<64x768xf32, #tpu.memory_space<vmem>>, vector<16xf32>,
      tpu.vector_store %arg5[%swap3A, %swap3A_725], %add3A_724 {strides = array<i32>} : memref<64x768xf32, #tpu.memory_space<vmem>>, vector<16xf32>,
      %add3A_727 = arith.constant 16 : i32
      %add3A_728 = arith.addi %mul3A_716, %add3A_727 : i32
      %get3A_729 = arith.index_cast %add3A_700 : i32 to index
      %get3A_730 = arith.index_cast %add3A_728 : i32 to index
      %get3A_731 = tpu.vector_load %arg5[%get3A_729, %get3A_730] {strides = array<i32>} : memref<64x768xf32, #tpu.memory_space<vmem>>, vector<16xf32>,
      %get3A_732 = arith.index_cast %add3A_700 : i32 to index
      %get3A_733 = arith.index_cast %add3A_728 : i32 to index
      %get3A_734 = tpu.vector_load %arg6[%get3A_732, %get3A_733] {strides = array<i32>} : memref<64x768xf32, #tpu.memory_space<vmem>>, vector<16xf32>,
      %add3A_735 = arith.addf %get3A_731, %get3A_734 : vector<16xf32>
      %swap3A_736 = arith.index_cast %add3A_700 : i32 to index
      %swap3A_737 = arith.index_cast %add3A_728 : i32 to index
      %swap3A_738 = tpu.vector_load %arg5[%swap3A_736, %swap3A_737] {strides = array<i32>} : memref<64x768xf32, #tpu.memory_space<vmem>>, vector<16xf32>,
      tpu.vector_store %arg5[%swap3A_736, %swap3A_737], %add3A_735 {strides = array<i32>} : memref<64x768xf32, #tpu.memory_space<vmem>>, vector<16xf32>,
      %add3A_739 = arith.constant 32 : i32
      %add3A_740 = arith.addi %mul3A_716, %add3A_739 : i32
      %get3A_741 = arith.index_cast %add3A_700 : i32 to index
      %get3A_742 = arith.index_cast %add3A_740 : i32 to index
      %get3A_743 = tpu.vector_load %arg5[%get3A_741, %get3A_742] {strides = array<i32>} : memref<64x768xf32, #tpu.memory_space<vmem>>, vector<16xf32>,
      %get3A_744 = arith.index_cast %add3A_700 : i32 to index
      %get3A_745 = arith.index_cast %add3A_740 : i32 to index
      %get3A_746 = tpu.vector_load %arg6[%get3A_744, %get3A_745] {strides = array<i32>} : memref<64x768xf32, #tpu.memory_space<vmem>>, vector<16xf32>,
      %add3A_747 = arith.addf %get3A_743, %get3A_746 : vector<16xf32>
      %swap3A_748 = arith.index_cast %add3A_700 : i32 to index
      %swap3A_749 = arith.index_cast %add3A_740 : i32 to index
      %swap3A_750 = tpu.vector_load %arg5[%swap3A_748, %swap3A_749] {strides = array<i32>} : memref<64x768xf32, #tpu.memory_space<vmem>>, vector<16xf32>,
      tpu.vector_store %arg5[%swap3A_748, %swap3A_749], %add3A_747 {strides = array<i32>} : memref<64x768xf32, #tpu.memory_space<vmem>>, vector<16xf32>,
      %add3A_751 = arith.constant 48 : i32
      %add3A_752 = arith.addi %mul3A_716, %add3A_751 : i32
      %get3A_753 = arith.index_cast %add3A_700 : i32 to index
      %get3A_754 = arith.index_cast %add3A_752 : i32 to index
      %get3A_755 = tpu.vector_load %arg5[%get3A_753, %get3A_754] {strides = array<i32>} : memref<64x768xf32, #tpu.memory_space<vmem>>, vector<16xf32>,
      %get3A_756 = arith.index_cast %add3A_700 : i32 to index
      %get3A_757 = arith.index_cast %add3A_752 : i32 to index
      %get3A_758 = tpu.vector_load %arg6[%get3A_756, %get3A_757] {strides = array<i32>} : memref<64x768xf32, #tpu.memory_space<vmem>>, vector<16xf32>,
      %add3A_759 = arith.addf %get3A_755, %get3A_758 : vector<16xf32>
      %swap3A_760 = arith.index_cast %add3A_700 : i32 to index
      %swap3A_761 = arith.index_cast %add3A_752 : i32 to index
      %swap3A_762 = tpu.vector_load %arg5[%swap3A_760, %swap3A_761] {strides = array<i32>} : memref<64x768xf32, #tpu.memory_space<vmem>>, vector<16xf32>,
      tpu.vector_store %arg5[%swap3A_760, %swap3A_761], %add3A_759 {strides = array<i32>} : memref<64x768xf32, #tpu.memory_space<vmem>>, vector<16xf32>,
      %scan3A_763 = arith.constant 0 : i32
      scf.yield %scan3A_763 : i32
    }
    %scan3A_552 = arith.constant 96 : i32
    %add3A_553 = arith.constant 56 : i32
    %add3A_554 = arith.addi %multiple_of3A, %add3A_553 : i32
    %dma_start3A_555 = arith.constant 7 : i32
    %dma_start3A_556 = arith.constant 2 : i32
    %dma_start3A_557 = arith.constant 56 : i32
    %dma_start3A_558 = arith.constant 0 : i32
    %dma_start3A_559 = tpu.memref_slice %arg5[%dma_start3A_557, %dma_start3A_558] : memref<64x768xf32, #tpu.memory_space<vmem>> -> memref<8x768xf32, #tpu.memory_space<vmem>>
    %dma_start3A_560 = arith.constant 0 : i32
    %dma_start3A_561 = tpu.memref_slice %arg4[%add3A_554, %dma_start3A_560] : memref<2048x768xf32, #tpu.memory_space<hbm>> -> memref<8x768xf32, #tpu.memory_space<hbm>>
    %dma_start3A_562 = tpu.memref_slice %arg9[%dma_start3A_555, %dma_start3A_556] : memref<8x3x!tpu.dma_semaphore, #tpu.memory_space<semaphore_mem>> -> memref<1x1x!tpu.dma_semaphore, #tpu.memory_space<semaphore_mem>>
    %dma_start3A_563 = tpu.memref_squeeze %dma_start3A_562 : memref<1x1x!tpu.dma_semaphore, #tpu.memory_space<semaphore_mem>> -> memref<!tpu.dma_semaphore, #tpu.memory_space<semaphore_mem>>
    %dma_start3A_564 = arith.constant 0 : i32
    %dma_start3A_565 = tpu.memref_slice %arg4[%add3A_554, %dma_start3A_564] : memref<2048x768xf32, #tpu.memory_space<hbm>> -> memref<8x768xf32, #tpu.memory_space<hbm>>
    %dma_start3A_566 = arith.constant 56 : i32
    %dma_start3A_567 = arith.constant 0 : i32
    %dma_start3A_568 = tpu.memref_slice %arg5[%dma_start3A_566, %dma_start3A_567] : memref<64x768xf32, #tpu.memory_space<vmem>> -> memref<8x768xf32, #tpu.memory_space<vmem>>
    tpu.enqueue_dma source(%dma_start3A_568 : memref<8x768xf32, #tpu.memory_space<vmem>>) target(%dma_start3A_565 : memref<8x768xf32, #tpu.memory_space<hbm>>) target_semaphore(%dma_start3A_563 : memref<!tpu.dma_semaphore, #tpu.memory_space<semaphore_mem>>)
    %dma_wait3A_569 = arith.constant 0 : i32
    %dma_wait3A_570 = arith.constant 2 : i32
    %dma_wait3A_571 = arith.constant 0 : i32
    %dma_wait3A_572 = arith.constant 0 : i32
    %dma_wait3A_573 = tpu.memref_slice %arg5[%dma_wait3A_571, %dma_wait3A_572] : memref<64x768xf32, #tpu.memory_space<vmem>> -> memref<8x768xf32, #tpu.memory_space<vmem>>
    %dma_wait3A_574 = arith.constant 0 : i32
    %dma_wait3A_575 = tpu.memref_slice %arg4[%add3A_225, %dma_wait3A_574] : memref<2048x768xf32, #tpu.memory_space<hbm>> -> memref<8x768xf32, #tpu.memory_space<hbm>>
    %dma_wait3A_576 = tpu.memref_slice %arg9[%dma_wait3A_569, %dma_wait3A_570] : memref<8x3x!tpu.dma_semaphore, #tpu.memory_space<semaphore_mem>> -> memref<1x1x!tpu.dma_semaphore, #tpu.memory_space<semaphore_mem>>
    %dma_wait3A_577 = tpu.memref_squeeze %dma_wait3A_576 : memref<1x1x!tpu.dma_semaphore, #tpu.memory_space<semaphore_mem>> -> memref<!tpu.dma_semaphore, #tpu.memory_space<semaphore_mem>>
    %dma_wait3A_578 = arith.constant 0 : i32
    %dma_wait3A_579 = tpu.memref_slice %arg4[%add3A_225, %dma_wait3A_578] : memref<2048x768xf32, #tpu.memory_space<hbm>> -> memref<8x768xf32, #tpu.memory_space<hbm>>
    %dma_wait3A_580 = arith.constant 0 : i32
    %dma_wait3A_581 = arith.constant 0 : i32
    %dma_wait3A_582 = tpu.memref_slice %arg5[%dma_wait3A_580, %dma_wait3A_581] : memref<64x768xf32, #tpu.memory_space<vmem>> -> memref<8x768xf32, #tpu.memory_space<vmem>>
    tpu.wait_dma2 semaphore(%dma_wait3A_577 : memref<!tpu.dma_semaphore, #tpu.memory_space<semaphore_mem>>) src(%dma_wait3A_582 : memref<8x768xf32, #tpu.memory_space<vmem>>) dst(%dma_wait3A_579 : memref<8x768xf32, #tpu.memory_space<hbm>>)
    %dma_wait3A_583 = arith.constant 1 : i32
    %dma_wait3A_584 = arith.constant 2 : i32
    %dma_wait3A_585 = arith.constant 8 : i32
    %dma_wait3A_586 = arith.constant 0 : i32
    %dma_wait3A_587 = tpu.memref_slice %arg5[%dma_wait3A_585, %dma_wait3A_586] : memref<64x768xf32, #tpu.memory_space<vmem>> -> memref<8x768xf32, #tpu.memory_space<vmem>>
    %dma_wait3A_588 = arith.constant 0 : i32
    %dma_wait3A_589 = tpu.memref_slice %arg4[%add3A_272, %dma_wait3A_588] : memref<2048x768xf32, #tpu.memory_space<hbm>> -> memref<8x768xf32, #tpu.memory_space<hbm>>
    %dma_wait3A_590 = tpu.memref_slice %arg9[%dma_wait3A_583, %dma_wait3A_584] : memref<8x3x!tpu.dma_semaphore, #tpu.memory_space<semaphore_mem>> -> memref<1x1x!tpu.dma_semaphore, #tpu.memory_space<semaphore_mem>>
    %dma_wait3A_591 = tpu.memref_squeeze %dma_wait3A_590 : memref<1x1x!tpu.dma_semaphore, #tpu.memory_space<semaphore_mem>> -> memref<!tpu.dma_semaphore, #tpu.memory_space<semaphore_mem>>
    %dma_wait3A_592 = arith.constant 0 : i32
    %dma_wait3A_593 = tpu.memref_slice %arg4[%add3A_272, %dma_wait3A_592] : memref<2048x768xf32, #tpu.memory_space<hbm>> -> memref<8x768xf32, #tpu.memory_space<hbm>>
    %dma_wait3A_594 = arith.constant 8 : i32
    %dma_wait3A_595 = arith.constant 0 : i32
    %dma_wait3A_596 = tpu.memref_slice %arg5[%dma_wait3A_594, %dma_wait3A_595] : memref<64x768xf32, #tpu.memory_space<vmem>> -> memref<8x768xf32, #tpu.memory_space<vmem>>
    tpu.wait_dma2 semaphore(%dma_wait3A_591 : memref<!tpu.dma_semaphore, #tpu.memory_space<semaphore_mem>>) src(%dma_wait3A_596 : memref<8x768xf32, #tpu.memory_space<vmem>>) dst(%dma_wait3A_593 : memref<8x768xf32, #tpu.memory_space<hbm>>)
    %dma_wait3A_597 = arith.constant 2 : i32
    %dma_wait3A_598 = arith.constant 2 : i32
    %dma_wait3A_599 = arith.constant 16 : i32
    %dma_wait3A_600 = arith.constant 0 : i32
    %dma_wait3A_601 = tpu.memref_slice %arg5[%dma_wait3A_599, %dma_wait3A_600] : memref<64x768xf32, #tpu.memory_space<vmem>> -> memref<8x768xf32, #tpu.memory_space<vmem>>
    %dma_wait3A_602 = arith.constant 0 : i32
    %dma_wait3A_603 = tpu.memref_slice %arg4[%add3A_319, %dma_wait3A_602] : memref<2048x768xf32, #tpu.memory_space<hbm>> -> memref<8x768xf32, #tpu.memory_space<hbm>>
    %dma_wait3A_604 = tpu.memref_slice %arg9[%dma_wait3A_597, %dma_wait3A_598] : memref<8x3x!tpu.dma_semaphore, #tpu.memory_space<semaphore_mem>> -> memref<1x1x!tpu.dma_semaphore, #tpu.memory_space<semaphore_mem>>
    %dma_wait3A_605 = tpu.memref_squeeze %dma_wait3A_604 : memref<1x1x!tpu.dma_semaphore, #tpu.memory_space<semaphore_mem>> -> memref<!tpu.dma_semaphore, #tpu.memory_space<semaphore_mem>>
    %dma_wait3A_606 = arith.constant 0 : i32
    %dma_wait3A_607 = tpu.memref_slice %arg4[%add3A_319, %dma_wait3A_606] : memref<2048x768xf32, #tpu.memory_space<hbm>> -> memref<8x768xf32, #tpu.memory_space<hbm>>
    %dma_wait3A_608 = arith.constant 16 : i32
    %dma_wait3A_609 = arith.constant 0 : i32
    %dma_wait3A_610 = tpu.memref_slice %arg5[%dma_wait3A_608, %dma_wait3A_609] : memref<64x768xf32, #tpu.memory_space<vmem>> -> memref<8x768xf32, #tpu.memory_space<vmem>>
    tpu.wait_dma2 semaphore(%dma_wait3A_605 : memref<!tpu.dma_semaphore, #tpu.memory_space<semaphore_mem>>) src(%dma_wait3A_610 : memref<8x768xf32, #tpu.memory_space<vmem>>) dst(%dma_wait3A_607 : memref<8x768xf32, #tpu.memory_space<hbm>>)
    %dma_wait3A_611 = arith.constant 3 : i32
    %dma_wait3A_612 = arith.constant 2 : i32
    %dma_wait3A_613 = arith.constant 24 : i32
    %dma_wait3A_614 = arith.constant 0 : i32
    %dma_wait3A_615 = tpu.memref_slice %arg5[%dma_wait3A_613, %dma_wait3A_614] : memref<64x768xf32, #tpu.memory_space<vmem>> -> memref<8x768xf32, #tpu.memory_space<vmem>>
    %dma_wait3A_616 = arith.constant 0 : i32
    %dma_wait3A_617 = tpu.memref_slice %arg4[%add3A_366, %dma_wait3A_616] : memref<2048x768xf32, #tpu.memory_space<hbm>> -> memref<8x768xf32, #tpu.memory_space<hbm>>
    %dma_wait3A_618 = tpu.memref_slice %arg9[%dma_wait3A_611, %dma_wait3A_612] : memref<8x3x!tpu.dma_semaphore, #tpu.memory_space<semaphore_mem>> -> memref<1x1x!tpu.dma_semaphore, #tpu.memory_space<semaphore_mem>>
    %dma_wait3A_619 = tpu.memref_squeeze %dma_wait3A_618 : memref<1x1x!tpu.dma_semaphore, #tpu.memory_space<semaphore_mem>> -> memref<!tpu.dma_semaphore, #tpu.memory_space<semaphore_mem>>
    %dma_wait3A_620 = arith.constant 0 : i32
    %dma_wait3A_621 = tpu.memref_slice %arg4[%add3A_366, %dma_wait3A_620] : memref<2048x768xf32, #tpu.memory_space<hbm>> -> memref<8x768xf32, #tpu.memory_space<hbm>>
    %dma_wait3A_622 = arith.constant 24 : i32
    %dma_wait3A_623 = arith.constant 0 : i32
    %dma_wait3A_624 = tpu.memref_slice %arg5[%dma_wait3A_622, %dma_wait3A_623] : memref<64x768xf32, #tpu.memory_space<vmem>> -> memref<8x768xf32, #tpu.memory_space<vmem>>
    tpu.wait_dma2 semaphore(%dma_wait3A_619 : memref<!tpu.dma_semaphore, #tpu.memory_space<semaphore_mem>>) src(%dma_wait3A_624 : memref<8x768xf32, #tpu.memory_space<vmem>>) dst(%dma_wait3A_621 : memref<8x768xf32, #tpu.memory_space<hbm>>)
    %dma_wait3A_625 = arith.constant 4 : i32
    %dma_wait3A_626 = arith.constant 2 : i32
    %dma_wait3A_627 = arith.constant 32 : i32
    %dma_wait3A_628 = arith.constant 0 : i32
    %dma_wait3A_629 = tpu.memref_slice %arg5[%dma_wait3A_627, %dma_wait3A_628] : memref<64x768xf32, #tpu.memory_space<vmem>> -> memref<8x768xf32, #tpu.memory_space<vmem>>
    %dma_wait3A_630 = arith.constant 0 : i32
    %dma_wait3A_631 = tpu.memref_slice %arg4[%add3A_413, %dma_wait3A_630] : memref<2048x768xf32, #tpu.memory_space<hbm>> -> memref<8x768xf32, #tpu.memory_space<hbm>>
    %dma_wait3A_632 = tpu.memref_slice %arg9[%dma_wait3A_625, %dma_wait3A_626] : memref<8x3x!tpu.dma_semaphore, #tpu.memory_space<semaphore_mem>> -> memref<1x1x!tpu.dma_semaphore, #tpu.memory_space<semaphore_mem>>
    %dma_wait3A_633 = tpu.memref_squeeze %dma_wait3A_632 : memref<1x1x!tpu.dma_semaphore, #tpu.memory_space<semaphore_mem>> -> memref<!tpu.dma_semaphore, #tpu.memory_space<semaphore_mem>>
    %dma_wait3A_634 = arith.constant 0 : i32
    %dma_wait3A_635 = tpu.memref_slice %arg4[%add3A_413, %dma_wait3A_634] : memref<2048x768xf32, #tpu.memory_space<hbm>> -> memref<8x768xf32, #tpu.memory_space<hbm>>
    %dma_wait3A_636 = arith.constant 32 : i32
    %dma_wait3A_637 = arith.constant 0 : i32
    %dma_wait3A_638 = tpu.memref_slice %arg5[%dma_wait3A_636, %dma_wait3A_637] : memref<64x768xf32, #tpu.memory_space<vmem>> -> memref<8x768xf32, #tpu.memory_space<vmem>>
    tpu.wait_dma2 semaphore(%dma_wait3A_633 : memref<!tpu.dma_semaphore, #tpu.memory_space<semaphore_mem>>) src(%dma_wait3A_638 : memref<8x768xf32, #tpu.memory_space<vmem>>) dst(%dma_wait3A_635 : memref<8x768xf32, #tpu.memory_space<hbm>>)
    %dma_wait3A_639 = arith.constant 5 : i32
    %dma_wait3A_640 = arith.constant 2 : i32
    %dma_wait3A_641 = arith.constant 40 : i32
    %dma_wait3A_642 = arith.constant 0 : i32
    %dma_wait3A_643 = tpu.memref_slice %arg5[%dma_wait3A_641, %dma_wait3A_642] : memref<64x768xf32, #tpu.memory_space<vmem>> -> memref<8x768xf32, #tpu.memory_space<vmem>>
    %dma_wait3A_644 = arith.constant 0 : i32
    %dma_wait3A_645 = tpu.memref_slice %arg4[%add3A_460, %dma_wait3A_644] : memref<2048x768xf32, #tpu.memory_space<hbm>> -> memref<8x768xf32, #tpu.memory_space<hbm>>
    %dma_wait3A_646 = tpu.memref_slice %arg9[%dma_wait3A_639, %dma_wait3A_640] : memref<8x3x!tpu.dma_semaphore, #tpu.memory_space<semaphore_mem>> -> memref<1x1x!tpu.dma_semaphore, #tpu.memory_space<semaphore_mem>>
    %dma_wait3A_647 = tpu.memref_squeeze %dma_wait3A_646 : memref<1x1x!tpu.dma_semaphore, #tpu.memory_space<semaphore_mem>> -> memref<!tpu.dma_semaphore, #tpu.memory_space<semaphore_mem>>
    %dma_wait3A_648 = arith.constant 0 : i32
    %dma_wait3A_649 = tpu.memref_slice %arg4[%add3A_460, %dma_wait3A_648] : memref<2048x768xf32, #tpu.memory_space<hbm>> -> memref<8x768xf32, #tpu.memory_space<hbm>>
    %dma_wait3A_650 = arith.constant 40 : i32
    %dma_wait3A_651 = arith.constant 0 : i32
    %dma_wait3A_652 = tpu.memref_slice %arg5[%dma_wait3A_650, %dma_wait3A_651] : memref<64x768xf32, #tpu.memory_space<vmem>> -> memref<8x768xf32, #tpu.memory_space<vmem>>
    tpu.wait_dma2 semaphore(%dma_wait3A_647 : memref<!tpu.dma_semaphore, #tpu.memory_space<semaphore_mem>>) src(%dma_wait3A_652 : memref<8x768xf32, #tpu.memory_space<vmem>>) dst(%dma_wait3A_649 : memref<8x768xf32, #tpu.memory_space<hbm>>)
    %dma_wait3A_653 = arith.constant 6 : i32
    %dma_wait3A_654 = arith.constant 2 : i32
    %dma_wait3A_655 = arith.constant 48 : i32
    %dma_wait3A_656 = arith.constant 0 : i32
    %dma_wait3A_657 = tpu.memref_slice %arg5[%dma_wait3A_655, %dma_wait3A_656] : memref<64x768xf32, #tpu.memory_space<vmem>> -> memref<8x768xf32, #tpu.memory_space<vmem>>
    %dma_wait3A_658 = arith.constant 0 : i32
    %dma_wait3A_659 = tpu.memref_slice %arg4[%add3A_507, %dma_wait3A_658] : memref<2048x768xf32, #tpu.memory_space<hbm>> -> memref<8x768xf32, #tpu.memory_space<hbm>>
    %dma_wait3A_660 = tpu.memref_slice %arg9[%dma_wait3A_653, %dma_wait3A_654] : memref<8x3x!tpu.dma_semaphore, #tpu.memory_space<semaphore_mem>> -> memref<1x1x!tpu.dma_semaphore, #tpu.memory_space<semaphore_mem>>
    %dma_wait3A_661 = tpu.memref_squeeze %dma_wait3A_660 : memref<1x1x!tpu.dma_semaphore, #tpu.memory_space<semaphore_mem>> -> memref<!tpu.dma_semaphore, #tpu.memory_space<semaphore_mem>>
    %dma_wait3A_662 = arith.constant 0 : i32
    %dma_wait3A_663 = tpu.memref_slice %arg4[%add3A_507, %dma_wait3A_662] : memref<2048x768xf32, #tpu.memory_space<hbm>> -> memref<8x768xf32, #tpu.memory_space<hbm>>
    %dma_wait3A_664 = arith.constant 48 : i32
    %dma_wait3A_665 = arith.constant 0 : i32
    %dma_wait3A_666 = tpu.memref_slice %arg5[%dma_wait3A_664, %dma_wait3A_665] : memref<64x768xf32, #tpu.memory_space<vmem>> -> memref<8x768xf32, #tpu.memory_space<vmem>>
    tpu.wait_dma2 semaphore(%dma_wait3A_661 : memref<!tpu.dma_semaphore, #tpu.memory_space<semaphore_mem>>) src(%dma_wait3A_666 : memref<8x768xf32, #tpu.memory_space<vmem>>) dst(%dma_wait3A_663 : memref<8x768xf32, #tpu.memory_space<hbm>>)
    %dma_wait3A_667 = arith.constant 7 : i32
    %dma_wait3A_668 = arith.constant 2 : i32
    %dma_wait3A_669 = arith.constant 56 : i32
    %dma_wait3A_670 = arith.constant 0 : i32
    %dma_wait3A_671 = tpu.memref_slice %arg5[%dma_wait3A_669, %dma_wait3A_670] : memref<64x768xf32, #tpu.memory_space<vmem>> -> memref<8x768xf32, #tpu.memory_space<vmem>>
    %dma_wait3A_672 = arith.constant 0 : i32
    %dma_wait3A_673 = tpu.memref_slice %arg4[%add3A_554, %dma_wait3A_672] : memref<2048x768xf32, #tpu.memory_space<hbm>> -> memref<8x768xf32, #tpu.memory_space<hbm>>
    %dma_wait3A_674 = tpu.memref_slice %arg9[%dma_wait3A_667, %dma_wait3A_668] : memref<8x3x!tpu.dma_semaphore, #tpu.memory_space<semaphore_mem>> -> memref<1x1x!tpu.dma_semaphore, #tpu.memory_space<semaphore_mem>>
    %dma_wait3A_675 = tpu.memref_squeeze %dma_wait3A_674 : memref<1x1x!tpu.dma_semaphore, #tpu.memory_space<semaphore_mem>> -> memref<!tpu.dma_semaphore, #tpu.memory_space<semaphore_mem>>
    %dma_wait3A_676 = arith.constant 0 : i32
    %dma_wait3A_677 = tpu.memref_slice %arg4[%add3A_554, %dma_wait3A_676] : memref<2048x768xf32, #tpu.memory_space<hbm>> -> memref<8x768xf32, #tpu.memory_space<hbm>>
    %dma_wait3A_678 = arith.constant 56 : i32
    %dma_wait3A_679 = arith.constant 0 : i32
    %dma_wait3A_680 = tpu.memref_slice %arg5[%dma_wait3A_678, %dma_wait3A_679] : memref<64x768xf32, #tpu.memory_space<vmem>> -> memref<8x768xf32, #tpu.memory_space<vmem>>
    tpu.wait_dma2 semaphore(%dma_wait3A_675 : memref<!tpu.dma_semaphore, #tpu.memory_space<semaphore_mem>>) src(%dma_wait3A_680 : memref<8x768xf32, #tpu.memory_space<vmem>>) dst(%dma_wait3A_677 : memref<8x768xf32, #tpu.memory_space<hbm>>)
    return
  }
}

#map = affine_map<(d0, d1) -> (0, 0)>
#map1 = affine_map<(d0, d1) -> (0)>
module attributes {stable_mosaic.version = 14 : i64} {
  func.func @_dispatch_body(%arg0: i32, %arg1: i32, %arg2: memref<2048x768xf32, #tpu.memory_space<hbm>>, %arg3: memref<2x2048xi32, #tpu.memory_space<hbm>>, %arg4: memref<2x2048xf32, #tpu.memory_space<hbm>>, %arg5: memref<6144x768xf32, #tpu.memory_space<hbm>>, %arg6: memref<6144xf32, #tpu.memory_space<hbm>>, %arg7: memref<64x768xf32, #tpu.memory_space<vmem>>, %arg8: memref<64xi32, #tpu.memory_space<vmem>>, %arg9: memref<64xi32, #tpu.memory_space<vmem>>, %arg10: memref<2x2048xi32, #tpu.memory_space<vmem>>, %arg11: memref<2x2048xf32, #tpu.memory_space<vmem>>, %arg12: memref<6144xf32, #tpu.memory_space<vmem>>, %arg13: memref<!tpu.dma_semaphore, #tpu.memory_space<semaphore_mem>>) attributes {dimension_semantics = [#tpu.dimension_semantics<core_parallel>, #tpu.dimension_semantics<subcore_parallel>], iteration_bounds = array<i64: 2, 16>, scalar_prefetch = 0 : i64, scratch_operands = 7 : i64, tpu.core_type = #tpu.core_type<sc_vector_subcore>, window_params = [{transform_indices = #map}, {transform_indices = #map}, {transform_indices = #map}, {transform_indices = #map}, {transform_indices = #map1}]} {
    %mul3A = arith.constant 2 : i32
    %mul3A_0 = arith.muli %arg1, %mul3A : i32
    %add3A = arith.addi %mul3A_0, %arg0 : i32
    %mul3A_1 = arith.constant 64 : i32
    %mul3A_2 = arith.muli %add3A, %mul3A_1 : i32
    %multiple_of3A = tpu.assume_multiple %mul3A_2, 64 : i32
    "tpu.region"() ({
      %run_scoped3A_16 = tpu.sem_alloc : memref<!tpu.dma_semaphore, #tpu.memory_space<semaphore_mem>>
      %dma_start3A_17 = arith.constant 0 : i32
      %dma_start3A_18 = tpu.memref_slice %arg2[%multiple_of3A, %dma_start3A_17] : memref<2048x768xf32, #tpu.memory_space<hbm>> -> memref<64x768xf32, #tpu.memory_space<hbm>>
      %dma_start3A_19 = arith.constant 0 : i32
      %dma_start3A_20 = tpu.memref_slice %arg2[%multiple_of3A, %dma_start3A_19] : memref<2048x768xf32, #tpu.memory_space<hbm>> -> memref<64x768xf32, #tpu.memory_space<hbm>>
      tpu.enqueue_dma source(%dma_start3A_20 : memref<64x768xf32, #tpu.memory_space<hbm>>) target(%arg7 : memref<64x768xf32, #tpu.memory_space<vmem>>) target_semaphore(%run_scoped3A_16 : memref<!tpu.dma_semaphore, #tpu.memory_space<semaphore_mem>>)
      %dma_wait3A_21 = arith.constant 0 : i32
      %dma_wait3A_22 = tpu.memref_slice %arg2[%multiple_of3A, %dma_wait3A_21] : memref<2048x768xf32, #tpu.memory_space<hbm>> -> memref<64x768xf32, #tpu.memory_space<hbm>>
      %dma_wait3A_23 = arith.constant 0 : i32
      %dma_wait3A_24 = tpu.memref_slice %arg2[%multiple_of3A, %dma_wait3A_23] : memref<2048x768xf32, #tpu.memory_space<hbm>> -> memref<64x768xf32, #tpu.memory_space<hbm>>
      tpu.wait_dma2 semaphore(%run_scoped3A_16 : memref<!tpu.dma_semaphore, #tpu.memory_space<semaphore_mem>>) src(%dma_wait3A_24 : memref<64x768xf32, #tpu.memory_space<hbm>>) dst(%arg7 : memref<64x768xf32, #tpu.memory_space<vmem>>)
      tpu.yield
    }) : () -> ()
    %run_scoped3A = arith.constant 0 : i32
    "tpu.region"() ({
      %run_scoped3A_16 = tpu.sem_alloc : memref<!tpu.dma_semaphore, #tpu.memory_space<semaphore_mem>>
      %dma_start3A_17 = tpu.memref_slice %arg3[%run_scoped3A, %multiple_of3A] : memref<2x2048xi32, #tpu.memory_space<hbm>> -> memref<1x64xi32, #tpu.memory_space<hbm>>
      %dma_start3A_18 = tpu.memref_squeeze %dma_start3A_17 : memref<1x64xi32, #tpu.memory_space<hbm>> -> memref<64xi32, #tpu.memory_space<hbm>>
      %dma_start3A_19 = tpu.memref_slice %arg3[%run_scoped3A, %multiple_of3A] : memref<2x2048xi32, #tpu.memory_space<hbm>> -> memref<1x64xi32, #tpu.memory_space<hbm>>
      %dma_start3A_20 = tpu.memref_squeeze %dma_start3A_19 : memref<1x64xi32, #tpu.memory_space<hbm>> -> memref<64xi32, #tpu.memory_space<hbm>>
      tpu.enqueue_dma source(%dma_start3A_20 : memref<64xi32, #tpu.memory_space<hbm>>) target(%arg8 : memref<64xi32, #tpu.memory_space<vmem>>) target_semaphore(%run_scoped3A_16 : memref<!tpu.dma_semaphore, #tpu.memory_space<semaphore_mem>>)
      %dma_wait3A_21 = tpu.memref_slice %arg3[%run_scoped3A, %multiple_of3A] : memref<2x2048xi32, #tpu.memory_space<hbm>> -> memref<1x64xi32, #tpu.memory_space<hbm>>
      %dma_wait3A_22 = tpu.memref_squeeze %dma_wait3A_21 : memref<1x64xi32, #tpu.memory_space<hbm>> -> memref<64xi32, #tpu.memory_space<hbm>>
      %dma_wait3A_23 = tpu.memref_slice %arg3[%run_scoped3A, %multiple_of3A] : memref<2x2048xi32, #tpu.memory_space<hbm>> -> memref<1x64xi32, #tpu.memory_space<hbm>>
      %dma_wait3A_24 = tpu.memref_squeeze %dma_wait3A_23 : memref<1x64xi32, #tpu.memory_space<hbm>> -> memref<64xi32, #tpu.memory_space<hbm>>
      tpu.wait_dma2 semaphore(%run_scoped3A_16 : memref<!tpu.dma_semaphore, #tpu.memory_space<semaphore_mem>>) src(%dma_wait3A_24 : memref<64xi32, #tpu.memory_space<hbm>>) dst(%arg8 : memref<64xi32, #tpu.memory_space<vmem>>)
      tpu.yield
    }) : () -> ()
    %run_scoped3A_3 = arith.constant 1 : i32
    "tpu.region"() ({
      %run_scoped3A_16 = tpu.sem_alloc : memref<!tpu.dma_semaphore, #tpu.memory_space<semaphore_mem>>
      %dma_start3A_17 = tpu.memref_slice %arg3[%run_scoped3A_3, %multiple_of3A] : memref<2x2048xi32, #tpu.memory_space<hbm>> -> memref<1x64xi32, #tpu.memory_space<hbm>>
      %dma_start3A_18 = tpu.memref_squeeze %dma_start3A_17 : memref<1x64xi32, #tpu.memory_space<hbm>> -> memref<64xi32, #tpu.memory_space<hbm>>
      %dma_start3A_19 = tpu.memref_slice %arg3[%run_scoped3A_3, %multiple_of3A] : memref<2x2048xi32, #tpu.memory_space<hbm>> -> memref<1x64xi32, #tpu.memory_space<hbm>>
      %dma_start3A_20 = tpu.memref_squeeze %dma_start3A_19 : memref<1x64xi32, #tpu.memory_space<hbm>> -> memref<64xi32, #tpu.memory_space<hbm>>
      tpu.enqueue_dma source(%dma_start3A_20 : memref<64xi32, #tpu.memory_space<hbm>>) target(%arg9 : memref<64xi32, #tpu.memory_space<vmem>>) target_semaphore(%run_scoped3A_16 : memref<!tpu.dma_semaphore, #tpu.memory_space<semaphore_mem>>)
      %dma_wait3A_21 = tpu.memref_slice %arg3[%run_scoped3A_3, %multiple_of3A] : memref<2x2048xi32, #tpu.memory_space<hbm>> -> memref<1x64xi32, #tpu.memory_space<hbm>>
      %dma_wait3A_22 = tpu.memref_squeeze %dma_wait3A_21 : memref<1x64xi32, #tpu.memory_space<hbm>> -> memref<64xi32, #tpu.memory_space<hbm>>
      %dma_wait3A_23 = tpu.memref_slice %arg3[%run_scoped3A_3, %multiple_of3A] : memref<2x2048xi32, #tpu.memory_space<hbm>> -> memref<1x64xi32, #tpu.memory_space<hbm>>
      %dma_wait3A_24 = tpu.memref_squeeze %dma_wait3A_23 : memref<1x64xi32, #tpu.memory_space<hbm>> -> memref<64xi32, #tpu.memory_space<hbm>>
      tpu.wait_dma2 semaphore(%run_scoped3A_16 : memref<!tpu.dma_semaphore, #tpu.memory_space<semaphore_mem>>) src(%dma_wait3A_24 : memref<64xi32, #tpu.memory_space<hbm>>) dst(%arg9 : memref<64xi32, #tpu.memory_space<vmem>>)
      tpu.yield
    }) : () -> ()
    %dma_start3A = arith.constant 0 : i32
    %dma_start3A_4 = arith.constant 0 : i32
    %dma_start3A_5 = tpu.memref_slice %arg5[%dma_start3A, %dma_start3A_4] : memref<6144x768xf32, #tpu.memory_space<hbm>> -> memref<6144x768xf32, #tpu.memory_space<hbm>>
    tpu.enqueue_indirect_dma source(%arg7 : memref<64x768xf32, #tpu.memory_space<vmem>>) target(%dma_start3A_5 : memref<6144x768xf32, #tpu.memory_space<hbm>>) offsets(%arg8 : memref<64xi32, #tpu.memory_space<vmem>>) semaphore(%arg13 : memref<!tpu.dma_semaphore, #tpu.memory_space<semaphore_mem>>)
    %dma_start3A_6 = arith.constant 0 : i32
    %dma_start3A_7 = arith.constant 0 : i32
    %dma_start3A_8 = tpu.memref_slice %arg5[%dma_start3A_6, %dma_start3A_7] : memref<6144x768xf32, #tpu.memory_space<hbm>> -> memref<6144x768xf32, #tpu.memory_space<hbm>>
    tpu.enqueue_indirect_dma source(%arg7 : memref<64x768xf32, #tpu.memory_space<vmem>>) target(%dma_start3A_8 : memref<6144x768xf32, #tpu.memory_space<hbm>>) offsets(%arg9 : memref<64xi32, #tpu.memory_space<vmem>>) semaphore(%arg13 : memref<!tpu.dma_semaphore, #tpu.memory_space<semaphore_mem>>)
    %eq3A = arith.constant 0 : i32
    %eq3A_9 = arith.cmpi eq, %add3A, %eq3A : i32
    %convert_element_type3A = arith.extui %eq3A_9 : i1 to i32
    %cond3A = arith.constant 0 : i32
    %cond3A_10 = arith.cmpi ne, %convert_element_type3A, %cond3A : i32
    scf.if %cond3A_10 {
      "tpu.region"() ({
        %run_scoped3A_29 = tpu.sem_alloc : memref<!tpu.dma_semaphore, #tpu.memory_space<semaphore_mem>>
        tpu.enqueue_dma source(%arg3 : memref<2x2048xi32, #tpu.memory_space<hbm>>) target(%arg10 : memref<2x2048xi32, #tpu.memory_space<vmem>>) target_semaphore(%run_scoped3A_29 : memref<!tpu.dma_semaphore, #tpu.memory_space<semaphore_mem>>)
        tpu.wait_dma2 semaphore(%run_scoped3A_29 : memref<!tpu.dma_semaphore, #tpu.memory_space<semaphore_mem>>) src(%arg3 : memref<2x2048xi32, #tpu.memory_space<hbm>>) dst(%arg10 : memref<2x2048xi32, #tpu.memory_space<vmem>>)
        tpu.yield
      }) : () -> ()
      "tpu.region"() ({
        %run_scoped3A_29 = tpu.sem_alloc : memref<!tpu.dma_semaphore, #tpu.memory_space<semaphore_mem>>
        tpu.enqueue_dma source(%arg4 : memref<2x2048xf32, #tpu.memory_space<hbm>>) target(%arg11 : memref<2x2048xf32, #tpu.memory_space<vmem>>) target_semaphore(%run_scoped3A_29 : memref<!tpu.dma_semaphore, #tpu.memory_space<semaphore_mem>>)
        tpu.wait_dma2 semaphore(%run_scoped3A_29 : memref<!tpu.dma_semaphore, #tpu.memory_space<semaphore_mem>>) src(%arg4 : memref<2x2048xf32, #tpu.memory_space<hbm>>) dst(%arg11 : memref<2x2048xf32, #tpu.memory_space<vmem>>)
        tpu.yield
      }) : () -> ()
      %scan3A = arith.constant 0 : i32
      %scan3A_16 = arith.constant 0 : i32
      %scan3A_17 = arith.constant 384 : i32
      %scan3A_18 = arith.addi %scan3A_16, %scan3A_17 : i32
      %scan3A_19 = arith.constant 1 : i32
      %scan3A_20 = scf.for %scan3A_29 = %scan3A_16 to %scan3A_18 step %scan3A_19 iter_args(%scan3A_30 = %scan3A) -> (i32)  : i32 {
        %broadcast_in_dim3A = arith.constant 0.000000e+00 : f32
        %broadcast_in_dim3A_31 = vector.broadcast %broadcast_in_dim3A : f32 to vector<16xf32>
        %mul3A_32 = arith.constant 16 : i32
        %mul3A_33 = arith.muli %scan3A_29, %mul3A_32 : i32
        %swap3A = arith.index_cast %mul3A_33 : i32 to index
        %swap3A_34 = tpu.vector_load %arg12[%swap3A] {strides = array<i32>} : memref<6144xf32, #tpu.memory_space<vmem>>, vector<16xf32>,
        tpu.vector_store %arg12[%swap3A], %broadcast_in_dim3A_31 {strides = array<i32>} : memref<6144xf32, #tpu.memory_space<vmem>>, vector<16xf32>,
        %scan3A_35 = arith.constant 0 : i32
        scf.yield %scan3A_35 : i32
      }
      %scan3A_21 = arith.constant 384 : i32
      %scan3A_22 = arith.constant 0 : i32
      %scan3A_23 = arith.constant 0 : i32
      %scan3A_24 = arith.constant 256 : i32
      %scan3A_25 = arith.addi %scan3A_23, %scan3A_24 : i32
      %scan3A_26 = arith.constant 1 : i32
      %scan3A_27 = scf.for %scan3A_29 = %scan3A_23 to %scan3A_25 step %scan3A_26 iter_args(%scan3A_30 = %scan3A_22) -> (i32)  : i32 {
        %jit3A = arith.constant 128 : i32
        %div3A = arith.divsi %scan3A_29, %jit3A : i32
        %sign3A = arith.constant 0 : i32
        %sign3A_31 = arith.cmpi sgt, %scan3A_29, %sign3A : i32
        %sign3A_32 = arith.extui %sign3A_31 : i1 to i32
        %sign3A_33 = arith.constant 0 : i32
        %sign3A_34 = arith.cmpi slt, %scan3A_29, %sign3A_33 : i32
        %sign3A_35 = arith.extui %sign3A_34 : i1 to i32
        %sign3A_36 = arith.subi %sign3A_32, %sign3A_35 : i32
        %sign3A_37 = arith.constant 0 : i32
        %sign3A_38 = arith.cmpi sgt, %jit3A, %sign3A_37 : i32
        %sign3A_39 = arith.extui %sign3A_38 : i1 to i32
        %sign3A_40 = arith.constant 0 : i32
        %sign3A_41 = arith.cmpi slt, %jit3A, %sign3A_40 : i32
        %sign3A_42 = arith.extui %sign3A_41 : i1 to i32
        %sign3A_43 = arith.subi %sign3A_39, %sign3A_42 : i32
        %ne3A = arith.cmpi ne, %sign3A_36, %sign3A_43 : i32
        %rem3A = arith.remsi %scan3A_29, %jit3A : i32
        %ne3A_44 = arith.constant 0 : i32
        %ne3A_45 = arith.cmpi ne, %rem3A, %ne3A_44 : i32
        %and3A = arith.andi %ne3A, %ne3A_45 : i1
        %sub3A = arith.constant 1 : i32
        %sub3A_46 = arith.subi %div3A, %sub3A : i32
        %select_n3A = arith.select %and3A, %sub3A_46, %div3A : i32
        %jit3A_47 = arith.constant 128 : i32
        %eq3A_48 = arith.constant 0 : i32
        %eq3A_49 = arith.cmpi eq, %jit3A_47, %eq3A_48 : i32
        %jit3A_50 = arith.constant 1 : i32
        %select_n3A_51 = arith.select %eq3A_49, %jit3A_50, %jit3A_47 : i32
        %rem3A_52 = arith.remsi %scan3A_29, %select_n3A_51 : i32
        %ne3A_53 = arith.constant 0 : i32
        %ne3A_54 = arith.cmpi ne, %rem3A_52, %ne3A_53 : i32
        %lt3A = arith.constant 0 : i32
        %lt3A_55 = arith.cmpi slt, %rem3A_52, %lt3A : i32
        %lt3A_56 = arith.constant 0 : i32
        %lt3A_57 = arith.cmpi slt, %select_n3A_51, %lt3A_56 : i32
        %ne3A_58 = arith.xori %lt3A_55, %lt3A_57 : i1
        %and3A_59 = arith.andi %ne3A_58, %ne3A_54 : i1
        %add3A_60 = arith.addi %rem3A_52, %select_n3A_51 : i32
        %select_n3A_61 = arith.select %and3A_59, %add3A_60, %rem3A_52 : i32
        %mul3A_62 = arith.constant 16 : i32
        %mul3A_63 = arith.muli %select_n3A_61, %mul3A_62 : i32
        %get3A = arith.index_cast %select_n3A : i32 to index
        %get3A_64 = arith.index_cast %mul3A_63 : i32 to index
        %get3A_65 = tpu.vector_load %arg10[%get3A, %get3A_64] {strides = array<i32>} : memref<2x2048xi32, #tpu.memory_space<vmem>>, vector<16xi32>,
        %mul3A_66 = arith.constant 16 : i32
        %mul3A_67 = arith.muli %select_n3A_61, %mul3A_66 : i32
        %get3A_68 = arith.index_cast %select_n3A : i32 to index
        %get3A_69 = arith.index_cast %mul3A_67 : i32 to index
        %get3A_70 = tpu.vector_load %arg11[%get3A_68, %get3A_69] {strides = array<i32>} : memref<2x2048xf32, #tpu.memory_space<vmem>>, vector<16xf32>,
        tpu.vector_store_idx %arg12[%get3A_65], %get3A_70 : memref<6144xf32, #tpu.memory_space<vmem>>[vector<16xi32>], vector<16xf32>,
        %scan3A_71 = arith.constant 0 : i32
        scf.yield %scan3A_71 : i32
      }
      %scan3A_28 = arith.constant 256 : i32
      "tpu.region"() ({
        %run_scoped3A_29 = tpu.sem_alloc : memref<!tpu.dma_semaphore, #tpu.memory_space<semaphore_mem>>
        tpu.enqueue_dma source(%arg12 : memref<6144xf32, #tpu.memory_space<vmem>>) target(%arg6 : memref<6144xf32, #tpu.memory_space<hbm>>) target_semaphore(%run_scoped3A_29 : memref<!tpu.dma_semaphore, #tpu.memory_space<semaphore_mem>>)
        tpu.wait_dma2 semaphore(%run_scoped3A_29 : memref<!tpu.dma_semaphore, #tpu.memory_space<semaphore_mem>>) src(%arg12 : memref<6144xf32, #tpu.memory_space<vmem>>) dst(%arg6 : memref<6144xf32, #tpu.memory_space<hbm>>)
        tpu.yield
      }) : () -> ()
    } else {
    }
    %dma_wait3A = arith.constant 0 : i32
    %dma_wait3A_11 = arith.constant 0 : i32
    %dma_wait3A_12 = tpu.memref_slice %arg5[%dma_wait3A, %dma_wait3A_11] : memref<6144x768xf32, #tpu.memory_space<hbm>> -> memref<6144x768xf32, #tpu.memory_space<hbm>>
    tpu.wait_indirect_dma semaphore(%arg13 : memref<!tpu.dma_semaphore, #tpu.memory_space<semaphore_mem>>) src(%arg7 : memref<64x768xf32, #tpu.memory_space<vmem>>) dst(%dma_wait3A_12 : memref<6144x768xf32, #tpu.memory_space<hbm>>)
    %dma_wait3A_13 = arith.constant 0 : i32
    %dma_wait3A_14 = arith.constant 0 : i32
    %dma_wait3A_15 = tpu.memref_slice %arg5[%dma_wait3A_13, %dma_wait3A_14] : memref<6144x768xf32, #tpu.memory_space<hbm>> -> memref<6144x768xf32, #tpu.memory_space<hbm>>
    tpu.wait_indirect_dma semaphore(%arg13 : memref<!tpu.dma_semaphore, #tpu.memory_space<semaphore_mem>>) src(%arg7 : memref<64x768xf32, #tpu.memory_space<vmem>>) dst(%dma_wait3A_15 : memref<6144x768xf32, #tpu.memory_space<hbm>>)
    return
  }
}

module attributes {stable_mosaic.version = 14 : i64} {
  func.func @_router_body(%arg0: memref<2048x768xf32, #tpu.memory_space<vmem>>, %arg1: memref<8x768xf32, #tpu.memory_space<vmem>>, %arg2: memref<2x2048xi32, #tpu.memory_space<vmem>>, %arg3: memref<2x2048xf32, #tpu.memory_space<vmem>>, %arg4: memref<24x4xi32, #tpu.memory_space<vmem>>) attributes {dimension_semantics = [], scalar_prefetch = 0 : i64, scratch_operands = 0 : i64, tpu.core_type = #tpu.core_type<tc>} {
    %get3A = arith.constant 0 : index
    %get3A_0 = arith.constant 0 : index
    %get3A_1 = vector.load %arg0[%get3A, %get3A_0] : memref<2048x768xf32, #tpu.memory_space<vmem>>, vector<2048x768xf32>
    %get3A_2 = arith.constant 0 : index
    %get3A_3 = arith.constant 0 : index
    %get3A_4 = vector.load %arg1[%get3A_2, %get3A_3] : memref<8x768xf32, #tpu.memory_space<vmem>>, vector<8x768xf32>
    %dot_general3A = arith.constant dense<0.000000e+00> : vector<2048x8xf32>
    %dot_general3A_5 = tpu.matmul %get3A_1, %get3A_4, %dot_general3A {dimension_numbers = #tpu.dot_dimension_numbers<[1], [1], [0], [0], [0, 0, 1, 0], [], []>, transpose_lhs_hint = false} : vector<2048x768xf32>, vector<8x768xf32>, vector<2048x8xf32> -> vector<2048x8xf32>
    %iota3A = tpu.iota {dimensions = array<i32: 1>} : vector<2048x8xi32>
    %reduce_max3A = arith.constant dense<0xFF800000> : vector<2048xf32>
    %reduce_max3A_6 = vector.multi_reduction <maximumf>, %dot_general3A_5, %reduce_max3A [1] : vector<2048x8xf32> to vector<2048xf32>
    %broadcast_in_dim3A = vector.shape_cast %reduce_max3A_6 : vector<2048xf32> to vector<2048x1xf32>
    %eq3A = vector.broadcast %broadcast_in_dim3A : vector<2048x1xf32> to vector<2048x8xf32>
    %eq3A_7 = arith.cmpf oeq, %dot_general3A_5, %eq3A : vector<2048x8xf32>
    %jit3A = arith.constant 8 : i32
    %broadcast_in_dim3A_8 = vector.broadcast %jit3A : i32 to vector<2048x8xi32>
    %select_n3A = arith.select %eq3A_7, %iota3A, %broadcast_in_dim3A_8 : vector<2048x8xi1>, vector<2048x8xi32>
    %reduce_min3A = arith.constant dense<2147483647> : vector<2048xi32>
    %reduce_min3A_9 = vector.multi_reduction <minsi>, %select_n3A, %reduce_min3A [1] : vector<2048x8xi32> to vector<2048xi32>
    %broadcast_in_dim3A_10 = vector.shape_cast %reduce_min3A_9 : vector<2048xi32> to vector<2048x1xi32>
    %eq3A_11 = vector.broadcast %broadcast_in_dim3A_10 : vector<2048x1xi32> to vector<2048x8xi32>
    %eq3A_12 = arith.cmpi eq, %iota3A, %eq3A_11 : vector<2048x8xi32>
    %jit3A_13 = arith.constant -1.000000e+30 : f32
    %broadcast_in_dim3A_14 = vector.broadcast %jit3A_13 : f32 to vector<2048x8xf32>
    %select_n3A_15 = arith.select %eq3A_12, %broadcast_in_dim3A_14, %dot_general3A_5 : vector<2048x8xi1>, vector<2048x8xf32>
    %reduce_max3A_16 = arith.constant dense<0xFF800000> : vector<2048xf32>
    %reduce_max3A_17 = vector.multi_reduction <maximumf>, %select_n3A_15, %reduce_max3A_16 [1] : vector<2048x8xf32> to vector<2048xf32>
    %broadcast_in_dim3A_18 = vector.shape_cast %reduce_max3A_17 : vector<2048xf32> to vector<2048x1xf32>
    %eq3A_19 = vector.broadcast %broadcast_in_dim3A_18 : vector<2048x1xf32> to vector<2048x8xf32>
    %eq3A_20 = arith.cmpf oeq, %select_n3A_15, %eq3A_19 : vector<2048x8xf32>
    %jit3A_21 = arith.constant 8 : i32
    %broadcast_in_dim3A_22 = vector.broadcast %jit3A_21 : i32 to vector<2048x8xi32>
    %select_n3A_23 = arith.select %eq3A_20, %iota3A, %broadcast_in_dim3A_22 : vector<2048x8xi1>, vector<2048x8xi32>
    %reduce_min3A_24 = arith.constant dense<2147483647> : vector<2048xi32>
    %reduce_min3A_25 = vector.multi_reduction <minsi>, %select_n3A_23, %reduce_min3A_24 [1] : vector<2048x8xi32> to vector<2048xi32>
    %broadcast_in_dim3A_26 = vector.shape_cast %reduce_min3A_25 : vector<2048xi32> to vector<2048x1xi32>
    %sub3A = arith.subf %broadcast_in_dim3A_18, %broadcast_in_dim3A : vector<2048x1xf32>
    %exp3A = math.exp %sub3A : vector<2048x1xf32>
    %add3A = arith.constant 1.000000e+00 : f32
    %add3A_27 = vector.broadcast %add3A : f32 to vector<2048x1xf32>
    %add3A_28 = arith.addf %add3A_27, %exp3A : vector<2048x1xf32>
    %div3A = arith.constant 1.000000e+00 : f32
    %div3A_29 = vector.broadcast %div3A : f32 to vector<2048x1xf32>
    %div3A_30 = arith.divf %div3A_29, %add3A_28 : vector<2048x1xf32>
    %add3A_31 = arith.constant 1.000000e+00 : f32
    %add3A_32 = vector.broadcast %add3A_31 : f32 to vector<2048x1xf32>
    %add3A_33 = arith.addf %add3A_32, %exp3A : vector<2048x1xf32>
    %div3A_34 = arith.divf %exp3A, %add3A_33 : vector<2048x1xf32>
    %eq3A_35 = vector.broadcast %broadcast_in_dim3A_10 : vector<2048x1xi32> to vector<2048x8xi32>
    %eq3A_36 = arith.cmpi eq, %iota3A, %eq3A_35 : vector<2048x8xi32>
    %convert_element_type3A = arith.extui %eq3A_36 : vector<2048x8xi1> to vector<2048x8xi32>
    %convert_element_type3A_37 = arith.sitofp %convert_element_type3A : vector<2048x8xi32> to vector<2048x8xf32>
    %eq3A_38 = vector.broadcast %broadcast_in_dim3A_26 : vector<2048x1xi32> to vector<2048x8xi32>
    %eq3A_39 = arith.cmpi eq, %iota3A, %eq3A_38 : vector<2048x8xi32>
    %convert_element_type3A_40 = arith.extui %eq3A_39 : vector<2048x8xi1> to vector<2048x8xi32>
    %convert_element_type3A_41 = arith.sitofp %convert_element_type3A_40 : vector<2048x8xi32> to vector<2048x8xf32>
    %add3A_42 = arith.addf %convert_element_type3A_37, %convert_element_type3A_41 : vector<2048x8xf32>
    %iota3A_43 = tpu.iota {dimensions = array<i32: 0>} : vector<2048x2048xi32>
    %iota3A_44 = tpu.iota {dimensions = array<i32: 1>} : vector<2048x2048xi32>
    %lt3A = arith.cmpi slt, %iota3A_44, %iota3A_43 : vector<2048x2048xi32>
    %convert_element_type3A_45 = arith.extui %lt3A : vector<2048x2048xi1> to vector<2048x2048xi32>
    %convert_element_type3A_46 = arith.sitofp %convert_element_type3A_45 : vector<2048x2048xi32> to vector<2048x2048xf32>
    %dot_general3A_47 = arith.constant dense<0.000000e+00> : vector<2048x8xf32>
    %dot_general3A_48 = tpu.matmul %convert_element_type3A_46, %add3A_42, %dot_general3A_47 {dimension_numbers = #tpu.dot_dimension_numbers<[1], [0], [0], [1], [0, 0, 1, 1], [], []>, transpose_lhs_hint = false} : vector<2048x2048xf32>, vector<2048x8xf32>, vector<2048x8xf32> -> vector<2048x8xf32>
    %slice3A = vector.extract_strided_slice %dot_general3A_48 {offsets = [2047, 0], sizes = [1, 8], strides = [1, 1]} : vector<2048x8xf32> to vector<1x8xf32>
    %slice3A_49 = vector.extract_strided_slice %add3A_42 {offsets = [2047, 0], sizes = [1, 8], strides = [1, 1]} : vector<2048x8xf32> to vector<1x8xf32>
    %add3A_50 = arith.addf %slice3A, %slice3A_49 : vector<1x8xf32>
    %mul3A = arith.constant 3.906250e-03 : f32
    %mul3A_51 = vector.broadcast %mul3A : f32 to vector<1x8xf32>
    %mul3A_52 = arith.mulf %add3A_50, %mul3A_51 : vector<1x8xf32>
    %ceil3A = math.ceil %mul3A_52 : vector<1x8xf32>
    %mul3A_53 = arith.constant 2.560000e+02 : f32
    %mul3A_54 = vector.broadcast %mul3A_53 : f32 to vector<1x8xf32>
    %mul3A_55 = arith.mulf %ceil3A, %mul3A_54 : vector<1x8xf32>
    %iota3A_56 = tpu.iota {dimensions = array<i32: 0>} : vector<8x8xi32>
    %iota3A_57 = tpu.iota {dimensions = array<i32: 1>} : vector<8x8xi32>
    %lt3A_58 = arith.cmpi slt, %iota3A_56, %iota3A_57 : vector<8x8xi32>
    %convert_element_type3A_59 = arith.extui %lt3A_58 : vector<8x8xi1> to vector<8x8xi32>
    %convert_element_type3A_60 = arith.sitofp %convert_element_type3A_59 : vector<8x8xi32> to vector<8x8xf32>
    %dot_general3A_61 = arith.constant dense<0.000000e+00> : vector<1x8xf32>
    %dot_general3A_62 = tpu.matmul %mul3A_55, %convert_element_type3A_60, %dot_general3A_61 {dimension_numbers = #tpu.dot_dimension_numbers<[1], [0], [0], [1], [0, 0, 1, 1], [], []>, transpose_lhs_hint = false} : vector<1x8xf32>, vector<8x8xf32>, vector<1x8xf32> -> vector<1x8xf32>
    %add3A_63 = arith.addf %dot_general3A_62, %mul3A_55 : vector<1x8xf32>
    %add3A_64 = vector.broadcast %dot_general3A_62 : vector<1x8xf32> to vector<2048x8xf32>
    %add3A_65 = arith.addf %add3A_64, %dot_general3A_48 : vector<2048x8xf32>
    %mul3A_66 = arith.mulf %add3A_65, %convert_element_type3A_37 : vector<2048x8xf32>
    %reduce_sum3A = arith.constant dense<0.000000e+00> : vector<2048xf32>
    %reduce_sum3A_67 = vector.multi_reduction <add>, %mul3A_66, %reduce_sum3A [1] : vector<2048x8xf32> to vector<2048xf32>
    %broadcast_in_dim3A_68 = vector.shape_cast %reduce_sum3A_67 : vector<2048xf32> to vector<1x2048xf32>
    %add3A_69 = vector.broadcast %dot_general3A_62 : vector<1x8xf32> to vector<2048x8xf32>
    %add3A_70 = arith.addf %add3A_69, %dot_general3A_48 : vector<2048x8xf32>
    %mul3A_71 = arith.mulf %add3A_70, %convert_element_type3A_41 : vector<2048x8xf32>
    %reduce_sum3A_72 = arith.constant dense<0.000000e+00> : vector<2048xf32>
    %reduce_sum3A_73 = vector.multi_reduction <add>, %mul3A_71, %reduce_sum3A_72 [1] : vector<2048x8xf32> to vector<2048xf32>
    %broadcast_in_dim3A_74 = vector.shape_cast %reduce_sum3A_73 : vector<2048xf32> to vector<1x2048xf32>
    %concatenate3A = tpu.concatenate %broadcast_in_dim3A_68, %broadcast_in_dim3A_74 in 0 : vector<1x2048xf32>, vector<1x2048xf32> -> vector<2x2048xf32>
    %convert_element_type3A_75 = arith.fptosi %concatenate3A : vector<2x2048xf32> to vector<2x2048xi32>
    %swap3A = arith.constant 0 : index
    %swap3A_76 = arith.constant 0 : index
    %swap3A_77 = vector.load %arg2[%swap3A, %swap3A_76] : memref<2x2048xi32, #tpu.memory_space<vmem>>, vector<2x2048xi32>
    tpu.vector_store %arg2[%swap3A, %swap3A_76], %convert_element_type3A_75 {strides = array<i32>} : memref<2x2048xi32, #tpu.memory_space<vmem>>, vector<2x2048xi32>,
    %transpose3A = tpu.transpose %div3A_30, [1, 0] : vector<2048x1xf32> -> vector<1x2048xf32>
    %transpose3A_78 = tpu.transpose %div3A_34, [1, 0] : vector<2048x1xf32> -> vector<1x2048xf32>
    %concatenate3A_79 = tpu.concatenate %transpose3A, %transpose3A_78 in 0 : vector<1x2048xf32>, vector<1x2048xf32> -> vector<2x2048xf32>
    %swap3A_80 = arith.constant 0 : index
    %swap3A_81 = arith.constant 0 : index
    %swap3A_82 = vector.load %arg3[%swap3A_80, %swap3A_81] : memref<2x2048xf32, #tpu.memory_space<vmem>>, vector<2x2048xf32>
    tpu.vector_store %arg3[%swap3A_80, %swap3A_81], %concatenate3A_79 {strides = array<i32>} : memref<2x2048xf32, #tpu.memory_space<vmem>>, vector<2x2048xf32>,
    %iota3A_83 = tpu.iota {dimensions = array<i32: 0>} : vector<24x8xi32>
    %mul3A_84 = arith.constant 256 : i32
    %mul3A_85 = vector.broadcast %mul3A_84 : i32 to vector<24x8xi32>
    %mul3A_86 = arith.muli %iota3A_83, %mul3A_85 : vector<24x8xi32>
    %convert_element_type3A_87 = arith.sitofp %mul3A_86 : vector<24x8xi32> to vector<24x8xf32>
    %ge3A = vector.broadcast %add3A_63 : vector<1x8xf32> to vector<24x8xf32>
    %ge3A_88 = arith.cmpf oge, %convert_element_type3A_87, %ge3A : vector<24x8xf32>
    %convert_element_type3A_89 = arith.extui %ge3A_88 : vector<24x8xi1> to vector<24x8xi32>
    %reduce_sum3A_90 = arith.constant dense<0> : vector<24xi32>
    %reduce_sum3A_91 = vector.multi_reduction <add>, %convert_element_type3A_89, %reduce_sum3A_90 [1] : vector<24x8xi32> to vector<24xi32>
    %broadcast_in_dim3A_92 = vector.shape_cast %reduce_sum3A_91 : vector<24xi32> to vector<24x1xi32>
    %min3A = arith.constant 7 : i32
    %min3A_93 = vector.broadcast %min3A : i32 to vector<24x1xi32>
    %min3A_94 = arith.minsi %broadcast_in_dim3A_92, %min3A_93 : vector<24x1xi32>
    %iota3A_95 = tpu.iota {dimensions = array<i32: 0>} : vector<24x24xi32>
    %iota3A_96 = tpu.iota {dimensions = array<i32: 1>} : vector<24x24xi32>
    %broadcast_in_dim3A_97 = vector.shape_cast %min3A_94 : vector<24x1xi32> to vector<24x1xi32>
    %broadcast_in_dim3A_98 = vector.broadcast %broadcast_in_dim3A_97 : vector<24x1xi32> to vector<24x24xi32>
    %transpose3A_99 = tpu.transpose %min3A_94, [1, 0] : vector<24x1xi32> -> vector<1x24xi32>
    %broadcast_in_dim3A_100 = vector.shape_cast %transpose3A_99 : vector<1x24xi32> to vector<1x24xi32>
    %broadcast_in_dim3A_101 = vector.broadcast %broadcast_in_dim3A_100 : vector<1x24xi32> to vector<24x24xi32>
    %sub3A_102 = arith.constant 1 : i32
    %sub3A_103 = vector.broadcast %sub3A_102 : i32 to vector<24x24xi32>
    %sub3A_104 = arith.subi %iota3A_95, %sub3A_103 : vector<24x24xi32>
    %eq3A_105 = arith.cmpi eq, %iota3A_96, %sub3A_104 : vector<24x24xi32>
    %ne3A = arith.cmpi ne, %broadcast_in_dim3A_98, %broadcast_in_dim3A_101 : vector<24x24xi32>
    %and3A = arith.andi %eq3A_105, %ne3A : vector<24x24xi1>
    %jit3A_106 = arith.constant 1 : i32
    %jit3A_107 = arith.constant 0 : i32
    %broadcast_in_dim3A_108 = vector.broadcast %jit3A_106 : i32 to vector<24x24xi32>
    %broadcast_in_dim3A_109 = vector.broadcast %jit3A_107 : i32 to vector<24x24xi32>
    %select_n3A_110 = arith.select %and3A, %broadcast_in_dim3A_108, %broadcast_in_dim3A_109 : vector<24x24xi1>, vector<24x24xi32>
    %reduce_sum3A_111 = arith.constant dense<0> : vector<24xi32>
    %reduce_sum3A_112 = vector.multi_reduction <add>, %select_n3A_110, %reduce_sum3A_111 [1] : vector<24x24xi32> to vector<24xi32>
    %broadcast_in_dim3A_113 = vector.shape_cast %reduce_sum3A_112 : vector<24xi32> to vector<24x1xi32>
    %transpose3A_114 = tpu.transpose %broadcast_in_dim3A_113, [1, 0] : vector<24x1xi32> -> vector<1x24xi32>
    %broadcast_in_dim3A_115 = vector.shape_cast %transpose3A_114 : vector<1x24xi32> to vector<1x24xi32>
    %broadcast_in_dim3A_116 = vector.broadcast %broadcast_in_dim3A_115 : vector<1x24xi32> to vector<24x24xi32>
    %le3A = arith.cmpi sle, %iota3A_96, %iota3A_95 : vector<24x24xi32>
    %jit3A_117 = arith.constant 0 : i32
    %broadcast_in_dim3A_118 = vector.broadcast %jit3A_117 : i32 to vector<24x24xi32>
    %select_n3A_119 = arith.select %le3A, %broadcast_in_dim3A_116, %broadcast_in_dim3A_118 : vector<24x24xi1>, vector<24x24xi32>
    %reduce_sum3A_120 = arith.constant dense<0> : vector<24xi32>
    %reduce_sum3A_121 = vector.multi_reduction <add>, %select_n3A_119, %reduce_sum3A_120 [1] : vector<24x24xi32> to vector<24xi32>
    %broadcast_in_dim3A_122 = vector.shape_cast %reduce_sum3A_121 : vector<24xi32> to vector<24x1xi32>
    %jit3A_123 = arith.constant 2 : i32
    %eq3A_124 = arith.constant 0 : i32
    %eq3A_125 = arith.cmpi eq, %jit3A_123, %eq3A_124 : i32
    %jit3A_126 = arith.constant 1 : i32
    %select_n3A_127 = arith.select %eq3A_125, %jit3A_126, %jit3A_123 : i32
    %rem3A = vector.broadcast %select_n3A_127 : i32 to vector<24x1xi32>
    %rem3A_128 = arith.remsi %broadcast_in_dim3A_122, %rem3A : vector<24x1xi32>
    %ne3A_129 = arith.constant 0 : i32
    %ne3A_130 = vector.broadcast %ne3A_129 : i32 to vector<24x1xi32>
    %ne3A_131 = arith.cmpi ne, %rem3A_128, %ne3A_130 : vector<24x1xi32>
    %lt3A_132 = arith.constant 0 : i32
    %lt3A_133 = vector.broadcast %lt3A_132 : i32 to vector<24x1xi32>
    %lt3A_134 = arith.cmpi slt, %rem3A_128, %lt3A_133 : vector<24x1xi32>
    %lt3A_135 = arith.constant 0 : i32
    %lt3A_136 = arith.cmpi slt, %select_n3A_127, %lt3A_135 : i32
    %ne3A_137 = vector.broadcast %lt3A_136 : i1 to vector<24x1xi1>
    %ne3A_138 = vector.broadcast %ne3A_137 : vector<24x1xi1> to vector<24x1xi1>
    %ne3A_139 = arith.xori %lt3A_134, %ne3A_138 : vector<24x1xi1>
    %and3A_140 = arith.andi %ne3A_139, %ne3A_131 : vector<24x1xi1>
    %add3A_141 = vector.broadcast %select_n3A_127 : i32 to vector<24x1xi32>
    %add3A_142 = arith.addi %rem3A_128, %add3A_141 : vector<24x1xi32>
    %select_n3A_143 = arith.select %and3A_140, %add3A_142, %rem3A_128 : vector<24x1xi1>, vector<24x1xi32>
    %gt3A = arith.cmpi sgt, %iota3A_96, %iota3A_95 : vector<24x24xi32>
    %eq3A_144 = arith.constant 1 : i32
    %eq3A_145 = vector.broadcast %eq3A_144 : i32 to vector<24x24xi32>
    %eq3A_146 = arith.cmpi eq, %broadcast_in_dim3A_116, %eq3A_145 : vector<24x24xi32>
    %and3A_147 = arith.andi %gt3A, %eq3A_146 : vector<24x24xi1>
    %jit3A_148 = arith.constant 24 : i32
    %broadcast_in_dim3A_149 = vector.broadcast %jit3A_148 : i32 to vector<24x24xi32>
    %select_n3A_150 = arith.select %and3A_147, %iota3A_96, %broadcast_in_dim3A_149 : vector<24x24xi1>, vector<24x24xi32>
    %reduce_min3A_151 = arith.constant dense<2147483647> : vector<24xi32>
    %reduce_min3A_152 = vector.multi_reduction <minsi>, %select_n3A_150, %reduce_min3A_151 [1] : vector<24x24xi32> to vector<24xi32>
    %broadcast_in_dim3A_153 = vector.shape_cast %reduce_min3A_152 : vector<24xi32> to vector<24x1xi32>
    %iota3A_154 = tpu.iota {dimensions = array<i32: 0>} : vector<24x1xi32>
    %eq3A_155 = arith.constant 1 : i32
    %eq3A_156 = vector.broadcast %eq3A_155 : i32 to vector<24x1xi32>
    %eq3A_157 = arith.cmpi eq, %broadcast_in_dim3A_113, %eq3A_156 : vector<24x1xi32>
    %eq3A_158 = arith.constant 0 : i32
    %eq3A_159 = vector.broadcast %eq3A_158 : i32 to vector<24x1xi32>
    %eq3A_160 = arith.cmpi eq, %iota3A_154, %eq3A_159 : vector<24x1xi32>
    %or3A = arith.ori %eq3A_157, %eq3A_160 : vector<24x1xi1>
    %jit3A_161 = arith.constant 1 : i32
    %jit3A_162 = arith.constant 0 : i32
    %broadcast_in_dim3A_163 = vector.broadcast %jit3A_161 : i32 to vector<24x1xi32>
    %broadcast_in_dim3A_164 = vector.broadcast %jit3A_162 : i32 to vector<24x1xi32>
    %select_n3A_165 = arith.select %or3A, %broadcast_in_dim3A_163, %broadcast_in_dim3A_164 : vector<24x1xi1>, vector<24x1xi32>
    %concatenate3A_166 = tpu.concatenate %min3A_94, %select_n3A_143, %broadcast_in_dim3A_153, %select_n3A_165 in 1 : vector<24x1xi32>, vector<24x1xi32>, vector<24x1xi32>, vector<24x1xi32> -> vector<24x4xi32>
    %swap3A_167 = arith.constant 0 : index
    %swap3A_168 = arith.constant 0 : index
    %swap3A_169 = vector.load %arg4[%swap3A_167, %swap3A_168] : memref<24x4xi32, #tpu.memory_space<vmem>>, vector<24x4xi32>
    tpu.vector_store %arg4[%swap3A_167, %swap3A_168], %concatenate3A_166 {strides = array<i32>} : memref<24x4xi32, #tpu.memory_space<vmem>>, vector<24x4xi32>,
    return
  }
}

module attributes {stable_mosaic.version = 14 : i64} {
  func.func @_ffn_body(%arg0: i32, %arg1: memref<24x4xi32, #tpu.memory_space<smem>>, %arg2: memref<256x768xf32, #tpu.memory_space<vmem>>, %arg3: memref<1x1x768xf32, #tpu.memory_space<vmem>>, %arg4: memref<8x3072x768xf32, #tpu.memory_space<any>>, %arg5: memref<8x3072x768xf32, #tpu.memory_space<any>>, %arg6: memref<8x768x3072xf32, #tpu.memory_space<any>>, %arg7: memref<1x1x256xf32, #tpu.memory_space<vmem>>, %arg8: memref<256x768xf32, #tpu.memory_space<vmem>>, %arg9: memref<2x3072x768xf32, #tpu.memory_space<vmem>>, %arg10: memref<2x3072x768xf32, #tpu.memory_space<vmem>>, %arg11: memref<2x768x3072xf32, #tpu.memory_space<vmem>>, %arg12: memref<2x3x!tpu.dma_semaphore, #tpu.memory_space<semaphore_mem>>) attributes {dimension_semantics = [#tpu.dimension_semantics<arbitrary>], iteration_bounds = array<i64: 24>, scalar_prefetch = 1 : i64, scratch_operands = 4 : i64, tpu.core_type = #tpu.core_type<tc>, window_params = [{transform_indices = @transform_0, window_bounds = array<i64: 256, 768>}, {transform_indices = @transform_1, window_bounds = array<i64: 1, 1, 768>}, {}, {}, {}, {transform_indices = @transform_5, window_bounds = array<i64: 1, 1, 256>}, {transform_indices = @transform_6, window_bounds = array<i64: 256, 768>}]} {
    %get3A = arith.index_cast %arg0 : i32 to index
    %get3A_0 = arith.constant 1 : index
    %get3A_1 = memref.load %arg1[%get3A, %get3A_0] : memref<24x4xi32, #tpu.memory_space<smem>>
    %get3A_2 = arith.index_cast %arg0 : i32 to index
    %get3A_3 = arith.constant 2 : index
    %get3A_4 = memref.load %arg1[%get3A_2, %get3A_3] : memref<24x4xi32, #tpu.memory_space<smem>>
    %get3A_5 = arith.index_cast %arg0 : i32 to index
    %get3A_6 = arith.constant 3 : index
    %get3A_7 = memref.load %arg1[%get3A_5, %get3A_6] : memref<24x4xi32, #tpu.memory_space<smem>>
    %eq3A = arith.constant 1 : i32
    %eq3A_8 = arith.cmpi eq, %get3A_7, %eq3A : i32
    %eq3A_9 = arith.constant 0 : i32
    %eq3A_10 = arith.cmpi eq, %arg0, %eq3A_9 : i32
    %convert_element_type3A = arith.extui %eq3A_10 : i1 to i32
    %cond3A = arith.constant 0 : i32
    %cond3A_11 = arith.cmpi ne, %convert_element_type3A, %cond3A : i32
    scf.if %cond3A_11 {
      %get3A_69 = arith.constant 0 : index
      %get3A_70 = arith.constant 0 : index
      %get3A_71 = memref.load %arg1[%get3A_69, %get3A_70] : memref<24x4xi32, #tpu.memory_space<smem>>
      %dma_start3A = arith.constant 0 : i32
      %dma_start3A_72 = arith.constant 0 : i32
      %dma_start3A_73 = arith.constant 0 : i32
      %dma_start3A_74 = tpu.memref_slice %arg12[%dma_start3A_72, %dma_start3A_73] : memref<2x3x!tpu.dma_semaphore, #tpu.memory_space<semaphore_mem>> -> memref<1x1x!tpu.dma_semaphore, #tpu.memory_space<semaphore_mem>>
      %dma_start3A_75 = tpu.memref_squeeze %dma_start3A_74 : memref<1x1x!tpu.dma_semaphore, #tpu.memory_space<semaphore_mem>> -> memref<!tpu.dma_semaphore, #tpu.memory_space<semaphore_mem>>
      %dma_start3A_76 = arith.constant 0 : i32
      %dma_start3A_77 = arith.constant 0 : i32
      %dma_start3A_78 = tpu.memref_slice %arg9[%dma_start3A, %dma_start3A_76, %dma_start3A_77] : memref<2x3072x768xf32, #tpu.memory_space<vmem>> -> memref<1x3072x768xf32, #tpu.memory_space<vmem>>
      %dma_start3A_79 = tpu.memref_squeeze %dma_start3A_78 : memref<1x3072x768xf32, #tpu.memory_space<vmem>> -> memref<3072x768xf32, #tpu.memory_space<vmem>>
      %dma_start3A_80 = arith.constant 0 : i32
      %dma_start3A_81 = arith.constant 0 : i32
      %dma_start3A_82 = tpu.memref_slice %arg4[%get3A_71, %dma_start3A_80, %dma_start3A_81] : memref<8x3072x768xf32, #tpu.memory_space<any>> -> memref<1x3072x768xf32, #tpu.memory_space<any>>
      %dma_start3A_83 = tpu.memref_squeeze %dma_start3A_82 : memref<1x3072x768xf32, #tpu.memory_space<any>> -> memref<3072x768xf32, #tpu.memory_space<any>>
      tpu.enqueue_dma source(%dma_start3A_83 : memref<3072x768xf32, #tpu.memory_space<any>>) target(%dma_start3A_79 : memref<3072x768xf32, #tpu.memory_space<vmem>>) target_semaphore(%dma_start3A_75 : memref<!tpu.dma_semaphore, #tpu.memory_space<semaphore_mem>>)
      %dma_start3A_84 = arith.constant 0 : i32
      %dma_start3A_85 = arith.constant 0 : i32
      %dma_start3A_86 = arith.constant 1 : i32
      %dma_start3A_87 = tpu.memref_slice %arg12[%dma_start3A_85, %dma_start3A_86] : memref<2x3x!tpu.dma_semaphore, #tpu.memory_space<semaphore_mem>> -> memref<1x1x!tpu.dma_semaphore, #tpu.memory_space<semaphore_mem>>
      %dma_start3A_88 = tpu.memref_squeeze %dma_start3A_87 : memref<1x1x!tpu.dma_semaphore, #tpu.memory_space<semaphore_mem>> -> memref<!tpu.dma_semaphore, #tpu.memory_space<semaphore_mem>>
      %dma_start3A_89 = arith.constant 0 : i32
      %dma_start3A_90 = arith.constant 0 : i32
      %dma_start3A_91 = tpu.memref_slice %arg10[%dma_start3A_84, %dma_start3A_89, %dma_start3A_90] : memref<2x3072x768xf32, #tpu.memory_space<vmem>> -> memref<1x3072x768xf32, #tpu.memory_space<vmem>>
      %dma_start3A_92 = tpu.memref_squeeze %dma_start3A_91 : memref<1x3072x768xf32, #tpu.memory_space<vmem>> -> memref<3072x768xf32, #tpu.memory_space<vmem>>
      %dma_start3A_93 = arith.constant 0 : i32
      %dma_start3A_94 = arith.constant 0 : i32
      %dma_start3A_95 = tpu.memref_slice %arg5[%get3A_71, %dma_start3A_93, %dma_start3A_94] : memref<8x3072x768xf32, #tpu.memory_space<any>> -> memref<1x3072x768xf32, #tpu.memory_space<any>>
      %dma_start3A_96 = tpu.memref_squeeze %dma_start3A_95 : memref<1x3072x768xf32, #tpu.memory_space<any>> -> memref<3072x768xf32, #tpu.memory_space<any>>
      tpu.enqueue_dma source(%dma_start3A_96 : memref<3072x768xf32, #tpu.memory_space<any>>) target(%dma_start3A_92 : memref<3072x768xf32, #tpu.memory_space<vmem>>) target_semaphore(%dma_start3A_88 : memref<!tpu.dma_semaphore, #tpu.memory_space<semaphore_mem>>)
      %dma_start3A_97 = arith.constant 0 : i32
      %dma_start3A_98 = arith.constant 0 : i32
      %dma_start3A_99 = arith.constant 2 : i32
      %dma_start3A_100 = tpu.memref_slice %arg12[%dma_start3A_98, %dma_start3A_99] : memref<2x3x!tpu.dma_semaphore, #tpu.memory_space<semaphore_mem>> -> memref<1x1x!tpu.dma_semaphore, #tpu.memory_space<semaphore_mem>>
      %dma_start3A_101 = tpu.memref_squeeze %dma_start3A_100 : memref<1x1x!tpu.dma_semaphore, #tpu.memory_space<semaphore_mem>> -> memref<!tpu.dma_semaphore, #tpu.memory_space<semaphore_mem>>
      %dma_start3A_102 = arith.constant 0 : i32
      %dma_start3A_103 = arith.constant 0 : i32
      %dma_start3A_104 = tpu.memref_slice %arg11[%dma_start3A_97, %dma_start3A_102, %dma_start3A_103] : memref<2x768x3072xf32, #tpu.memory_space<vmem>> -> memref<1x768x3072xf32, #tpu.memory_space<vmem>>
      %dma_start3A_105 = tpu.memref_squeeze %dma_start3A_104 : memref<1x768x3072xf32, #tpu.memory_space<vmem>> -> memref<768x3072xf32, #tpu.memory_space<vmem>>
      %dma_start3A_106 = arith.constant 0 : i32
      %dma_start3A_107 = arith.constant 0 : i32
      %dma_start3A_108 = tpu.memref_slice %arg6[%get3A_71, %dma_start3A_106, %dma_start3A_107] : memref<8x768x3072xf32, #tpu.memory_space<any>> -> memref<1x768x3072xf32, #tpu.memory_space<any>>
      %dma_start3A_109 = tpu.memref_squeeze %dma_start3A_108 : memref<1x768x3072xf32, #tpu.memory_space<any>> -> memref<768x3072xf32, #tpu.memory_space<any>>
      tpu.enqueue_dma source(%dma_start3A_109 : memref<768x3072xf32, #tpu.memory_space<any>>) target(%dma_start3A_105 : memref<768x3072xf32, #tpu.memory_space<vmem>>) target_semaphore(%dma_start3A_101 : memref<!tpu.dma_semaphore, #tpu.memory_space<semaphore_mem>>)
    } else {
    }
    %lt3A = arith.constant 24 : i32
    %lt3A_12 = arith.cmpi slt, %get3A_4, %lt3A : i32
    %and3A = arith.andi %eq3A_8, %lt3A_12 : i1
    %convert_element_type3A_13 = arith.extui %and3A : i1 to i32
    %cond3A_14 = arith.constant 0 : i32
    %cond3A_15 = arith.cmpi ne, %convert_element_type3A_13, %cond3A_14 : i32
    scf.if %cond3A_15 {
      %min3A = arith.constant 23 : i32
      %min3A_69 = arith.minsi %get3A_4, %min3A : i32
      %get3A_70 = arith.index_cast %min3A_69 : i32 to index
      %get3A_71 = arith.constant 0 : index
      %get3A_72 = memref.load %arg1[%get3A_70, %get3A_71] : memref<24x4xi32, #tpu.memory_space<smem>>
      %add3A_73 = arith.constant 1 : i32
      %add3A_74 = arith.addi %get3A_1, %add3A_73 : i32
      %jit3A_75 = arith.constant 2 : i32
      %eq3A_76 = arith.constant 0 : i32
      %eq3A_77 = arith.cmpi eq, %jit3A_75, %eq3A_76 : i32
      %jit3A_78 = arith.constant 1 : i32
      %select_n3A_79 = arith.select %eq3A_77, %jit3A_78, %jit3A_75 : i32
      %rem3A = arith.remsi %add3A_74, %select_n3A_79 : i32
      %ne3A = arith.constant 0 : i32
      %ne3A_80 = arith.cmpi ne, %rem3A, %ne3A : i32
      %lt3A_81 = arith.constant 0 : i32
      %lt3A_82 = arith.cmpi slt, %rem3A, %lt3A_81 : i32
      %lt3A_83 = arith.constant 0 : i32
      %lt3A_84 = arith.cmpi slt, %select_n3A_79, %lt3A_83 : i32
      %ne3A_85 = arith.xori %lt3A_82, %lt3A_84 : i1
      %and3A_86 = arith.andi %ne3A_85, %ne3A_80 : i1
      %add3A_87 = arith.addi %rem3A, %select_n3A_79 : i32
      %select_n3A_88 = arith.select %and3A_86, %add3A_87, %rem3A : i32
      %dma_start3A = arith.constant 0 : i32
      %dma_start3A_89 = tpu.memref_slice %arg12[%select_n3A_88, %dma_start3A] : memref<2x3x!tpu.dma_semaphore, #tpu.memory_space<semaphore_mem>> -> memref<1x1x!tpu.dma_semaphore, #tpu.memory_space<semaphore_mem>>
      %dma_start3A_90 = tpu.memref_squeeze %dma_start3A_89 : memref<1x1x!tpu.dma_semaphore, #tpu.memory_space<semaphore_mem>> -> memref<!tpu.dma_semaphore, #tpu.memory_space<semaphore_mem>>
      %dma_start3A_91 = arith.constant 0 : i32
      %dma_start3A_92 = arith.constant 0 : i32
      %dma_start3A_93 = tpu.memref_slice %arg9[%select_n3A_88, %dma_start3A_91, %dma_start3A_92] : memref<2x3072x768xf32, #tpu.memory_space<vmem>> -> memref<1x3072x768xf32, #tpu.memory_space<vmem>>
      %dma_start3A_94 = tpu.memref_squeeze %dma_start3A_93 : memref<1x3072x768xf32, #tpu.memory_space<vmem>> -> memref<3072x768xf32, #tpu.memory_space<vmem>>
      %dma_start3A_95 = arith.constant 0 : i32
      %dma_start3A_96 = arith.constant 0 : i32
      %dma_start3A_97 = tpu.memref_slice %arg4[%get3A_72, %dma_start3A_95, %dma_start3A_96] : memref<8x3072x768xf32, #tpu.memory_space<any>> -> memref<1x3072x768xf32, #tpu.memory_space<any>>
      %dma_start3A_98 = tpu.memref_squeeze %dma_start3A_97 : memref<1x3072x768xf32, #tpu.memory_space<any>> -> memref<3072x768xf32, #tpu.memory_space<any>>
      tpu.enqueue_dma source(%dma_start3A_98 : memref<3072x768xf32, #tpu.memory_space<any>>) target(%dma_start3A_94 : memref<3072x768xf32, #tpu.memory_space<vmem>>) target_semaphore(%dma_start3A_90 : memref<!tpu.dma_semaphore, #tpu.memory_space<semaphore_mem>>)
      %dma_start3A_99 = arith.constant 1 : i32
      %dma_start3A_100 = tpu.memref_slice %arg12[%select_n3A_88, %dma_start3A_99] : memref<2x3x!tpu.dma_semaphore, #tpu.memory_space<semaphore_mem>> -> memref<1x1x!tpu.dma_semaphore, #tpu.memory_space<semaphore_mem>>
      %dma_start3A_101 = tpu.memref_squeeze %dma_start3A_100 : memref<1x1x!tpu.dma_semaphore, #tpu.memory_space<semaphore_mem>> -> memref<!tpu.dma_semaphore, #tpu.memory_space<semaphore_mem>>
      %dma_start3A_102 = arith.constant 0 : i32
      %dma_start3A_103 = arith.constant 0 : i32
      %dma_start3A_104 = tpu.memref_slice %arg10[%select_n3A_88, %dma_start3A_102, %dma_start3A_103] : memref<2x3072x768xf32, #tpu.memory_space<vmem>> -> memref<1x3072x768xf32, #tpu.memory_space<vmem>>
      %dma_start3A_105 = tpu.memref_squeeze %dma_start3A_104 : memref<1x3072x768xf32, #tpu.memory_space<vmem>> -> memref<3072x768xf32, #tpu.memory_space<vmem>>
      %dma_start3A_106 = arith.constant 0 : i32
      %dma_start3A_107 = arith.constant 0 : i32
      %dma_start3A_108 = tpu.memref_slice %arg5[%get3A_72, %dma_start3A_106, %dma_start3A_107] : memref<8x3072x768xf32, #tpu.memory_space<any>> -> memref<1x3072x768xf32, #tpu.memory_space<any>>
      %dma_start3A_109 = tpu.memref_squeeze %dma_start3A_108 : memref<1x3072x768xf32, #tpu.memory_space<any>> -> memref<3072x768xf32, #tpu.memory_space<any>>
      tpu.enqueue_dma source(%dma_start3A_109 : memref<3072x768xf32, #tpu.memory_space<any>>) target(%dma_start3A_105 : memref<3072x768xf32, #tpu.memory_space<vmem>>) target_semaphore(%dma_start3A_101 : memref<!tpu.dma_semaphore, #tpu.memory_space<semaphore_mem>>)
      %dma_start3A_110 = arith.constant 2 : i32
      %dma_start3A_111 = tpu.memref_slice %arg12[%select_n3A_88, %dma_start3A_110] : memref<2x3x!tpu.dma_semaphore, #tpu.memory_space<semaphore_mem>> -> memref<1x1x!tpu.dma_semaphore, #tpu.memory_space<semaphore_mem>>
      %dma_start3A_112 = tpu.memref_squeeze %dma_start3A_111 : memref<1x1x!tpu.dma_semaphore, #tpu.memory_space<semaphore_mem>> -> memref<!tpu.dma_semaphore, #tpu.memory_space<semaphore_mem>>
      %dma_start3A_113 = arith.constant 0 : i32
      %dma_start3A_114 = arith.constant 0 : i32
      %dma_start3A_115 = tpu.memref_slice %arg11[%select_n3A_88, %dma_start3A_113, %dma_start3A_114] : memref<2x768x3072xf32, #tpu.memory_space<vmem>> -> memref<1x768x3072xf32, #tpu.memory_space<vmem>>
      %dma_start3A_116 = tpu.memref_squeeze %dma_start3A_115 : memref<1x768x3072xf32, #tpu.memory_space<vmem>> -> memref<768x3072xf32, #tpu.memory_space<vmem>>
      %dma_start3A_117 = arith.constant 0 : i32
      %dma_start3A_118 = arith.constant 0 : i32
      %dma_start3A_119 = tpu.memref_slice %arg6[%get3A_72, %dma_start3A_117, %dma_start3A_118] : memref<8x768x3072xf32, #tpu.memory_space<any>> -> memref<1x768x3072xf32, #tpu.memory_space<any>>
      %dma_start3A_120 = tpu.memref_squeeze %dma_start3A_119 : memref<1x768x3072xf32, #tpu.memory_space<any>> -> memref<768x3072xf32, #tpu.memory_space<any>>
      tpu.enqueue_dma source(%dma_start3A_120 : memref<768x3072xf32, #tpu.memory_space<any>>) target(%dma_start3A_116 : memref<768x3072xf32, #tpu.memory_space<vmem>>) target_semaphore(%dma_start3A_112 : memref<!tpu.dma_semaphore, #tpu.memory_space<semaphore_mem>>)
    } else {
    }
    %convert_element_type3A_16 = arith.extui %eq3A_8 : i1 to i32
    %cond3A_17 = arith.constant 0 : i32
    %cond3A_18 = arith.cmpi ne, %convert_element_type3A_16, %cond3A_17 : i32
    scf.if %cond3A_18 {
      %get3A_69 = arith.index_cast %arg0 : i32 to index
      %get3A_70 = arith.constant 0 : index
      %get3A_71 = memref.load %arg1[%get3A_69, %get3A_70] : memref<24x4xi32, #tpu.memory_space<smem>>
      %dma_wait3A = arith.constant 0 : i32
      %dma_wait3A_72 = tpu.memref_slice %arg12[%get3A_1, %dma_wait3A] : memref<2x3x!tpu.dma_semaphore, #tpu.memory_space<semaphore_mem>> -> memref<1x1x!tpu.dma_semaphore, #tpu.memory_space<semaphore_mem>>
      %dma_wait3A_73 = tpu.memref_squeeze %dma_wait3A_72 : memref<1x1x!tpu.dma_semaphore, #tpu.memory_space<semaphore_mem>> -> memref<!tpu.dma_semaphore, #tpu.memory_space<semaphore_mem>>
      %dma_wait3A_74 = arith.constant 0 : i32
      %dma_wait3A_75 = arith.constant 0 : i32
      %dma_wait3A_76 = tpu.memref_slice %arg9[%get3A_1, %dma_wait3A_74, %dma_wait3A_75] : memref<2x3072x768xf32, #tpu.memory_space<vmem>> -> memref<1x3072x768xf32, #tpu.memory_space<vmem>>
      %dma_wait3A_77 = tpu.memref_squeeze %dma_wait3A_76 : memref<1x3072x768xf32, #tpu.memory_space<vmem>> -> memref<3072x768xf32, #tpu.memory_space<vmem>>
      %dma_wait3A_78 = arith.constant 0 : i32
      %dma_wait3A_79 = arith.constant 0 : i32
      %dma_wait3A_80 = tpu.memref_slice %arg4[%get3A_71, %dma_wait3A_78, %dma_wait3A_79] : memref<8x3072x768xf32, #tpu.memory_space<any>> -> memref<1x3072x768xf32, #tpu.memory_space<any>>
      %dma_wait3A_81 = tpu.memref_squeeze %dma_wait3A_80 : memref<1x3072x768xf32, #tpu.memory_space<any>> -> memref<3072x768xf32, #tpu.memory_space<any>>
      tpu.wait_dma2 semaphore(%dma_wait3A_73 : memref<!tpu.dma_semaphore, #tpu.memory_space<semaphore_mem>>) src(%dma_wait3A_81 : memref<3072x768xf32, #tpu.memory_space<any>>) dst(%dma_wait3A_77 : memref<3072x768xf32, #tpu.memory_space<vmem>>)
      %dma_wait3A_82 = arith.constant 1 : i32
      %dma_wait3A_83 = tpu.memref_slice %arg12[%get3A_1, %dma_wait3A_82] : memref<2x3x!tpu.dma_semaphore, #tpu.memory_space<semaphore_mem>> -> memref<1x1x!tpu.dma_semaphore, #tpu.memory_space<semaphore_mem>>
      %dma_wait3A_84 = tpu.memref_squeeze %dma_wait3A_83 : memref<1x1x!tpu.dma_semaphore, #tpu.memory_space<semaphore_mem>> -> memref<!tpu.dma_semaphore, #tpu.memory_space<semaphore_mem>>
      %dma_wait3A_85 = arith.constant 0 : i32
      %dma_wait3A_86 = arith.constant 0 : i32
      %dma_wait3A_87 = tpu.memref_slice %arg10[%get3A_1, %dma_wait3A_85, %dma_wait3A_86] : memref<2x3072x768xf32, #tpu.memory_space<vmem>> -> memref<1x3072x768xf32, #tpu.memory_space<vmem>>
      %dma_wait3A_88 = tpu.memref_squeeze %dma_wait3A_87 : memref<1x3072x768xf32, #tpu.memory_space<vmem>> -> memref<3072x768xf32, #tpu.memory_space<vmem>>
      %dma_wait3A_89 = arith.constant 0 : i32
      %dma_wait3A_90 = arith.constant 0 : i32
      %dma_wait3A_91 = tpu.memref_slice %arg5[%get3A_71, %dma_wait3A_89, %dma_wait3A_90] : memref<8x3072x768xf32, #tpu.memory_space<any>> -> memref<1x3072x768xf32, #tpu.memory_space<any>>
      %dma_wait3A_92 = tpu.memref_squeeze %dma_wait3A_91 : memref<1x3072x768xf32, #tpu.memory_space<any>> -> memref<3072x768xf32, #tpu.memory_space<any>>
      tpu.wait_dma2 semaphore(%dma_wait3A_84 : memref<!tpu.dma_semaphore, #tpu.memory_space<semaphore_mem>>) src(%dma_wait3A_92 : memref<3072x768xf32, #tpu.memory_space<any>>) dst(%dma_wait3A_88 : memref<3072x768xf32, #tpu.memory_space<vmem>>)
      %dma_wait3A_93 = arith.constant 2 : i32
      %dma_wait3A_94 = tpu.memref_slice %arg12[%get3A_1, %dma_wait3A_93] : memref<2x3x!tpu.dma_semaphore, #tpu.memory_space<semaphore_mem>> -> memref<1x1x!tpu.dma_semaphore, #tpu.memory_space<semaphore_mem>>
      %dma_wait3A_95 = tpu.memref_squeeze %dma_wait3A_94 : memref<1x1x!tpu.dma_semaphore, #tpu.memory_space<semaphore_mem>> -> memref<!tpu.dma_semaphore, #tpu.memory_space<semaphore_mem>>
      %dma_wait3A_96 = arith.constant 0 : i32
      %dma_wait3A_97 = arith.constant 0 : i32
      %dma_wait3A_98 = tpu.memref_slice %arg11[%get3A_1, %dma_wait3A_96, %dma_wait3A_97] : memref<2x768x3072xf32, #tpu.memory_space<vmem>> -> memref<1x768x3072xf32, #tpu.memory_space<vmem>>
      %dma_wait3A_99 = tpu.memref_squeeze %dma_wait3A_98 : memref<1x768x3072xf32, #tpu.memory_space<vmem>> -> memref<768x3072xf32, #tpu.memory_space<vmem>>
      %dma_wait3A_100 = arith.constant 0 : i32
      %dma_wait3A_101 = arith.constant 0 : i32
      %dma_wait3A_102 = tpu.memref_slice %arg6[%get3A_71, %dma_wait3A_100, %dma_wait3A_101] : memref<8x768x3072xf32, #tpu.memory_space<any>> -> memref<1x768x3072xf32, #tpu.memory_space<any>>
      %dma_wait3A_103 = tpu.memref_squeeze %dma_wait3A_102 : memref<1x768x3072xf32, #tpu.memory_space<any>> -> memref<768x3072xf32, #tpu.memory_space<any>>
      tpu.wait_dma2 semaphore(%dma_wait3A_95 : memref<!tpu.dma_semaphore, #tpu.memory_space<semaphore_mem>>) src(%dma_wait3A_103 : memref<768x3072xf32, #tpu.memory_space<any>>) dst(%dma_wait3A_99 : memref<768x3072xf32, #tpu.memory_space<vmem>>)
    } else {
    }
    %get3A_19 = arith.constant 0 : index
    %get3A_20 = arith.constant 0 : index
    %get3A_21 = vector.load %arg2[%get3A_19, %get3A_20] : memref<256x768xf32, #tpu.memory_space<vmem>>, vector<256x768xf32>
    %get3A_22 = arith.constant 0 : index
    %get3A_23 = arith.constant 0 : index
    %get3A_24 = arith.constant 0 : index
    %get3A_25 = vector.load %arg3[%get3A_22, %get3A_23, %get3A_24] : memref<1x1x768xf32, #tpu.memory_space<vmem>>, vector<1x1x768xf32>
    %get3A_26 = vector.shape_cast %get3A_25 : vector<1x1x768xf32> to vector<1x768xf32>
    %add3A = vector.broadcast %get3A_26 : vector<1x768xf32> to vector<256x768xf32>
    %add3A_27 = arith.addf %get3A_21, %add3A : vector<256x768xf32>
    %get3A_28 = arith.index_cast %get3A_1 : i32 to index
    %get3A_29 = arith.constant 0 : index
    %get3A_30 = arith.constant 0 : index
    %get3A_31 = vector.load %arg9[%get3A_28, %get3A_29, %get3A_30] : memref<2x3072x768xf32, #tpu.memory_space<vmem>>, vector<1x3072x768xf32>
    %get3A_32 = vector.shape_cast %get3A_31 : vector<1x3072x768xf32> to vector<3072x768xf32>
    %dot_general3A = arith.constant dense<0.000000e+00> : vector<256x3072xf32>
    %dot_general3A_33 = tpu.matmul %add3A_27, %get3A_32, %dot_general3A {dimension_numbers = #tpu.dot_dimension_numbers<[1], [1], [0], [0], [0, 0, 1, 0], [], []>, transpose_lhs_hint = false} : vector<256x768xf32>, vector<3072x768xf32>, vector<256x3072xf32> -> vector<256x3072xf32>
    %logistic3A = arith.negf %dot_general3A_33 : vector<256x3072xf32>
    %logistic3A_34 = math.exp %logistic3A : vector<256x3072xf32>
    %logistic3A_35 = arith.constant 1.000000e+00 : f32
    %logistic3A_36 = vector.broadcast %logistic3A_35 : f32 to vector<256x3072xf32>
    %logistic3A_37 = arith.addf %logistic3A_36, %logistic3A_34 : vector<256x3072xf32>
    %logistic3A_38 = arith.divf %logistic3A_36, %logistic3A_37 : vector<256x3072xf32>
    %mul3A = arith.mulf %dot_general3A_33, %logistic3A_38 : vector<256x3072xf32>
    %get3A_39 = arith.index_cast %get3A_1 : i32 to index
    %get3A_40 = arith.constant 0 : index
    %get3A_41 = arith.constant 0 : index
    %get3A_42 = vector.load %arg10[%get3A_39, %get3A_40, %get3A_41] : memref<2x3072x768xf32, #tpu.memory_space<vmem>>, vector<1x3072x768xf32>
    %get3A_43 = vector.shape_cast %get3A_42 : vector<1x3072x768xf32> to vector<3072x768xf32>
    %dot_general3A_44 = arith.constant dense<0.000000e+00> : vector<256x3072xf32>
    %dot_general3A_45 = tpu.matmul %add3A_27, %get3A_43, %dot_general3A_44 {dimension_numbers = #tpu.dot_dimension_numbers<[1], [1], [0], [0], [0, 0, 1, 0], [], []>, transpose_lhs_hint = false} : vector<256x768xf32>, vector<3072x768xf32>, vector<256x3072xf32> -> vector<256x3072xf32>
    %mul3A_46 = arith.mulf %mul3A, %dot_general3A_45 : vector<256x3072xf32>
    %get3A_47 = arith.index_cast %get3A_1 : i32 to index
    %get3A_48 = arith.constant 0 : index
    %get3A_49 = arith.constant 0 : index
    %get3A_50 = vector.load %arg11[%get3A_47, %get3A_48, %get3A_49] : memref<2x768x3072xf32, #tpu.memory_space<vmem>>, vector<1x768x3072xf32>
    %get3A_51 = vector.shape_cast %get3A_50 : vector<1x768x3072xf32> to vector<768x3072xf32>
    %dot_general3A_52 = arith.constant dense<0.000000e+00> : vector<256x768xf32>
    %dot_general3A_53 = tpu.matmul %mul3A_46, %get3A_51, %dot_general3A_52 {dimension_numbers = #tpu.dot_dimension_numbers<[1], [1], [0], [0], [0, 0, 1, 0], [], []>, transpose_lhs_hint = false} : vector<256x3072xf32>, vector<768x3072xf32>, vector<256x768xf32> -> vector<256x768xf32>
    %get3A_54 = arith.constant 0 : index
    %get3A_55 = arith.constant 0 : index
    %get3A_56 = arith.constant 0 : index
    %get3A_57 = vector.load %arg7[%get3A_54, %get3A_55, %get3A_56] : memref<1x1x256xf32, #tpu.memory_space<vmem>>, vector<1x1x256xf32>
    %get3A_58 = vector.shape_cast %get3A_57 : vector<1x1x256xf32> to vector<256xf32>
    %broadcast_in_dim3A = vector.shape_cast %get3A_58 : vector<256xf32> to vector<256x1xf32>
    %eq3A_59 = arith.constant 0.000000e+00 : f32
    %eq3A_60 = vector.broadcast %eq3A_59 : f32 to vector<256x1xf32>
    %eq3A_61 = arith.cmpf oeq, %broadcast_in_dim3A, %eq3A_60 : vector<256x1xf32>
    %mul3A_62 = vector.broadcast %broadcast_in_dim3A : vector<256x1xf32> to vector<256x768xf32>
    %mul3A_63 = arith.mulf %dot_general3A_53, %mul3A_62 : vector<256x768xf32>
    %jit3A = arith.constant 0.000000e+00 : f32
    %broadcast_in_dim3A_64 = vector.shape_cast %eq3A_61 : vector<256x1xi1> to vector<256x1xi1>
    %broadcast_in_dim3A_65 = vector.broadcast %broadcast_in_dim3A_64 : vector<256x1xi1> to vector<256x768xi1>
    %broadcast_in_dim3A_66 = vector.broadcast %jit3A : f32 to vector<256x768xf32>
    %select_n3A = arith.select %broadcast_in_dim3A_65, %broadcast_in_dim3A_66, %mul3A_63 : vector<256x768xi1>, vector<256x768xf32>
    %swap3A = arith.constant 0 : index
    %swap3A_67 = arith.constant 0 : index
    %swap3A_68 = vector.load %arg8[%swap3A, %swap3A_67] : memref<256x768xf32, #tpu.memory_space<vmem>>, vector<256x768xf32>
    tpu.vector_store %arg8[%swap3A, %swap3A_67], %select_n3A {strides = array<i32>} : memref<256x768xf32, #tpu.memory_space<vmem>>, vector<256x768xf32>,
    return
  }
  func.func @transform_0(%arg0: i32, %arg1: memref<24x4xi32, #tpu.memory_space<smem>>) -> (i32, i32) {
    %c0_i32 = arith.constant 0 : i32
    %c0_i32_0 = arith.constant 0 : i32
    return %arg0, %c0_i32 : i32, i32
  }
  func.func @transform_1(%arg0: i32, %arg1: memref<24x4xi32, #tpu.memory_space<smem>>) -> (i32, i32, i32) {
    %get3A = arith.index_cast %arg0 : i32 to index
    %get3A_0 = arith.constant 0 : index
    %get3A_1 = memref.load %arg1[%get3A, %get3A_0] : memref<24x4xi32, #tpu.memory_space<smem>>
    %c0_i32 = arith.constant 0 : i32
    %c0_i32_2 = arith.constant 0 : i32
    %c0_i32_3 = arith.constant 0 : i32
    return %get3A_1, %c0_i32, %c0_i32_2 : i32, i32, i32
  }
  func.func @transform_5(%arg0: i32, %arg1: memref<24x4xi32, #tpu.memory_space<smem>>) -> (i32, i32, i32) {
    %c0_i32 = arith.constant 0 : i32
    %c0_i32_0 = arith.constant 0 : i32
    %c0_i32_1 = arith.constant 0 : i32
    return %arg0, %c0_i32, %c0_i32_0 : i32, i32, i32
  }
  func.func @transform_6(%arg0: i32, %arg1: memref<24x4xi32, #tpu.memory_space<smem>>) -> (i32, i32) {
    %c0_i32 = arith.constant 0 : i32
    %c0_i32_0 = arith.constant 0 : i32
    return %arg0, %c0_i32 : i32, i32
  }
}

</mosaic_0001>

<sc_bundles>
// kernel: kernel.6.cloned.1.call-start
scs
__scs_entry_jumppad:
0x0: {  	(pc) =	sbr.rel $0x88, $3  }
0x1: {  	(tag) =	ssettag $0x0;
	lr =	simm.s32 $0x1  }
0x2: {  	[smem:$0x3F9B] =	sst lr;
	_ =	strace $0xD0000000  }
0x3: {  	_ = 	snop  }
0x4: {  	_ = 	snop  }
0x5: {  	_ = 	snop  }
0x6: {  	_ = 	snop  }
0x7: {  	_ = 	snop  }
__scs_overlays_trampoline_lowered:
0x8: {  	[smem:$0x3FAA] =	sst s0  }
0x9: {  	[smem:$0x3FAB] =	sst s1  }
0xa: {  	[smem:$0x3FAC] =	sst s2  }
0xb: {  	[smem:$0x3FAD] =	sst s3  }
0xc: {  	[smem:$0x3FAE] =	sst s4  }
0xd: {  	[smem:$0x3FAF] =	sst s5  }
0xe: {  	[smem:$0x3FB0] =	sst s6  }
0xf: {  	[smem:$0x3FB1] =	sst s7  }
0x10: {  	[smem:$0x3FB2] =	sst s8  }
0x11: {  	[smem:$0x3FB3] =	sst s9;
	s0 =	simm.s32 @!p0 $0x0  }
0x12: {  	s1 =	sld [smem:$0x3F99];
	s0 =	simm.s32 @p0 $0x1  }
0x13: {  	[smem:$0x3FB4] =	sst s0;
	s0 =	simm.s32 @!p1 $0x0  }
0x14: {  	s2 =	sld [smem:$0x3F98];
	s0 =	simm.s32 @p1 $0x1  }
0x15: {  	[smem:$0x3FB5] =	sst s0;
	s0 =	simm.s32 @!p2 $0x0  }
0x16: {  	s3 =	sld [smem:$0x3FDB];
	s0 =	simm.s32 @p2 $0x1  }
0x17: {  	s4 =	simm.s32 $0x1BF5;
	[smem:$0x3FB7] =	sst s0  }
0x18: {  	s0 =	sld [smem:$0x3F9A];
	_ =	swait.ge [sflag:s4], $0x0  }
0x19: {  	s7 =	sld [smem:$0x3F9B]  }
0x1a: {  	s8 =	sadd.s32 $0xFFFFE003, lr  }
0x1b: {  	s9 =	sadd.s32 $0xFFFFFEF7, lr;
	s5 =	simm.s32 $0xFFFFFFFF;
	p2 =	slt.u32 s8, $0xFFFFF086  }
0x1c: {  	p1 =	slt.u32 s9, $0xF7A;
	s5 =	simm.s32 @!p2 $0x0  }
0x1d: {  	s5 =	simm.s32 @p1 $0x1;
	p0 =	seq.s32 s7, s2  }
0x1e: {  	s7 =	smul.u32 @!p0 $0xF7A, s2;
	p2 =	seq.s32 @!p0 s5, $0x0  }
0x1f: {  	s9 =	smul.u32 $0xF7A, s1;
	s8 =	simm.s32 @!p0 $0x1BF5;
	p2 =	por !p2, p0  }
0x20: {  	[sflag:s8] =	ssyncset.s32 @!p0 $0xFFFFF086;
	s6 =	sadd.s32 @!p0 s3, s7;
	s7 =	simm.s32 @!p0 $0x108  }
0x21: {  	s3 =	sadd.s32 s3, s9;
	s6 =	sadd.s32 @!p0 $0x88, s6;
	s7 =	simm.s32 @p2 $0x1082  }
0x22: {  	[simem:s7], [sflag:s8] =	dma.local @!p0 [hbm:s6], $0xF7A  }
0x23: {  	s9 =	sor.u32 $0xD0000000, s2;
	s6 =	simm.s32 $0x108;
	_ =	swait.ge @!p0 [sflag:s8], $0x0  }
0x24: {  	s3 =	sadd.s32 $0x88, s3;
	s6 =	simm.s32 @!p1 $0x1082;
	[sflag:s4] =	ssyncset.s32 $0xFFFFF086  }
0x25: {  	[simem:s6], [sflag:s4] =	dma.local [hbm:s3], $0xF7A  }
0x26: {  	[smem:$0x3F9B] =	sst s1;
	(tag) =	ssettag s2;
	_ =	strace s9  }
0x27: {  	s1 =	sld [smem:$0x3FAB]  }
0x28: {  	s2 =	sld [smem:$0x3FAC]  }
0x29: {  	s4 =	sld [smem:$0x3FAE]  }
0x2a: {  	p0 =	seq.s32 s5, $0x0;
	s5 =	sld [smem:$0x3FAF]  }
0x2b: {  	s6 =	sld [smem:$0x3FB0]  }
0x2c: {  	s7 =	sld [smem:$0x3FB1]  }
0x2d: {  	s3 =	simm.s32 $0x108;
	s8 =	sld [smem:$0x3FB2]  }
0x2e: {  	s3 =	simm.s32 @!p0 $0x1082;
	s9 =	sld [smem:$0x3FB3]  }
0x2f: {  	lr =	sadd.s32 s0, s3;
	s0 =	sld [smem:$0x3FAA]  }
0x30: {  	s3 =	sld [smem:$0x3FAD]  }
0x31: {  	[smem:$0x3FB6] =	sst s10  }
0x32: {  	s10 =	sld [smem:$0x3FB4];
	_ =	sdelay $0x3  }
0x33: {  	p0 =	seq.s32 s10, $0x1;
	s10 =	sld [smem:$0x3FB6];
	_ =	sdelay $0x3  }
0x34: {  	[smem:$0x3FB6] =	sst s10  }
0x35: {  	s10 =	sld [smem:$0x3FB5];
	_ =	sdelay $0x3  }
0x36: {  	p1 =	seq.s32 s10, $0x1;
	s10 =	sld [smem:$0x3FB6];
	_ =	sdelay $0x3  }
0x37: {  	[smem:$0x3FB6] =	sst s10  }
0x38: {  	s10 =	sld [smem:$0x3FB7]  }
0x39: {  	_ = 	snop;
	(pc) =	sbr.ind lr, $3  }
0x3a: {  	_ = 	snop  }
0x3b: {  	_ = 	snop  }
0x3c: {  	p2 =	seq.s32 s10, $0x1;
	s10 =	sld [smem:$0x3FB6]  }
0x3d: {  	_ =	shalt  }
0x3e: {  	_ =	shalt  }
0x3f: {  	_ =	shalt  }
0x40: {  	_ =	shalt  }
0x41: {  	_ =	shalt  }
0x42: {  	_ =	shalt  }
0x43: {  	_ =	shalt  }
0x44: {  	_ =	shalt  }
0x45: {  	_ =	shalt  }
0x46: {  	_ =	shalt  }
0x47: {  	_ =	shalt  }
0x48: {  	_ =	shalt  }
0x49: {  	_ =	shalt  }
0x4a: {  	_ =	shalt  }
0x4b: {  	_ =	shalt  }
0x4c: {  	_ =	shalt  }
0x4d: {  	_ =	shalt  }
0x4e: {  	_ =	shalt  }
0x4f: {  	_ =	shalt  }
0x50: {  	_ =	shalt  }
0x51: {  	_ =	shalt  }
0x52: {  	_ =	shalt  }
0x53: {  	_ =	shalt  }
0x54: {  	_ =	shalt  }
0x55: {  	_ =	shalt  }
0x56: {  	_ =	shalt  }
0x57: {  	_ =	shalt  }
0x58: {  	_ =	shalt  }
0x59: {  	_ =	shalt  }
0x5a: {  	_ =	shalt  }
0x5b: {  	_ =	shalt  }
0x5c: {  	_ =	shalt  }
0x5d: {  	_ =	shalt  }
0x5e: {  	_ =	shalt  }
0x5f: {  	_ =	shalt  }
0x60: {  	_ =	shalt  }
0x61: {  	_ =	shalt  }
0x62: {  	_ =	shalt  }
0x63: {  	_ =	shalt  }
0x64: {  	_ =	shalt  }
0x65: {  	_ =	shalt  }
0x66: {  	_ =	shalt  }
0x67: {  	_ =	shalt  }
0x68: {  	_ =	shalt  }
0x69: {  	_ =	shalt  }
0x6a: {  	_ =	shalt  }
0x6b: {  	_ =	shalt  }
0x6c: {  	_ =	shalt  }
0x6d: {  	_ =	shalt  }
0x6e: {  	_ =	shalt  }
0x6f: {  	_ =	shalt  }
0x70: {  	_ =	shalt  }
0x71: {  	_ =	shalt  }
0x72: {  	_ =	shalt  }
0x73: {  	_ =	shalt  }
0x74: {  	_ =	shalt  }
0x75: {  	_ =	shalt  }
0x76: {  	_ =	shalt  }
0x77: {  	_ =	shalt  }
0x78: {  	_ =	shalt  }
0x79: {  	_ =	shalt  }
0x7a: {  	_ =	shalt  }
0x7b: {  	_ =	shalt  }
0x7c: {  	_ =	shalt  }
0x7d: {  	_ =	shalt  }
0x7e: {  	_ =	shalt  }
0x7f: {  	_ =	shalt  }
0x80: {  	_ =	shalt  }
0x81: {  	_ =	shalt  }
0x82: {  	_ =	shalt  }
0x83: {  	_ =	shalt  }
0x84: {  	_ =	shalt  }
0x85: {  	_ =	shalt  }
0x86: {  	_ =	shalt  }
0x87: {  	_ =	shalt  }
.Lfunc_end0:
.L_simem_size_0:
called_computation_lowered:
.L_overlay_start_0:
0x88: {  	s2 =	sld [smem:$0x3FD9]  }
0x89: {  	s3 =	sld [smem:$0x3FFE];
	_ =	sdelay $0x1  }
0x8a: {  	s1 =	srdreg.scid  }
0x8b: {  	s0 =	sand.u32 $0x1, s1  }
0x8c: {  	s17 =	sshll.u32 s0, $0xA;
	s2 =	sadd.s32 s3, s2  }
0x8d: {  	s2 =	sadd.s32 s2, s17  }
0x8e: {  	[smem:$0x3FC2] =	sst s2  }
0x8f: {  	_ = 	snop  }
0x90: {  	s2 =	sld [smem:$0x3FC9];
	(tm) =	ssettm $0x1  }
0x91: {  	s18 =	sld [smem:$0x3FFB];
	_ =	sdelay $0x3  }
0x92: {  	_ =	strace s18  }
0x93: {  	s3 =	sld [smem:$0x3FFC];
	_ =	sdelay $0x3  }
0x94: {  	_ =	strace s3  }
0x95: {  	s3 =	sld [smem:$0x3FFD];
	_ =	sdelay $0x3  }
0x96: {  	_ =	strace s3  }
0x97: {  	_ =	strace $0x8FFFFFFF  }
0x98: {  	s19 =	sld [smem:$0x3FDB];
	_ =	sdelay $0x1  }
0x99: {  	s4 =	simm.s32 $_scs_section_size  }
0x9a: {  	s5 =	simm.s32 $_size__tile_overlayer_lowered;
	s6 =	simm.s32 $_tile_overlayer_lowered  }
0x9b: {  	s22 =	simm.s32 $0x1BFF;
	s21 =	sshll.u32 s6, $0x1;
	s3 =	sadd.s32 s4, s19  }
0x9c: {  	s7 =	simm.s32 $0x0;
	s20 =	sshll.u32 s5, $0x1;
	s5 =	sadd.s32 s21, s3  }
0x9d: {  	[timem:s7], [sflag:s22] =	dma.local [hbm:s5], s20  }
0x9e: {  	_ =	swait.ge [sflag:s22], s20  }
0x9f: {  	s4 =	ssub.s32 $0x0, s20;
	[sflag:s22] =	ssyncset.done $0x0  }
0xa0: {  	[sflag:s22] =	ssyncadd.s32 s4;
	_ =	sdelay $0x1  }
0xa1: {  	s23 =	simm.s32 $0x1B8B  }
0xa2: {  	_ =	swait.ge [sflag:s23], $0x1  }
0xa3: {  	[sflag:s23] =	ssyncset.done $0x0  }
0xa4: {  	s25 =	simm.s32 $0x1B8E;
	s24 =	sld [smem:$0x3FFE];
	[sflag:s23] =	ssyncadd.s32 $0xFFFFFFFF  }
0xa5: {  	s26 =	simm.s32 $execute0_lowered;
	[smem:$0x3FD2] =	sst s25  }
0xa6: {  	s5 =	sshll.u32 s26, $0x1;
	_ =	strace $0x80000046;
	[dreg:$0x1] =	wrdreg $0xFFFFFFFF  }
0xa7: {  	s28 =	simm.s32 $_size_execute0_lowered;
	s3 =	sadd.s32 s3, s5;
	[dreg:$0x0] =	wrdreg $0x0  }
0xa8: {  	s5 =	sshll.u32 s28, $0x1;
	[dreg:$0x2] =	wrdreg s3  }
0xa9: {  	[dreg:$0x3] =	wrdreg s5  }
0xaa: {  	[dreg:$0x4] =	wrdreg $0xC0  }
0xab: {  	_ =	task [dreg:s7], $0x5FFFF  }
0xac: {  	[dreg:$0x1] =	wrdreg $0xFFFFFFFF  }
0xad: {  	[dreg:$0x0] =	wrdreg $0x60  }
0xae: {  	[dreg:$0x2] =	wrdreg s2  }
0xaf: {  	[dreg:$0x3] =	wrdreg s24  }
0xb0: {  	[dreg:$0x4] =	wrdreg $0x9  }
0xb1: {  	_ =	task.clear_ibuf [dreg:s7], $0x5FFFF;
	_ =	strace $0x90000046  }
0xb2: {  	s29 =	simm.s32 $0x9;
	_ =	strace $0x80000048  }
0xb3: {  	_ =	swait.ge [sflag:s29], $0x1  }
0xb4: {  	[sflag:s29] =	ssyncadd.s32 $0xFFFFFFFF  }
0xb5: {  	_ =	strace $0x90000048  }
0xb6: {  	_ =	sfence  }
0xb7: {  	s30 =	sld [smem:$0x0];
	_ =	sdelay $0x2  }
0xb8: {  	s31 =	sshll.u32 s1, $0xD;
	s1 =	sshrl.u32 s1, $0x2  }
0xb9: {  	s3 =	sand.u32 $0x4000, s31;
	s1 =	sadd.s32 s1, s30  }
0xba: {  	s0 =	sor.u32 s3, s0;
	s1 =	sshll.u32 s1, $0x11  }
0xbb: {  	s0 =	sor.u32 s1, s0  }
0xbc: {  	s0 =	sadd.s32 $0x8F2B, s0  }
0xbd: {  	[sflag:s0] =	ssyncadd.remote.s32 $0x1  }
0xbe: {  	_ =	sfence.sel $0xFFFF  }
0xbf: {  	[dreg:$0x0] =	wrdreg $0xFFFFFFFF;
	(pc) =	sbr.abs _section_cstart, $3  }
0xc0: {  	[dreg:$0x1] =	wrdreg $0xFFFFFFFF  }
0xc1: {  	_ =	task.clear_ibuf [dreg:s7], $0x2FFFF;
	_ =	strace $0x9FFFFFFF  }
0xc2: {  	(tm) =	ssettm $0x7FFFFFFF  }
0xc3: {  	_ =	shalt  }
tec
execute0_lowered:
.L_overlay_start_1:
0x0: {  	(tag) =	ssettag $0x1  }
0x1: {  	s0 =	rddreg [dreg:$0x0]  }
0x2: {  	s1 =	rddreg [dreg:$0x1];
	s2 =	simm.s32 $0x0  }
0x3: {  	s3 =	srdreg.scid;
	s4 =	stileid.u32;
	s13 =	simm.s32 $0x2  }
0x4: {  	s12 =	simm.s32 $0x0;
	s28 =	simm.s32 $0x3000;
	s29 =	simm.s32 $0x3800  }
0x5: {  	s30 =	simm.s32 $0x4000;
	s31 =	simm.s32 $0x4800;
	s14 =	simm.s32 $0x7800  }
0x6: {  	s15 =	simm.s32 $0x8000;
	[smem:$0x7FF] =	sst s2;
	s11 =	sadd.s32 $0x1A00, s1  }
0x7: {  	s3 =	sand.u32 $0x1, s3;
	s4 =	sshll.u32 s4, $0x1;
	s5 =	sadd.s32 $0x1C00, s1  }
0x8: {  	s6 =	sadd.s32 $0x92000, s1;
	_ =	strace $0x80000047;
	[dreg:$0x4] =	wrdreg s5  }
0x9: {  	s5 =	sadd.s32 $0x2000, s1;
	s4 =	sor.u32 s3, s4;
	[dreg:$0x5] =	wrdreg s6  }
0xa: {  	s22 =	ssub.s32 $0x2, s3;
	s3 =	sshll.u32 s3, $0x6;
	[dreg:$0x3] =	wrdreg s11  }
0xb: {  	s7 =	sshll.u32 s4, $0x7;
	s8 =	sshrl.u32 s22, $0x1;
	s10 =	smul.u32 $0x1800, s4  }
0xc: {  	p0 =	sne.s32 s4, $0x0;
	s4 =	simm.s32 $0x6000;
	s9 =	sand.u32 $0xF00, s7  }
0xd: {  	s6 =	ssub.s32 s22, s8;
	s22 =	simm.s32 $0x800;
	s8 =	simm.s32 $0xE100  }
0xe: {  	s9 =	sor.u32 s3, s9;
	s3 =	sor.u32 s3, s7;
	s0 =	sadd.s32 s0, s10  }
0xf: {  	s10 =	sadd.s32 $0x2100, s1;
	s26 =	smax.u32 s6, $0x1;
	s6 =	simm.s32 $0x6800  }
0x10: {  	s7 =	simm.s32 $0x8800;
	s23 =	sshrl.u32 s9, $0x3;
	[dreg:$0x6] =	wrdreg s0  }
.Ltmp0:
0x11: {  	s3 =	sshrl.u32 s3, $0x3;
	[dreg:$0x9] =	wrdreg s26;
	(pc) =	sbr.rel .LBB2_1-.Ltmp0, $4  }
0x12: {  	s9 =	simm.s32 $0x1;
	s26 =	simm.s32 $0x2800;
	s24 =	sadd.s32 s11, s23  }
0x13: {  	v2 =	vlaneseq.u32;
	s25 =	sor.u32 $0x10, s3;
	s23 =	simm.s32 $0x1000;
	s3 =	simm.s32 $0x7000  }
0x14: {  	vm0 =	vmmov $0xffff;
	v3 =	vimm.f32 $0.0e+00;
	v1 =	vshrl.u32 v2, $0x3;
	[dreg:$0x7] =	wrdreg s24;
	s0 =	sadd.s32 s11, s25;
	s11 =	sadd.s32 $0x2200, s1  }
0x15: {  	v0 =	vand.u32 $0x7, v2;
	v2 =	vor.u32 $0x8, v2;
	v1 =	vmul.u32 $0x8, v1;
	s24 =	simm.s32 $0x1800;
	s25 =	simm.s32 $0x2000;
	[dreg:$0x8] =	wrdreg s0  }
.LBB2_7:
0x16: {  	_ =	swait.ge [sflag:s9], $0xC000  }
0x17: {  	[sflag:s9] =	ssyncset.done $0x0  }
0x18: {  	[sflag:s9] =	ssyncadd.s32 $0xFFFF4000  }
0x19: {  	_ =	swait.ge [sflag:s9], $0xC000  }
0x1a: {  	s12 =	sadd.s32 $0x1, s12;
	s0 =	rddreg [dreg:$0x9]  }
0x1b: {  	p1 =	sne.s32 s12, s0  }
.Ltmp1:
0x1c: {  	_ = 	snop;
	(pc) =	sbr.rel @!p1 .LBB2_8-.Ltmp1, $3  }
0x1d: {  	_ =	sdelay $0x1  }
0x1e: {  	[sflag:s9] =	ssyncset.done $0x0  }
0x1f: {  	[sflag:s9] =	ssyncadd.s32 $0xFFFF4000  }
.LBB2_1:
0x20: {  	s0 =	rddreg [dreg:$0x6]  }
0x21: {  	[tilespmem:s2], [sflag:$0x2] =	stream.linear.gather [hbm4b:s0+s2], $0xC000, $0x38;
	[tilespmem:$0xF900] =	vst v63  }
0x22: {  	_ =	swait.ge [sflag:s13], $0xC000  }
0x23: {  	[sflag:s13] =	ssyncset.done $0x0  }
0x24: {  	s1 =	simm.s32 $0xC000;
	s19 =	rddreg [dreg:$0x7];
	[sflag:s13] =	ssyncadd.s32 $0xFFFF4000  }
0x25: {  	[tilespmem:s1], [sflag:$0x2] =	stream.linear.gather [hbm4b:s19+s2], $0x40, $0x38;
	[tilespmem:$0xF900] =	vst v63  }
0x26: {  	_ =	swait.ge [sflag:s13], $0x40  }
0x27: {  	[sflag:s13] =	ssyncset.done $0x0  }
0x28: {  	s21 =	simm.s32 $0xC080;
	s20 =	rddreg [dreg:$0x8];
	[sflag:s13] =	ssyncadd.s32 $0xFFFFFFC0  }
0x29: {  	[tilespmem:s21], [sflag:$0x2] =	stream.linear.gather [hbm4b:s20+s2], $0x40, $0x38;
	[tilespmem:$0xF900] =	vst v63  }
0x2a: {  	_ =	swait.ge [sflag:s13], $0x40  }
0x2b: {  	[sflag:s13] =	ssyncset.done $0x0  }
0x2c: {  	[sflag:s13] =	ssyncadd.s32 $0xFFFFFFC0  }
0x2d: {  	v4 =	vld [tilespmem:$0xC000];
	_ =	sdelay $0x4  }
0x2e: {  	v5 =	vshrl.u32 v4, $0x3  }
0x2f: {  	v5 =	vmul.u32 $0x30, v5  }
0x30: {  	v4 =	vand.u32 $0x7, v4  }
0x31: {  	v4 =	vor.u32 v4, v5  }
0x32: {  	v5 =	vperm.xlane v4, v0;
	_ =	sdelay $0x1  }
0x33: {  	v5 =	vadd.s32 v1, v5;
	_ =	sdelay $0x3  }
0x34: {  	v4 =	vperm.xlane v4, v2  }
0x35: {  	[hbm4b:s5+s2] =	stream.indirect_vreg.scatter [tilespmem:s2], [sflag:$0x1], $0x80, v5, vm0, $0xb8;
	[tilespmem:$0xF900] =	vst v63  }
0x36: {  	v4 =	vadd.s32 v1, v4  }
0x37: {  	[hbm4b:s10+s2] =	stream.indirect_vreg.scatter [tilespmem:s22], [sflag:$0x1], $0x80, v5, vm0, $0xb8;
	[tilespmem:$0xF900] =	vst v63  }
0x38: {  	_ = 	snop  }
0x39: {  	[hbm4b:s11+s2] =	stream.indirect_vreg.scatter [tilespmem:s23], [sflag:$0x1], $0x80, v5, vm0, $0xb8;
	[tilespmem:$0xF900] =	vst v63  }
0x3a: {  	_ = 	snop  }
0x3b: {  	[hbm4b:s5+s2] =	stream.indirect_vreg.scatter [tilespmem:s24], [sflag:$0x1], $0x80, v4, vm0, $0xb8;
	[tilespmem:$0xF900] =	vst v63  }
0x3c: {  	_ = 	snop  }
0x3d: {  	[hbm4b:s10+s2] =	stream.indirect_vreg.scatter [tilespmem:s25], [sflag:$0x1], $0x80, v4, vm0, $0xb8;
	[tilespmem:$0xF900] =	vst v63  }
0x3e: {  	_ = 	snop  }
0x3f: {  	[hbm4b:s11+s2] =	stream.indirect_vreg.scatter [tilespmem:s26], [sflag:$0x1], $0x80, v4, vm0, $0xb8;
	[tilespmem:$0xF900] =	vst v63  }
0x40: {  	v4 =	vld [tilespmem:$0xC010];
	_ =	sdelay $0x4  }
0x41: {  	v5 =	vshrl.u32 v4, $0x3  }
0x42: {  	v5 =	vmul.u32 $0x30, v5  }
0x43: {  	v4 =	vand.u32 $0x7, v4  }
0x44: {  	v4 =	vor.u32 v4, v5  }
0x45: {  	v5 =	vperm.xlane v4, v0;
	_ =	sdelay $0x1  }
0x46: {  	v5 =	vadd.s32 v1, v5;
	_ =	sdelay $0x3  }
0x47: {  	v4 =	vperm.xlane v4, v2  }
0x48: {  	[hbm4b:s5+s2] =	stream.indirect_vreg.scatter [tilespmem:s28], [sflag:$0x1], $0x80, v5, vm0, $0xb8;
	[tilespmem:$0xF900] =	vst v63  }
0x49: {  	v4 =	vadd.s32 v1, v4  }
0x4a: {  	[hbm4b:s10+s2] =	stream.indirect_vreg.scatter [tilespmem:s29], [sflag:$0x1], $0x80, v5, vm0, $0xb8;
	[tilespmem:$0xF900] =	vst v63  }
0x4b: {  	_ = 	snop  }
0x4c: {  	[hbm4b:s11+s2] =	stream.indirect_vreg.scatter [tilespmem:s30], [sflag:$0x1], $0x80, v5, vm0, $0xb8;
	[tilespmem:$0xF900] =	vst v63  }
0x4d: {  	_ = 	snop  }
0x4e: {  	[hbm4b:s5+s2] =	stream.indirect_vreg.scatter [tilespmem:s31], [sflag:$0x1], $0x80, v4, vm0, $0xb8;
	[tilespmem:$0xF900] =	vst v63  }
0x4f: {  	s0 =	simm.s32 $0x5000  }
0x50: {  	[hbm4b:s10+s2] =	stream.indirect_vreg.scatter [tilespmem:s0], [sflag:$0x1], $0x80, v4, vm0, $0xb8;
	[tilespmem:$0xF900] =	vst v63  }
0x51: {  	s1 =	simm.s32 $0x5800  }
0x52: {  	[hbm4b:s11+s2] =	stream.indirect_vreg.scatter [tilespmem:s1], [sflag:$0x1], $0x80, v4, vm0, $0xb8;
	[tilespmem:$0xF900] =	vst v63  }
0x53: {  	v4 =	vld [tilespmem:$0xC020];
	_ =	sdelay $0x4  }
0x54: {  	v5 =	vshrl.u32 v4, $0x3  }
0x55: {  	v5 =	vmul.u32 $0x30, v5  }
0x56: {  	v4 =	vand.u32 $0x7, v4  }
0x57: {  	v4 =	vor.u32 v4, v5  }
0x58: {  	v5 =	vperm.xlane v4, v0;
	_ =	sdelay $0x1  }
0x59: {  	v5 =	vadd.s32 v1, v5;
	_ =	sdelay $0x3  }
0x5a: {  	v4 =	vperm.xlane v4, v2  }
0x5b: {  	[hbm4b:s5+s2] =	stream.indirect_vreg.scatter [tilespmem:s4], [sflag:$0x1], $0x80, v5, vm0, $0xb8;
	[tilespmem:$0xF900] =	vst v63  }
0x5c: {  	v4 =	vadd.s32 v1, v4  }
0x5d: {  	[hbm4b:s10+s2] =	stream.indirect_vreg.scatter [tilespmem:s6], [sflag:$0x1], $0x80, v5, vm0, $0xb8;
	[tilespmem:$0xF900] =	vst v63  }
0x5e: {  	_ = 	snop  }
0x5f: {  	[hbm4b:s11+s2] =	stream.indirect_vreg.scatter [tilespmem:s3], [sflag:$0x1], $0x80, v5, vm0, $0xb8;
	[tilespmem:$0xF900] =	vst v63  }
0x60: {  	_ = 	snop  }
0x61: {  	[hbm4b:s5+s2] =	stream.indirect_vreg.scatter [tilespmem:s14], [sflag:$0x1], $0x80, v4, vm0, $0xb8;
	[tilespmem:$0xF900] =	vst v63  }
0x62: {  	_ = 	snop  }
0x63: {  	[hbm4b:s10+s2] =	stream.indirect_vreg.scatter [tilespmem:s15], [sflag:$0x1], $0x80, v4, vm0, $0xb8;
	[tilespmem:$0xF900] =	vst v63  }
0x64: {  	_ = 	snop  }
0x65: {  	[hbm4b:s11+s2] =	stream.indirect_vreg.scatter [tilespmem:s7], [sflag:$0x1], $0x80, v4, vm0, $0xb8;
	[tilespmem:$0xF900] =	vst v63  }
0x66: {  	v4 =	vld [tilespmem:$0xC030];
	_ =	sdelay $0x4  }
0x67: {  	v5 =	vshrl.u32 v4, $0x3  }
0x68: {  	v5 =	vmul.u32 $0x30, v5  }
0x69: {  	v4 =	vand.u32 $0x7, v4  }
0x6a: {  	v4 =	vor.u32 v4, v5  }
0x6b: {  	v5 =	vperm.xlane v4, v0;
	_ =	sdelay $0x1  }
0x6c: {  	v5 =	vadd.s32 v1, v5;
	_ =	sdelay $0x3  }
0x6d: {  	s20 =	simm.s32 $0x9000;
	v4 =	vperm.xlane v4, v2  }
0x6e: {  	[hbm4b:s5+s2] =	stream.indirect_vreg.scatter [tilespmem:s20], [sflag:$0x1], $0x80, v5, vm0, $0xb8;
	[tilespmem:$0xF900] =	vst v63  }
0x6f: {  	s21 =	simm.s32 $0x9800;
	v4 =	vadd.s32 v1, v4  }
0x70: {  	[hbm4b:s10+s2] =	stream.indirect_vreg.scatter [tilespmem:s21], [sflag:$0x1], $0x80, v5, vm0, $0xb8;
	[tilespmem:$0xF900] =	vst v63  }
0x71: {  	s16 =	simm.s32 $0xA000  }
0x72: {  	[hbm4b:s11+s2] =	stream.indirect_vreg.scatter [tilespmem:s16], [sflag:$0x1], $0x80, v5, vm0, $0xb8;
	[tilespmem:$0xF900] =	vst v63  }
0x73: {  	s17 =	simm.s32 $0xA800  }
0x74: {  	[hbm4b:s5+s2] =	stream.indirect_vreg.scatter [tilespmem:s17], [sflag:$0x1], $0x80, v4, vm0, $0xb8;
	[tilespmem:$0xF900] =	vst v63  }
0x75: {  	s18 =	simm.s32 $0xB000  }
0x76: {  	[hbm4b:s10+s2] =	stream.indirect_vreg.scatter [tilespmem:s18], [sflag:$0x1], $0x80, v4, vm0, $0xb8;
	[tilespmem:$0xF900] =	vst v63  }
0x77: {  	s19 =	simm.s32 $0xB800  }
0x78: {  	[hbm4b:s11+s2] =	stream.indirect_vreg.scatter [tilespmem:s19], [sflag:$0x1], $0x80, v4, vm0, $0xb8;
	[tilespmem:$0xF900] =	vst v63  }
0x79: {  	v4 =	vld [tilespmem:$0xC080];
	_ =	sdelay $0x4  }
0x7a: {  	v5 =	vshrl.u32 v4, $0x3  }
0x7b: {  	v5 =	vmul.u32 $0x30, v5  }
0x7c: {  	v4 =	vand.u32 $0x7, v4  }
0x7d: {  	v4 =	vor.u32 v4, v5  }
0x7e: {  	v5 =	vperm.xlane v4, v0;
	_ =	sdelay $0x1  }
0x7f: {  	v5 =	vadd.s32 v1, v5;
	_ =	sdelay $0x3  }
0x80: {  	v4 =	vperm.xlane v4, v2  }
0x81: {  	[hbm4b:s5+s2] =	stream.indirect_vreg.scatter [tilespmem:s2], [sflag:$0x1], $0x80, v5, vm0, $0xb8;
	[tilespmem:$0xF900] =	vst v63  }
0x82: {  	v4 =	vadd.s32 v1, v4  }
0x83: {  	[hbm4b:s10+s2] =	stream.indirect_vreg.scatter [tilespmem:s22], [sflag:$0x1], $0x80, v5, vm0, $0xb8;
	[tilespmem:$0xF900] =	vst v63  }
0x84: {  	_ = 	snop  }
0x85: {  	[hbm4b:s11+s2] =	stream.indirect_vreg.scatter [tilespmem:s23], [sflag:$0x1], $0x80, v5, vm0, $0xb8;
	[tilespmem:$0xF900] =	vst v63  }
0x86: {  	_ = 	snop  }
0x87: {  	[hbm4b:s5+s2] =	stream.indirect_vreg.scatter [tilespmem:s24], [sflag:$0x1], $0x80, v4, vm0, $0xb8;
	[tilespmem:$0xF900] =	vst v63  }
0x88: {  	_ = 	snop  }
0x89: {  	[hbm4b:s10+s2] =	stream.indirect_vreg.scatter [tilespmem:s25], [sflag:$0x1], $0x80, v4, vm0, $0xb8;
	[tilespmem:$0xF900] =	vst v63  }
0x8a: {  	_ = 	snop  }
0x8b: {  	[hbm4b:s11+s2] =	stream.indirect_vreg.scatter [tilespmem:s26], [sflag:$0x1], $0x80, v4, vm0, $0xb8;
	[tilespmem:$0xF900] =	vst v63  }
0x8c: {  	v4 =	vld [tilespmem:$0xC090];
	_ =	sdelay $0x4  }
0x8d: {  	v5 =	vshrl.u32 v4, $0x3  }
0x8e: {  	v5 =	vmul.u32 $0x30, v5  }
0x8f: {  	v4 =	vand.u32 $0x7, v4  }
0x90: {  	v4 =	vor.u32 v4, v5  }
0x91: {  	v5 =	vperm.xlane v4, v0;
	_ =	sdelay $0x1  }
0x92: {  	v5 =	vadd.s32 v1, v5;
	_ =	sdelay $0x3  }
0x93: {  	v4 =	vperm.xlane v4, v2  }
0x94: {  	[hbm4b:s5+s2] =	stream.indirect_vreg.scatter [tilespmem:s28], [sflag:$0x1], $0x80, v5, vm0, $0xb8;
	[tilespmem:$0xF900] =	vst v63  }
0x95: {  	v4 =	vadd.s32 v1, v4  }
0x96: {  	[hbm4b:s10+s2] =	stream.indirect_vreg.scatter [tilespmem:s29], [sflag:$0x1], $0x80, v5, vm0, $0xb8;
	[tilespmem:$0xF900] =	vst v63  }
0x97: {  	_ = 	snop  }
0x98: {  	[hbm4b:s11+s2] =	stream.indirect_vreg.scatter [tilespmem:s30], [sflag:$0x1], $0x80, v5, vm0, $0xb8;
	[tilespmem:$0xF900] =	vst v63  }
0x99: {  	_ = 	snop  }
0x9a: {  	[hbm4b:s5+s2] =	stream.indirect_vreg.scatter [tilespmem:s31], [sflag:$0x1], $0x80, v4, vm0, $0xb8;
	[tilespmem:$0xF900] =	vst v63  }
0x9b: {  	_ = 	snop  }
0x9c: {  	[hbm4b:s10+s2] =	stream.indirect_vreg.scatter [tilespmem:s0], [sflag:$0x1], $0x80, v4, vm0, $0xb8;
	[tilespmem:$0xF900] =	vst v63  }
0x9d: {  	_ = 	snop  }
0x9e: {  	[hbm4b:s11+s2] =	stream.indirect_vreg.scatter [tilespmem:s1], [sflag:$0x1], $0x80, v4, vm0, $0xb8;
	[tilespmem:$0xF900] =	vst v63  }
0x9f: {  	v4 =	vld [tilespmem:$0xC0A0];
	_ =	sdelay $0x4  }
0xa0: {  	v5 =	vshrl.u32 v4, $0x3  }
0xa1: {  	v5 =	vmul.u32 $0x30, v5  }
0xa2: {  	v4 =	vand.u32 $0x7, v4  }
0xa3: {  	v4 =	vor.u32 v4, v5  }
0xa4: {  	v5 =	vperm.xlane v4, v0;
	_ =	sdelay $0x1  }
0xa5: {  	v5 =	vadd.s32 v1, v5;
	_ =	sdelay $0x3  }
0xa6: {  	v4 =	vperm.xlane v4, v2  }
0xa7: {  	[hbm4b:s5+s2] =	stream.indirect_vreg.scatter [tilespmem:s4], [sflag:$0x1], $0x80, v5, vm0, $0xb8;
	[tilespmem:$0xF900] =	vst v63  }
0xa8: {  	v4 =	vadd.s32 v1, v4  }
0xa9: {  	[hbm4b:s10+s2] =	stream.indirect_vreg.scatter [tilespmem:s6], [sflag:$0x1], $0x80, v5, vm0, $0xb8;
	[tilespmem:$0xF900] =	vst v63  }
0xaa: {  	_ = 	snop  }
0xab: {  	[hbm4b:s11+s2] =	stream.indirect_vreg.scatter [tilespmem:s3], [sflag:$0x1], $0x80, v5, vm0, $0xb8;
	[tilespmem:$0xF900] =	vst v63  }
0xac: {  	_ = 	snop  }
0xad: {  	[hbm4b:s5+s2] =	stream.indirect_vreg.scatter [tilespmem:s14], [sflag:$0x1], $0x80, v4, vm0, $0xb8;
	[tilespmem:$0xF900] =	vst v63  }
0xae: {  	_ = 	snop  }
0xaf: {  	[hbm4b:s10+s2] =	stream.indirect_vreg.scatter [tilespmem:s15], [sflag:$0x1], $0x80, v4, vm0, $0xb8;
	[tilespmem:$0xF900] =	vst v63  }
0xb0: {  	_ = 	snop  }
0xb1: {  	[hbm4b:s11+s2] =	stream.indirect_vreg.scatter [tilespmem:s7], [sflag:$0x1], $0x80, v4, vm0, $0xb8;
	[tilespmem:$0xF900] =	vst v63  }
0xb2: {  	v4 =	vld [tilespmem:$0xC0B0];
	_ =	sdelay $0x4  }
0xb3: {  	v5 =	vshrl.u32 v4, $0x3  }
0xb4: {  	v5 =	vmul.u32 $0x30, v5  }
0xb5: {  	v4 =	vand.u32 $0x7, v4  }
0xb6: {  	v4 =	vor.u32 v4, v5  }
0xb7: {  	v5 =	vperm.xlane v4, v0;
	_ =	sdelay $0x1  }
0xb8: {  	v5 =	vadd.s32 v1, v5;
	_ =	sdelay $0x3  }
0xb9: {  	v4 =	vperm.xlane v4, v2  }
0xba: {  	[hbm4b:s5+s2] =	stream.indirect_vreg.scatter [tilespmem:s20], [sflag:$0x1], $0x80, v5, vm0, $0xb8;
	[tilespmem:$0xF900] =	vst v63  }
0xbb: {  	v4 =	vadd.s32 v1, v4  }
0xbc: {  	[hbm4b:s10+s2] =	stream.indirect_vreg.scatter [tilespmem:s21], [sflag:$0x1], $0x80, v5, vm0, $0xb8;
	[tilespmem:$0xF900] =	vst v63  }
0xbd: {  	_ = 	snop  }
0xbe: {  	[hbm4b:s11+s2] =	stream.indirect_vreg.scatter [tilespmem:s16], [sflag:$0x1], $0x80, v5, vm0, $0xb8;
	[tilespmem:$0xF900] =	vst v63  }
0xbf: {  	_ = 	snop  }
0xc0: {  	[hbm4b:s5+s2] =	stream.indirect_vreg.scatter [tilespmem:s17], [sflag:$0x1], $0x80, v4, vm0, $0xb8;
	[tilespmem:$0xF900] =	vst v63  }
.Ltmp2:
0xc1: {  	_ = 	snop;
	(pc) =	sbr.rel @p0 .LBB2_7-.Ltmp2, $4  }
0xc2: {  	_ = 	snop  }
0xc3: {  	[hbm4b:s10+s2] =	stream.indirect_vreg.scatter [tilespmem:s18], [sflag:$0x1], $0x80, v4, vm0, $0xb8;
	[tilespmem:$0xF900] =	vst v63  }
0xc4: {  	_ = 	snop  }
0xc5: {  	[hbm4b:s11+s2] =	stream.indirect_vreg.scatter [tilespmem:s19], [sflag:$0x1], $0x80, v4, vm0, $0xb8;
	[tilespmem:$0xF900] =	vst v63  }
0xc6: {  	s16 =	simm.s32 $0x0;
	s17 =	rddreg [dreg:$0x3];
	s0 =	simm.s32 $0xC100  }
0xc7: {  	[tilespmem:s0], [sflag:$0x2] =	stream.linear.gather [hbm4b:s17+s16], $0x1000, $0x38;
	[tilespmem:$0xF900] =	vst v63  }
0xc8: {  	_ =	swait.ge [sflag:s13], $0x1000  }
0xc9: {  	[sflag:s13] =	ssyncset.done $0x0  }
0xca: {  	s25 =	simm.s32 $0xD100;
	s24 =	rddreg [dreg:$0x4];
	[sflag:s13] =	ssyncadd.s32 $0xFFFFF000  }
0xcb: {  	[tilespmem:s25], [sflag:$0x2] =	stream.linear.gather [hbm4b:s24+s16], $0x1000, $0x38;
	[tilespmem:$0xF900] =	vst v63  }
0xcc: {  	_ =	swait.ge [sflag:s13], $0x1000  }
0xcd: {  	[sflag:s13] =	ssyncset.done $0x0  }
0xce: {  	s18 =	simm.s32 $0x0;
	s17 =	simm.s32 $0x40;
	[sflag:s13] =	ssyncadd.s32 $0xFFFFF000  }
.LBB2_3:
0xcf: {  	p1 =	sne.s32 s17, $0x5FC0;
	[tilespmem:s18+$0xE100] =	vst v3;
	s18 =	smov.u32 s17;
	s17 =	sadd.s32 $0x40, s17  }
.Ltmp3:
0xd0: {  	(pc) =	sbr.rel @p1 .LBB2_3-.Ltmp3, $2  }
0xd1: {  	_ =	sdelay $0x2  }
0xd2: {  	s18 =	sshra.s32 s18, $0x2  }
0xd3: {  	s17 =	sand.u32 $0x80, s16;
	s19 =	sand.u32 $0xF00, s16  }
0xd4: {  	s23 =	sand.u32 $0x70, s16;
	s17 =	sor.u32 s17, s19  }
0xd5: {  	[tilespmem:s18+$0xE100] =	vst v3;
	s24 =	sor.u32 s23, s17  }
0xd6: {  	v4 =	vld [tilespmem:s24+$0xC100];
	_ =	sdelay $0x2  }
0xd7: {  	v5 =	vld [tilespmem:s24+$0xD100];
	_ =	sdelay $0x1  }
0xd8: {  	s25 =	simm.s32 $0x1;
	s16 =	simm.s32 $0x10;
	s17 =	simm.s32 $0x20  }
0xd9: {  	s18 =	simm.s32 $0x2;
	s19 =	sand.u32 $0x80, s25;
	s20 =	sand.u32 $0xF00, s17  }
.LBB2_5:
0xda: {  	p1 =	sne.s32 s18, $0xFF;
	s21 =	sand.u32 $0x70, s16;
	s19 =	sor.u32 s19, s20  }
0xdb: {  	s19 =	sor.u32 s21, s19;
	[tilespmem:v4+s8+$0x0] =	vst.idx.msk $0xffff, v5  }
0xdc: {  	v4 =	vld [tilespmem:s19+$0xC100];
	_ =	sdelay $0x1  }
.Ltmp4:
0xdd: {  	(pc) =	sbr.rel @p1 .LBB2_5-.Ltmp4, $3  }
0xde: {  	v5 =	vld [tilespmem:s19+$0xD100];
	_ =	sdelay $0x1  }
0xdf: {  	s16 =	sadd.s32 $0x10, s16;
	s17 =	sadd.s32 $0x20, s17  }
0xe0: {  	s20 =	sand.u32 $0xF00, s17;
	s19 =	sand.u32 $0x80, s18;
	s18 =	sadd.s32 $0x1, s18  }
0xe1: {  	_ =	sdelay $0x2  }
0xe2: {  	s16 =	sand.u32 $0x70, s16;
	s17 =	sor.u32 s19, s20  }
0xe3: {  	s16 =	sor.u32 s16, s17;
	[tilespmem:v4+s8+$0x0] =	vst.idx.msk $0xffff, v5  }
0xe4: {  	v4 =	vld [tilespmem:s16+$0xC100];
	_ =	sdelay $0x2  }
0xe5: {  	v5 =	vld [tilespmem:s16+$0xD100];
	_ =	sdelay $0x4  }
.Ltmp5:
0xe6: {  	s25 =	rddreg [dreg:$0x5];
	[tilespmem:v4+s8+$0x0] =	vst.idx.msk $0xffff, v5;
	(pc) =	sbr.rel .LBB2_7-.Ltmp5, $4  }
0xe7: {  	[hbm4b:s25+s2] =	stream.linear.scatter [tilespmem:s8], [sflag:$0x2], $0x1800, $0x38;
	[tilespmem:$0xF900] =	vst v63  }
0xe8: {  	_ =	swait.ge [sflag:s13], $0x1800  }
0xe9: {  	s22 =	simm.s32 $0x800;
	s23 =	simm.s32 $0x1000;
	[sflag:s13] =	ssyncset.done $0x0  }
0xea: {  	s24 =	simm.s32 $0x1800;
	s25 =	simm.s32 $0x2000;
	[sflag:s13] =	ssyncadd.s32 $0xFFFFE800  }
.LBB2_8:
0xeb: {  	_ =	sfence.sel $0x180000  }
0xec: {  	[bflag:$0x0] =	sbarrier.arrive $0xFFFF  }
0xed: {  	_ =	strace $0x90000047  }
0xee: {  	s0 =	stileid.u32;
	[bflag:$0x2] =	sbarrier.arrive $0xFFFF  }
0xef: {  	p0 =	sne.s32 s0, $0x0;
	s0 =	rddreg [dreg:$0x2]  }
0xf0: {  	s0 =	sadd.s32 @!p0 $0x100000, s0  }
0xf1: {  	[sflag:s0] =	ssyncadd.tile.s32 @!p0 $0x1;
	_ =	shalt  }
.Lfunc_end2:
_tile_overlayer_lowered:
.L_overlay_start_2:
0xf2: {  	(tag) =	ssettag $0x2  }
0xf3: {  	s0 =	rddreg [dreg:$0x0];
	s2 =	stileid.u32  }
0xf4: {  	s1 =	rddreg [dreg:$0x1];
	p0 =	sne.s32 s2, $0x0  }
0xf5: {  	s3 =	rddreg [dreg:$0x2];
	[bflag:$0x3] =	sbarrier.arrive $0xFFFF;
	s2 =	simm.s32 @!p0 $0x1C02  }
0xf6: {  	[timem:s3], [sflag:s2] =	dma.local @!p0 [hbm:s0], s1  }
0xf7: {  	s0 =	simm.s32 @!p0 $0x2  }
0xf8: {  	_ =	swait.ge @!p0 [sflag:s0], s1  }
0xf9: {  	s1 =	ssub.s32 @!p0 $0x0, s1;
	[sflag:s0] =	ssyncset.done @!p0 $0x0  }
0xfa: {  	[sflag:s0] =	ssyncadd.s32 @!p0 s1  }
0xfb: {  	[bflag:$0x3] =	sbarrier.arrive $0xFFFF  }
0xfc: {  	_ =	shalt  }

// kernel: kernel.9.cloned.1.call-start
scs
__scs_entry_jumppad:
0x0: {  	(pc) =	sbr.rel $0x88, $3  }
0x1: {  	(tag) =	ssettag $0x0;
	lr =	simm.s32 $0x1  }
0x2: {  	[smem:$0x3F9B] =	sst lr;
	_ =	strace $0xD0000000  }
0x3: {  	_ = 	snop  }
0x4: {  	_ = 	snop  }
0x5: {  	_ = 	snop  }
0x6: {  	_ = 	snop  }
0x7: {  	_ = 	snop  }
__scs_overlays_trampoline_lowered:
0x8: {  	[smem:$0x3FAA] =	sst s0  }
0x9: {  	[smem:$0x3FAB] =	sst s1  }
0xa: {  	[smem:$0x3FAC] =	sst s2  }
0xb: {  	[smem:$0x3FAD] =	sst s3  }
0xc: {  	[smem:$0x3FAE] =	sst s4  }
0xd: {  	[smem:$0x3FAF] =	sst s5  }
0xe: {  	[smem:$0x3FB0] =	sst s6  }
0xf: {  	[smem:$0x3FB1] =	sst s7  }
0x10: {  	[smem:$0x3FB2] =	sst s8  }
0x11: {  	[smem:$0x3FB3] =	sst s9;
	s0 =	simm.s32 @!p0 $0x0  }
0x12: {  	s1 =	sld [smem:$0x3F99];
	s0 =	simm.s32 @p0 $0x1  }
0x13: {  	[smem:$0x3FB4] =	sst s0;
	s0 =	simm.s32 @!p1 $0x0  }
0x14: {  	s2 =	sld [smem:$0x3F98];
	s0 =	simm.s32 @p1 $0x1  }
0x15: {  	[smem:$0x3FB5] =	sst s0;
	s0 =	simm.s32 @!p2 $0x0  }
0x16: {  	s3 =	sld [smem:$0x3FDB];
	s0 =	simm.s32 @p2 $0x1  }
0x17: {  	s4 =	simm.s32 $0x1BF5;
	[smem:$0x3FB7] =	sst s0  }
0x18: {  	s0 =	sld [smem:$0x3F9A];
	_ =	swait.ge [sflag:s4], $0x0  }
0x19: {  	s7 =	sld [smem:$0x3F9B]  }
0x1a: {  	s8 =	sadd.s32 $0xFFFFE003, lr  }
0x1b: {  	s9 =	sadd.s32 $0xFFFFFEF7, lr;
	s5 =	simm.s32 $0xFFFFFFFF;
	p2 =	slt.u32 s8, $0xFFFFF086  }
0x1c: {  	p1 =	slt.u32 s9, $0xF7A;
	s5 =	simm.s32 @!p2 $0x0  }
0x1d: {  	s5 =	simm.s32 @p1 $0x1;
	p0 =	seq.s32 s7, s2  }
0x1e: {  	s7 =	smul.u32 @!p0 $0xF7A, s2;
	p2 =	seq.s32 @!p0 s5, $0x0  }
0x1f: {  	s9 =	smul.u32 $0xF7A, s1;
	s8 =	simm.s32 @!p0 $0x1BF5;
	p2 =	por !p2, p0  }
0x20: {  	[sflag:s8] =	ssyncset.s32 @!p0 $0xFFFFF086;
	s6 =	sadd.s32 @!p0 s3, s7;
	s7 =	simm.s32 @!p0 $0x108  }
0x21: {  	s3 =	sadd.s32 s3, s9;
	s6 =	sadd.s32 @!p0 $0x88, s6;
	s7 =	simm.s32 @p2 $0x1082  }
0x22: {  	[simem:s7], [sflag:s8] =	dma.local @!p0 [hbm:s6], $0xF7A  }
0x23: {  	s9 =	sor.u32 $0xD0000000, s2;
	s6 =	simm.s32 $0x108;
	_ =	swait.ge @!p0 [sflag:s8], $0x0  }
0x24: {  	s3 =	sadd.s32 $0x88, s3;
	s6 =	simm.s32 @!p1 $0x1082;
	[sflag:s4] =	ssyncset.s32 $0xFFFFF086  }
0x25: {  	[simem:s6], [sflag:s4] =	dma.local [hbm:s3], $0xF7A  }
0x26: {  	[smem:$0x3F9B] =	sst s1;
	(tag) =	ssettag s2;
	_ =	strace s9  }
0x27: {  	s1 =	sld [smem:$0x3FAB]  }
0x28: {  	s2 =	sld [smem:$0x3FAC]  }
0x29: {  	s4 =	sld [smem:$0x3FAE]  }
0x2a: {  	p0 =	seq.s32 s5, $0x0;
	s5 =	sld [smem:$0x3FAF]  }
0x2b: {  	s6 =	sld [smem:$0x3FB0]  }
0x2c: {  	s7 =	sld [smem:$0x3FB1]  }
0x2d: {  	s3 =	simm.s32 $0x108;
	s8 =	sld [smem:$0x3FB2]  }
0x2e: {  	s3 =	simm.s32 @!p0 $0x1082;
	s9 =	sld [smem:$0x3FB3]  }
0x2f: {  	lr =	sadd.s32 s0, s3;
	s0 =	sld [smem:$0x3FAA]  }
0x30: {  	s3 =	sld [smem:$0x3FAD]  }
0x31: {  	[smem:$0x3FB6] =	sst s10  }
0x32: {  	s10 =	sld [smem:$0x3FB4];
	_ =	sdelay $0x3  }
0x33: {  	p0 =	seq.s32 s10, $0x1;
	s10 =	sld [smem:$0x3FB6];
	_ =	sdelay $0x3  }
0x34: {  	[smem:$0x3FB6] =	sst s10  }
0x35: {  	s10 =	sld [smem:$0x3FB5];
	_ =	sdelay $0x3  }
0x36: {  	p1 =	seq.s32 s10, $0x1;
	s10 =	sld [smem:$0x3FB6];
	_ =	sdelay $0x3  }
0x37: {  	[smem:$0x3FB6] =	sst s10  }
0x38: {  	s10 =	sld [smem:$0x3FB7]  }
0x39: {  	_ = 	snop;
	(pc) =	sbr.ind lr, $3  }
0x3a: {  	_ = 	snop  }
0x3b: {  	_ = 	snop  }
0x3c: {  	p2 =	seq.s32 s10, $0x1;
	s10 =	sld [smem:$0x3FB6]  }
0x3d: {  	_ =	shalt  }
0x3e: {  	_ =	shalt  }
0x3f: {  	_ =	shalt  }
0x40: {  	_ =	shalt  }
0x41: {  	_ =	shalt  }
0x42: {  	_ =	shalt  }
0x43: {  	_ =	shalt  }
0x44: {  	_ =	shalt  }
0x45: {  	_ =	shalt  }
0x46: {  	_ =	shalt  }
0x47: {  	_ =	shalt  }
0x48: {  	_ =	shalt  }
0x49: {  	_ =	shalt  }
0x4a: {  	_ =	shalt  }
0x4b: {  	_ =	shalt  }
0x4c: {  	_ =	shalt  }
0x4d: {  	_ =	shalt  }
0x4e: {  	_ =	shalt  }
0x4f: {  	_ =	shalt  }
0x50: {  	_ =	shalt  }
0x51: {  	_ =	shalt  }
0x52: {  	_ =	shalt  }
0x53: {  	_ =	shalt  }
0x54: {  	_ =	shalt  }
0x55: {  	_ =	shalt  }
0x56: {  	_ =	shalt  }
0x57: {  	_ =	shalt  }
0x58: {  	_ =	shalt  }
0x59: {  	_ =	shalt  }
0x5a: {  	_ =	shalt  }
0x5b: {  	_ =	shalt  }
0x5c: {  	_ =	shalt  }
0x5d: {  	_ =	shalt  }
0x5e: {  	_ =	shalt  }
0x5f: {  	_ =	shalt  }
0x60: {  	_ =	shalt  }
0x61: {  	_ =	shalt  }
0x62: {  	_ =	shalt  }
0x63: {  	_ =	shalt  }
0x64: {  	_ =	shalt  }
0x65: {  	_ =	shalt  }
0x66: {  	_ =	shalt  }
0x67: {  	_ =	shalt  }
0x68: {  	_ =	shalt  }
0x69: {  	_ =	shalt  }
0x6a: {  	_ =	shalt  }
0x6b: {  	_ =	shalt  }
0x6c: {  	_ =	shalt  }
0x6d: {  	_ =	shalt  }
0x6e: {  	_ =	shalt  }
0x6f: {  	_ =	shalt  }
0x70: {  	_ =	shalt  }
0x71: {  	_ =	shalt  }
0x72: {  	_ =	shalt  }
0x73: {  	_ =	shalt  }
0x74: {  	_ =	shalt  }
0x75: {  	_ =	shalt  }
0x76: {  	_ =	shalt  }
0x77: {  	_ =	shalt  }
0x78: {  	_ =	shalt  }
0x79: {  	_ =	shalt  }
0x7a: {  	_ =	shalt  }
0x7b: {  	_ =	shalt  }
0x7c: {  	_ =	shalt  }
0x7d: {  	_ =	shalt  }
0x7e: {  	_ =	shalt  }
0x7f: {  	_ =	shalt  }
0x80: {  	_ =	shalt  }
0x81: {  	_ =	shalt  }
0x82: {  	_ =	shalt  }
0x83: {  	_ =	shalt  }
0x84: {  	_ =	shalt  }
0x85: {  	_ =	shalt  }
0x86: {  	_ =	shalt  }
0x87: {  	_ =	shalt  }
.Lfunc_end0:
.L_simem_size_0:
called_computation.1_lowered:
.L_overlay_start_0:
0x88: {  	s2 =	sld [smem:$0x3FD9]  }
0x89: {  	s3 =	sld [smem:$0x3FFE];
	_ =	sdelay $0x1  }
0x8a: {  	s1 =	srdreg.scid  }
0x8b: {  	s0 =	sand.u32 $0x1, s1  }
0x8c: {  	s17 =	sshll.u32 s0, $0xA;
	s2 =	sadd.s32 s3, s2  }
0x8d: {  	s2 =	sadd.s32 s2, s17  }
0x8e: {  	[smem:$0x3FC2] =	sst s2  }
0x8f: {  	_ = 	snop  }
0x90: {  	s2 =	sld [smem:$0x3FD0];
	(tm) =	ssettm $0x1  }
0x91: {  	s18 =	sld [smem:$0x3FFB];
	_ =	sdelay $0x3  }
0x92: {  	_ =	strace s18  }
0x93: {  	s3 =	sld [smem:$0x3FFC];
	_ =	sdelay $0x3  }
0x94: {  	_ =	strace s3  }
0x95: {  	s3 =	sld [smem:$0x3FFD];
	_ =	sdelay $0x3  }
0x96: {  	_ =	strace s3  }
0x97: {  	_ =	strace $0x8FFFFFFF  }
0x98: {  	s19 =	sld [smem:$0x3FDB];
	_ =	sdelay $0x1  }
0x99: {  	s4 =	simm.s32 $_scs_section_size  }
0x9a: {  	s5 =	simm.s32 $_size__tile_overlayer_lowered;
	s6 =	simm.s32 $_tile_overlayer_lowered  }
0x9b: {  	s22 =	simm.s32 $0x1BFF;
	s21 =	sshll.u32 s6, $0x1;
	s3 =	sadd.s32 s4, s19  }
0x9c: {  	s7 =	simm.s32 $0x0;
	s20 =	sshll.u32 s5, $0x1;
	s5 =	sadd.s32 s21, s3  }
0x9d: {  	[timem:s7], [sflag:s22] =	dma.local [hbm:s5], s20  }
0x9e: {  	_ =	swait.ge [sflag:s22], s20  }
0x9f: {  	s4 =	ssub.s32 $0x0, s20;
	[sflag:s22] =	ssyncset.done $0x0  }
0xa0: {  	[sflag:s22] =	ssyncadd.s32 s4;
	_ =	sdelay $0x1  }
0xa1: {  	s23 =	simm.s32 $0x1B8B  }
0xa2: {  	_ =	swait.ge [sflag:s23], $0x1  }
0xa3: {  	[sflag:s23] =	ssyncset.done $0x0  }
0xa4: {  	s25 =	simm.s32 $0x1B8E;
	s24 =	sld [smem:$0x3FFE];
	[sflag:s23] =	ssyncadd.s32 $0xFFFFFFFF  }
0xa5: {  	s26 =	simm.s32 $execute0_lowered;
	[smem:$0x3FD2] =	sst s25  }
0xa6: {  	s5 =	sshll.u32 s26, $0x1;
	_ =	strace $0x80000049;
	[dreg:$0x1] =	wrdreg $0xFFFFFFFF  }
0xa7: {  	s28 =	simm.s32 $_size_execute0_lowered;
	s3 =	sadd.s32 s3, s5;
	[dreg:$0x0] =	wrdreg $0x0  }
0xa8: {  	s5 =	sshll.u32 s28, $0x1;
	[dreg:$0x2] =	wrdreg s3  }
0xa9: {  	[dreg:$0x3] =	wrdreg s5  }
0xaa: {  	[dreg:$0x4] =	wrdreg $0xC0  }
0xab: {  	_ =	task [dreg:s7], $0x5FFFF  }
0xac: {  	[dreg:$0x1] =	wrdreg $0xFFFFFFFF  }
0xad: {  	[dreg:$0x0] =	wrdreg $0x60  }
0xae: {  	[dreg:$0x2] =	wrdreg s24  }
0xaf: {  	[dreg:$0x3] =	wrdreg s2  }
0xb0: {  	[dreg:$0x4] =	wrdreg $0x9  }
0xb1: {  	_ =	task.clear_ibuf [dreg:s7], $0x5FFFF;
	_ =	strace $0x90000049  }
0xb2: {  	s29 =	simm.s32 $0x9;
	_ =	strace $0x8000004B  }
0xb3: {  	_ =	swait.ge [sflag:s29], $0x1  }
0xb4: {  	[sflag:s29] =	ssyncadd.s32 $0xFFFFFFFF  }
0xb5: {  	_ =	strace $0x9000004B  }
0xb6: {  	_ =	sfence  }
0xb7: {  	s30 =	sld [smem:$0x0];
	_ =	sdelay $0x2  }
0xb8: {  	s31 =	sshll.u32 s1, $0xD;
	s1 =	sshrl.u32 s1, $0x2  }
0xb9: {  	s3 =	sand.u32 $0x4000, s31;
	s1 =	sadd.s32 s1, s30  }
0xba: {  	s0 =	sor.u32 s3, s0;
	s1 =	sshll.u32 s1, $0x11  }
0xbb: {  	s0 =	sor.u32 s1, s0  }
0xbc: {  	s0 =	sadd.s32 $0x8F2B, s0  }
0xbd: {  	[sflag:s0] =	ssyncadd.remote.s32 $0x1  }
0xbe: {  	_ =	sfence.sel $0xFFFF  }
0xbf: {  	[dreg:$0x0] =	wrdreg $0xFFFFFFFF;
	(pc) =	sbr.abs _section_cstart, $3  }
0xc0: {  	[dreg:$0x1] =	wrdreg $0xFFFFFFFF  }
0xc1: {  	_ =	task.clear_ibuf [dreg:s7], $0x2FFFF;
	_ =	strace $0x9FFFFFFF  }
0xc2: {  	(tm) =	ssettm $0x7FFFFFFF  }
0xc3: {  	_ =	shalt  }
tec
execute0_lowered:
.L_overlay_start_1:
0x0: {  	(tag) =	ssettag $0x1  }
0x1: {  	s0 =	rddreg [dreg:$0x0]  }
0x2: {  	s1 =	rddreg [dreg:$0x1]  }
0x3: {  	s2 =	simm.s32 $0x0;
	s3 =	srdreg.scid;
	s5 =	stileid.u32  }
0x4: {  	s10 =	simm.s32 $0x14;
	s11 =	simm.s32 $0x16;
	s12 =	simm.s32 $0x17  }
0x5: {  	s13 =	simm.s32 $0x3;
	s14 =	simm.s32 $0x9;
	s15 =	simm.s32 $0xC  }
0x6: {  	s16 =	simm.s32 $0xF;
	s30 =	simm.s32 $0x12;
	s31 =	simm.s32 $0x18  }
0x7: {  	[smem:$0x7FF] =	sst s2;
	s3 =	sand.u32 $0x1, s3;
	s5 =	sshll.u32 s5, $0x7  }
0x8: {  	s8 =	sadd.s32 $0x1A00, s0;
	_ =	strace $0x8000004A;
	s6 =	sshll.u32 s3, $0x6  }
0x9: {  	s4 =	ssub.s32 $0x2, s3;
	s3 =	sadd.s32 $0x92400, s0;
	s5 =	sor.u32 s6, s5  }
0xa: {  	s7 =	sshrl.u32 s4, $0x1;
	s18 =	sshll.u32 s5, $0x1;
	s5 =	sshrl.u32 s5, $0x3  }
0xb: {  	s4 =	ssub.s32 s4, s7;
	s9 =	sand.u32 $0xF00, s18;
	s19 =	smul.u32 $0x300, s5  }
0xc: {  	s7 =	sor.u32 s6, s18;
	s5 =	smul.u32 $0x1800, s5;
	s29 =	smax.u32 s4, $0x1  }
0xd: {  	s6 =	sor.u32 s6, s9;
	s7 =	sshrl.u32 s7, $0x3;
	[dreg:$0xd] =	wrdreg s29  }
0xe: {  	s6 =	sshrl.u32 s6, $0x3;
	s7 =	sor.u32 $0x10, s7;
	s21 =	sadd.s32 s1, s19  }
0xf: {  	s22 =	sshrl.u32 s5, $0x3;
	s6 =	sadd.s32 s8, s6;
	[dreg:$0x5] =	wrdreg s21  }
0x10: {  	s20 =	sadd.s32 s8, s7;
	s7 =	sadd.s32 $0x92600, s0;
	[dreg:$0x3] =	wrdreg s6  }
0x11: {  	s23 =	sadd.s32 $0x300, s21;
	s24 =	sadd.s32 $0x600, s21;
	[dreg:$0x4] =	wrdreg s20  }
0x12: {  	s6 =	sadd.s32 $0x92500, s0;
	[dreg:$0x6] =	wrdreg s23;
	s0 =	sadd.s32 s1, s22  }
0x13: {  	s18 =	simm.s32 $0x19;
	[dreg:$0x7] =	wrdreg s24;
	s1 =	sadd.s32 $0x900, s0  }
0x14: {  	s9 =	simm.s32 $0x13;
	s25 =	sadd.s32 $0xC00, s0;
	[dreg:$0x8] =	wrdreg s1  }
0x15: {  	s5 =	simm.s32 $0xA800;
	s26 =	sadd.s32 $0xF00, s0;
	[dreg:$0x9] =	wrdreg s25  }
0x16: {  	v0 =	vlaneseq.u32;
	s21 =	simm.s32 $0x15;
	s28 =	sadd.s32 $0x1200, s0;
	[dreg:$0xa] =	wrdreg s26  }
0x17: {  	v1 =	vshrl.u32 v0, $0x3;
	s22 =	simm.s32 $0x6;
	s0 =	sadd.s32 $0x1500, s0;
	[dreg:$0xb] =	wrdreg s28  }
0x18: {  	vm0 =	vmmov $0xffff;
	v0 =	vand.u32 $0x7, v0;
	v1 =	vmul.u32 $0x8, v1;
	s24 =	simm.s32 $0x0;
	[dreg:$0xc] =	wrdreg s0;
	s0 =	simm.s32 $0x11  }
.LBB2_1:
0x19: {  	s1 =	rddreg [dreg:$0x3];
	s4 =	simm.s32 $0x18000  }
0x1a: {  	[tilespmem:s4], [sflag:$0x19] =	stream.linear.gather [hbm4b:s1+s2], $0x40, $0x38;
	[tilespmem:$0x18100] =	vst v63  }
0x1b: {  	_ =	swait.ge [sflag:s18], $0x40  }
0x1c: {  	[sflag:s18] =	ssyncset.done $0x0  }
0x1d: {  	s26 =	simm.s32 $0x18080;
	s25 =	rddreg [dreg:$0x4];
	[sflag:s18] =	ssyncadd.s32 $0xFFFFFFC0  }
0x1e: {  	[tilespmem:s26], [sflag:$0x19] =	stream.linear.gather [hbm4b:s25+s2], $0x40, $0x38;
	[tilespmem:$0x18100] =	vst v63  }
0x1f: {  	_ =	swait.ge [sflag:s18], $0x40  }
0x20: {  	[sflag:s18] =	ssyncset.done $0x0  }
0x21: {  	[sflag:s18] =	ssyncadd.s32 $0xFFFFFFC0  }
0x22: {  	v2 =	vld.msk [tilespmem:$0x18000], $0xff;
	_ =	sdelay $0x4  }
0x23: {  	v3 =	vshrl.u32 v2, $0x3  }
0x24: {  	v3 =	vmul.u32 $0x30, v3  }
0x25: {  	v2 =	vand.u32 $0x7, v2  }
0x26: {  	v2 =	vor.u32 v2, v3  }
0x27: {  	v2 =	vperm.xlane v2, v0;
	_ =	sdelay $0x1  }
0x28: {  	v2 =	vadd.s32 v1, v2;
	_ =	sdelay $0x4  }
0x29: {  	[tilespmem:s2], [sflag:$0x1] =	stream.indirect_vreg.gather [hbm4b:s3+s2], $0x80, v2, vm0, $0xb8;
	[tilespmem:$0x18100] =	vst v63  }
0x2a: {  	s8 =	simm.s32 $0x800  }
0x2b: {  	[tilespmem:s8], [sflag:$0x1] =	stream.indirect_vreg.gather [hbm4b:s6+s2], $0x80, v2, vm0, $0xb8;
	[tilespmem:$0x18100] =	vst v63  }
0x2c: {  	s17 =	simm.s32 $0x1000  }
0x2d: {  	[tilespmem:s17], [sflag:$0x1] =	stream.indirect_vreg.gather [hbm4b:s7+s2], $0x80, v2, vm0, $0xb8;
	[tilespmem:$0x18100] =	vst v63  }
0x2e: {  	v2 =	vld.msk [tilespmem:$0x18080], $0xff;
	_ =	sdelay $0x4  }
0x2f: {  	v3 =	vshrl.u32 v2, $0x3  }
0x30: {  	v3 =	vmul.u32 $0x30, v3  }
0x31: {  	v2 =	vand.u32 $0x7, v2  }
0x32: {  	v2 =	vor.u32 v2, v3  }
0x33: {  	v2 =	vperm.xlane v2, v0;
	_ =	sdelay $0x1  }
0x34: {  	v2 =	vadd.s32 v1, v2;
	_ =	sdelay $0x3  }
0x35: {  	s19 =	simm.s32 $0xC000  }
0x36: {  	[tilespmem:s19], [sflag:$0x2] =	stream.indirect_vreg.gather [hbm4b:s3+s2], $0x80, v2, vm0, $0xb8;
	[tilespmem:$0x18100] =	vst v63  }
0x37: {  	s20 =	simm.s32 $0xC800  }
0x38: {  	[tilespmem:s20], [sflag:$0x2] =	stream.indirect_vreg.gather [hbm4b:s6+s2], $0x80, v2, vm0, $0xb8;
	[tilespmem:$0x18100] =	vst v63  }
0x39: {  	s23 =	simm.s32 $0xD000  }
0x3a: {  	[tilespmem:s23], [sflag:$0x2] =	stream.indirect_vreg.gather [hbm4b:s7+s2], $0x80, v2, vm0, $0xb8;
	[tilespmem:$0x18100] =	vst v63  }
0x3b: {  	v2 =	vld.msk [tilespmem:$0x18008], $0xff;
	_ =	sdelay $0x4  }
0x3c: {  	v3 =	vshrl.u32 v2, $0x3  }
0x3d: {  	v3 =	vmul.u32 $0x30, v3  }
0x3e: {  	v2 =	vand.u32 $0x7, v2  }
0x3f: {  	v2 =	vor.u32 v2, v3  }
0x40: {  	v2 =	vperm.xlane v2, v0;
	_ =	sdelay $0x1  }
0x41: {  	v2 =	vadd.s32 v1, v2;
	_ =	sdelay $0x3  }
0x42: {  	s25 =	simm.s32 $0x1800  }
0x43: {  	[tilespmem:s25], [sflag:$0x4] =	stream.indirect_vreg.gather [hbm4b:s3+s2], $0x80, v2, vm0, $0xb8;
	[tilespmem:$0x18100] =	vst v63  }
0x44: {  	s26 =	simm.s32 $0x2000  }
0x45: {  	[tilespmem:s26], [sflag:$0x4] =	stream.indirect_vreg.gather [hbm4b:s6+s2], $0x80, v2, vm0, $0xb8;
	[tilespmem:$0x18100] =	vst v63  }
0x46: {  	s4 =	simm.s32 $0x2800  }
0x47: {  	[tilespmem:s4], [sflag:$0x4] =	stream.indirect_vreg.gather [hbm4b:s7+s2], $0x80, v2, vm0, $0xb8;
	[tilespmem:$0x18100] =	vst v63  }
0x48: {  	v2 =	vld.msk [tilespmem:$0x18088], $0xff;
	_ =	sdelay $0x4  }
0x49: {  	v3 =	vshrl.u32 v2, $0x3  }
0x4a: {  	v3 =	vmul.u32 $0x30, v3  }
0x4b: {  	v2 =	vand.u32 $0x7, v2  }
0x4c: {  	v2 =	vor.u32 v2, v3  }
0x4d: {  	v2 =	vperm.xlane v2, v0;
	_ =	sdelay $0x1  }
0x4e: {  	v2 =	vadd.s32 v1, v2;
	_ =	sdelay $0x3  }
0x4f: {  	s8 =	simm.s32 $0xD800  }
0x50: {  	[tilespmem:s8], [sflag:$0x5] =	stream.indirect_vreg.gather [hbm4b:s3+s2], $0x80, v2, vm0, $0xb8;
	[tilespmem:$0x18100] =	vst v63  }
0x51: {  	s17 =	simm.s32 $0xE000  }
0x52: {  	[tilespmem:s17], [sflag:$0x5] =	stream.indirect_vreg.gather [hbm4b:s6+s2], $0x80, v2, vm0, $0xb8;
	[tilespmem:$0x18100] =	vst v63  }
0x53: {  	s19 =	simm.s32 $0xE800  }
0x54: {  	[tilespmem:s19], [sflag:$0x5] =	stream.indirect_vreg.gather [hbm4b:s7+s2], $0x80, v2, vm0, $0xb8;
	[tilespmem:$0x18100] =	vst v63  }
0x55: {  	v2 =	vld.msk [tilespmem:$0x18010], $0xff;
	_ =	sdelay $0x4  }
0x56: {  	v3 =	vshrl.u32 v2, $0x3  }
0x57: {  	v3 =	vmul.u32 $0x30, v3  }
0x58: {  	v2 =	vand.u32 $0x7, v2  }
0x59: {  	v2 =	vor.u32 v2, v3  }
0x5a: {  	v2 =	vperm.xlane v2, v0;
	_ =	sdelay $0x1  }
0x5b: {  	v2 =	vadd.s32 v1, v2;
	_ =	sdelay $0x3  }
0x5c: {  	s20 =	simm.s32 $0x3000  }
0x5d: {  	[tilespmem:s20], [sflag:$0x7] =	stream.indirect_vreg.gather [hbm4b:s3+s2], $0x80, v2, vm0, $0xb8;
	[tilespmem:$0x18100] =	vst v63  }
0x5e: {  	s23 =	simm.s32 $0x3800  }
0x5f: {  	[tilespmem:s23], [sflag:$0x7] =	stream.indirect_vreg.gather [hbm4b:s6+s2], $0x80, v2, vm0, $0xb8;
	[tilespmem:$0x18100] =	vst v63  }
0x60: {  	s25 =	simm.s32 $0x4000  }
0x61: {  	[tilespmem:s25], [sflag:$0x7] =	stream.indirect_vreg.gather [hbm4b:s7+s2], $0x80, v2, vm0, $0xb8;
	[tilespmem:$0x18100] =	vst v63  }
0x62: {  	v2 =	vld.msk [tilespmem:$0x18090], $0xff;
	_ =	sdelay $0x4  }
0x63: {  	v3 =	vshrl.u32 v2, $0x3  }
0x64: {  	v3 =	vmul.u32 $0x30, v3  }
0x65: {  	v2 =	vand.u32 $0x7, v2  }
0x66: {  	v2 =	vor.u32 v2, v3  }
0x67: {  	v2 =	vperm.xlane v2, v0;
	_ =	sdelay $0x1  }
0x68: {  	v2 =	vadd.s32 v1, v2;
	_ =	sdelay $0x3  }
0x69: {  	s26 =	simm.s32 $0xF000  }
0x6a: {  	[tilespmem:s26], [sflag:$0x8] =	stream.indirect_vreg.gather [hbm4b:s3+s2], $0x80, v2, vm0, $0xb8;
	[tilespmem:$0x18100] =	vst v63  }
0x6b: {  	s4 =	simm.s32 $0xF800  }
0x6c: {  	[tilespmem:s4], [sflag:$0x8] =	stream.indirect_vreg.gather [hbm4b:s6+s2], $0x80, v2, vm0, $0xb8;
	[tilespmem:$0x18100] =	vst v63  }
0x6d: {  	s8 =	simm.s32 $0x10000  }
0x6e: {  	[tilespmem:s8], [sflag:$0x8] =	stream.indirect_vreg.gather [hbm4b:s7+s2], $0x80, v2, vm0, $0xb8;
	[tilespmem:$0x18100] =	vst v63  }
0x6f: {  	v2 =	vld.msk [tilespmem:$0x18018], $0xff;
	_ =	sdelay $0x4  }
0x70: {  	v3 =	vshrl.u32 v2, $0x3  }
0x71: {  	v3 =	vmul.u32 $0x30, v3  }
0x72: {  	v2 =	vand.u32 $0x7, v2  }
0x73: {  	v2 =	vor.u32 v2, v3  }
0x74: {  	v2 =	vperm.xlane v2, v0;
	_ =	sdelay $0x1  }
0x75: {  	v2 =	vadd.s32 v1, v2;
	_ =	sdelay $0x3  }
0x76: {  	s17 =	simm.s32 $0x4800  }
0x77: {  	[tilespmem:s17], [sflag:$0xA] =	stream.indirect_vreg.gather [hbm4b:s3+s2], $0x80, v2, vm0, $0xb8;
	[tilespmem:$0x18100] =	vst v63  }
0x78: {  	s19 =	simm.s32 $0x5000  }
0x79: {  	[tilespmem:s19], [sflag:$0xA] =	stream.indirect_vreg.gather [hbm4b:s6+s2], $0x80, v2, vm0, $0xb8;
	[tilespmem:$0x18100] =	vst v63  }
0x7a: {  	s20 =	simm.s32 $0x5800  }
0x7b: {  	[tilespmem:s20], [sflag:$0xA] =	stream.indirect_vreg.gather [hbm4b:s7+s2], $0x80, v2, vm0, $0xb8;
	[tilespmem:$0x18100] =	vst v63  }
0x7c: {  	v2 =	vld.msk [tilespmem:$0x18098], $0xff;
	_ =	sdelay $0x4  }
0x7d: {  	v3 =	vshrl.u32 v2, $0x3  }
0x7e: {  	v3 =	vmul.u32 $0x30, v3  }
0x7f: {  	v2 =	vand.u32 $0x7, v2  }
0x80: {  	v2 =	vor.u32 v2, v3  }
0x81: {  	v2 =	vperm.xlane v2, v0;
	_ =	sdelay $0x1  }
0x82: {  	v2 =	vadd.s32 v1, v2;
	_ =	sdelay $0x3  }
0x83: {  	s23 =	simm.s32 $0x10800  }
0x84: {  	[tilespmem:s23], [sflag:$0xB] =	stream.indirect_vreg.gather [hbm4b:s3+s2], $0x80, v2, vm0, $0xb8;
	[tilespmem:$0x18100] =	vst v63  }
0x85: {  	s25 =	simm.s32 $0x11000  }
0x86: {  	[tilespmem:s25], [sflag:$0xB] =	stream.indirect_vreg.gather [hbm4b:s6+s2], $0x80, v2, vm0, $0xb8;
	[tilespmem:$0x18100] =	vst v63  }
0x87: {  	s26 =	simm.s32 $0x11800  }
0x88: {  	[tilespmem:s26], [sflag:$0xB] =	stream.indirect_vreg.gather [hbm4b:s7+s2], $0x80, v2, vm0, $0xb8;
	[tilespmem:$0x18100] =	vst v63  }
0x89: {  	v2 =	vld.msk [tilespmem:$0x18020], $0xff;
	_ =	sdelay $0x4  }
0x8a: {  	v3 =	vshrl.u32 v2, $0x3  }
0x8b: {  	v3 =	vmul.u32 $0x30, v3  }
0x8c: {  	v2 =	vand.u32 $0x7, v2  }
0x8d: {  	v2 =	vor.u32 v2, v3  }
0x8e: {  	v2 =	vperm.xlane v2, v0;
	_ =	sdelay $0x1  }
0x8f: {  	v2 =	vadd.s32 v1, v2;
	_ =	sdelay $0x3  }
0x90: {  	s4 =	simm.s32 $0x6000  }
0x91: {  	[tilespmem:s4], [sflag:$0xD] =	stream.indirect_vreg.gather [hbm4b:s3+s2], $0x80, v2, vm0, $0xb8;
	[tilespmem:$0x18100] =	vst v63  }
0x92: {  	s8 =	simm.s32 $0x6800  }
0x93: {  	[tilespmem:s8], [sflag:$0xD] =	stream.indirect_vreg.gather [hbm4b:s6+s2], $0x80, v2, vm0, $0xb8;
	[tilespmem:$0x18100] =	vst v63  }
0x94: {  	s17 =	simm.s32 $0x7000  }
0x95: {  	[tilespmem:s17], [sflag:$0xD] =	stream.indirect_vreg.gather [hbm4b:s7+s2], $0x80, v2, vm0, $0xb8;
	[tilespmem:$0x18100] =	vst v63  }
0x96: {  	v2 =	vld.msk [tilespmem:$0x180A0], $0xff;
	_ =	sdelay $0x4  }
0x97: {  	v3 =	vshrl.u32 v2, $0x3  }
0x98: {  	v3 =	vmul.u32 $0x30, v3  }
0x99: {  	v2 =	vand.u32 $0x7, v2  }
0x9a: {  	v2 =	vor.u32 v2, v3  }
0x9b: {  	v2 =	vperm.xlane v2, v0;
	_ =	sdelay $0x1  }
0x9c: {  	v2 =	vadd.s32 v1, v2;
	_ =	sdelay $0x3  }
0x9d: {  	s19 =	simm.s32 $0x12000  }
0x9e: {  	[tilespmem:s19], [sflag:$0xE] =	stream.indirect_vreg.gather [hbm4b:s3+s2], $0x80, v2, vm0, $0xb8;
	[tilespmem:$0x18100] =	vst v63  }
0x9f: {  	s20 =	simm.s32 $0x12800  }
0xa0: {  	[tilespmem:s20], [sflag:$0xE] =	stream.indirect_vreg.gather [hbm4b:s6+s2], $0x80, v2, vm0, $0xb8;
	[tilespmem:$0x18100] =	vst v63  }
0xa1: {  	s23 =	simm.s32 $0x13000  }
0xa2: {  	[tilespmem:s23], [sflag:$0xE] =	stream.indirect_vreg.gather [hbm4b:s7+s2], $0x80, v2, vm0, $0xb8;
	[tilespmem:$0x18100] =	vst v63  }
0xa3: {  	v2 =	vld.msk [tilespmem:$0x18028], $0xff;
	_ =	sdelay $0x4  }
0xa4: {  	v3 =	vshrl.u32 v2, $0x3  }
0xa5: {  	v3 =	vmul.u32 $0x30, v3  }
0xa6: {  	v2 =	vand.u32 $0x7, v2  }
0xa7: {  	v2 =	vor.u32 v2, v3  }
0xa8: {  	v2 =	vperm.xlane v2, v0;
	_ =	sdelay $0x1  }
0xa9: {  	v2 =	vadd.s32 v1, v2;
	_ =	sdelay $0x3  }
0xaa: {  	s25 =	simm.s32 $0x7800  }
0xab: {  	[tilespmem:s25], [sflag:$0x10] =	stream.indirect_vreg.gather [hbm4b:s3+s2], $0x80, v2, vm0, $0xb8;
	[tilespmem:$0x18100] =	vst v63  }
0xac: {  	s26 =	simm.s32 $0x8000  }
0xad: {  	[tilespmem:s26], [sflag:$0x10] =	stream.indirect_vreg.gather [hbm4b:s6+s2], $0x80, v2, vm0, $0xb8;
	[tilespmem:$0x18100] =	vst v63  }
0xae: {  	s4 =	simm.s32 $0x8800  }
0xaf: {  	[tilespmem:s4], [sflag:$0x10] =	stream.indirect_vreg.gather [hbm4b:s7+s2], $0x80, v2, vm0, $0xb8;
	[tilespmem:$0x18100] =	vst v63  }
0xb0: {  	v2 =	vld.msk [tilespmem:$0x180A8], $0xff;
	_ =	sdelay $0x4  }
0xb1: {  	v3 =	vshrl.u32 v2, $0x3  }
0xb2: {  	v3 =	vmul.u32 $0x30, v3  }
0xb3: {  	v2 =	vand.u32 $0x7, v2  }
0xb4: {  	v2 =	vor.u32 v2, v3  }
0xb5: {  	v2 =	vperm.xlane v2, v0;
	_ =	sdelay $0x1  }
0xb6: {  	v2 =	vadd.s32 v1, v2;
	_ =	sdelay $0x3  }
0xb7: {  	s8 =	simm.s32 $0x13800  }
0xb8: {  	[tilespmem:s8], [sflag:$0x11] =	stream.indirect_vreg.gather [hbm4b:s3+s2], $0x80, v2, vm0, $0xb8;
	[tilespmem:$0x18100] =	vst v63  }
0xb9: {  	s17 =	simm.s32 $0x14000  }
0xba: {  	[tilespmem:s17], [sflag:$0x11] =	stream.indirect_vreg.gather [hbm4b:s6+s2], $0x80, v2, vm0, $0xb8;
	[tilespmem:$0x18100] =	vst v63  }
0xbb: {  	s19 =	simm.s32 $0x14800  }
0xbc: {  	[tilespmem:s19], [sflag:$0x11] =	stream.indirect_vreg.gather [hbm4b:s7+s2], $0x80, v2, vm0, $0xb8;
	[tilespmem:$0x18100] =	vst v63  }
0xbd: {  	v2 =	vld.msk [tilespmem:$0x18030], $0xff;
	_ =	sdelay $0x4  }
0xbe: {  	v3 =	vshrl.u32 v2, $0x3  }
0xbf: {  	v3 =	vmul.u32 $0x30, v3  }
0xc0: {  	v2 =	vand.u32 $0x7, v2  }
0xc1: {  	v2 =	vor.u32 v2, v3  }
0xc2: {  	v2 =	vperm.xlane v2, v0;
	_ =	sdelay $0x1  }
0xc3: {  	v2 =	vadd.s32 v1, v2;
	_ =	sdelay $0x3  }
0xc4: {  	s20 =	simm.s32 $0x9000  }
0xc5: {  	[tilespmem:s20], [sflag:$0x13] =	stream.indirect_vreg.gather [hbm4b:s3+s2], $0x80, v2, vm0, $0xb8;
	[tilespmem:$0x18100] =	vst v63  }
0xc6: {  	s23 =	simm.s32 $0x9800  }
0xc7: {  	[tilespmem:s23], [sflag:$0x13] =	stream.indirect_vreg.gather [hbm4b:s6+s2], $0x80, v2, vm0, $0xb8;
	[tilespmem:$0x18100] =	vst v63  }
0xc8: {  	s25 =	simm.s32 $0xA000  }
0xc9: {  	[tilespmem:s25], [sflag:$0x13] =	stream.indirect_vreg.gather [hbm4b:s7+s2], $0x80, v2, vm0, $0xb8;
	[tilespmem:$0x18100] =	vst v63  }
0xca: {  	v2 =	vld.msk [tilespmem:$0x180B0], $0xff;
	_ =	sdelay $0x4  }
0xcb: {  	v3 =	vshrl.u32 v2, $0x3  }
0xcc: {  	v3 =	vmul.u32 $0x30, v3  }
0xcd: {  	v2 =	vand.u32 $0x7, v2  }
0xce: {  	v2 =	vor.u32 v2, v3  }
0xcf: {  	v2 =	vperm.xlane v2, v0;
	_ =	sdelay $0x1  }
0xd0: {  	v2 =	vadd.s32 v1, v2;
	_ =	sdelay $0x3  }
0xd1: {  	s26 =	simm.s32 $0x15000  }
0xd2: {  	[tilespmem:s26], [sflag:$0x14] =	stream.indirect_vreg.gather [hbm4b:s3+s2], $0x80, v2, vm0, $0xb8;
	[tilespmem:$0x18100] =	vst v63  }
0xd3: {  	s4 =	simm.s32 $0x15800  }
0xd4: {  	[tilespmem:s4], [sflag:$0x14] =	stream.indirect_vreg.gather [hbm4b:s6+s2], $0x80, v2, vm0, $0xb8;
	[tilespmem:$0x18100] =	vst v63  }
0xd5: {  	s8 =	simm.s32 $0x16000  }
0xd6: {  	[tilespmem:s8], [sflag:$0x14] =	stream.indirect_vreg.gather [hbm4b:s7+s2], $0x80, v2, vm0, $0xb8;
	[tilespmem:$0x18100] =	vst v63  }
0xd7: {  	v2 =	vld.msk [tilespmem:$0x18038], $0xff;
	_ =	sdelay $0x4  }
0xd8: {  	v3 =	vshrl.u32 v2, $0x3  }
0xd9: {  	v3 =	vmul.u32 $0x30, v3  }
0xda: {  	v2 =	vand.u32 $0x7, v2  }
0xdb: {  	v2 =	vor.u32 v2, v3  }
0xdc: {  	v2 =	vperm.xlane v2, v0;
	_ =	sdelay $0x1  }
0xdd: {  	v2 =	vadd.s32 v1, v2;
	_ =	sdelay $0x4  }
0xde: {  	[tilespmem:s5], [sflag:$0x16] =	stream.indirect_vreg.gather [hbm4b:s3+s2], $0x80, v2, vm0, $0xb8;
	[tilespmem:$0x18100] =	vst v63  }
0xdf: {  	s17 =	simm.s32 $0xB000  }
0xe0: {  	[tilespmem:s17], [sflag:$0x16] =	stream.indirect_vreg.gather [hbm4b:s6+s2], $0x80, v2, vm0, $0xb8;
	[tilespmem:$0x18100] =	vst v63  }
0xe1: {  	s19 =	simm.s32 $0xB800  }
0xe2: {  	[tilespmem:s19], [sflag:$0x16] =	stream.indirect_vreg.gather [hbm4b:s7+s2], $0x80, v2, vm0, $0xb8;
	[tilespmem:$0x18100] =	vst v63  }
0xe3: {  	v2 =	vld.msk [tilespmem:$0x180B8], $0xff;
	_ =	sdelay $0x4  }
0xe4: {  	v3 =	vshrl.u32 v2, $0x3  }
0xe5: {  	v3 =	vmul.u32 $0x30, v3  }
0xe6: {  	v2 =	vand.u32 $0x7, v2  }
0xe7: {  	v2 =	vor.u32 v2, v3  }
0xe8: {  	v2 =	vperm.xlane v2, v0;
	_ =	sdelay $0x1  }
0xe9: {  	v2 =	vadd.s32 v1, v2;
	_ =	sdelay $0x1  }
0xea: {  	s8 =	smul.u32 $0xAB, s2  }
0xeb: {  	s20 =	simm.s32 $0x16800;
	s23 =	simm.s32 $0x17000  }
0xec: {  	s25 =	simm.s32 $0x17800;
	s26 =	simm.s32 $0x1;
	s19 =	sshrl.u32 s8, $0xB  }
0xed: {  	[tilespmem:s20], [sflag:$0x17] =	stream.indirect_vreg.gather [hbm4b:s3+s2], $0x80, v2, vm0, $0xb8;
	[tilespmem:$0x18100] =	vst v63  }
0xee: {  	s4 =	simm.s32 $0x2;
	s8 =	sshrl.u32 s8, $0x4;
	s19 =	sand.u32 $0x1F, s19  }
0xef: {  	[tilespmem:s23], [sflag:$0x17] =	stream.indirect_vreg.gather [hbm4b:s6+s2], $0x80, v2, vm0, $0xb8;
	[tilespmem:$0x18100] =	vst v63  }
0xf0: {  	s8 =	sand.u32 $0x380, s8;
	s20 =	smul.u32 $0xC, s19;
	s19 =	sshrl.u32 s19, $0x3  }
0xf1: {  	[tilespmem:s25], [sflag:$0x17] =	stream.indirect_vreg.gather [hbm4b:s7+s2], $0x80, v2, vm0, $0xb8;
	[tilespmem:$0x18100] =	vst v63  }
0xf2: {  	s19 =	smul.u32 $0x1800, s19;
	s23 =	simm.s32 $0x1;
	_ =	swait.ge [sflag:s26], $0x1800  }
0xf3: {  	s20 =	ssub.s32 $0x0, s20;
	s23 =	smul.u32 $0xAB, s23;
	[sflag:s26] =	ssyncset.done $0x0  }
0xf4: {  	[sflag:s26] =	ssyncadd.s32 $0xFFFFE800;
	s26 =	sshll.u32 s20, $0x6;
	s20 =	sshll.u32 s20, $0x9  }
0xf5: {  	_ =	swait.ge [sflag:s4], $0x1800;
	s26 =	sand.u32 $0x40, s26;
	s20 =	sand.u32 $0x1C00, s20  }
0xf6: {  	[sflag:s4] =	ssyncset.done $0x0;
	s19 =	sadd.s32 s20, s19;
	s8 =	sor.u32 s26, s8  }
0xf7: {  	s5 =	sshrl.u32 s23, $0xB;
	[sflag:s4] =	ssyncadd.s32 $0xFFFFE800;
	s19 =	sor.u32 s19, s8  }
0xf8: {  	s17 =	sand.u32 $0x1F, s5;
	v6 =	vld [tilespmem:s19+$0xC030]  }
0xf9: {  	s20 =	smul.u32 $0xC, s17;
	v5 =	vld [tilespmem:s19+$0xC020]  }
0xfa: {  	s28 =	simm.s32 $0x2;
	s23 =	sshrl.u32 s23, $0x4;
	v2 =	vld [tilespmem:s19+$0xC010]  }
0xfb: {  	s23 =	sand.u32 $0x380, s23;
	s8 =	sshrl.u32 s17, $0x3;
	s20 =	ssub.s32 $0x1, s20;
	v4 =	vld [tilespmem:s19+$0x10]  }
0xfc: {  	s8 =	smul.u32 $0x1800, s8;
	v7 =	vld [tilespmem:s19+$0x20];
	s25 =	sshll.u32 s20, $0x6;
	s20 =	sshll.u32 s20, $0x9  }
0xfd: {  	s4 =	smul.u32 $0xAB, s28;
	v9 =	vld [tilespmem:s19+$0xC000];
	s26 =	sand.u32 $0x40, s25;
	s20 =	sand.u32 $0x1C00, s20  }
0xfe: {  	v8 =	vld [tilespmem:s19+$0x30];
	s8 =	sadd.s32 s20, s8;
	s1 =	sor.u32 s26, s23  }
0xff: {  	v10 =	vld [tilespmem:s19+$0x0];
	s5 =	sshrl.u32 s4, $0xB;
	s8 =	sor.u32 s8, s1  }
0x100: {  	s28 =	sand.u32 $0x1F, s5;
	v3 =	vld [tilespmem:s8+$0xC030];
	v11 =	vadd.f32 v2, v4  }
0x101: {  	s29 =	smul.u32 $0xC, s28;
	v2 =	vld [tilespmem:s8+$0xC020];
	v7 =	vadd.f32 v5, v7  }
0x102: {  	s17 =	sshrl.u32 s4, $0x4;
	s23 =	simm.s32 $0x3;
	v4 =	vld [tilespmem:s8+$0xC010];
	[tilespmem:s19+$0x10] =	vst v11  }
0x103: {  	s20 =	sand.u32 $0x380, s17;
	s25 =	sshrl.u32 s28, $0x3;
	s29 =	ssub.s32 $0x2, s29;
	v5 =	vld [tilespmem:s8+$0x10];
	[tilespmem:s19+$0x20] =	vst v7  }
0x104: {  	s26 =	smul.u32 $0x1800, s25;
	v8 =	vadd.f32 v6, v8;
	s28 =	sshll.u32 s29, $0x6;
	s29 =	sshll.u32 s29, $0x9;
	v7 =	vadd.f32 v9, v10;
	v6 =	vld [tilespmem:s8+$0x20]  }
.LBB2_2:
0x105: {  	s1 =	smul.u32 $0xAB, s23;
	s28 =	sand.u32 $0x40, s28  }
0x106: {  	s29 =	sand.u32 $0x1C00, s29;
	v9 =	vld [tilespmem:s8+$0xC000];
	[tilespmem:s19+$0x30] =	vst v8;
	v8 =	vmov v3;
	s17 =	smov.u32 s23;
	s25 =	sadd.s32 $0x1, s23  }
0x107: {  	p0 =	sne.s32 s23, $0x5F;
	s26 =	sadd.s32 s29, s26;
	s20 =	sor.u32 s28, s20;
	v10 =	vld [tilespmem:s8+$0x30];
	[tilespmem:s19+$0x0] =	vst v7  }
0x108: {  	s19 =	sshrl.u32 s1, $0xB;
	s1 =	sshrl.u32 s1, $0x4;
	s26 =	sor.u32 s26, s20;
	v7 =	vld [tilespmem:s8+$0x0]  }
.Ltmp0:
0x109: {  	s19 =	sand.u32 $0x1F, s19;
	s20 =	sand.u32 $0x380, s1;
	v3 =	vld [tilespmem:s26+$0xC030];
	v5 =	vadd.f32 v4, v5;
	(pc) =	sbr.rel @p0 .LBB2_2-.Ltmp0, $4  }
0x10a: {  	s1 =	smul.u32 $0xC, s19;
	s29 =	sshrl.u32 s19, $0x3;
	v6 =	vadd.f32 v2, v6;
	v2 =	vld [tilespmem:s26+$0xC020]  }
0x10b: {  	s19 =	smov.u32 s8;
	v4 =	vld [tilespmem:s26+$0xC010];
	[tilespmem:s8+$0x10] =	vst v5;
	s8 =	smov.u32 s26  }
0x10c: {  	s23 =	smov.u32 s25;
	s1 =	ssub.s32 s17, s1;
	v5 =	vld [tilespmem:s8+$0x10];
	[tilespmem:s19+$0x20] =	vst v6;
	v8 =	vadd.f32 v8, v10  }
0x10d: {  	s26 =	smul.u32 $0x1800, s29;
	s28 =	sshll.u32 s1, $0x6;
	s29 =	sshll.u32 s1, $0x9;
	v6 =	vld [tilespmem:s8+$0x20];
	v7 =	vadd.f32 v9, v7  }
0x10e: {  	v9 =	vld [tilespmem:s8+$0xC000];
	[tilespmem:s19+$0x30] =	vst v8;
	s1 =	sand.u32 $0x40, s28;
	s17 =	sand.u32 $0x1C00, s29  }
0x10f: {  	v8 =	vld [tilespmem:s8+$0x30];
	s17 =	sadd.s32 s17, s26;
	s1 =	sor.u32 s1, s20;
	[tilespmem:s19+$0x0] =	vst v7  }
0x110: {  	s1 =	sor.u32 s17, s1;
	v7 =	vld [tilespmem:s8+$0x0]  }
0x111: {  	v10 =	vld [tilespmem:s1+$0xC030];
	v4 =	vadd.f32 v4, v5  }
0x112: {  	v5 =	vld [tilespmem:s1+$0xC020];
	v2 =	vadd.f32 v2, v6  }
0x113: {  	v11 =	vld [tilespmem:s1+$0xC010];
	[tilespmem:s8+$0x10] =	vst v4  }
0x114: {  	v4 =	vld [tilespmem:s1+$0x10];
	[tilespmem:s8+$0x20] =	vst v2;
	v2 =	vadd.f32 v3, v8  }
0x115: {  	v3 =	vld [tilespmem:s1+$0x20];
	v7 =	vadd.f32 v9, v7  }
0x116: {  	v6 =	vld [tilespmem:s1+$0xC000];
	[tilespmem:s8+$0x30] =	vst v2  }
0x117: {  	v2 =	vld [tilespmem:s1+$0x30];
	[tilespmem:s8+$0x0] =	vst v7  }
0x118: {  	v7 =	vld [tilespmem:s1+$0x0];
	_ =	sdelay $0x1  }
0x119: {  	v4 =	vadd.f32 v11, v4  }
0x11a: {  	v3 =	vadd.f32 v5, v3  }
0x11b: {  	[tilespmem:s1+$0x10] =	vst v4;
	v2 =	vadd.f32 v10, v2  }
0x11c: {  	[tilespmem:s1+$0x20] =	vst v3;
	v3 =	vadd.f32 v6, v7  }
0x11d: {  	s23 =	simm.s32 $0x0;
	s4 =	rddreg [dreg:$0x5];
	[tilespmem:s1+$0x30] =	vst v2  }
0x11e: {  	s25 =	simm.s32 $0x4;
	s5 =	simm.s32 $0x5;
	[tilespmem:s1+$0x0] =	vst v3;
	s1 =	smul.u32 $0xAB, s23  }
0x11f: {  	[hbm4b:s4+s23] =	stream.linear.scatter [tilespmem:s23], [sflag:$0x3], $0x1800, $0x38;
	[tilespmem:$0x18100] =	vst v63  }
0x120: {  	s23 =	simm.s32 $0x1;
	_ =	swait.ge [sflag:s25], $0x1800;
	s26 =	sshrl.u32 s1, $0xB  }
0x121: {  	s1 =	sshrl.u32 s1, $0x4;
	s23 =	smul.u32 $0xAB, s23;
	s8 =	sand.u32 $0x1F, s26  }
0x122: {  	[sflag:s25] =	ssyncset.done $0x0;
	s20 =	smul.u32 $0xC, s8;
	s8 =	sadd.s32 $0x8, s8  }
0x123: {  	s1 =	sand.u32 $0x380, s1;
	[sflag:s25] =	ssyncadd.s32 $0xFFFFE800;
	s8 =	sshrl.u32 s8, $0x3  }
0x124: {  	_ =	swait.ge [sflag:s5], $0x1800;
	s17 =	ssub.s32 $0x0, s20;
	s8 =	smul.u32 $0x1800, s8  }
0x125: {  	[sflag:s5] =	ssyncset.done $0x0;
	s25 =	sshll.u32 s17, $0x6;
	s17 =	sshll.u32 s17, $0x9  }
0x126: {  	[sflag:s5] =	ssyncadd.s32 $0xFFFFE800;
	s26 =	sand.u32 $0x40, s25;
	s17 =	sand.u32 $0x1C00, s17  }
0x127: {  	s5 =	sshrl.u32 s23, $0xB;
	s8 =	sadd.s32 s17, s8;
	s1 =	sor.u32 s26, s1  }
0x128: {  	s20 =	sand.u32 $0x1F, s5;
	s19 =	sor.u32 s8, s1  }
0x129: {  	s25 =	smul.u32 $0xC, s20;
	v6 =	vld [tilespmem:s19+$0xC030]  }
0x12a: {  	s5 =	simm.s32 $0x2;
	v5 =	vld [tilespmem:s19+$0xC020]  }
0x12b: {  	s26 =	sshrl.u32 s23, $0x4;
	s1 =	sadd.s32 $0x8, s20;
	v2 =	vld [tilespmem:s19+$0xC010];
	s8 =	ssub.s32 $0x1, s25  }
0x12c: {  	s17 =	sand.u32 $0x380, s26;
	s1 =	sshrl.u32 s1, $0x3;
	v4 =	vld [tilespmem:s19+$0x10];
	s4 =	sshll.u32 s8, $0x6  }
0x12d: {  	v7 =	vld [tilespmem:s19+$0x20];
	s1 =	smul.u32 $0x1800, s1;
	s8 =	sshll.u32 s8, $0x9;
	s20 =	sand.u32 $0x40, s4  }
0x12e: {  	v9 =	vld [tilespmem:s19+$0xC000];
	s8 =	sand.u32 $0x1C00, s8;
	s17 =	sor.u32 s20, s17;
	s20 =	smul.u32 $0xAB, s5  }
0x12f: {  	v8 =	vld [tilespmem:s19+$0x30];
	s1 =	sadd.s32 s8, s1  }
0x130: {  	v10 =	vld [tilespmem:s19+$0x0];
	s8 =	sor.u32 s1, s17;
	s23 =	sshrl.u32 s20, $0xB  }
0x131: {  	v3 =	vld [tilespmem:s8+$0xC030];
	v11 =	vadd.f32 v2, v4;
	s1 =	sand.u32 $0x1F, s23  }
0x132: {  	v2 =	vld [tilespmem:s8+$0xC020];
	v7 =	vadd.f32 v5, v7;
	s25 =	smul.u32 $0xC, s1  }
0x133: {  	v4 =	vld [tilespmem:s8+$0xC010];
	s17 =	sshrl.u32 s20, $0x4;
	s23 =	simm.s32 $0x3;
	[tilespmem:s19+$0x10] =	vst v11;
	s1 =	sadd.s32 $0x8, s1  }
0x134: {  	s20 =	sand.u32 $0x380, s17;
	v5 =	vld [tilespmem:s8+$0x10];
	s1 =	sshrl.u32 s1, $0x3;
	[tilespmem:s19+$0x20] =	vst v7;
	s25 =	ssub.s32 $0x2, s25  }
0x135: {  	v8 =	vadd.f32 v6, v8;
	v7 =	vadd.f32 v9, v10;
	s26 =	smul.u32 $0x1800, s1;
	v6 =	vld [tilespmem:s8+$0x20];
	s28 =	sshll.u32 s25, $0x6;
	s29 =	sshll.u32 s25, $0x9  }
.LBB2_4:
0x136: {  	s1 =	smul.u32 $0xAB, s23;
	s17 =	sand.u32 $0x40, s28  }
0x137: {  	s25 =	sand.u32 $0x1C00, s29;
	v9 =	vld [tilespmem:s8+$0xC000];
	[tilespmem:s19+$0x30] =	vst v8;
	v8 =	vmov v3;
	s28 =	smov.u32 s23;
	s4 =	sadd.s32 $0x1, s23  }
0x138: {  	p0 =	sne.s32 s23, $0x5F;
	s25 =	sadd.s32 s25, s26;
	s17 =	sor.u32 s17, s20;
	v10 =	vld [tilespmem:s8+$0x30];
	[tilespmem:s19+$0x0] =	vst v7  }
0x139: {  	s19 =	sshrl.u32 s1, $0xB;
	s1 =	sshrl.u32 s1, $0x4;
	s17 =	sor.u32 s25, s17;
	v7 =	vld [tilespmem:s8+$0x0]  }
.Ltmp1:
0x13a: {  	s19 =	sand.u32 $0x1F, s19;
	s20 =	sand.u32 $0x380, s1;
	v3 =	vld [tilespmem:s17+$0xC030];
	v5 =	vadd.f32 v4, v5;
	(pc) =	sbr.rel @p0 .LBB2_4-.Ltmp1, $4  }
0x13b: {  	s1 =	smul.u32 $0xC, s19;
	s19 =	sadd.s32 $0x8, s19;
	v6 =	vadd.f32 v2, v6;
	v2 =	vld [tilespmem:s17+$0xC020]  }
0x13c: {  	s23 =	sshrl.u32 s19, $0x3;
	v4 =	vld [tilespmem:s17+$0xC010];
	[tilespmem:s8+$0x10] =	vst v5;
	s19 =	smov.u32 s8;
	s8 =	smov.u32 s17  }
0x13d: {  	s1 =	ssub.s32 s28, s1;
	v5 =	vld [tilespmem:s8+$0x10];
	[tilespmem:s19+$0x20] =	vst v6;
	v8 =	vadd.f32 v8, v10;
	s26 =	smul.u32 $0x1800, s23  }
0x13e: {  	s23 =	smov.u32 s4;
	s28 =	sshll.u32 s1, $0x6;
	s29 =	sshll.u32 s1, $0x9;
	v6 =	vld [tilespmem:s8+$0x20];
	v7 =	vadd.f32 v9, v7  }
0x13f: {  	v9 =	vld [tilespmem:s8+$0xC000];
	[tilespmem:s19+$0x30] =	vst v8;
	s1 =	sand.u32 $0x40, s28;
	s4 =	sand.u32 $0x1C00, s29  }
0x140: {  	v8 =	vld [tilespmem:s8+$0x30];
	s4 =	sadd.s32 s4, s26;
	s1 =	sor.u32 s1, s20;
	[tilespmem:s19+$0x0] =	vst v7  }
0x141: {  	s1 =	sor.u32 s4, s1;
	v7 =	vld [tilespmem:s8+$0x0]  }
0x142: {  	v10 =	vld [tilespmem:s1+$0xC030];
	v4 =	vadd.f32 v4, v5  }
0x143: {  	v5 =	vld [tilespmem:s1+$0xC020];
	v2 =	vadd.f32 v2, v6  }
0x144: {  	v11 =	vld [tilespmem:s1+$0xC010];
	[tilespmem:s8+$0x10] =	vst v4  }
0x145: {  	v4 =	vld [tilespmem:s1+$0x10];
	[tilespmem:s8+$0x20] =	vst v2;
	v2 =	vadd.f32 v3, v8  }
0x146: {  	v3 =	vld [tilespmem:s1+$0x20];
	v7 =	vadd.f32 v9, v7  }
0x147: {  	v6 =	vld [tilespmem:s1+$0xC000];
	[tilespmem:s8+$0x30] =	vst v2  }
0x148: {  	v2 =	vld [tilespmem:s1+$0x30];
	[tilespmem:s8+$0x0] =	vst v7  }
0x149: {  	s25 =	simm.s32 $0x0;
	v7 =	vld [tilespmem:s1+$0x0]  }
0x14a: {  	s26 =	smul.u32 $0xAB, s25  }
0x14b: {  	v4 =	vadd.f32 v11, v4  }
0x14c: {  	s20 =	sshrl.u32 s26, $0xB;
	v3 =	vadd.f32 v5, v3  }
0x14d: {  	s4 =	sand.u32 $0x1F, s20;
	[tilespmem:s1+$0x10] =	vst v4;
	v2 =	vadd.f32 v10, v2  }
0x14e: {  	s5 =	rddreg [dreg:$0x6];
	s23 =	smul.u32 $0xC, s4;
	[tilespmem:s1+$0x20] =	vst v3;
	v3 =	vadd.f32 v6, v7  }
0x14f: {  	s17 =	simm.s32 $0x1800;
	s19 =	simm.s32 $0x7;
	s4 =	sshrl.u32 s4, $0x3;
	[tilespmem:s1+$0x30] =	vst v2  }
0x150: {  	s4 =	smul.u32 $0x1800, s4;
	s8 =	ssub.s32 $0x0, s23;
	[tilespmem:s1+$0x0] =	vst v3;
	s1 =	sshrl.u32 s26, $0x4  }
0x151: {  	[hbm4b:s5+s25] =	stream.linear.scatter [tilespmem:s17], [sflag:$0x6], $0x1800, $0x38;
	[tilespmem:$0x18100] =	vst v63  }
0x152: {  	s26 =	sshll.u32 s8, $0x6;
	s8 =	sshll.u32 s8, $0x9;
	_ =	swait.ge [sflag:s19], $0x1800  }
0x153: {  	s25 =	simm.s32 $0x8;
	s17 =	simm.s32 $0x1;
	[sflag:s19] =	ssyncset.done $0x0  }
0x154: {  	s1 =	sand.u32 $0x380, s1;
	s8 =	sand.u32 $0x1C00, s8;
	[sflag:s19] =	ssyncadd.s32 $0xFFFFE800  }
0x155: {  	s17 =	smul.u32 $0xAB, s17;
	s19 =	sand.u32 $0x40, s26;
	_ =	swait.ge [sflag:s25], $0x1800  }
0x156: {  	s4 =	sadd.s32 s8, s4;
	s1 =	sor.u32 s19, s1;
	[sflag:s25] =	ssyncset.done $0x0  }
0x157: {  	s5 =	sshrl.u32 s17, $0xB;
	s19 =	sor.u32 s1, s4;
	[sflag:s25] =	ssyncadd.s32 $0xFFFFE800  }
0x158: {  	s20 =	sand.u32 $0x1F, s5;
	v6 =	vld [tilespmem:s19+$0xF030]  }
0x159: {  	s23 =	smul.u32 $0xC, s20;
	v5 =	vld [tilespmem:s19+$0xF020]  }
0x15a: {  	s5 =	simm.s32 $0x2;
	s1 =	sshrl.u32 s20, $0x3;
	v2 =	vld [tilespmem:s19+$0xF010]  }
0x15b: {  	s20 =	smul.u32 $0xAB, s5;
	s25 =	sshrl.u32 s17, $0x4;
	s4 =	ssub.s32 $0x1, s23;
	v4 =	vld [tilespmem:s19+$0x3010]  }
0x15c: {  	s1 =	smul.u32 $0x1800, s1;
	v7 =	vld [tilespmem:s19+$0x3020];
	s26 =	sshll.u32 s4, $0x6;
	s4 =	sshll.u32 s4, $0x9  }
0x15d: {  	s8 =	sand.u32 $0x380, s25;
	v9 =	vld [tilespmem:s19+$0xF000];
	s17 =	sand.u32 $0x40, s26;
	s4 =	sand.u32 $0x1C00, s4  }
0x15e: {  	v8 =	vld [tilespmem:s19+$0x3030];
	s1 =	sadd.s32 s4, s1;
	s17 =	sor.u32 s17, s8  }
0x15f: {  	v10 =	vld [tilespmem:s19+$0x3000];
	s25 =	sshrl.u32 s20, $0xB;
	s8 =	sor.u32 s17, s1  }
0x160: {  	s1 =	sand.u32 $0x1F, s25;
	v3 =	vld [tilespmem:s8+$0xF030];
	v11 =	vadd.f32 v2, v4  }
0x161: {  	v2 =	vld [tilespmem:s8+$0xF020];
	v7 =	vadd.f32 v5, v7;
	s26 =	smul.u32 $0xC, s1  }
0x162: {  	s23 =	simm.s32 $0x3;
	s17 =	sshrl.u32 s20, $0x4;
	v4 =	vld [tilespmem:s8+$0xF010];
	[tilespmem:s19+$0x3010] =	vst v11  }
0x163: {  	s20 =	sand.u32 $0x380, s17;
	s1 =	sshrl.u32 s1, $0x3;
	s4 =	ssub.s32 $0x2, s26;
	v5 =	vld [tilespmem:s8+$0x3010];
	[tilespmem:s19+$0x3020] =	vst v7  }
0x164: {  	v8 =	vadd.f32 v6, v8;
	s26 =	smul.u32 $0x1800, s1;
	s28 =	sshll.u32 s4, $0x6;
	s29 =	sshll.u32 s4, $0x9;
	v7 =	vadd.f32 v9, v10;
	v6 =	vld [tilespmem:s8+$0x3020]  }
.LBB2_6:
0x165: {  	s1 =	smul.u32 $0xAB, s23;
	s4 =	sand.u32 $0x40, s28  }
0x166: {  	s17 =	sand.u32 $0x1C00, s29;
	v9 =	vld [tilespmem:s8+$0xF000];
	[tilespmem:s19+$0x3030] =	vst v8;
	v8 =	vmov v3;
	s25 =	smov.u32 s23;
	s5 =	sadd.s32 $0x1, s23  }
0x167: {  	p0 =	sne.s32 s23, $0x5F;
	s17 =	sadd.s32 s17, s26;
	s4 =	sor.u32 s4, s20;
	v10 =	vld [tilespmem:s8+$0x3030];
	[tilespmem:s19+$0x3000] =	vst v7  }
0x168: {  	s19 =	sshrl.u32 s1, $0xB;
	s1 =	sshrl.u32 s1, $0x4;
	s4 =	sor.u32 s4, s17;
	v7 =	vld [tilespmem:s8+$0x3000]  }
.Ltmp2:
0x169: {  	s17 =	sand.u32 $0x1F, s19;
	s20 =	sand.u32 $0x380, s1;
	v3 =	vld [tilespmem:s4+$0xF030];
	v5 =	vadd.f32 v4, v5;
	(pc) =	sbr.rel @p0 .LBB2_6-.Ltmp2, $4  }
0x16a: {  	s1 =	smul.u32 $0xC, s17;
	s17 =	sshrl.u32 s17, $0x3;
	v6 =	vadd.f32 v2, v6;
	v2 =	vld [tilespmem:s4+$0xF020]  }
0x16b: {  	s19 =	smov.u32 s8;
	v4 =	vld [tilespmem:s4+$0xF010];
	[tilespmem:s8+$0x3010] =	vst v5;
	s8 =	smov.u32 s4  }
0x16c: {  	s23 =	smov.u32 s5;
	s1 =	ssub.s32 s25, s1;
	v5 =	vld [tilespmem:s8+$0x3010];
	[tilespmem:s19+$0x3020] =	vst v6;
	v8 =	vadd.f32 v8, v10  }
0x16d: {  	s26 =	smul.u32 $0x1800, s17;
	s28 =	sshll.u32 s1, $0x6;
	s29 =	sshll.u32 s1, $0x9;
	v6 =	vld [tilespmem:s8+$0x3020];
	v7 =	vadd.f32 v9, v7  }
0x16e: {  	v9 =	vld [tilespmem:s8+$0xF000];
	[tilespmem:s19+$0x3030] =	vst v8;
	s1 =	sand.u32 $0x40, s28;
	s4 =	sand.u32 $0x1C00, s29  }
0x16f: {  	v8 =	vld [tilespmem:s8+$0x3030];
	s4 =	sadd.s32 s4, s26;
	s1 =	sor.u32 s1, s20;
	[tilespmem:s19+$0x3000] =	vst v7  }
0x170: {  	s1 =	sor.u32 s1, s4;
	v7 =	vld [tilespmem:s8+$0x3000]  }
0x171: {  	v10 =	vld [tilespmem:s1+$0xF030];
	v4 =	vadd.f32 v4, v5  }
0x172: {  	v5 =	vld [tilespmem:s1+$0xF020];
	v2 =	vadd.f32 v2, v6  }
0x173: {  	v11 =	vld [tilespmem:s1+$0xF010];
	[tilespmem:s8+$0x3010] =	vst v4  }
0x174: {  	v4 =	vld [tilespmem:s1+$0x3010];
	[tilespmem:s8+$0x3020] =	vst v2;
	v2 =	vadd.f32 v3, v8  }
0x175: {  	v3 =	vld [tilespmem:s1+$0x3020];
	v7 =	vadd.f32 v9, v7  }
0x176: {  	v6 =	vld [tilespmem:s1+$0xF000];
	[tilespmem:s8+$0x3030] =	vst v2  }
0x177: {  	v2 =	vld [tilespmem:s1+$0x3030];
	[tilespmem:s8+$0x3000] =	vst v7  }
0x178: {  	v7 =	vld [tilespmem:s1+$0x3000];
	_ =	sdelay $0x1  }
0x179: {  	v4 =	vadd.f32 v11, v4  }
0x17a: {  	v3 =	vadd.f32 v5, v3  }
0x17b: {  	[tilespmem:s1+$0x3010] =	vst v4;
	v2 =	vadd.f32 v10, v2  }
0x17c: {  	[tilespmem:s1+$0x3020] =	vst v3;
	v3 =	vadd.f32 v6, v7  }
0x17d: {  	s26 =	simm.s32 $0x0;
	[tilespmem:s1+$0x3030] =	vst v2  }
0x17e: {  	s5 =	simm.s32 $0x3000;
	s8 =	rddreg [dreg:$0x7];
	[tilespmem:s1+$0x3000] =	vst v3;
	s1 =	smul.u32 $0xAB, s26  }
0x17f: {  	[hbm4b:s8+s26] =	stream.linear.scatter [tilespmem:s5], [sflag:$0x9], $0x1800, $0x38;
	[tilespmem:$0x18100] =	vst v63  }
0x180: {  	s17 =	simm.s32 $0xA;
	s25 =	simm.s32 $0x1;
	s19 =	sshrl.u32 s1, $0xB  }
0x181: {  	s20 =	simm.s32 $0xB;
	s8 =	smul.u32 $0xAB, s25;
	s4 =	sand.u32 $0x1F, s19  }
0x182: {  	_ =	swait.ge [sflag:s17], $0x1800;
	s1 =	sshrl.u32 s1, $0x4;
	s23 =	smul.u32 $0xC, s4  }
0x183: {  	[sflag:s17] =	ssyncset.done $0x0;
	s1 =	sand.u32 $0x380, s1;
	s4 =	sadd.s32 $0x18, s4  }
0x184: {  	[sflag:s17] =	ssyncadd.s32 $0xFFFFE800;
	s4 =	sshrl.u32 s4, $0x3;
	s5 =	ssub.s32 $0x0, s23  }
0x185: {  	s4 =	smul.u32 $0x1800, s4;
	s17 =	sshll.u32 s5, $0x6;
	s5 =	sshll.u32 s5, $0x9  }
0x186: {  	_ =	swait.ge [sflag:s20], $0x1800;
	s17 =	sand.u32 $0x40, s17;
	s5 =	sand.u32 $0x1C00, s5  }
0x187: {  	[sflag:s20] =	ssyncset.done $0x0;
	s4 =	sadd.s32 s5, s4;
	s1 =	sor.u32 s17, s1  }
0x188: {  	s26 =	sshrl.u32 s8, $0xB;
	[sflag:s20] =	ssyncadd.s32 $0xFFFFE800;
	s19 =	sor.u32 s4, s1  }
0x189: {  	s17 =	sand.u32 $0x1F, s26;
	v6 =	vld [tilespmem:s19+$0xC030]  }
0x18a: {  	s23 =	sshrl.u32 s8, $0x4;
	s20 =	smul.u32 $0xC, s17;
	v5 =	vld [tilespmem:s19+$0xC020]  }
0x18b: {  	s5 =	sand.u32 $0x380, s23;
	s1 =	sadd.s32 $0x18, s17;
	v2 =	vld [tilespmem:s19+$0xC010]  }
0x18c: {  	s26 =	simm.s32 $0x2;
	s1 =	sshrl.u32 s1, $0x3;
	v4 =	vld [tilespmem:s19+$0x10];
	s4 =	ssub.s32 $0x1, s20  }
0x18d: {  	v7 =	vld [tilespmem:s19+$0x20];
	s1 =	smul.u32 $0x1800, s1;
	s25 =	sshll.u32 s4, $0x6;
	s4 =	sshll.u32 s4, $0x9  }
0x18e: {  	v9 =	vld [tilespmem:s19+$0xC000];
	s20 =	smul.u32 $0xAB, s26;
	s8 =	sand.u32 $0x40, s25;
	s4 =	sand.u32 $0x1C00, s4  }
0x18f: {  	v8 =	vld [tilespmem:s19+$0x30];
	s1 =	sadd.s32 s4, s1;
	s8 =	sor.u32 s8, s5  }
0x190: {  	v10 =	vld [tilespmem:s19+$0x0];
	s25 =	sshrl.u32 s20, $0xB;
	s8 =	sor.u32 s1, s8  }
0x191: {  	v11 =	vadd.f32 v2, v4;
	s1 =	sand.u32 $0x1F, s25;
	v3 =	vld [tilespmem:s8+$0xC030]  }
0x192: {  	v7 =	vadd.f32 v5, v7;
	v2 =	vld [tilespmem:s8+$0xC020];
	s26 =	smul.u32 $0xC, s1  }
0x193: {  	s23 =	simm.s32 $0x3;
	s5 =	sshrl.u32 s20, $0x4;
	v4 =	vld [tilespmem:s8+$0xC010];
	s1 =	sadd.s32 $0x18, s1;
	[tilespmem:s19+$0x10] =	vst v11  }
0x194: {  	s20 =	sand.u32 $0x380, s5;
	s1 =	sshrl.u32 s1, $0x3;
	v5 =	vld [tilespmem:s8+$0x10];
	s4 =	ssub.s32 $0x2, s26;
	[tilespmem:s19+$0x20] =	vst v7  }
0x195: {  	v8 =	vadd.f32 v6, v8;
	s26 =	smul.u32 $0x1800, s1;
	v7 =	vadd.f32 v9, v10;
	s28 =	sshll.u32 s4, $0x6;
	s29 =	sshll.u32 s4, $0x9;
	v6 =	vld [tilespmem:s8+$0x20]  }
.LBB2_8:
0x196: {  	s1 =	smul.u32 $0xAB, s23;
	s4 =	sand.u32 $0x40, s28  }
0x197: {  	s5 =	sand.u32 $0x1C00, s29;
	v9 =	vld [tilespmem:s8+$0xC000];
	[tilespmem:s19+$0x30] =	vst v8;
	v8 =	vmov v3;
	s17 =	smov.u32 s23;
	s25 =	sadd.s32 $0x1, s23  }
0x198: {  	p0 =	sne.s32 s23, $0x5F;
	s5 =	sadd.s32 s5, s26;
	s4 =	sor.u32 s4, s20;
	v10 =	vld [tilespmem:s8+$0x30];
	[tilespmem:s19+$0x0] =	vst v7  }
0x199: {  	s19 =	sshrl.u32 s1, $0xB;
	s1 =	sshrl.u32 s1, $0x4;
	s4 =	sor.u32 s5, s4;
	v7 =	vld [tilespmem:s8+$0x0]  }
.Ltmp3:
0x19a: {  	s5 =	sand.u32 $0x1F, s19;
	s20 =	sand.u32 $0x380, s1;
	v3 =	vld [tilespmem:s4+$0xC030];
	v5 =	vadd.f32 v4, v5;
	(pc) =	sbr.rel @p0 .LBB2_8-.Ltmp3, $4  }
0x19b: {  	s1 =	smul.u32 $0xC, s5;
	s5 =	sadd.s32 $0x18, s5;
	v6 =	vadd.f32 v2, v6;
	v2 =	vld [tilespmem:s4+$0xC020]  }
0x19c: {  	s19 =	smov.u32 s8;
	s5 =	sshrl.u32 s5, $0x3;
	v4 =	vld [tilespmem:s4+$0xC010];
	[tilespmem:s8+$0x10] =	vst v5;
	s8 =	smov.u32 s4  }
0x19d: {  	s23 =	smov.u32 s25;
	s1 =	ssub.s32 s17, s1;
	v5 =	vld [tilespmem:s8+$0x10];
	[tilespmem:s19+$0x20] =	vst v6;
	v8 =	vadd.f32 v8, v10  }
0x19e: {  	s26 =	smul.u32 $0x1800, s5;
	s28 =	sshll.u32 s1, $0x6;
	s29 =	sshll.u32 s1, $0x9;
	v6 =	vld [tilespmem:s8+$0x20];
	v7 =	vadd.f32 v9, v7  }
0x19f: {  	v9 =	vld [tilespmem:s8+$0xC000];
	[tilespmem:s19+$0x30] =	vst v8;
	s1 =	sand.u32 $0x40, s28;
	s4 =	sand.u32 $0x1C00, s29  }
0x1a0: {  	v8 =	vld [tilespmem:s8+$0x30];
	s4 =	sadd.s32 s4, s26;
	s1 =	sor.u32 s1, s20;
	[tilespmem:s19+$0x0] =	vst v7  }
0x1a1: {  	s1 =	sor.u32 s4, s1;
	v7 =	vld [tilespmem:s8+$0x0]  }
0x1a2: {  	v10 =	vld [tilespmem:s1+$0xC030];
	v4 =	vadd.f32 v4, v5  }
0x1a3: {  	v5 =	vld [tilespmem:s1+$0xC020];
	v2 =	vadd.f32 v2, v6  }
0x1a4: {  	v11 =	vld [tilespmem:s1+$0xC010];
	[tilespmem:s8+$0x10] =	vst v4  }
0x1a5: {  	v4 =	vld [tilespmem:s1+$0x10];
	[tilespmem:s8+$0x20] =	vst v2;
	v2 =	vadd.f32 v3, v8  }
0x1a6: {  	v3 =	vld [tilespmem:s1+$0x20];
	v7 =	vadd.f32 v9, v7  }
0x1a7: {  	v63 =	vld [tilespmem:s1+$0xC000];
	[tilespmem:s8+$0x30] =	vst v2  }
0x1a8: {  	v2 =	vld [tilespmem:s1+$0x30];
	[tilespmem:s8+$0x0] =	vst v7  }
0x1a9: {  	v7 =	vld [tilespmem:s1+$0x0];
	_ =	sdelay $0x1  }
0x1aa: {  	s19 =	simm.s32 $0x0;
	v4 =	vadd.f32 v11, v4  }
0x1ab: {  	s20 =	smul.u32 $0xAB, s19;
	v3 =	vadd.f32 v5, v3  }
0x1ac: {  	[tilespmem:s1+$0x10] =	vst v4;
	v2 =	vadd.f32 v10, v2  }
0x1ad: {  	s5 =	rddreg [dreg:$0x8];
	s26 =	sshrl.u32 s20, $0xB;
	[tilespmem:s1+$0x20] =	vst v3;
	v3 =	vadd.f32 v63, v7  }
0x1ae: {  	s23 =	simm.s32 $0x4800;
	s25 =	simm.s32 $0xD;
	s4 =	sand.u32 $0x1F, s26;
	[tilespmem:s1+$0x30] =	vst v2  }
0x1af: {  	s17 =	simm.s32 $0xE;
	s28 =	smul.u32 $0xC, s4;
	s4 =	sshrl.u32 s4, $0x3;
	[tilespmem:s1+$0x0] =	vst v3  }
0x1b0: {  	[hbm4b:s5+s19] =	stream.linear.scatter [tilespmem:s23], [sflag:$0xC], $0x1800, $0x38;
	[tilespmem:$0x18100] =	vst v63  }
0x1b1: {  	s4 =	smul.u32 $0x1800, s4;
	s1 =	sshrl.u32 s20, $0x4;
	_ =	swait.ge [sflag:s25], $0x1800  }
0x1b2: {  	s5 =	ssub.s32 $0x0, s28;
	s1 =	sand.u32 $0x380, s1;
	[sflag:s25] =	ssyncset.done $0x0  }
0x1b3: {  	s29 =	sshll.u32 s5, $0x6;
	s5 =	sshll.u32 s5, $0x9;
	[sflag:s25] =	ssyncadd.s32 $0xFFFFE800  }
0x1b4: {  	s8 =	sand.u32 $0x40, s29;
	s5 =	sand.u32 $0x1C00, s5;
	_ =	swait.ge [sflag:s17], $0x1800  }
0x1b5: {  	s4 =	sadd.s32 s5, s4;
	s1 =	sor.u32 s8, s1;
	[sflag:s17] =	ssyncset.done $0x0  }
0x1b6: {  	s8 =	sor.u32 s1, s4;
	[sflag:s17] =	ssyncadd.s32 $0xFFFFE800  }
0x1b7: {  	s20 =	sadd.s32 $0x6000, s8;
	v2 =	vld [tilespmem:s8+$0x6000]  }
0x1b8: {  	v3 =	vld [tilespmem:s20+$0xC000];
	_ =	sdelay $0x4  }
0x1b9: {  	v2 =	vadd.f32 v3, v2;
	_ =	sdelay $0x1  }
0x1ba: {  	[tilespmem:s8+$0x6000] =	vst v2;
	v2 =	vld [tilespmem:s8+$0x6010]  }
0x1bb: {  	v3 =	vld [tilespmem:s20+$0xC010];
	_ =	sdelay $0x4  }
0x1bc: {  	v2 =	vadd.f32 v3, v2;
	_ =	sdelay $0x1  }
0x1bd: {  	[tilespmem:s8+$0x6010] =	vst v2;
	v2 =	vld [tilespmem:s8+$0x6020]  }
0x1be: {  	v3 =	vld [tilespmem:s20+$0xC020];
	_ =	sdelay $0x2  }
0x1bf: {  	s23 =	simm.s32 $0x1  }
0x1c0: {  	s19 =	simm.s32 $0x2;
	s26 =	smul.u32 $0xAB, s23  }
.LBB2_10:
0x1c1: {  	p0 =	sne.s32 s19, $0x5F;
	v2 =	vadd.f32 v3, v2  }
0x1c2: {  	s1 =	sshrl.u32 s26, $0xB  }
0x1c3: {  	s1 =	sand.u32 $0x1F, s1;
	[tilespmem:s8+$0x6020] =	vst v2;
	v2 =	vld [tilespmem:s8+$0x6030]  }
0x1c4: {  	s4 =	smul.u32 $0xC, s1;
	v3 =	vld [tilespmem:s20+$0xC030];
	_ =	sdelay $0x1  }
0x1c5: {  	s5 =	sshrl.u32 s26, $0x4;
	s1 =	sshrl.u32 s1, $0x3;
	s4 =	ssub.s32 s23, s4  }
0x1c6: {  	s1 =	smul.u32 $0x1800, s1;
	s17 =	sshll.u32 s4, $0x6;
	s4 =	sshll.u32 s4, $0x9  }
0x1c7: {  	s5 =	sand.u32 $0x380, s5;
	s17 =	sand.u32 $0x40, s17;
	s4 =	sand.u32 $0x1C00, s4  }
0x1c8: {  	s23 =	smov.u32 s19;
	s1 =	sadd.s32 s4, s1;
	s4 =	sor.u32 s17, s5;
	v2 =	vadd.f32 v3, v2  }
0x1c9: {  	s1 =	sor.u32 s4, s1  }
0x1ca: {  	s20 =	sadd.s32 $0x6000, s1;
	v3 =	vld [tilespmem:s1+$0x6000];
	[tilespmem:s8+$0x6030] =	vst v2;
	s8 =	smov.u32 s1  }
0x1cb: {  	v2 =	vld [tilespmem:s20+$0xC000];
	_ =	sdelay $0x4  }
0x1cc: {  	v2 =	vadd.f32 v2, v3;
	_ =	sdelay $0x1  }
0x1cd: {  	[tilespmem:s8+$0x6000] =	vst v2;
	v2 =	vld [tilespmem:s8+$0x6010]  }
0x1ce: {  	v3 =	vld [tilespmem:s20+$0xC010];
	_ =	sdelay $0x4  }
0x1cf: {  	v2 =	vadd.f32 v3, v2;
	_ =	sdelay $0x1  }
0x1d0: {  	[tilespmem:s8+$0x6010] =	vst v2;
	v2 =	vld [tilespmem:s8+$0x6020]  }
.Ltmp4:
0x1d1: {  	v3 =	vld [tilespmem:s20+$0xC020];
	(pc) =	sbr.rel @p0 .LBB2_10-.Ltmp4, $2  }
0x1d2: {  	_ =	sdelay $0x2  }
0x1d3: {  	s19 =	sadd.s32 $0x1, s19;
	s26 =	smul.u32 $0xAB, s23  }
0x1d4: {  	v2 =	vadd.f32 v3, v2  }
0x1d5: {  	s1 =	sshrl.u32 s26, $0xB  }
0x1d6: {  	s1 =	sand.u32 $0x1F, s1;
	[tilespmem:s8+$0x6020] =	vst v2;
	v2 =	vld [tilespmem:s8+$0x6030]  }
0x1d7: {  	s4 =	smul.u32 $0xC, s1;
	v3 =	vld [tilespmem:s20+$0xC030];
	_ =	sdelay $0x1  }
0x1d8: {  	s5 =	sshrl.u32 s26, $0x4;
	s1 =	sshrl.u32 s1, $0x3;
	s4 =	ssub.s32 s23, s4  }
0x1d9: {  	s1 =	smul.u32 $0x1800, s1;
	s17 =	sshll.u32 s4, $0x6;
	s4 =	sshll.u32 s4, $0x9  }
0x1da: {  	s5 =	sand.u32 $0x380, s5;
	s17 =	sand.u32 $0x40, s17;
	s4 =	sand.u32 $0x1C00, s4  }
0x1db: {  	s1 =	sadd.s32 s4, s1;
	s25 =	sor.u32 s17, s5;
	v2 =	vadd.f32 v3, v2  }
0x1dc: {  	s1 =	sor.u32 s25, s1  }
0x1dd: {  	v3 =	vld [tilespmem:s1+$0x6000];
	s4 =	sadd.s32 $0x6000, s1;
	[tilespmem:s8+$0x6030] =	vst v2  }
0x1de: {  	v2 =	vld [tilespmem:s4+$0xC000];
	_ =	sdelay $0x4  }
0x1df: {  	v2 =	vadd.f32 v2, v3;
	_ =	sdelay $0x1  }
0x1e0: {  	[tilespmem:s1+$0x6000] =	vst v2;
	v2 =	vld [tilespmem:s1+$0x6010]  }
0x1e1: {  	v3 =	vld [tilespmem:s4+$0xC010];
	_ =	sdelay $0x4  }
0x1e2: {  	v2 =	vadd.f32 v3, v2;
	_ =	sdelay $0x1  }
0x1e3: {  	[tilespmem:s1+$0x6010] =	vst v2;
	v2 =	vld [tilespmem:s1+$0x6020]  }
0x1e4: {  	v3 =	vld [tilespmem:s4+$0xC020];
	_ =	sdelay $0x4  }
0x1e5: {  	v2 =	vadd.f32 v3, v2;
	_ =	sdelay $0x1  }
0x1e6: {  	[tilespmem:s1+$0x6020] =	vst v2;
	v2 =	vld [tilespmem:s1+$0x6030]  }
0x1e7: {  	v3 =	vld [tilespmem:s4+$0xC030];
	_ =	sdelay $0x4  }
0x1e8: {  	v2 =	vadd.f32 v3, v2  }
0x1e9: {  	s26 =	simm.s32 $0x0  }
0x1ea: {  	s5 =	rddreg [dreg:$0x9];
	s8 =	simm.s32 $0x6000;
	[tilespmem:s1+$0x6030] =	vst v2;
	s1 =	smul.u32 $0xAB, s26  }
0x1eb: {  	[hbm4b:s5+s26] =	stream.linear.scatter [tilespmem:s8], [sflag:$0xF], $0x1800, $0x38;
	[tilespmem:$0x18100] =	vst v63  }
0x1ec: {  	s23 =	simm.s32 $0x1;
	s19 =	sshrl.u32 s1, $0xB  }
0x1ed: {  	s17 =	simm.s32 $0x10;
	s8 =	smul.u32 $0xAB, s23;
	s4 =	sand.u32 $0x1F, s19  }
0x1ee: {  	_ =	swait.ge [sflag:s17], $0x1800;
	s1 =	sshrl.u32 s1, $0x4;
	s20 =	smul.u32 $0xC, s4  }
0x1ef: {  	[sflag:s17] =	ssyncset.done $0x0;
	s1 =	sand.u32 $0x380, s1;
	s4 =	sadd.s32 $0x28, s4  }
0x1f0: {  	[sflag:s17] =	ssyncadd.s32 $0xFFFFE800;
	s4 =	sshrl.u32 s4, $0x3;
	s5 =	ssub.s32 $0x0, s20  }
0x1f1: {  	s4 =	smul.u32 $0x1800, s4;
	s25 =	sshll.u32 s5, $0x6;
	s5 =	sshll.u32 s5, $0x9  }
0x1f2: {  	_ =	swait.ge [sflag:s0], $0x1800;
	s17 =	sand.u32 $0x40, s25;
	s5 =	sand.u32 $0x1C00, s5  }
0x1f3: {  	[sflag:s0] =	ssyncset.done $0x0;
	s4 =	sadd.s32 s5, s4;
	s1 =	sor.u32 s17, s1  }
0x1f4: {  	s26 =	sshrl.u32 s8, $0xB;
	[sflag:s0] =	ssyncadd.s32 $0xFFFFE800;
	s19 =	sor.u32 s4, s1  }
0x1f5: {  	s17 =	sand.u32 $0x1F, s26;
	v6 =	vld [tilespmem:s19+$0xC030]  }
0x1f6: {  	s23 =	sshrl.u32 s8, $0x4;
	s20 =	smul.u32 $0xC, s17;
	v5 =	vld [tilespmem:s19+$0xC020]  }
0x1f7: {  	s5 =	sand.u32 $0x380, s23;
	s1 =	sadd.s32 $0x28, s17;
	v2 =	vld [tilespmem:s19+$0xC010]  }
0x1f8: {  	s26 =	simm.s32 $0x2;
	s1 =	sshrl.u32 s1, $0x3;
	v4 =	vld [tilespmem:s19+$0x10];
	s4 =	ssub.s32 $0x1, s20  }
0x1f9: {  	v7 =	vld [tilespmem:s19+$0x20];
	s1 =	smul.u32 $0x1800, s1;
	s25 =	sshll.u32 s4, $0x6;
	s4 =	sshll.u32 s4, $0x9  }
0x1fa: {  	v9 =	vld [tilespmem:s19+$0xC000];
	s20 =	smul.u32 $0xAB, s26;
	s8 =	sand.u32 $0x40, s25;
	s4 =	sand.u32 $0x1C00, s4  }
0x1fb: {  	v8 =	vld [tilespmem:s19+$0x30];
	s1 =	sadd.s32 s4, s1;
	s8 =	sor.u32 s8, s5  }
0x1fc: {  	v10 =	vld [tilespmem:s19+$0x0];
	s25 =	sshrl.u32 s20, $0xB;
	s8 =	sor.u32 s1, s8  }
0x1fd: {  	v11 =	vadd.f32 v2, v4;
	s1 =	sand.u32 $0x1F, s25;
	v3 =	vld [tilespmem:s8+$0xC030]  }
0x1fe: {  	v7 =	vadd.f32 v5, v7;
	v2 =	vld [tilespmem:s8+$0xC020];
	s26 =	smul.u32 $0xC, s1  }
0x1ff: {  	s23 =	simm.s32 $0x3;
	s5 =	sshrl.u32 s20, $0x4;
	v4 =	vld [tilespmem:s8+$0xC010];
	s1 =	sadd.s32 $0x28, s1;
	[tilespmem:s19+$0x10] =	vst v11  }
0x200: {  	s20 =	sand.u32 $0x380, s5;
	s1 =	sshrl.u32 s1, $0x3;
	v5 =	vld [tilespmem:s8+$0x10];
	s4 =	ssub.s32 $0x2, s26;
	[tilespmem:s19+$0x20] =	vst v7  }
0x201: {  	v8 =	vadd.f32 v6, v8;
	s26 =	smul.u32 $0x1800, s1;
	v7 =	vadd.f32 v9, v10;
	s28 =	sshll.u32 s4, $0x6;
	s29 =	sshll.u32 s4, $0x9;
	v6 =	vld [tilespmem:s8+$0x20]  }
.LBB2_12:
0x202: {  	s1 =	smul.u32 $0xAB, s23;
	s4 =	sand.u32 $0x40, s28  }
0x203: {  	s5 =	sand.u32 $0x1C00, s29;
	v9 =	vld [tilespmem:s8+$0xC000];
	[tilespmem:s19+$0x30] =	vst v8;
	v8 =	vmov v3;
	s17 =	smov.u32 s23;
	s25 =	sadd.s32 $0x1, s23  }
0x204: {  	p0 =	sne.s32 s23, $0x5F;
	s5 =	sadd.s32 s5, s26;
	s4 =	sor.u32 s4, s20;
	v10 =	vld [tilespmem:s8+$0x30];
	[tilespmem:s19+$0x0] =	vst v7  }
0x205: {  	s19 =	sshrl.u32 s1, $0xB;
	s1 =	sshrl.u32 s1, $0x4;
	s4 =	sor.u32 s5, s4;
	v7 =	vld [tilespmem:s8+$0x0]  }
.Ltmp5:
0x206: {  	s5 =	sand.u32 $0x1F, s19;
	s20 =	sand.u32 $0x380, s1;
	v3 =	vld [tilespmem:s4+$0xC030];
	v5 =	vadd.f32 v4, v5;
	(pc) =	sbr.rel @p0 .LBB2_12-.Ltmp5, $4  }
0x207: {  	s1 =	smul.u32 $0xC, s5;
	s5 =	sadd.s32 $0x28, s5;
	v6 =	vadd.f32 v2, v6;
	v2 =	vld [tilespmem:s4+$0xC020]  }
0x208: {  	s19 =	smov.u32 s8;
	s5 =	sshrl.u32 s5, $0x3;
	v4 =	vld [tilespmem:s4+$0xC010];
	[tilespmem:s8+$0x10] =	vst v5;
	s8 =	smov.u32 s4  }
0x209: {  	s23 =	smov.u32 s25;
	s1 =	ssub.s32 s17, s1;
	v5 =	vld [tilespmem:s8+$0x10];
	[tilespmem:s19+$0x20] =	vst v6;
	v8 =	vadd.f32 v8, v10  }
0x20a: {  	s26 =	smul.u32 $0x1800, s5;
	s28 =	sshll.u32 s1, $0x6;
	s29 =	sshll.u32 s1, $0x9;
	v6 =	vld [tilespmem:s8+$0x20];
	v7 =	vadd.f32 v9, v7  }
0x20b: {  	v9 =	vld [tilespmem:s8+$0xC000];
	[tilespmem:s19+$0x30] =	vst v8;
	s1 =	sand.u32 $0x40, s28;
	s4 =	sand.u32 $0x1C00, s29  }
0x20c: {  	v8 =	vld [tilespmem:s8+$0x30];
	s4 =	sadd.s32 s4, s26;
	s1 =	sor.u32 s1, s20;
	[tilespmem:s19+$0x0] =	vst v7  }
0x20d: {  	s1 =	sor.u32 s4, s1;
	v7 =	vld [tilespmem:s8+$0x0]  }
0x20e: {  	v10 =	vld [tilespmem:s1+$0xC030];
	v4 =	vadd.f32 v4, v5  }
0x20f: {  	v5 =	vld [tilespmem:s1+$0xC020];
	v2 =	vadd.f32 v2, v6  }
0x210: {  	v11 =	vld [tilespmem:s1+$0xC010];
	[tilespmem:s8+$0x10] =	vst v4  }
0x211: {  	v4 =	vld [tilespmem:s1+$0x10];
	[tilespmem:s8+$0x20] =	vst v2;
	v2 =	vadd.f32 v3, v8  }
0x212: {  	v3 =	vld [tilespmem:s1+$0x20];
	v7 =	vadd.f32 v9, v7  }
0x213: {  	v63 =	vld [tilespmem:s1+$0xC000];
	[tilespmem:s8+$0x30] =	vst v2  }
0x214: {  	v2 =	vld [tilespmem:s1+$0x30];
	[tilespmem:s8+$0x0] =	vst v7  }
0x215: {  	v7 =	vld [tilespmem:s1+$0x0];
	_ =	sdelay $0x1  }
0x216: {  	s20 =	simm.s32 $0x0;
	v4 =	vadd.f32 v11, v4  }
0x217: {  	s23 =	smul.u32 $0xAB, s20;
	v3 =	vadd.f32 v5, v3  }
0x218: {  	[tilespmem:s1+$0x10] =	vst v4;
	v2 =	vadd.f32 v10, v2  }
0x219: {  	s26 =	sshrl.u32 s23, $0xB;
	[tilespmem:s1+$0x20] =	vst v3;
	v3 =	vadd.f32 v63, v7  }
0x21a: {  	s5 =	rddreg [dreg:$0xa];
	s4 =	sand.u32 $0x1F, s26;
	[tilespmem:s1+$0x30] =	vst v2  }
0x21b: {  	s25 =	simm.s32 $0x7800;
	s28 =	smul.u32 $0xC, s4;
	s4 =	sshrl.u32 s4, $0x3;
	[tilespmem:s1+$0x0] =	vst v3  }
0x21c: {  	[hbm4b:s5+s20] =	stream.linear.scatter [tilespmem:s25], [sflag:$0x12], $0x1800, $0x38;
	[tilespmem:$0x18100] =	vst v63  }
0x21d: {  	s4 =	smul.u32 $0x1800, s4;
	s1 =	sshrl.u32 s23, $0x4;
	_ =	swait.ge [sflag:s9], $0x1800  }
0x21e: {  	s5 =	ssub.s32 $0x0, s28;
	s1 =	sand.u32 $0x380, s1;
	[sflag:s9] =	ssyncset.done $0x0  }
0x21f: {  	s29 =	sshll.u32 s5, $0x6;
	s5 =	sshll.u32 s5, $0x9;
	[sflag:s9] =	ssyncadd.s32 $0xFFFFE800  }
0x220: {  	s8 =	sand.u32 $0x40, s29;
	s5 =	sand.u32 $0x1C00, s5;
	_ =	swait.ge [sflag:s10], $0x1800  }
0x221: {  	s4 =	sadd.s32 s5, s4;
	s1 =	sor.u32 s8, s1;
	[sflag:s10] =	ssyncset.done $0x0  }
0x222: {  	s8 =	sor.u32 s1, s4;
	[sflag:s10] =	ssyncadd.s32 $0xFFFFE800  }
0x223: {  	s20 =	sadd.s32 $0x9000, s8;
	v2 =	vld [tilespmem:s8+$0x9000]  }
0x224: {  	v3 =	vld [tilespmem:s20+$0xC000];
	_ =	sdelay $0x4  }
0x225: {  	v2 =	vadd.f32 v3, v2;
	_ =	sdelay $0x1  }
0x226: {  	[tilespmem:s8+$0x9000] =	vst v2;
	v2 =	vld [tilespmem:s8+$0x9010]  }
0x227: {  	v3 =	vld [tilespmem:s20+$0xC010];
	_ =	sdelay $0x4  }
0x228: {  	v2 =	vadd.f32 v3, v2;
	_ =	sdelay $0x1  }
0x229: {  	[tilespmem:s8+$0x9010] =	vst v2;
	v2 =	vld [tilespmem:s8+$0x9020]  }
0x22a: {  	v3 =	vld [tilespmem:s20+$0xC020];
	_ =	sdelay $0x2  }
0x22b: {  	s23 =	simm.s32 $0x1  }
0x22c: {  	s19 =	simm.s32 $0x2;
	s26 =	smul.u32 $0xAB, s23  }
.LBB2_14:
0x22d: {  	p0 =	sne.s32 s19, $0x5F;
	v2 =	vadd.f32 v3, v2  }
0x22e: {  	s1 =	sshrl.u32 s26, $0xB  }
0x22f: {  	s1 =	sand.u32 $0x1F, s1;
	[tilespmem:s8+$0x9020] =	vst v2;
	v2 =	vld [tilespmem:s8+$0x9030]  }
0x230: {  	s4 =	smul.u32 $0xC, s1;
	v3 =	vld [tilespmem:s20+$0xC030];
	_ =	sdelay $0x1  }
0x231: {  	s5 =	sshrl.u32 s26, $0x4;
	s1 =	sshrl.u32 s1, $0x3;
	s4 =	ssub.s32 s23, s4  }
0x232: {  	s1 =	smul.u32 $0x1800, s1;
	s17 =	sshll.u32 s4, $0x6;
	s4 =	sshll.u32 s4, $0x9  }
0x233: {  	s5 =	sand.u32 $0x380, s5;
	s17 =	sand.u32 $0x40, s17;
	s4 =	sand.u32 $0x1C00, s4  }
0x234: {  	s23 =	smov.u32 s19;
	s1 =	sadd.s32 s4, s1;
	s4 =	sor.u32 s17, s5;
	v2 =	vadd.f32 v3, v2  }
0x235: {  	s1 =	sor.u32 s4, s1  }
0x236: {  	s20 =	sadd.s32 $0x9000, s1;
	v3 =	vld [tilespmem:s1+$0x9000];
	[tilespmem:s8+$0x9030] =	vst v2;
	s8 =	smov.u32 s1  }
0x237: {  	v2 =	vld [tilespmem:s20+$0xC000];
	_ =	sdelay $0x4  }
0x238: {  	v2 =	vadd.f32 v2, v3;
	_ =	sdelay $0x1  }
0x239: {  	[tilespmem:s8+$0x9000] =	vst v2;
	v2 =	vld [tilespmem:s8+$0x9010]  }
0x23a: {  	v3 =	vld [tilespmem:s20+$0xC010];
	_ =	sdelay $0x4  }
0x23b: {  	v2 =	vadd.f32 v3, v2;
	_ =	sdelay $0x1  }
0x23c: {  	[tilespmem:s8+$0x9010] =	vst v2;
	v2 =	vld [tilespmem:s8+$0x9020]  }
.Ltmp6:
0x23d: {  	v3 =	vld [tilespmem:s20+$0xC020];
	(pc) =	sbr.rel @p0 .LBB2_14-.Ltmp6, $2  }
0x23e: {  	_ =	sdelay $0x2  }
0x23f: {  	s19 =	sadd.s32 $0x1, s19;
	s26 =	smul.u32 $0xAB, s23  }
0x240: {  	v2 =	vadd.f32 v3, v2  }
0x241: {  	s1 =	sshrl.u32 s26, $0xB  }
0x242: {  	s1 =	sand.u32 $0x1F, s1;
	[tilespmem:s8+$0x9020] =	vst v2;
	v2 =	vld [tilespmem:s8+$0x9030]  }
0x243: {  	s4 =	smul.u32 $0xC, s1;
	v3 =	vld [tilespmem:s20+$0xC030];
	_ =	sdelay $0x1  }
0x244: {  	s5 =	sshrl.u32 s26, $0x4;
	s1 =	sshrl.u32 s1, $0x3;
	s4 =	ssub.s32 s23, s4  }
0x245: {  	s1 =	smul.u32 $0x1800, s1;
	s17 =	sshll.u32 s4, $0x6;
	s4 =	sshll.u32 s4, $0x9  }
0x246: {  	s5 =	sand.u32 $0x380, s5;
	s17 =	sand.u32 $0x40, s17;
	s4 =	sand.u32 $0x1C00, s4  }
0x247: {  	s1 =	sadd.s32 s4, s1;
	s25 =	sor.u32 s17, s5;
	v2 =	vadd.f32 v3, v2  }
0x248: {  	s1 =	sor.u32 s25, s1  }
0x249: {  	v3 =	vld [tilespmem:s1+$0x9000];
	s4 =	sadd.s32 $0x9000, s1;
	[tilespmem:s8+$0x9030] =	vst v2  }
0x24a: {  	v2 =	vld [tilespmem:s4+$0xC000];
	_ =	sdelay $0x4  }
0x24b: {  	v2 =	vadd.f32 v2, v3;
	_ =	sdelay $0x1  }
0x24c: {  	[tilespmem:s1+$0x9000] =	vst v2;
	v2 =	vld [tilespmem:s1+$0x9010]  }
0x24d: {  	v3 =	vld [tilespmem:s4+$0xC010];
	_ =	sdelay $0x4  }
0x24e: {  	v2 =	vadd.f32 v3, v2;
	_ =	sdelay $0x1  }
0x24f: {  	[tilespmem:s1+$0x9010] =	vst v2;
	v2 =	vld [tilespmem:s1+$0x9020]  }
0x250: {  	v3 =	vld [tilespmem:s4+$0xC020];
	_ =	sdelay $0x4  }
0x251: {  	v2 =	vadd.f32 v3, v2;
	_ =	sdelay $0x1  }
0x252: {  	[tilespmem:s1+$0x9020] =	vst v2;
	v2 =	vld [tilespmem:s1+$0x9030]  }
0x253: {  	v3 =	vld [tilespmem:s4+$0xC030];
	_ =	sdelay $0x4  }
0x254: {  	v2 =	vadd.f32 v3, v2  }
0x255: {  	s26 =	simm.s32 $0x0  }
0x256: {  	s17 =	simm.s32 $0x9000;
	s8 =	rddreg [dreg:$0xb];
	[tilespmem:s1+$0x9030] =	vst v2;
	s1 =	smul.u32 $0xAB, s26  }
0x257: {  	[hbm4b:s8+s26] =	stream.linear.scatter [tilespmem:s17], [sflag:$0x15], $0x1800, $0x38;
	[tilespmem:$0x18100] =	vst v63  }
0x258: {  	s23 =	simm.s32 $0x1;
	s19 =	sshrl.u32 s1, $0xB  }
0x259: {  	s8 =	smul.u32 $0xAB, s23;
	s4 =	sand.u32 $0x1F, s19  }
0x25a: {  	_ =	swait.ge [sflag:s11], $0x1800;
	s1 =	sshrl.u32 s1, $0x4;
	s20 =	smul.u32 $0xC, s4  }
0x25b: {  	[sflag:s11] =	ssyncset.done $0x0;
	s1 =	sand.u32 $0x380, s1;
	s4 =	sadd.s32 $0x38, s4  }
0x25c: {  	[sflag:s11] =	ssyncadd.s32 $0xFFFFE800;
	s4 =	sshrl.u32 s4, $0x3;
	s5 =	ssub.s32 $0x0, s20  }
0x25d: {  	s4 =	smul.u32 $0x1800, s4;
	s25 =	sshll.u32 s5, $0x6;
	s5 =	sshll.u32 s5, $0x9  }
0x25e: {  	_ =	swait.ge [sflag:s12], $0x1800;
	s17 =	sand.u32 $0x40, s25;
	s5 =	sand.u32 $0x1C00, s5  }
0x25f: {  	[sflag:s12] =	ssyncset.done $0x0;
	s4 =	sadd.s32 s5, s4;
	s1 =	sor.u32 s17, s1  }
0x260: {  	s26 =	sshrl.u32 s8, $0xB;
	[sflag:s12] =	ssyncadd.s32 $0xFFFFE800;
	s19 =	sor.u32 s4, s1  }
0x261: {  	s17 =	sand.u32 $0x1F, s26;
	v6 =	vld [tilespmem:s19+$0xC030]  }
0x262: {  	s23 =	sshrl.u32 s8, $0x4;
	s20 =	smul.u32 $0xC, s17;
	v5 =	vld [tilespmem:s19+$0xC020]  }
0x263: {  	s5 =	sand.u32 $0x380, s23;
	s1 =	sadd.s32 $0x38, s17;
	v2 =	vld [tilespmem:s19+$0xC010]  }
0x264: {  	s26 =	simm.s32 $0x2;
	s1 =	sshrl.u32 s1, $0x3;
	v4 =	vld [tilespmem:s19+$0x10];
	s4 =	ssub.s32 $0x1, s20  }
0x265: {  	v7 =	vld [tilespmem:s19+$0x20];
	s1 =	smul.u32 $0x1800, s1;
	s25 =	sshll.u32 s4, $0x6;
	s4 =	sshll.u32 s4, $0x9  }
0x266: {  	v9 =	vld [tilespmem:s19+$0xC000];
	s20 =	smul.u32 $0xAB, s26;
	s8 =	sand.u32 $0x40, s25;
	s4 =	sand.u32 $0x1C00, s4  }
0x267: {  	v8 =	vld [tilespmem:s19+$0x30];
	s1 =	sadd.s32 s4, s1;
	s8 =	sor.u32 s8, s5  }
0x268: {  	v10 =	vld [tilespmem:s19+$0x0];
	s25 =	sshrl.u32 s20, $0xB;
	s8 =	sor.u32 s1, s8  }
0x269: {  	v11 =	vadd.f32 v2, v4;
	s1 =	sand.u32 $0x1F, s25;
	v3 =	vld [tilespmem:s8+$0xC030]  }
0x26a: {  	v7 =	vadd.f32 v5, v7;
	v2 =	vld [tilespmem:s8+$0xC020];
	s26 =	smul.u32 $0xC, s1  }
0x26b: {  	s23 =	simm.s32 $0x3;
	s5 =	sshrl.u32 s20, $0x4;
	v4 =	vld [tilespmem:s8+$0xC010];
	s1 =	sadd.s32 $0x38, s1;
	[tilespmem:s19+$0x10] =	vst v11  }
0x26c: {  	s20 =	sand.u32 $0x380, s5;
	s1 =	sshrl.u32 s1, $0x3;
	v5 =	vld [tilespmem:s8+$0x10];
	s4 =	ssub.s32 $0x2, s26;
	[tilespmem:s19+$0x20] =	vst v7  }
0x26d: {  	v8 =	vadd.f32 v6, v8;
	s26 =	smul.u32 $0x1800, s1;
	v7 =	vadd.f32 v9, v10;
	s28 =	sshll.u32 s4, $0x6;
	s29 =	sshll.u32 s4, $0x9;
	v6 =	vld [tilespmem:s8+$0x20]  }
.LBB2_16:
0x26e: {  	s1 =	smul.u32 $0xAB, s23;
	s4 =	sand.u32 $0x40, s28  }
0x26f: {  	s5 =	sand.u32 $0x1C00, s29;
	v9 =	vld [tilespmem:s8+$0xC000];
	[tilespmem:s19+$0x30] =	vst v8;
	v8 =	vmov v3;
	s17 =	smov.u32 s23;
	s25 =	sadd.s32 $0x1, s23  }
0x270: {  	p0 =	sne.s32 s23, $0x5F;
	s5 =	sadd.s32 s5, s26;
	s4 =	sor.u32 s4, s20;
	v10 =	vld [tilespmem:s8+$0x30];
	[tilespmem:s19+$0x0] =	vst v7  }
0x271: {  	s19 =	sshrl.u32 s1, $0xB;
	s1 =	sshrl.u32 s1, $0x4;
	s4 =	sor.u32 s5, s4;
	v7 =	vld [tilespmem:s8+$0x0]  }
.Ltmp7:
0x272: {  	s5 =	sand.u32 $0x1F, s19;
	s20 =	sand.u32 $0x380, s1;
	v3 =	vld [tilespmem:s4+$0xC030];
	v5 =	vadd.f32 v4, v5;
	(pc) =	sbr.rel @p0 .LBB2_16-.Ltmp7, $4  }
0x273: {  	s1 =	smul.u32 $0xC, s5;
	s5 =	sadd.s32 $0x38, s5;
	v6 =	vadd.f32 v2, v6;
	v2 =	vld [tilespmem:s4+$0xC020]  }
0x274: {  	s19 =	smov.u32 s8;
	s5 =	sshrl.u32 s5, $0x3;
	v4 =	vld [tilespmem:s4+$0xC010];
	[tilespmem:s8+$0x10] =	vst v5;
	s8 =	smov.u32 s4  }
0x275: {  	s23 =	smov.u32 s25;
	s1 =	ssub.s32 s17, s1;
	v5 =	vld [tilespmem:s8+$0x10];
	[tilespmem:s19+$0x20] =	vst v6;
	v8 =	vadd.f32 v8, v10  }
0x276: {  	s26 =	smul.u32 $0x1800, s5;
	s28 =	sshll.u32 s1, $0x6;
	s29 =	sshll.u32 s1, $0x9;
	v6 =	vld [tilespmem:s8+$0x20];
	v7 =	vadd.f32 v9, v7  }
0x277: {  	v9 =	vld [tilespmem:s8+$0xC000];
	[tilespmem:s19+$0x30] =	vst v8;
	s1 =	sand.u32 $0x40, s28;
	s4 =	sand.u32 $0x1C00, s29  }
0x278: {  	v8 =	vld [tilespmem:s8+$0x30];
	s4 =	sadd.s32 s4, s26;
	s1 =	sor.u32 s1, s20;
	[tilespmem:s19+$0x0] =	vst v7  }
0x279: {  	s1 =	sor.u32 s4, s1;
	v7 =	vld [tilespmem:s8+$0x0]  }
0x27a: {  	v10 =	vld [tilespmem:s1+$0xC030];
	v4 =	vadd.f32 v4, v5  }
0x27b: {  	v62 =	vld [tilespmem:s1+$0xC020];
	v2 =	vadd.f32 v2, v6  }
0x27c: {  	v11 =	vld [tilespmem:s1+$0xC010];
	[tilespmem:s8+$0x10] =	vst v4  }
0x27d: {  	v4 =	vld [tilespmem:s1+$0x10];
	[tilespmem:s8+$0x20] =	vst v2;
	v2 =	vadd.f32 v3, v8  }
0x27e: {  	v3 =	vld [tilespmem:s1+$0x20];
	v7 =	vadd.f32 v9, v7  }
0x27f: {  	v63 =	vld [tilespmem:s1+$0xC000];
	[tilespmem:s8+$0x30] =	vst v2  }
0x280: {  	v2 =	vld [tilespmem:s1+$0x30];
	[tilespmem:s8+$0x0] =	vst v7  }
0x281: {  	v7 =	vld [tilespmem:s1+$0x0];
	_ =	sdelay $0x1  }
0x282: {  	v4 =	vadd.f32 v11, v4  }
0x283: {  	v3 =	vadd.f32 v62, v3  }
0x284: {  	[tilespmem:s1+$0x10] =	vst v4;
	v2 =	vadd.f32 v10, v2  }
0x285: {  	[tilespmem:s1+$0x20] =	vst v3;
	v3 =	vadd.f32 v63, v7  }
0x286: {  	[tilespmem:s1+$0x30] =	vst v2  }
0x287: {  	s28 =	rddreg [dreg:$0xc];
	s5 =	simm.s32 $0xA800;
	[tilespmem:s1+$0x0] =	vst v3  }
0x288: {  	[hbm4b:s28+s2] =	stream.linear.scatter [tilespmem:s5], [sflag:$0x18], $0x1800, $0x38;
	[tilespmem:$0x18100] =	vst v63  }
0x289: {  	_ =	swait.ge [sflag:s13], $0x1800  }
0x28a: {  	[sflag:s13] =	ssyncset.done $0x0  }
0x28b: {  	[sflag:s13] =	ssyncadd.s32 $0xFFFFE800  }
0x28c: {  	_ =	swait.ge [sflag:s22], $0x1800  }
0x28d: {  	[sflag:s22] =	ssyncset.done $0x0  }
0x28e: {  	[sflag:s22] =	ssyncadd.s32 $0xFFFFE800  }
0x28f: {  	_ =	swait.ge [sflag:s14], $0x1800  }
0x290: {  	[sflag:s14] =	ssyncset.done $0x0  }
0x291: {  	[sflag:s14] =	ssyncadd.s32 $0xFFFFE800  }
0x292: {  	_ =	swait.ge [sflag:s15], $0x1800  }
0x293: {  	[sflag:s15] =	ssyncset.done $0x0  }
0x294: {  	[sflag:s15] =	ssyncadd.s32 $0xFFFFE800  }
0x295: {  	_ =	swait.ge [sflag:s16], $0x1800  }
0x296: {  	[sflag:s16] =	ssyncset.done $0x0  }
0x297: {  	[sflag:s16] =	ssyncadd.s32 $0xFFFFE800  }
0x298: {  	_ =	swait.ge [sflag:s30], $0x1800  }
0x299: {  	[sflag:s30] =	ssyncset.done $0x0  }
0x29a: {  	[sflag:s30] =	ssyncadd.s32 $0xFFFFE800  }
0x29b: {  	_ =	swait.ge [sflag:s21], $0x1800  }
0x29c: {  	[sflag:s21] =	ssyncset.done $0x0  }
0x29d: {  	[sflag:s21] =	ssyncadd.s32 $0xFFFFE800  }
0x29e: {  	_ =	swait.ge [sflag:s31], $0x1800  }
0x29f: {  	s24 =	sadd.s32 $0x1, s24;
	s29 =	rddreg [dreg:$0xd]  }
0x2a0: {  	p0 =	sne.s32 s24, s29  }
.Ltmp8:
0x2a1: {  	_ = 	snop;
	(pc) =	sbr.rel @p0 .LBB2_1-.Ltmp8, $3  }
0x2a2: {  	_ =	sdelay $0x1  }
0x2a3: {  	[sflag:s31] =	ssyncset.done $0x0  }
0x2a4: {  	[sflag:s31] =	ssyncadd.s32 $0xFFFFE800  }
0x2a5: {  	_ =	sfence.sel $0x180000  }
0x2a6: {  	[bflag:$0x0] =	sbarrier.arrive $0xFFFF  }
0x2a7: {  	_ =	strace $0x9000004A  }
0x2a8: {  	s0 =	stileid.u32;
	[bflag:$0x2] =	sbarrier.arrive $0xFFFF  }
0x2a9: {  	p0 =	sne.s32 s0, $0x0;
	s0 =	rddreg [dreg:$0x2]  }
0x2aa: {  	s0 =	sadd.s32 @!p0 $0x100000, s0  }
0x2ab: {  	[sflag:s0] =	ssyncadd.tile.s32 @!p0 $0x1;
	_ =	shalt  }
.Lfunc_end2:
_tile_overlayer_lowered:
.L_overlay_start_2:
0x2ac: {  	(tag) =	ssettag $0x2  }
0x2ad: {  	s0 =	rddreg [dreg:$0x0];
	s2 =	stileid.u32  }
0x2ae: {  	s1 =	rddreg [dreg:$0x1];
	p0 =	sne.s32 s2, $0x0  }
0x2af: {  	s3 =	rddreg [dreg:$0x2];
	[bflag:$0x3] =	sbarrier.arrive $0xFFFF;
	s2 =	simm.s32 @!p0 $0x1C19  }
0x2b0: {  	[timem:s3], [sflag:s2] =	dma.local @!p0 [hbm:s0], s1  }
0x2b1: {  	s0 =	simm.s32 @!p0 $0x19  }
0x2b2: {  	_ =	swait.ge @!p0 [sflag:s0], s1  }
0x2b3: {  	s1 =	ssub.s32 @!p0 $0x0, s1;
	[sflag:s0] =	ssyncset.done @!p0 $0x0  }
0x2b4: {  	[sflag:s0] =	ssyncadd.s32 @!p0 s1  }
0x2b5: {  	[bflag:$0x3] =	sbarrier.arrive $0xFFFF  }
0x2b6: {  	_ =	shalt  }

</sc_bundles>
